<compile_context>
chip_gen: v7x
topology: tpu7x:2x2x1
jax: 0.10.2.dev20260603
libtpu: 0.0.44.dev20260713+nightly
codegen_flags: <defaults>
</compile_context>

<pallas_src>
import functools

import jax
import jax.numpy as jnp
from jax import lax
from jax.experimental import pallas as pl
from jax.experimental.pallas import tpu as pltpu
from jax.experimental.pallas import tpu_sc as plsc

N = 10000
D = 128
E = 320000
NC = 2
NS = 16
NW = NC * NS
CPW = D // NW
CHE = 4096
ECH = 80
EP = ECH * CHE
GU = 8
NP = 10240
BN_EPS = 1e-5
BLK = 1024
GRID = NP // BLK

_sc_mesh = plsc.VectorSubcoreMesh(
    core_axis_name="c", subcore_axis_name="s", num_cores=NC, num_subcores=NS)


@functools.partial(
    pl.kernel,
    out_type=jax.ShapeDtypeStruct((D, NP), jnp.float32),
    mesh=_sc_mesh,
    compiler_params=pltpu.CompilerParams(needs_layout_passes=False),
    scratch_types=[
        pltpu.VMEM((CPW * NP,), jnp.float32),
        pltpu.VMEM((CPW * NP,), jnp.float32),
        pltpu.VMEM((CHE,), jnp.int32),
        pltpu.VMEM((CHE,), jnp.int32),
        pltpu.VMEM((CHE,), jnp.int32),
        pltpu.VMEM((CHE,), jnp.int32),
        [pltpu.SemaphoreType.DMA] * 4,
    ],
)
def _sc_segsum(rt_hbm, s_hbm, d_hbm, z_hbm, st_hbm,
               rt, at, sb0, sb1, db0, db1, sems):
    c = lax.axis_index("c")
    s = lax.axis_index("s")
    w = c * NS + s
    for cc in range(CPW):
        pltpu.sync_copy(rt_hbm.at[w * CPW + cc], rt.at[pl.ds(cc * NP, NP)])
        pltpu.sync_copy(z_hbm, at.at[pl.ds(cc * NP, NP)])
    woff = lax.rem(w * 5, ECH)

    def chunk_off(ch):
        return lax.rem(ch + woff, ECH) * CHE

    pltpu.async_copy(s_hbm.at[pl.ds(chunk_off(0), CHE)], sb0, sems[0])
    pltpu.async_copy(d_hbm.at[pl.ds(chunk_off(0), CHE)], db0, sems[1])
    pltpu.async_copy(s_hbm.at[pl.ds(chunk_off(1), CHE)], sb1, sems[2])
    pltpu.async_copy(d_hbm.at[pl.ds(chunk_off(1), CHE)], db1, sems[3])

    def outer(g, carry):
        for p, sb, db, ssem, dsem in (
                (0, sb0, db0, sems[0], sems[1]),
                (1, sb1, db1, sems[2], sems[3])):
            ch = g * 2 + p
            pltpu.make_async_copy(s_hbm.at[pl.ds(0, CHE)], sb, ssem).wait()
            pltpu.make_async_copy(d_hbm.at[pl.ds(0, CHE)], db, dsem).wait()

            @plsc.parallel_loop(0, CHE // 16, 1, unroll=GU)
            def _(t):
                off = t * 16
                srcs = sb[pl.ds(off, 16)]
                dsts = db[pl.ds(off, 16)]
                for cc in range(CPW):
                    v = plsc.load_gather(rt, [srcs + cc * NP])
                    plsc.addupdate_scatter(at, [dsts + cc * NP], v)

            @pl.when(ch + 2 < ECH)
            def _():
                off = chunk_off(ch + 2)
                pltpu.async_copy(s_hbm.at[pl.ds(off, CHE)], sb, ssem)
                pltpu.async_copy(d_hbm.at[pl.ds(off, CHE)], db, dsem)
        return carry

    lax.fori_loop(0, ECH // 2, outer, 0)
    for cc in range(CPW):
        pltpu.sync_copy(at.at[pl.ds(cc * NP, NP)], st_hbm.at[w * CPW + cc])


def _prep_body(x_ref, xt_ref, rt_ref):
    xt = x_ref[...].T
    xt_ref[...] = xt
    rt_ref[...] = jnp.maximum(xt, 0.0)


def _mlp_body(eps_ref, xt_ref, pt_ref, w1_ref, b1_ref, w2_ref, b2_ref,
              yt_ref, st_ref):
    i = pl.program_id(0)
    z = xt_ref[...] * eps_ref[0, 0] + pt_ref[...]
    h = jnp.maximum(
        jnp.dot(w1_ref[...], z, preferred_element_type=jnp.float32)
        + b1_ref[...], 0.0)
    y = (jnp.dot(w2_ref[...], h, preferred_element_type=jnp.float32)
         + b2_ref[...])
    yt_ref[...] = y

    @pl.when(i == 0)
    def _():
        st_ref[...] = jnp.zeros_like(st_ref)

    col = lax.broadcasted_iota(jnp.int32, (D, BLK), 1) + i * BLK
    ym = jnp.where(col < N, y, 0.0)
    st = jnp.concatenate(
        [jnp.sum(ym, axis=1)[:, None], jnp.sum(ym * ym, axis=1)[:, None],
         jnp.zeros((D, 6), jnp.float32)], axis=1)
    st_ref[...] += st


def _mlp_res_body(eps_ref, xt_ref, pt_ref, w1_ref, b1_ref, w2_ref, b2_ref,
                  o_ref):
    z = xt_ref[...] * eps_ref[0, 0] + pt_ref[...]
    h = jnp.maximum(
        jnp.dot(w1_ref[...], z, preferred_element_type=jnp.float32)
        + b1_ref[...], 0.0)
    y = (jnp.dot(w2_ref[...], h, preferred_element_type=jnp.float32)
         + b2_ref[...] + xt_ref[...])
    o_ref[...] = y.T


def _bn_body(yt_ref, st_ref, g_ref, b_ref, x0_ref, xo_ref, rt_ref):
    stats = st_ref[...]
    mean = stats[:, 0:1] * (1.0 / N)
    var = stats[:, 1:2] * (1.0 / N) - mean * mean
    scale = lax.rsqrt(var + BN_EPS) * g_ref[...]
    xn = (yt_ref[...] - mean) * scale + b_ref[...] + x0_ref[...]
    xo_ref[...] = xn
    rt_ref[...] = jnp.maximum(xn, 0.0)


_row_spec = pl.BlockSpec((BLK, D), lambda i: (i, 0))
_t_spec = pl.BlockSpec((D, BLK), lambda i: (0, i))
_full_spec = pl.BlockSpec((D, D), lambda i: (0, 0))
_cvec_spec = pl.BlockSpec((D, 1), lambda i: (0, 0))
_st_spec = pl.BlockSpec((D, 8), lambda i: (0, 0))
_smem_spec = pl.BlockSpec(memory_space=pltpu.SMEM)

_prep_call = pl.pallas_call(
    _prep_body,
    grid=(GRID,),
    in_specs=[_row_spec],
    out_specs=[_t_spec, _t_spec],
    out_shape=[jax.ShapeDtypeStruct((D, NP), jnp.float32),
               jax.ShapeDtypeStruct((D, NP), jnp.float32)],
)

_mlp_call = pl.pallas_call(
    _mlp_body,
    grid=(GRID,),
    in_specs=[_smem_spec, _t_spec, _t_spec, _full_spec, _cvec_spec,
              _full_spec, _cvec_spec],
    out_specs=[_t_spec, _st_spec],
    out_shape=[jax.ShapeDtypeStruct((D, NP), jnp.float32),
               jax.ShapeDtypeStruct((D, 8), jnp.float32)],
)

_mlp_res_call = pl.pallas_call(
    _mlp_res_body,
    grid=(GRID,),
    in_specs=[_smem_spec, _t_spec, _t_spec, _full_spec, _cvec_spec,
              _full_spec, _cvec_spec],
    out_specs=_row_spec,
    out_shape=jax.ShapeDtypeStruct((NP, D), jnp.float32),
)

_bn_call = pl.pallas_call(
    _bn_body,
    grid=(GRID,),
    in_specs=[_t_spec, _st_spec, _cvec_spec, _cvec_spec, _t_spec],
    out_specs=[_t_spec, _t_spec],
    out_shape=[jax.ShapeDtypeStruct((D, NP), jnp.float32),
               jax.ShapeDtypeStruct((D, NP), jnp.float32)],
)


def kernel(X, edge_index, params):
    src = edge_index[0].astype(jnp.int32)
    dst = edge_index[1].astype(jnp.int32)
    pad = EP - E
    src_p = jnp.concatenate([src, jnp.zeros((pad,), jnp.int32)])
    dst_p = jnp.concatenate([dst, jnp.full((pad,), N, jnp.int32)])
    zrows = jnp.zeros((NP,), jnp.float32)

    Xp = jnp.pad(X, ((0, NP - N), (0, 0)))
    XT, RT = _prep_call(Xp)
    out = None
    for li, p in enumerate(params):
        scale = (1.0 + p['eps']).reshape(1, 1)
        w1t = p['W1'].T
        w2t = p['W2'].T
        b1 = p['b1'].reshape(D, 1)
        b2 = p['b2'].reshape(D, 1)
        ST = _sc_segsum(RT, src_p, dst_p, zrows)
        if li < len(params) - 1:
            YT, stats = _mlp_call(scale, XT, ST, w1t, b1, w2t, b2)
            XT, RT = _bn_call(YT, stats, p['gamma'].reshape(D, 1),
                              p['beta'].reshape(D, 1), XT)
        else:
            out = _mlp_res_call(scale, XT, ST, w1t, b1, w2t, b2)
    return out[:N]

# --- scband reference (transcript-rebuilt; emitter-appended) ---
"""Pipeline reference for scband-gin-62380105008188 (READ-ONLY COPY).

The authoritative reference and input builder live on the scoring server;
editing this copy changes nothing except your own understanding.
"""

import jax, jax.numpy as jnp
import numpy as np

N_NODES = 10000
N_EDGES = 320000
D = 128
N_LAYERS = 3
BN_EPS = 1e-5


def _make_params(key):
    params = []
    scale = 1.0 / np.sqrt(D)
    for i in range(N_LAYERS):
        k = jax.random.fold_in(key, i)
        ks = jax.random.split(k, 3)
        p = {
            'eps': jax.random.normal(ks[0], (1,), dtype=jnp.float32),
            'W1': jax.random.normal(ks[1], (D, D), dtype=jnp.float32) * scale,
            'b1': jnp.zeros((D,), dtype=jnp.float32),
            'W2': jax.random.normal(ks[2], (D, D), dtype=jnp.float32) * scale,
            'b2': jnp.zeros((D,), dtype=jnp.float32),
        }
        if i < N_LAYERS - 1:
            # BatchNorm1d affine params (training-mode batch stats used in forward)
            p['gamma'] = jnp.ones((D,), dtype=jnp.float32)
            p['beta'] = jnp.zeros((D,), dtype=jnp.float32)
        params.append(p)
    return params


def setup_inputs(seed: int = 0) -> dict:
    key = jax.random.key(seed)
    kx, ke, kp = jax.random.split(key, 3)
    X = jax.random.normal(kx, (N_NODES, D), dtype=jnp.float32)
    edge_index = jax.random.randint(ke, (2, N_EDGES), 0, N_NODES, dtype=jnp.int32)
    params = _make_params(kp)
    return {'X': X, 'edge_index': edge_index, 'params': params}


def reference(X, edge_index, params):
    src = edge_index[0]  # X_j (message source)
    dst = edge_index[1]  # aggregation target i
    for i, p in enumerate(params):
        X0 = X
        # message: relu(X_j); aggr='add' -> scatter-add over dst
        msgs = jax.nn.relu(jnp.take(X, src, axis=0))
        S = jax.ops.segment_sum(msgs, dst, num_segments=N_NODES)
        Z = (1.0 + p['eps']) * X + S
        # MLP: Linear -> ReLU -> Linear
        h = jax.nn.relu(jnp.dot(Z, p['W1']) + p['b1'])
        Xn = jnp.dot(h, p['W2']) + p['b2']
        # BatchNorm1d (training mode: batch statistics) on all but last layer
        if 'gamma' in p:
            mean = jnp.mean(Xn, axis=0, keepdims=True)
            var = jnp.var(Xn, axis=0, keepdims=True)
            Xn = (Xn - mean) / jnp.sqrt(var + BN_EPS) * p['gamma'] + p['beta']
        # residual
        X = Xn + X0
    return X

if __name__ == "__main__":
    import jax
    _d = setup_inputs()
    print(jax.jit(kernel)(*tuple(_d.values())))

</pallas_src>

<mosaic_0001>
#map = affine_map<(d0, d1) -> (0, 0)>
#map1 = affine_map<(d0, d1) -> (0)>
module attributes {stable_mosaic.version = 14 : i64} {
  func.func @_sc_segsum(%arg0: i32, %arg1: i32, %arg2: memref<128x10240xf32, #tpu.memory_space<hbm>>, %arg3: memref<327680xi32, #tpu.memory_space<hbm>>, %arg4: memref<327680xi32, #tpu.memory_space<hbm>>, %arg5: memref<10240xf32, #tpu.memory_space<hbm>>, %arg6: memref<128x10240xf32, #tpu.memory_space<hbm>>, %arg7: memref<40960xf32, #tpu.memory_space<vmem>>, %arg8: memref<40960xf32, #tpu.memory_space<vmem>>, %arg9: memref<4096xi32, #tpu.memory_space<vmem>>, %arg10: memref<4096xi32, #tpu.memory_space<vmem>>, %arg11: memref<4096xi32, #tpu.memory_space<vmem>>, %arg12: memref<4096xi32, #tpu.memory_space<vmem>>, %arg13: memref<!tpu.dma_semaphore, #tpu.memory_space<semaphore_mem>>, %arg14: memref<!tpu.dma_semaphore, #tpu.memory_space<semaphore_mem>>, %arg15: memref<!tpu.dma_semaphore, #tpu.memory_space<semaphore_mem>>, %arg16: memref<!tpu.dma_semaphore, #tpu.memory_space<semaphore_mem>>) attributes {dimension_semantics = [#tpu.dimension_semantics<core_parallel>, #tpu.dimension_semantics<subcore_parallel>], iteration_bounds = array<i64: 2, 16>, scalar_prefetch = 0 : i64, scratch_operands = 10 : i64, tpu.core_type = #tpu.core_type<sc_vector_subcore>, window_params = [{transform_indices = #map}, {transform_indices = #map1}, {transform_indices = #map1}, {transform_indices = #map1}, {transform_indices = #map}]} {
    %mul3A = arith.constant 16 : i32
    %mul3A_0 = arith.muli %arg0, %mul3A : i32
    %add3A = arith.addi %mul3A_0, %arg1 : i32
    %mul3A_1 = arith.constant 4 : i32
    %mul3A_2 = arith.muli %add3A, %mul3A_1 : i32
    %add3A_3 = arith.constant 0 : i32
    %add3A_4 = arith.addi %mul3A_2, %add3A_3 : i32
    "tpu.region"() ({
      %run_scoped3A = tpu.sem_alloc : memref<!tpu.dma_semaphore, #tpu.memory_space<semaphore_mem>>
      %dma_start3A_72 = arith.constant 0 : i32
      %dma_start3A_73 = tpu.memref_slice %arg7[%dma_start3A_72] : memref<40960xf32, #tpu.memory_space<vmem>> -> memref<10240xf32, #tpu.memory_space<vmem>>
      %dma_start3A_74 = arith.constant 0 : i32
      %dma_start3A_75 = tpu.memref_slice %arg2[%add3A_4, %dma_start3A_74] : memref<128x10240xf32, #tpu.memory_space<hbm>> -> memref<1x10240xf32, #tpu.memory_space<hbm>>
      %dma_start3A_76 = tpu.memref_squeeze %dma_start3A_75 : memref<1x10240xf32, #tpu.memory_space<hbm>> -> memref<10240xf32, #tpu.memory_space<hbm>>
      %dma_start3A_77 = arith.constant 0 : i32
      %dma_start3A_78 = tpu.memref_slice %arg7[%dma_start3A_77] : memref<40960xf32, #tpu.memory_space<vmem>> -> memref<10240xf32, #tpu.memory_space<vmem>>
      %dma_start3A_79 = arith.constant 0 : i32
      %dma_start3A_80 = tpu.memref_slice %arg2[%add3A_4, %dma_start3A_79] : memref<128x10240xf32, #tpu.memory_space<hbm>> -> memref<1x10240xf32, #tpu.memory_space<hbm>>
      %dma_start3A_81 = tpu.memref_squeeze %dma_start3A_80 : memref<1x10240xf32, #tpu.memory_space<hbm>> -> memref<10240xf32, #tpu.memory_space<hbm>>
      tpu.enqueue_dma source(%dma_start3A_81 : memref<10240xf32, #tpu.memory_space<hbm>>) target(%dma_start3A_78 : memref<10240xf32, #tpu.memory_space<vmem>>) target_semaphore(%run_scoped3A : memref<!tpu.dma_semaphore, #tpu.memory_space<semaphore_mem>>)
      %dma_wait3A = arith.constant 0 : i32
      %dma_wait3A_82 = tpu.memref_slice %arg7[%dma_wait3A] : memref<40960xf32, #tpu.memory_space<vmem>> -> memref<10240xf32, #tpu.memory_space<vmem>>
      %dma_wait3A_83 = arith.constant 0 : i32
      %dma_wait3A_84 = tpu.memref_slice %arg2[%add3A_4, %dma_wait3A_83] : memref<128x10240xf32, #tpu.memory_space<hbm>> -> memref<1x10240xf32, #tpu.memory_space<hbm>>
      %dma_wait3A_85 = tpu.memref_squeeze %dma_wait3A_84 : memref<1x10240xf32, #tpu.memory_space<hbm>> -> memref<10240xf32, #tpu.memory_space<hbm>>
      %dma_wait3A_86 = arith.constant 0 : i32
      %dma_wait3A_87 = tpu.memref_slice %arg7[%dma_wait3A_86] : memref<40960xf32, #tpu.memory_space<vmem>> -> memref<10240xf32, #tpu.memory_space<vmem>>
      %dma_wait3A_88 = arith.constant 0 : i32
      %dma_wait3A_89 = tpu.memref_slice %arg2[%add3A_4, %dma_wait3A_88] : memref<128x10240xf32, #tpu.memory_space<hbm>> -> memref<1x10240xf32, #tpu.memory_space<hbm>>
      %dma_wait3A_90 = tpu.memref_squeeze %dma_wait3A_89 : memref<1x10240xf32, #tpu.memory_space<hbm>> -> memref<10240xf32, #tpu.memory_space<hbm>>
      tpu.wait_dma2 semaphore(%run_scoped3A : memref<!tpu.dma_semaphore, #tpu.memory_space<semaphore_mem>>) src(%dma_wait3A_90 : memref<10240xf32, #tpu.memory_space<hbm>>) dst(%dma_wait3A_87 : memref<10240xf32, #tpu.memory_space<vmem>>)
      tpu.yield
    }) : () -> ()
    "tpu.region"() ({
      %run_scoped3A = tpu.sem_alloc : memref<!tpu.dma_semaphore, #tpu.memory_space<semaphore_mem>>
      %dma_start3A_72 = arith.constant 0 : i32
      %dma_start3A_73 = tpu.memref_slice %arg8[%dma_start3A_72] : memref<40960xf32, #tpu.memory_space<vmem>> -> memref<10240xf32, #tpu.memory_space<vmem>>
      %dma_start3A_74 = arith.constant 0 : i32
      %dma_start3A_75 = tpu.memref_slice %arg8[%dma_start3A_74] : memref<40960xf32, #tpu.memory_space<vmem>> -> memref<10240xf32, #tpu.memory_space<vmem>>
      tpu.enqueue_dma source(%arg5 : memref<10240xf32, #tpu.memory_space<hbm>>) target(%dma_start3A_75 : memref<10240xf32, #tpu.memory_space<vmem>>) target_semaphore(%run_scoped3A : memref<!tpu.dma_semaphore, #tpu.memory_space<semaphore_mem>>)
      %dma_wait3A = arith.constant 0 : i32
      %dma_wait3A_76 = tpu.memref_slice %arg8[%dma_wait3A] : memref<40960xf32, #tpu.memory_space<vmem>> -> memref<10240xf32, #tpu.memory_space<vmem>>
      %dma_wait3A_77 = arith.constant 0 : i32
      %dma_wait3A_78 = tpu.memref_slice %arg8[%dma_wait3A_77] : memref<40960xf32, #tpu.memory_space<vmem>> -> memref<10240xf32, #tpu.memory_space<vmem>>
      tpu.wait_dma2 semaphore(%run_scoped3A : memref<!tpu.dma_semaphore, #tpu.memory_space<semaphore_mem>>) src(%arg5 : memref<10240xf32, #tpu.memory_space<hbm>>) dst(%dma_wait3A_78 : memref<10240xf32, #tpu.memory_space<vmem>>)
      tpu.yield
    }) : () -> ()
    %mul3A_5 = arith.constant 4 : i32
    %mul3A_6 = arith.muli %add3A, %mul3A_5 : i32
    %add3A_7 = arith.constant 1 : i32
    %add3A_8 = arith.addi %mul3A_6, %add3A_7 : i32
    "tpu.region"() ({
      %run_scoped3A = tpu.sem_alloc : memref<!tpu.dma_semaphore, #tpu.memory_space<semaphore_mem>>
      %dma_start3A_72 = arith.constant 10240 : i32
      %dma_start3A_73 = tpu.memref_slice %arg7[%dma_start3A_72] : memref<40960xf32, #tpu.memory_space<vmem>> -> memref<10240xf32, #tpu.memory_space<vmem>>
      %dma_start3A_74 = arith.constant 0 : i32
      %dma_start3A_75 = tpu.memref_slice %arg2[%add3A_8, %dma_start3A_74] : memref<128x10240xf32, #tpu.memory_space<hbm>> -> memref<1x10240xf32, #tpu.memory_space<hbm>>
      %dma_start3A_76 = tpu.memref_squeeze %dma_start3A_75 : memref<1x10240xf32, #tpu.memory_space<hbm>> -> memref<10240xf32, #tpu.memory_space<hbm>>
      %dma_start3A_77 = arith.constant 10240 : i32
      %dma_start3A_78 = tpu.memref_slice %arg7[%dma_start3A_77] : memref<40960xf32, #tpu.memory_space<vmem>> -> memref<10240xf32, #tpu.memory_space<vmem>>
      %dma_start3A_79 = arith.constant 0 : i32
      %dma_start3A_80 = tpu.memref_slice %arg2[%add3A_8, %dma_start3A_79] : memref<128x10240xf32, #tpu.memory_space<hbm>> -> memref<1x10240xf32, #tpu.memory_space<hbm>>
      %dma_start3A_81 = tpu.memref_squeeze %dma_start3A_80 : memref<1x10240xf32, #tpu.memory_space<hbm>> -> memref<10240xf32, #tpu.memory_space<hbm>>
      tpu.enqueue_dma source(%dma_start3A_81 : memref<10240xf32, #tpu.memory_space<hbm>>) target(%dma_start3A_78 : memref<10240xf32, #tpu.memory_space<vmem>>) target_semaphore(%run_scoped3A : memref<!tpu.dma_semaphore, #tpu.memory_space<semaphore_mem>>)
      %dma_wait3A = arith.constant 10240 : i32
      %dma_wait3A_82 = tpu.memref_slice %arg7[%dma_wait3A] : memref<40960xf32, #tpu.memory_space<vmem>> -> memref<10240xf32, #tpu.memory_space<vmem>>
      %dma_wait3A_83 = arith.constant 0 : i32
      %dma_wait3A_84 = tpu.memref_slice %arg2[%add3A_8, %dma_wait3A_83] : memref<128x10240xf32, #tpu.memory_space<hbm>> -> memref<1x10240xf32, #tpu.memory_space<hbm>>
      %dma_wait3A_85 = tpu.memref_squeeze %dma_wait3A_84 : memref<1x10240xf32, #tpu.memory_space<hbm>> -> memref<10240xf32, #tpu.memory_space<hbm>>
      %dma_wait3A_86 = arith.constant 10240 : i32
      %dma_wait3A_87 = tpu.memref_slice %arg7[%dma_wait3A_86] : memref<40960xf32, #tpu.memory_space<vmem>> -> memref<10240xf32, #tpu.memory_space<vmem>>
      %dma_wait3A_88 = arith.constant 0 : i32
      %dma_wait3A_89 = tpu.memref_slice %arg2[%add3A_8, %dma_wait3A_88] : memref<128x10240xf32, #tpu.memory_space<hbm>> -> memref<1x10240xf32, #tpu.memory_space<hbm>>
      %dma_wait3A_90 = tpu.memref_squeeze %dma_wait3A_89 : memref<1x10240xf32, #tpu.memory_space<hbm>> -> memref<10240xf32, #tpu.memory_space<hbm>>
      tpu.wait_dma2 semaphore(%run_scoped3A : memref<!tpu.dma_semaphore, #tpu.memory_space<semaphore_mem>>) src(%dma_wait3A_90 : memref<10240xf32, #tpu.memory_space<hbm>>) dst(%dma_wait3A_87 : memref<10240xf32, #tpu.memory_space<vmem>>)
      tpu.yield
    }) : () -> ()
    "tpu.region"() ({
      %run_scoped3A = tpu.sem_alloc : memref<!tpu.dma_semaphore, #tpu.memory_space<semaphore_mem>>
      %dma_start3A_72 = arith.constant 10240 : i32
      %dma_start3A_73 = tpu.memref_slice %arg8[%dma_start3A_72] : memref<40960xf32, #tpu.memory_space<vmem>> -> memref<10240xf32, #tpu.memory_space<vmem>>
      %dma_start3A_74 = arith.constant 10240 : i32
      %dma_start3A_75 = tpu.memref_slice %arg8[%dma_start3A_74] : memref<40960xf32, #tpu.memory_space<vmem>> -> memref<10240xf32, #tpu.memory_space<vmem>>
      tpu.enqueue_dma source(%arg5 : memref<10240xf32, #tpu.memory_space<hbm>>) target(%dma_start3A_75 : memref<10240xf32, #tpu.memory_space<vmem>>) target_semaphore(%run_scoped3A : memref<!tpu.dma_semaphore, #tpu.memory_space<semaphore_mem>>)
      %dma_wait3A = arith.constant 10240 : i32
      %dma_wait3A_76 = tpu.memref_slice %arg8[%dma_wait3A] : memref<40960xf32, #tpu.memory_space<vmem>> -> memref<10240xf32, #tpu.memory_space<vmem>>
      %dma_wait3A_77 = arith.constant 10240 : i32
      %dma_wait3A_78 = tpu.memref_slice %arg8[%dma_wait3A_77] : memref<40960xf32, #tpu.memory_space<vmem>> -> memref<10240xf32, #tpu.memory_space<vmem>>
      tpu.wait_dma2 semaphore(%run_scoped3A : memref<!tpu.dma_semaphore, #tpu.memory_space<semaphore_mem>>) src(%arg5 : memref<10240xf32, #tpu.memory_space<hbm>>) dst(%dma_wait3A_78 : memref<10240xf32, #tpu.memory_space<vmem>>)
      tpu.yield
    }) : () -> ()
    %mul3A_9 = arith.constant 4 : i32
    %mul3A_10 = arith.muli %add3A, %mul3A_9 : i32
    %add3A_11 = arith.constant 2 : i32
    %add3A_12 = arith.addi %mul3A_10, %add3A_11 : i32
    "tpu.region"() ({
      %run_scoped3A = tpu.sem_alloc : memref<!tpu.dma_semaphore, #tpu.memory_space<semaphore_mem>>
      %dma_start3A_72 = arith.constant 20480 : i32
      %dma_start3A_73 = tpu.memref_slice %arg7[%dma_start3A_72] : memref<40960xf32, #tpu.memory_space<vmem>> -> memref<10240xf32, #tpu.memory_space<vmem>>
      %dma_start3A_74 = arith.constant 0 : i32
      %dma_start3A_75 = tpu.memref_slice %arg2[%add3A_12, %dma_start3A_74] : memref<128x10240xf32, #tpu.memory_space<hbm>> -> memref<1x10240xf32, #tpu.memory_space<hbm>>
      %dma_start3A_76 = tpu.memref_squeeze %dma_start3A_75 : memref<1x10240xf32, #tpu.memory_space<hbm>> -> memref<10240xf32, #tpu.memory_space<hbm>>
      %dma_start3A_77 = arith.constant 20480 : i32
      %dma_start3A_78 = tpu.memref_slice %arg7[%dma_start3A_77] : memref<40960xf32, #tpu.memory_space<vmem>> -> memref<10240xf32, #tpu.memory_space<vmem>>
      %dma_start3A_79 = arith.constant 0 : i32
      %dma_start3A_80 = tpu.memref_slice %arg2[%add3A_12, %dma_start3A_79] : memref<128x10240xf32, #tpu.memory_space<hbm>> -> memref<1x10240xf32, #tpu.memory_space<hbm>>
      %dma_start3A_81 = tpu.memref_squeeze %dma_start3A_80 : memref<1x10240xf32, #tpu.memory_space<hbm>> -> memref<10240xf32, #tpu.memory_space<hbm>>
      tpu.enqueue_dma source(%dma_start3A_81 : memref<10240xf32, #tpu.memory_space<hbm>>) target(%dma_start3A_78 : memref<10240xf32, #tpu.memory_space<vmem>>) target_semaphore(%run_scoped3A : memref<!tpu.dma_semaphore, #tpu.memory_space<semaphore_mem>>)
      %dma_wait3A = arith.constant 20480 : i32
      %dma_wait3A_82 = tpu.memref_slice %arg7[%dma_wait3A] : memref<40960xf32, #tpu.memory_space<vmem>> -> memref<10240xf32, #tpu.memory_space<vmem>>
      %dma_wait3A_83 = arith.constant 0 : i32
      %dma_wait3A_84 = tpu.memref_slice %arg2[%add3A_12, %dma_wait3A_83] : memref<128x10240xf32, #tpu.memory_space<hbm>> -> memref<1x10240xf32, #tpu.memory_space<hbm>>
      %dma_wait3A_85 = tpu.memref_squeeze %dma_wait3A_84 : memref<1x10240xf32, #tpu.memory_space<hbm>> -> memref<10240xf32, #tpu.memory_space<hbm>>
      %dma_wait3A_86 = arith.constant 20480 : i32
      %dma_wait3A_87 = tpu.memref_slice %arg7[%dma_wait3A_86] : memref<40960xf32, #tpu.memory_space<vmem>> -> memref<10240xf32, #tpu.memory_space<vmem>>
      %dma_wait3A_88 = arith.constant 0 : i32
      %dma_wait3A_89 = tpu.memref_slice %arg2[%add3A_12, %dma_wait3A_88] : memref<128x10240xf32, #tpu.memory_space<hbm>> -> memref<1x10240xf32, #tpu.memory_space<hbm>>
      %dma_wait3A_90 = tpu.memref_squeeze %dma_wait3A_89 : memref<1x10240xf32, #tpu.memory_space<hbm>> -> memref<10240xf32, #tpu.memory_space<hbm>>
      tpu.wait_dma2 semaphore(%run_scoped3A : memref<!tpu.dma_semaphore, #tpu.memory_space<semaphore_mem>>) src(%dma_wait3A_90 : memref<10240xf32, #tpu.memory_space<hbm>>) dst(%dma_wait3A_87 : memref<10240xf32, #tpu.memory_space<vmem>>)
      tpu.yield
    }) : () -> ()
    "tpu.region"() ({
      %run_scoped3A = tpu.sem_alloc : memref<!tpu.dma_semaphore, #tpu.memory_space<semaphore_mem>>
      %dma_start3A_72 = arith.constant 20480 : i32
      %dma_start3A_73 = tpu.memref_slice %arg8[%dma_start3A_72] : memref<40960xf32, #tpu.memory_space<vmem>> -> memref<10240xf32, #tpu.memory_space<vmem>>
      %dma_start3A_74 = arith.constant 20480 : i32
      %dma_start3A_75 = tpu.memref_slice %arg8[%dma_start3A_74] : memref<40960xf32, #tpu.memory_space<vmem>> -> memref<10240xf32, #tpu.memory_space<vmem>>
      tpu.enqueue_dma source(%arg5 : memref<10240xf32, #tpu.memory_space<hbm>>) target(%dma_start3A_75 : memref<10240xf32, #tpu.memory_space<vmem>>) target_semaphore(%run_scoped3A : memref<!tpu.dma_semaphore, #tpu.memory_space<semaphore_mem>>)
      %dma_wait3A = arith.constant 20480 : i32
      %dma_wait3A_76 = tpu.memref_slice %arg8[%dma_wait3A] : memref<40960xf32, #tpu.memory_space<vmem>> -> memref<10240xf32, #tpu.memory_space<vmem>>
      %dma_wait3A_77 = arith.constant 20480 : i32
      %dma_wait3A_78 = tpu.memref_slice %arg8[%dma_wait3A_77] : memref<40960xf32, #tpu.memory_space<vmem>> -> memref<10240xf32, #tpu.memory_space<vmem>>
      tpu.wait_dma2 semaphore(%run_scoped3A : memref<!tpu.dma_semaphore, #tpu.memory_space<semaphore_mem>>) src(%arg5 : memref<10240xf32, #tpu.memory_space<hbm>>) dst(%dma_wait3A_78 : memref<10240xf32, #tpu.memory_space<vmem>>)
      tpu.yield
    }) : () -> ()
    %mul3A_13 = arith.constant 4 : i32
    %mul3A_14 = arith.muli %add3A, %mul3A_13 : i32
    %add3A_15 = arith.constant 3 : i32
    %add3A_16 = arith.addi %mul3A_14, %add3A_15 : i32
    "tpu.region"() ({
      %run_scoped3A = tpu.sem_alloc : memref<!tpu.dma_semaphore, #tpu.memory_space<semaphore_mem>>
      %dma_start3A_72 = arith.constant 30720 : i32
      %dma_start3A_73 = tpu.memref_slice %arg7[%dma_start3A_72] : memref<40960xf32, #tpu.memory_space<vmem>> -> memref<10240xf32, #tpu.memory_space<vmem>>
      %dma_start3A_74 = arith.constant 0 : i32
      %dma_start3A_75 = tpu.memref_slice %arg2[%add3A_16, %dma_start3A_74] : memref<128x10240xf32, #tpu.memory_space<hbm>> -> memref<1x10240xf32, #tpu.memory_space<hbm>>
      %dma_start3A_76 = tpu.memref_squeeze %dma_start3A_75 : memref<1x10240xf32, #tpu.memory_space<hbm>> -> memref<10240xf32, #tpu.memory_space<hbm>>
      %dma_start3A_77 = arith.constant 30720 : i32
      %dma_start3A_78 = tpu.memref_slice %arg7[%dma_start3A_77] : memref<40960xf32, #tpu.memory_space<vmem>> -> memref<10240xf32, #tpu.memory_space<vmem>>
      %dma_start3A_79 = arith.constant 0 : i32
      %dma_start3A_80 = tpu.memref_slice %arg2[%add3A_16, %dma_start3A_79] : memref<128x10240xf32, #tpu.memory_space<hbm>> -> memref<1x10240xf32, #tpu.memory_space<hbm>>
      %dma_start3A_81 = tpu.memref_squeeze %dma_start3A_80 : memref<1x10240xf32, #tpu.memory_space<hbm>> -> memref<10240xf32, #tpu.memory_space<hbm>>
      tpu.enqueue_dma source(%dma_start3A_81 : memref<10240xf32, #tpu.memory_space<hbm>>) target(%dma_start3A_78 : memref<10240xf32, #tpu.memory_space<vmem>>) target_semaphore(%run_scoped3A : memref<!tpu.dma_semaphore, #tpu.memory_space<semaphore_mem>>)
      %dma_wait3A = arith.constant 30720 : i32
      %dma_wait3A_82 = tpu.memref_slice %arg7[%dma_wait3A] : memref<40960xf32, #tpu.memory_space<vmem>> -> memref<10240xf32, #tpu.memory_space<vmem>>
      %dma_wait3A_83 = arith.constant 0 : i32
      %dma_wait3A_84 = tpu.memref_slice %arg2[%add3A_16, %dma_wait3A_83] : memref<128x10240xf32, #tpu.memory_space<hbm>> -> memref<1x10240xf32, #tpu.memory_space<hbm>>
      %dma_wait3A_85 = tpu.memref_squeeze %dma_wait3A_84 : memref<1x10240xf32, #tpu.memory_space<hbm>> -> memref<10240xf32, #tpu.memory_space<hbm>>
      %dma_wait3A_86 = arith.constant 30720 : i32
      %dma_wait3A_87 = tpu.memref_slice %arg7[%dma_wait3A_86] : memref<40960xf32, #tpu.memory_space<vmem>> -> memref<10240xf32, #tpu.memory_space<vmem>>
      %dma_wait3A_88 = arith.constant 0 : i32
      %dma_wait3A_89 = tpu.memref_slice %arg2[%add3A_16, %dma_wait3A_88] : memref<128x10240xf32, #tpu.memory_space<hbm>> -> memref<1x10240xf32, #tpu.memory_space<hbm>>
      %dma_wait3A_90 = tpu.memref_squeeze %dma_wait3A_89 : memref<1x10240xf32, #tpu.memory_space<hbm>> -> memref<10240xf32, #tpu.memory_space<hbm>>
      tpu.wait_dma2 semaphore(%run_scoped3A : memref<!tpu.dma_semaphore, #tpu.memory_space<semaphore_mem>>) src(%dma_wait3A_90 : memref<10240xf32, #tpu.memory_space<hbm>>) dst(%dma_wait3A_87 : memref<10240xf32, #tpu.memory_space<vmem>>)
      tpu.yield
    }) : () -> ()
    "tpu.region"() ({
      %run_scoped3A = tpu.sem_alloc : memref<!tpu.dma_semaphore, #tpu.memory_space<semaphore_mem>>
      %dma_start3A_72 = arith.constant 30720 : i32
      %dma_start3A_73 = tpu.memref_slice %arg8[%dma_start3A_72] : memref<40960xf32, #tpu.memory_space<vmem>> -> memref<10240xf32, #tpu.memory_space<vmem>>
      %dma_start3A_74 = arith.constant 30720 : i32
      %dma_start3A_75 = tpu.memref_slice %arg8[%dma_start3A_74] : memref<40960xf32, #tpu.memory_space<vmem>> -> memref<10240xf32, #tpu.memory_space<vmem>>
      tpu.enqueue_dma source(%arg5 : memref<10240xf32, #tpu.memory_space<hbm>>) target(%dma_start3A_75 : memref<10240xf32, #tpu.memory_space<vmem>>) target_semaphore(%run_scoped3A : memref<!tpu.dma_semaphore, #tpu.memory_space<semaphore_mem>>)
      %dma_wait3A = arith.constant 30720 : i32
      %dma_wait3A_76 = tpu.memref_slice %arg8[%dma_wait3A] : memref<40960xf32, #tpu.memory_space<vmem>> -> memref<10240xf32, #tpu.memory_space<vmem>>
      %dma_wait3A_77 = arith.constant 30720 : i32
      %dma_wait3A_78 = tpu.memref_slice %arg8[%dma_wait3A_77] : memref<40960xf32, #tpu.memory_space<vmem>> -> memref<10240xf32, #tpu.memory_space<vmem>>
      tpu.wait_dma2 semaphore(%run_scoped3A : memref<!tpu.dma_semaphore, #tpu.memory_space<semaphore_mem>>) src(%arg5 : memref<10240xf32, #tpu.memory_space<hbm>>) dst(%dma_wait3A_78 : memref<10240xf32, #tpu.memory_space<vmem>>)
      tpu.yield
    }) : () -> ()
    %mul3A_17 = arith.constant 5 : i32
    %mul3A_18 = arith.muli %add3A, %mul3A_17 : i32
    %rem3A = arith.constant 80 : i32
    %rem3A_19 = arith.remsi %mul3A_18, %rem3A : i32
    %add3A_20 = arith.constant 0 : i32
    %add3A_21 = arith.addi %add3A_20, %rem3A_19 : i32
    %rem3A_22 = arith.constant 80 : i32
    %rem3A_23 = arith.remsi %add3A_21, %rem3A_22 : i32
    %mul3A_24 = arith.constant 4096 : i32
    %mul3A_25 = arith.muli %rem3A_23, %mul3A_24 : i32
    %dma_start3A = tpu.memref_slice %arg3[%mul3A_25] : memref<327680xi32, #tpu.memory_space<hbm>> -> memref<4096xi32, #tpu.memory_space<hbm>>
    %dma_start3A_26 = tpu.memref_slice %arg3[%mul3A_25] : memref<327680xi32, #tpu.memory_space<hbm>> -> memref<4096xi32, #tpu.memory_space<hbm>>
    tpu.enqueue_dma source(%dma_start3A_26 : memref<4096xi32, #tpu.memory_space<hbm>>) target(%arg9 : memref<4096xi32, #tpu.memory_space<vmem>>) target_semaphore(%arg13 : memref<!tpu.dma_semaphore, #tpu.memory_space<semaphore_mem>>)
    %add3A_27 = arith.constant 0 : i32
    %add3A_28 = arith.addi %add3A_27, %rem3A_19 : i32
    %rem3A_29 = arith.constant 80 : i32
    %rem3A_30 = arith.remsi %add3A_28, %rem3A_29 : i32
    %mul3A_31 = arith.constant 4096 : i32
    %mul3A_32 = arith.muli %rem3A_30, %mul3A_31 : i32
    %dma_start3A_33 = tpu.memref_slice %arg4[%mul3A_32] : memref<327680xi32, #tpu.memory_space<hbm>> -> memref<4096xi32, #tpu.memory_space<hbm>>
    %dma_start3A_34 = tpu.memref_slice %arg4[%mul3A_32] : memref<327680xi32, #tpu.memory_space<hbm>> -> memref<4096xi32, #tpu.memory_space<hbm>>
    tpu.enqueue_dma source(%dma_start3A_34 : memref<4096xi32, #tpu.memory_space<hbm>>) target(%arg11 : memref<4096xi32, #tpu.memory_space<vmem>>) target_semaphore(%arg14 : memref<!tpu.dma_semaphore, #tpu.memory_space<semaphore_mem>>)
    %add3A_35 = arith.constant 1 : i32
    %add3A_36 = arith.addi %add3A_35, %rem3A_19 : i32
    %rem3A_37 = arith.constant 80 : i32
    %rem3A_38 = arith.remsi %add3A_36, %rem3A_37 : i32
    %mul3A_39 = arith.constant 4096 : i32
    %mul3A_40 = arith.muli %rem3A_38, %mul3A_39 : i32
    %dma_start3A_41 = tpu.memref_slice %arg3[%mul3A_40] : memref<327680xi32, #tpu.memory_space<hbm>> -> memref<4096xi32, #tpu.memory_space<hbm>>
    %dma_start3A_42 = tpu.memref_slice %arg3[%mul3A_40] : memref<327680xi32, #tpu.memory_space<hbm>> -> memref<4096xi32, #tpu.memory_space<hbm>>
    tpu.enqueue_dma source(%dma_start3A_42 : memref<4096xi32, #tpu.memory_space<hbm>>) target(%arg10 : memref<4096xi32, #tpu.memory_space<vmem>>) target_semaphore(%arg15 : memref<!tpu.dma_semaphore, #tpu.memory_space<semaphore_mem>>)
    %add3A_43 = arith.constant 1 : i32
    %add3A_44 = arith.addi %add3A_43, %rem3A_19 : i32
    %rem3A_45 = arith.constant 80 : i32
    %rem3A_46 = arith.remsi %add3A_44, %rem3A_45 : i32
    %mul3A_47 = arith.constant 4096 : i32
    %mul3A_48 = arith.muli %rem3A_46, %mul3A_47 : i32
    %dma_start3A_49 = tpu.memref_slice %arg4[%mul3A_48] : memref<327680xi32, #tpu.memory_space<hbm>> -> memref<4096xi32, #tpu.memory_space<hbm>>
    %dma_start3A_50 = tpu.memref_slice %arg4[%mul3A_48] : memref<327680xi32, #tpu.memory_space<hbm>> -> memref<4096xi32, #tpu.memory_space<hbm>>
    tpu.enqueue_dma source(%dma_start3A_50 : memref<4096xi32, #tpu.memory_space<hbm>>) target(%arg12 : memref<4096xi32, #tpu.memory_space<vmem>>) target_semaphore(%arg16 : memref<!tpu.dma_semaphore, #tpu.memory_space<semaphore_mem>>)
    %scan3A = arith.constant 0 : i32
    %scan3A_51 = arith.constant 0 : i32
    %scan3A_52 = arith.constant 40 : i32
    %scan3A_53 = arith.addi %scan3A_51, %scan3A_52 : i32
    %scan3A_54 = arith.constant 1 : i32
    scf.for %scan3A_72 = %scan3A_51 to %scan3A_53 step %scan3A_54  : i32 {
      %mul3A_73 = arith.constant 2 : i32
      %mul3A_74 = arith.muli %scan3A_72, %mul3A_73 : i32
      %add3A_75 = arith.constant 0 : i32
      %add3A_76 = arith.addi %mul3A_74, %add3A_75 : i32
      %dma_wait3A = arith.constant 0 : i32
      %dma_wait3A_77 = tpu.memref_slice %arg3[%dma_wait3A] : memref<327680xi32, #tpu.memory_space<hbm>> -> memref<4096xi32, #tpu.memory_space<hbm>>
      %dma_wait3A_78 = arith.constant 0 : i32
      %dma_wait3A_79 = tpu.memref_slice %arg3[%dma_wait3A_78] : memref<327680xi32, #tpu.memory_space<hbm>> -> memref<4096xi32, #tpu.memory_space<hbm>>
      tpu.wait_dma2 semaphore(%arg13 : memref<!tpu.dma_semaphore, #tpu.memory_space<semaphore_mem>>) src(%dma_wait3A_79 : memref<4096xi32, #tpu.memory_space<hbm>>) dst(%arg9 : memref<4096xi32, #tpu.memory_space<vmem>>)
      %dma_wait3A_80 = arith.constant 0 : i32
      %dma_wait3A_81 = tpu.memref_slice %arg4[%dma_wait3A_80] : memref<327680xi32, #tpu.memory_space<hbm>> -> memref<4096xi32, #tpu.memory_space<hbm>>
      %dma_wait3A_82 = arith.constant 0 : i32
      %dma_wait3A_83 = tpu.memref_slice %arg4[%dma_wait3A_82] : memref<327680xi32, #tpu.memory_space<hbm>> -> memref<4096xi32, #tpu.memory_space<hbm>>
      tpu.wait_dma2 semaphore(%arg14 : memref<!tpu.dma_semaphore, #tpu.memory_space<semaphore_mem>>) src(%dma_wait3A_83 : memref<4096xi32, #tpu.memory_space<hbm>>) dst(%arg11 : memref<4096xi32, #tpu.memory_space<vmem>>)
      %parallel_loop3A = arith.constant 0 : i32
      %parallel_loop3A_84 = arith.constant 256 : i32
      %parallel_loop3A_85 = arith.constant 1 : i32
      scf.for %parallel_loop3A_112 = %parallel_loop3A to %parallel_loop3A_84 step %parallel_loop3A_85  : i32 {
        %parallel_loop3A_113 = arith.constant 16 : i32
        %parallel_loop3A_114 = arith.muli %parallel_loop3A_112, %parallel_loop3A_113 : i32
        %parallel_loop3A_115 = arith.index_cast %parallel_loop3A_114 : i32 to index
        %parallel_loop3A_116 = tpu.vector_load %arg9[%parallel_loop3A_115] {strides = array<i32>} : memref<4096xi32, #tpu.memory_space<vmem>>, vector<16xi32>,
        %parallel_loop3A_117 = arith.index_cast %parallel_loop3A_114 : i32 to index
        %parallel_loop3A_118 = tpu.vector_load %arg11[%parallel_loop3A_117] {strides = array<i32>} : memref<4096xi32, #tpu.memory_space<vmem>>, vector<16xi32>,
        %parallel_loop3A_119 = arith.constant 0 : i32
        %parallel_loop3A_120 = vector.broadcast %parallel_loop3A_119 : i32 to vector<16xi32>
        %parallel_loop3A_121 = arith.addi %parallel_loop3A_116, %parallel_loop3A_120 : vector<16xi32>
        %parallel_loop3A_122 = tpu.vector_load_idx %arg7[%parallel_loop3A_121] : memref<40960xf32, #tpu.memory_space<vmem>>[vector<16xi32>], vector<16xf32>,
        %parallel_loop3A_123 = arith.constant 0 : i32
        %parallel_loop3A_124 = vector.broadcast %parallel_loop3A_123 : i32 to vector<16xi32>
        %parallel_loop3A_125 = arith.addi %parallel_loop3A_118, %parallel_loop3A_124 : vector<16xi32>
        tpu.vector_store_idx %arg8[%parallel_loop3A_125], %parallel_loop3A_122 {add = true} : memref<40960xf32, #tpu.memory_space<vmem>>[vector<16xi32>], vector<16xf32>,
        %parallel_loop3A_126 = arith.constant 10240 : i32
        %parallel_loop3A_127 = vector.broadcast %parallel_loop3A_126 : i32 to vector<16xi32>
        %parallel_loop3A_128 = arith.addi %parallel_loop3A_116, %parallel_loop3A_127 : vector<16xi32>
        %parallel_loop3A_129 = tpu.vector_load_idx %arg7[%parallel_loop3A_128] : memref<40960xf32, #tpu.memory_space<vmem>>[vector<16xi32>], vector<16xf32>,
        %parallel_loop3A_130 = arith.constant 10240 : i32
        %parallel_loop3A_131 = vector.broadcast %parallel_loop3A_130 : i32 to vector<16xi32>
        %parallel_loop3A_132 = arith.addi %parallel_loop3A_118, %parallel_loop3A_131 : vector<16xi32>
        tpu.vector_store_idx %arg8[%parallel_loop3A_132], %parallel_loop3A_129 {add = true} : memref<40960xf32, #tpu.memory_space<vmem>>[vector<16xi32>], vector<16xf32>,
        %parallel_loop3A_133 = arith.constant 20480 : i32
        %parallel_loop3A_134 = vector.broadcast %parallel_loop3A_133 : i32 to vector<16xi32>
        %parallel_loop3A_135 = arith.addi %parallel_loop3A_116, %parallel_loop3A_134 : vector<16xi32>
        %parallel_loop3A_136 = tpu.vector_load_idx %arg7[%parallel_loop3A_135] : memref<40960xf32, #tpu.memory_space<vmem>>[vector<16xi32>], vector<16xf32>,
        %parallel_loop3A_137 = arith.constant 20480 : i32
        %parallel_loop3A_138 = vector.broadcast %parallel_loop3A_137 : i32 to vector<16xi32>
        %parallel_loop3A_139 = arith.addi %parallel_loop3A_118, %parallel_loop3A_138 : vector<16xi32>
        tpu.vector_store_idx %arg8[%parallel_loop3A_139], %parallel_loop3A_136 {add = true} : memref<40960xf32, #tpu.memory_space<vmem>>[vector<16xi32>], vector<16xf32>,
        %parallel_loop3A_140 = arith.constant 30720 : i32
        %parallel_loop3A_141 = vector.broadcast %parallel_loop3A_140 : i32 to vector<16xi32>
        %parallel_loop3A_142 = arith.addi %parallel_loop3A_116, %parallel_loop3A_141 : vector<16xi32>
        %parallel_loop3A_143 = tpu.vector_load_idx %arg7[%parallel_loop3A_142] : memref<40960xf32, #tpu.memory_space<vmem>>[vector<16xi32>], vector<16xf32>,
        %parallel_loop3A_144 = arith.constant 30720 : i32
        %parallel_loop3A_145 = vector.broadcast %parallel_loop3A_144 : i32 to vector<16xi32>
        %parallel_loop3A_146 = arith.addi %parallel_loop3A_118, %parallel_loop3A_145 : vector<16xi32>
        tpu.vector_store_idx %arg8[%parallel_loop3A_146], %parallel_loop3A_143 {add = true} : memref<40960xf32, #tpu.memory_space<vmem>>[vector<16xi32>], vector<16xf32>,
      } {sc.loop_unroll_factor = 8 : i64, sc.parallel_access}
      %add3A_86 = arith.constant 2 : i32
      %add3A_87 = arith.addi %add3A_76, %add3A_86 : i32
      %lt3A = arith.constant 80 : i32
      %lt3A_88 = arith.cmpi slt, %add3A_87, %lt3A : i32
      %convert_element_type3A = arith.extui %lt3A_88 : i1 to i32
      %cond3A = arith.constant 0 : i32
      %cond3A_89 = arith.cmpi ne, %convert_element_type3A, %cond3A : i32
      scf.if %cond3A_89 {
        %add3A_112 = arith.constant 2 : i32
        %add3A_113 = arith.addi %add3A_76, %add3A_112 : i32
        %add3A_114 = arith.addi %add3A_113, %rem3A_19 : i32
        %rem3A_115 = arith.constant 80 : i32
        %rem3A_116 = arith.remsi %add3A_114, %rem3A_115 : i32
        %mul3A_117 = arith.constant 4096 : i32
        %mul3A_118 = arith.muli %rem3A_116, %mul3A_117 : i32
        %dma_start3A_119 = tpu.memref_slice %arg3[%mul3A_118] : memref<327680xi32, #tpu.memory_space<hbm>> -> memref<4096xi32, #tpu.memory_space<hbm>>
        %dma_start3A_120 = tpu.memref_slice %arg3[%mul3A_118] : memref<327680xi32, #tpu.memory_space<hbm>> -> memref<4096xi32, #tpu.memory_space<hbm>>
        tpu.enqueue_dma source(%dma_start3A_120 : memref<4096xi32, #tpu.memory_space<hbm>>) target(%arg9 : memref<4096xi32, #tpu.memory_space<vmem>>) target_semaphore(%arg13 : memref<!tpu.dma_semaphore, #tpu.memory_space<semaphore_mem>>)
        %dma_start3A_121 = tpu.memref_slice %arg4[%mul3A_118] : memref<327680xi32, #tpu.memory_space<hbm>> -> memref<4096xi32, #tpu.memory_space<hbm>>
        %dma_start3A_122 = tpu.memref_slice %arg4[%mul3A_118] : memref<327680xi32, #tpu.memory_space<hbm>> -> memref<4096xi32, #tpu.memory_space<hbm>>
        tpu.enqueue_dma source(%dma_start3A_122 : memref<4096xi32, #tpu.memory_space<hbm>>) target(%arg11 : memref<4096xi32, #tpu.memory_space<vmem>>) target_semaphore(%arg14 : memref<!tpu.dma_semaphore, #tpu.memory_space<semaphore_mem>>)
      } else {
      }
      %mul3A_90 = arith.constant 2 : i32
      %mul3A_91 = arith.muli %scan3A_72, %mul3A_90 : i32
      %add3A_92 = arith.constant 1 : i32
      %add3A_93 = arith.addi %mul3A_91, %add3A_92 : i32
      %dma_wait3A_94 = arith.constant 0 : i32
      %dma_wait3A_95 = tpu.memref_slice %arg3[%dma_wait3A_94] : memref<327680xi32, #tpu.memory_space<hbm>> -> memref<4096xi32, #tpu.memory_space<hbm>>
      %dma_wait3A_96 = arith.constant 0 : i32
      %dma_wait3A_97 = tpu.memref_slice %arg3[%dma_wait3A_96] : memref<327680xi32, #tpu.memory_space<hbm>> -> memref<4096xi32, #tpu.memory_space<hbm>>
      tpu.wait_dma2 semaphore(%arg15 : memref<!tpu.dma_semaphore, #tpu.memory_space<semaphore_mem>>) src(%dma_wait3A_97 : memref<4096xi32, #tpu.memory_space<hbm>>) dst(%arg10 : memref<4096xi32, #tpu.memory_space<vmem>>)
      %dma_wait3A_98 = arith.constant 0 : i32
      %dma_wait3A_99 = tpu.memref_slice %arg4[%dma_wait3A_98] : memref<327680xi32, #tpu.memory_space<hbm>> -> memref<4096xi32, #tpu.memory_space<hbm>>
      %dma_wait3A_100 = arith.constant 0 : i32
      %dma_wait3A_101 = tpu.memref_slice %arg4[%dma_wait3A_100] : memref<327680xi32, #tpu.memory_space<hbm>> -> memref<4096xi32, #tpu.memory_space<hbm>>
      tpu.wait_dma2 semaphore(%arg16 : memref<!tpu.dma_semaphore, #tpu.memory_space<semaphore_mem>>) src(%dma_wait3A_101 : memref<4096xi32, #tpu.memory_space<hbm>>) dst(%arg12 : memref<4096xi32, #tpu.memory_space<vmem>>)
      %parallel_loop3A_102 = arith.constant 0 : i32
      %parallel_loop3A_103 = arith.constant 256 : i32
      %parallel_loop3A_104 = arith.constant 1 : i32
      scf.for %parallel_loop3A_112 = %parallel_loop3A_102 to %parallel_loop3A_103 step %parallel_loop3A_104  : i32 {
        %parallel_loop3A_113 = arith.constant 16 : i32
        %parallel_loop3A_114 = arith.muli %parallel_loop3A_112, %parallel_loop3A_113 : i32
        %parallel_loop3A_115 = arith.index_cast %parallel_loop3A_114 : i32 to index
        %parallel_loop3A_116 = tpu.vector_load %arg10[%parallel_loop3A_115] {strides = array<i32>} : memref<4096xi32, #tpu.memory_space<vmem>>, vector<16xi32>,
        %parallel_loop3A_117 = arith.index_cast %parallel_loop3A_114 : i32 to index
        %parallel_loop3A_118 = tpu.vector_load %arg12[%parallel_loop3A_117] {strides = array<i32>} : memref<4096xi32, #tpu.memory_space<vmem>>, vector<16xi32>,
        %parallel_loop3A_119 = arith.constant 0 : i32
        %parallel_loop3A_120 = vector.broadcast %parallel_loop3A_119 : i32 to vector<16xi32>
        %parallel_loop3A_121 = arith.addi %parallel_loop3A_116, %parallel_loop3A_120 : vector<16xi32>
        %parallel_loop3A_122 = tpu.vector_load_idx %arg7[%parallel_loop3A_121] : memref<40960xf32, #tpu.memory_space<vmem>>[vector<16xi32>], vector<16xf32>,
        %parallel_loop3A_123 = arith.constant 0 : i32
        %parallel_loop3A_124 = vector.broadcast %parallel_loop3A_123 : i32 to vector<16xi32>
        %parallel_loop3A_125 = arith.addi %parallel_loop3A_118, %parallel_loop3A_124 : vector<16xi32>
        tpu.vector_store_idx %arg8[%parallel_loop3A_125], %parallel_loop3A_122 {add = true} : memref<40960xf32, #tpu.memory_space<vmem>>[vector<16xi32>], vector<16xf32>,
        %parallel_loop3A_126 = arith.constant 10240 : i32
        %parallel_loop3A_127 = vector.broadcast %parallel_loop3A_126 : i32 to vector<16xi32>
        %parallel_loop3A_128 = arith.addi %parallel_loop3A_116, %parallel_loop3A_127 : vector<16xi32>
        %parallel_loop3A_129 = tpu.vector_load_idx %arg7[%parallel_loop3A_128] : memref<40960xf32, #tpu.memory_space<vmem>>[vector<16xi32>], vector<16xf32>,
        %parallel_loop3A_130 = arith.constant 10240 : i32
        %parallel_loop3A_131 = vector.broadcast %parallel_loop3A_130 : i32 to vector<16xi32>
        %parallel_loop3A_132 = arith.addi %parallel_loop3A_118, %parallel_loop3A_131 : vector<16xi32>
        tpu.vector_store_idx %arg8[%parallel_loop3A_132], %parallel_loop3A_129 {add = true} : memref<40960xf32, #tpu.memory_space<vmem>>[vector<16xi32>], vector<16xf32>,
        %parallel_loop3A_133 = arith.constant 20480 : i32
        %parallel_loop3A_134 = vector.broadcast %parallel_loop3A_133 : i32 to vector<16xi32>
        %parallel_loop3A_135 = arith.addi %parallel_loop3A_116, %parallel_loop3A_134 : vector<16xi32>
        %parallel_loop3A_136 = tpu.vector_load_idx %arg7[%parallel_loop3A_135] : memref<40960xf32, #tpu.memory_space<vmem>>[vector<16xi32>], vector<16xf32>,
        %parallel_loop3A_137 = arith.constant 20480 : i32
        %parallel_loop3A_138 = vector.broadcast %parallel_loop3A_137 : i32 to vector<16xi32>
        %parallel_loop3A_139 = arith.addi %parallel_loop3A_118, %parallel_loop3A_138 : vector<16xi32>
        tpu.vector_store_idx %arg8[%parallel_loop3A_139], %parallel_loop3A_136 {add = true} : memref<40960xf32, #tpu.memory_space<vmem>>[vector<16xi32>], vector<16xf32>,
        %parallel_loop3A_140 = arith.constant 30720 : i32
        %parallel_loop3A_141 = vector.broadcast %parallel_loop3A_140 : i32 to vector<16xi32>
        %parallel_loop3A_142 = arith.addi %parallel_loop3A_116, %parallel_loop3A_141 : vector<16xi32>
        %parallel_loop3A_143 = tpu.vector_load_idx %arg7[%parallel_loop3A_142] : memref<40960xf32, #tpu.memory_space<vmem>>[vector<16xi32>], vector<16xf32>,
        %parallel_loop3A_144 = arith.constant 30720 : i32
        %parallel_loop3A_145 = vector.broadcast %parallel_loop3A_144 : i32 to vector<16xi32>
        %parallel_loop3A_146 = arith.addi %parallel_loop3A_118, %parallel_loop3A_145 : vector<16xi32>
        tpu.vector_store_idx %arg8[%parallel_loop3A_146], %parallel_loop3A_143 {add = true} : memref<40960xf32, #tpu.memory_space<vmem>>[vector<16xi32>], vector<16xf32>,
      } {sc.loop_unroll_factor = 8 : i64, sc.parallel_access}
      %add3A_105 = arith.constant 2 : i32
      %add3A_106 = arith.addi %add3A_93, %add3A_105 : i32
      %lt3A_107 = arith.constant 80 : i32
      %lt3A_108 = arith.cmpi slt, %add3A_106, %lt3A_107 : i32
      %convert_element_type3A_109 = arith.extui %lt3A_108 : i1 to i32
      %cond3A_110 = arith.constant 0 : i32
      %cond3A_111 = arith.cmpi ne, %convert_element_type3A_109, %cond3A_110 : i32
      scf.if %cond3A_111 {
        %add3A_112 = arith.constant 2 : i32
        %add3A_113 = arith.addi %add3A_93, %add3A_112 : i32
        %add3A_114 = arith.addi %add3A_113, %rem3A_19 : i32
        %rem3A_115 = arith.constant 80 : i32
        %rem3A_116 = arith.remsi %add3A_114, %rem3A_115 : i32
        %mul3A_117 = arith.constant 4096 : i32
        %mul3A_118 = arith.muli %rem3A_116, %mul3A_117 : i32
        %dma_start3A_119 = tpu.memref_slice %arg3[%mul3A_118] : memref<327680xi32, #tpu.memory_space<hbm>> -> memref<4096xi32, #tpu.memory_space<hbm>>
        %dma_start3A_120 = tpu.memref_slice %arg3[%mul3A_118] : memref<327680xi32, #tpu.memory_space<hbm>> -> memref<4096xi32, #tpu.memory_space<hbm>>
        tpu.enqueue_dma source(%dma_start3A_120 : memref<4096xi32, #tpu.memory_space<hbm>>) target(%arg10 : memref<4096xi32, #tpu.memory_space<vmem>>) target_semaphore(%arg15 : memref<!tpu.dma_semaphore, #tpu.memory_space<semaphore_mem>>)
        %dma_start3A_121 = tpu.memref_slice %arg4[%mul3A_118] : memref<327680xi32, #tpu.memory_space<hbm>> -> memref<4096xi32, #tpu.memory_space<hbm>>
        %dma_start3A_122 = tpu.memref_slice %arg4[%mul3A_118] : memref<327680xi32, #tpu.memory_space<hbm>> -> memref<4096xi32, #tpu.memory_space<hbm>>
        tpu.enqueue_dma source(%dma_start3A_122 : memref<4096xi32, #tpu.memory_space<hbm>>) target(%arg12 : memref<4096xi32, #tpu.memory_space<vmem>>) target_semaphore(%arg16 : memref<!tpu.dma_semaphore, #tpu.memory_space<semaphore_mem>>)
      } else {
      }
    }
    %scan3A_55 = arith.constant 40 : i32
    %mul3A_56 = arith.constant 4 : i32
    %mul3A_57 = arith.muli %add3A, %mul3A_56 : i32
    %add3A_58 = arith.constant 0 : i32
    %add3A_59 = arith.addi %mul3A_57, %add3A_58 : i32
    "tpu.region"() ({
      %run_scoped3A = tpu.sem_alloc : memref<!tpu.dma_semaphore, #tpu.memory_space<semaphore_mem>>
      %dma_start3A_72 = arith.constant 0 : i32
      %dma_start3A_73 = tpu.memref_slice %arg8[%dma_start3A_72] : memref<40960xf32, #tpu.memory_space<vmem>> -> memref<10240xf32, #tpu.memory_space<vmem>>
      %dma_start3A_74 = arith.constant 0 : i32
      %dma_start3A_75 = tpu.memref_slice %arg6[%add3A_59, %dma_start3A_74] : memref<128x10240xf32, #tpu.memory_space<hbm>> -> memref<1x10240xf32, #tpu.memory_space<hbm>>
      %dma_start3A_76 = tpu.memref_squeeze %dma_start3A_75 : memref<1x10240xf32, #tpu.memory_space<hbm>> -> memref<10240xf32, #tpu.memory_space<hbm>>
      %dma_start3A_77 = arith.constant 0 : i32
      %dma_start3A_78 = tpu.memref_slice %arg6[%add3A_59, %dma_start3A_77] : memref<128x10240xf32, #tpu.memory_space<hbm>> -> memref<1x10240xf32, #tpu.memory_space<hbm>>
      %dma_start3A_79 = tpu.memref_squeeze %dma_start3A_78 : memref<1x10240xf32, #tpu.memory_space<hbm>> -> memref<10240xf32, #tpu.memory_space<hbm>>
      %dma_start3A_80 = arith.constant 0 : i32
      %dma_start3A_81 = tpu.memref_slice %arg8[%dma_start3A_80] : memref<40960xf32, #tpu.memory_space<vmem>> -> memref<10240xf32, #tpu.memory_space<vmem>>
      tpu.enqueue_dma source(%dma_start3A_81 : memref<10240xf32, #tpu.memory_space<vmem>>) target(%dma_start3A_79 : memref<10240xf32, #tpu.memory_space<hbm>>) target_semaphore(%run_scoped3A : memref<!tpu.dma_semaphore, #tpu.memory_space<semaphore_mem>>)
      %dma_wait3A = arith.constant 0 : i32
      %dma_wait3A_82 = tpu.memref_slice %arg8[%dma_wait3A] : memref<40960xf32, #tpu.memory_space<vmem>> -> memref<10240xf32, #tpu.memory_space<vmem>>
      %dma_wait3A_83 = arith.constant 0 : i32
      %dma_wait3A_84 = tpu.memref_slice %arg6[%add3A_59, %dma_wait3A_83] : memref<128x10240xf32, #tpu.memory_space<hbm>> -> memref<1x10240xf32, #tpu.memory_space<hbm>>
      %dma_wait3A_85 = tpu.memref_squeeze %dma_wait3A_84 : memref<1x10240xf32, #tpu.memory_space<hbm>> -> memref<10240xf32, #tpu.memory_space<hbm>>
      %dma_wait3A_86 = arith.constant 0 : i32
      %dma_wait3A_87 = tpu.memref_slice %arg6[%add3A_59, %dma_wait3A_86] : memref<128x10240xf32, #tpu.memory_space<hbm>> -> memref<1x10240xf32, #tpu.memory_space<hbm>>
      %dma_wait3A_88 = tpu.memref_squeeze %dma_wait3A_87 : memref<1x10240xf32, #tpu.memory_space<hbm>> -> memref<10240xf32, #tpu.memory_space<hbm>>
      %dma_wait3A_89 = arith.constant 0 : i32
      %dma_wait3A_90 = tpu.memref_slice %arg8[%dma_wait3A_89] : memref<40960xf32, #tpu.memory_space<vmem>> -> memref<10240xf32, #tpu.memory_space<vmem>>
      tpu.wait_dma2 semaphore(%run_scoped3A : memref<!tpu.dma_semaphore, #tpu.memory_space<semaphore_mem>>) src(%dma_wait3A_90 : memref<10240xf32, #tpu.memory_space<vmem>>) dst(%dma_wait3A_88 : memref<10240xf32, #tpu.memory_space<hbm>>)
      tpu.yield
    }) : () -> ()
    %mul3A_60 = arith.constant 4 : i32
    %mul3A_61 = arith.muli %add3A, %mul3A_60 : i32
    %add3A_62 = arith.constant 1 : i32
    %add3A_63 = arith.addi %mul3A_61, %add3A_62 : i32
    "tpu.region"() ({
      %run_scoped3A = tpu.sem_alloc : memref<!tpu.dma_semaphore, #tpu.memory_space<semaphore_mem>>
      %dma_start3A_72 = arith.constant 10240 : i32
      %dma_start3A_73 = tpu.memref_slice %arg8[%dma_start3A_72] : memref<40960xf32, #tpu.memory_space<vmem>> -> memref<10240xf32, #tpu.memory_space<vmem>>
      %dma_start3A_74 = arith.constant 0 : i32
      %dma_start3A_75 = tpu.memref_slice %arg6[%add3A_63, %dma_start3A_74] : memref<128x10240xf32, #tpu.memory_space<hbm>> -> memref<1x10240xf32, #tpu.memory_space<hbm>>
      %dma_start3A_76 = tpu.memref_squeeze %dma_start3A_75 : memref<1x10240xf32, #tpu.memory_space<hbm>> -> memref<10240xf32, #tpu.memory_space<hbm>>
      %dma_start3A_77 = arith.constant 0 : i32
      %dma_start3A_78 = tpu.memref_slice %arg6[%add3A_63, %dma_start3A_77] : memref<128x10240xf32, #tpu.memory_space<hbm>> -> memref<1x10240xf32, #tpu.memory_space<hbm>>
      %dma_start3A_79 = tpu.memref_squeeze %dma_start3A_78 : memref<1x10240xf32, #tpu.memory_space<hbm>> -> memref<10240xf32, #tpu.memory_space<hbm>>
      %dma_start3A_80 = arith.constant 10240 : i32
      %dma_start3A_81 = tpu.memref_slice %arg8[%dma_start3A_80] : memref<40960xf32, #tpu.memory_space<vmem>> -> memref<10240xf32, #tpu.memory_space<vmem>>
      tpu.enqueue_dma source(%dma_start3A_81 : memref<10240xf32, #tpu.memory_space<vmem>>) target(%dma_start3A_79 : memref<10240xf32, #tpu.memory_space<hbm>>) target_semaphore(%run_scoped3A : memref<!tpu.dma_semaphore, #tpu.memory_space<semaphore_mem>>)
      %dma_wait3A = arith.constant 10240 : i32
      %dma_wait3A_82 = tpu.memref_slice %arg8[%dma_wait3A] : memref<40960xf32, #tpu.memory_space<vmem>> -> memref<10240xf32, #tpu.memory_space<vmem>>
      %dma_wait3A_83 = arith.constant 0 : i32
      %dma_wait3A_84 = tpu.memref_slice %arg6[%add3A_63, %dma_wait3A_83] : memref<128x10240xf32, #tpu.memory_space<hbm>> -> memref<1x10240xf32, #tpu.memory_space<hbm>>
      %dma_wait3A_85 = tpu.memref_squeeze %dma_wait3A_84 : memref<1x10240xf32, #tpu.memory_space<hbm>> -> memref<10240xf32, #tpu.memory_space<hbm>>
      %dma_wait3A_86 = arith.constant 0 : i32
      %dma_wait3A_87 = tpu.memref_slice %arg6[%add3A_63, %dma_wait3A_86] : memref<128x10240xf32, #tpu.memory_space<hbm>> -> memref<1x10240xf32, #tpu.memory_space<hbm>>
      %dma_wait3A_88 = tpu.memref_squeeze %dma_wait3A_87 : memref<1x10240xf32, #tpu.memory_space<hbm>> -> memref<10240xf32, #tpu.memory_space<hbm>>
      %dma_wait3A_89 = arith.constant 10240 : i32
      %dma_wait3A_90 = tpu.memref_slice %arg8[%dma_wait3A_89] : memref<40960xf32, #tpu.memory_space<vmem>> -> memref<10240xf32, #tpu.memory_space<vmem>>
      tpu.wait_dma2 semaphore(%run_scoped3A : memref<!tpu.dma_semaphore, #tpu.memory_space<semaphore_mem>>) src(%dma_wait3A_90 : memref<10240xf32, #tpu.memory_space<vmem>>) dst(%dma_wait3A_88 : memref<10240xf32, #tpu.memory_space<hbm>>)
      tpu.yield
    }) : () -> ()
    %mul3A_64 = arith.constant 4 : i32
    %mul3A_65 = arith.muli %add3A, %mul3A_64 : i32
    %add3A_66 = arith.constant 2 : i32
    %add3A_67 = arith.addi %mul3A_65, %add3A_66 : i32
    "tpu.region"() ({
      %run_scoped3A = tpu.sem_alloc : memref<!tpu.dma_semaphore, #tpu.memory_space<semaphore_mem>>
      %dma_start3A_72 = arith.constant 20480 : i32
      %dma_start3A_73 = tpu.memref_slice %arg8[%dma_start3A_72] : memref<40960xf32, #tpu.memory_space<vmem>> -> memref<10240xf32, #tpu.memory_space<vmem>>
      %dma_start3A_74 = arith.constant 0 : i32
      %dma_start3A_75 = tpu.memref_slice %arg6[%add3A_67, %dma_start3A_74] : memref<128x10240xf32, #tpu.memory_space<hbm>> -> memref<1x10240xf32, #tpu.memory_space<hbm>>
      %dma_start3A_76 = tpu.memref_squeeze %dma_start3A_75 : memref<1x10240xf32, #tpu.memory_space<hbm>> -> memref<10240xf32, #tpu.memory_space<hbm>>
      %dma_start3A_77 = arith.constant 0 : i32
      %dma_start3A_78 = tpu.memref_slice %arg6[%add3A_67, %dma_start3A_77] : memref<128x10240xf32, #tpu.memory_space<hbm>> -> memref<1x10240xf32, #tpu.memory_space<hbm>>
      %dma_start3A_79 = tpu.memref_squeeze %dma_start3A_78 : memref<1x10240xf32, #tpu.memory_space<hbm>> -> memref<10240xf32, #tpu.memory_space<hbm>>
      %dma_start3A_80 = arith.constant 20480 : i32
      %dma_start3A_81 = tpu.memref_slice %arg8[%dma_start3A_80] : memref<40960xf32, #tpu.memory_space<vmem>> -> memref<10240xf32, #tpu.memory_space<vmem>>
      tpu.enqueue_dma source(%dma_start3A_81 : memref<10240xf32, #tpu.memory_space<vmem>>) target(%dma_start3A_79 : memref<10240xf32, #tpu.memory_space<hbm>>) target_semaphore(%run_scoped3A : memref<!tpu.dma_semaphore, #tpu.memory_space<semaphore_mem>>)
      %dma_wait3A = arith.constant 20480 : i32
      %dma_wait3A_82 = tpu.memref_slice %arg8[%dma_wait3A] : memref<40960xf32, #tpu.memory_space<vmem>> -> memref<10240xf32, #tpu.memory_space<vmem>>
      %dma_wait3A_83 = arith.constant 0 : i32
      %dma_wait3A_84 = tpu.memref_slice %arg6[%add3A_67, %dma_wait3A_83] : memref<128x10240xf32, #tpu.memory_space<hbm>> -> memref<1x10240xf32, #tpu.memory_space<hbm>>
      %dma_wait3A_85 = tpu.memref_squeeze %dma_wait3A_84 : memref<1x10240xf32, #tpu.memory_space<hbm>> -> memref<10240xf32, #tpu.memory_space<hbm>>
      %dma_wait3A_86 = arith.constant 0 : i32
      %dma_wait3A_87 = tpu.memref_slice %arg6[%add3A_67, %dma_wait3A_86] : memref<128x10240xf32, #tpu.memory_space<hbm>> -> memref<1x10240xf32, #tpu.memory_space<hbm>>
      %dma_wait3A_88 = tpu.memref_squeeze %dma_wait3A_87 : memref<1x10240xf32, #tpu.memory_space<hbm>> -> memref<10240xf32, #tpu.memory_space<hbm>>
      %dma_wait3A_89 = arith.constant 20480 : i32
      %dma_wait3A_90 = tpu.memref_slice %arg8[%dma_wait3A_89] : memref<40960xf32, #tpu.memory_space<vmem>> -> memref<10240xf32, #tpu.memory_space<vmem>>
      tpu.wait_dma2 semaphore(%run_scoped3A : memref<!tpu.dma_semaphore, #tpu.memory_space<semaphore_mem>>) src(%dma_wait3A_90 : memref<10240xf32, #tpu.memory_space<vmem>>) dst(%dma_wait3A_88 : memref<10240xf32, #tpu.memory_space<hbm>>)
      tpu.yield
    }) : () -> ()
    %mul3A_68 = arith.constant 4 : i32
    %mul3A_69 = arith.muli %add3A, %mul3A_68 : i32
    %add3A_70 = arith.constant 3 : i32
    %add3A_71 = arith.addi %mul3A_69, %add3A_70 : i32
    "tpu.region"() ({
      %run_scoped3A = tpu.sem_alloc : memref<!tpu.dma_semaphore, #tpu.memory_space<semaphore_mem>>
      %dma_start3A_72 = arith.constant 30720 : i32
      %dma_start3A_73 = tpu.memref_slice %arg8[%dma_start3A_72] : memref<40960xf32, #tpu.memory_space<vmem>> -> memref<10240xf32, #tpu.memory_space<vmem>>
      %dma_start3A_74 = arith.constant 0 : i32
      %dma_start3A_75 = tpu.memref_slice %arg6[%add3A_71, %dma_start3A_74] : memref<128x10240xf32, #tpu.memory_space<hbm>> -> memref<1x10240xf32, #tpu.memory_space<hbm>>
      %dma_start3A_76 = tpu.memref_squeeze %dma_start3A_75 : memref<1x10240xf32, #tpu.memory_space<hbm>> -> memref<10240xf32, #tpu.memory_space<hbm>>
      %dma_start3A_77 = arith.constant 0 : i32
      %dma_start3A_78 = tpu.memref_slice %arg6[%add3A_71, %dma_start3A_77] : memref<128x10240xf32, #tpu.memory_space<hbm>> -> memref<1x10240xf32, #tpu.memory_space<hbm>>
      %dma_start3A_79 = tpu.memref_squeeze %dma_start3A_78 : memref<1x10240xf32, #tpu.memory_space<hbm>> -> memref<10240xf32, #tpu.memory_space<hbm>>
      %dma_start3A_80 = arith.constant 30720 : i32
      %dma_start3A_81 = tpu.memref_slice %arg8[%dma_start3A_80] : memref<40960xf32, #tpu.memory_space<vmem>> -> memref<10240xf32, #tpu.memory_space<vmem>>
      tpu.enqueue_dma source(%dma_start3A_81 : memref<10240xf32, #tpu.memory_space<vmem>>) target(%dma_start3A_79 : memref<10240xf32, #tpu.memory_space<hbm>>) target_semaphore(%run_scoped3A : memref<!tpu.dma_semaphore, #tpu.memory_space<semaphore_mem>>)
      %dma_wait3A = arith.constant 30720 : i32
      %dma_wait3A_82 = tpu.memref_slice %arg8[%dma_wait3A] : memref<40960xf32, #tpu.memory_space<vmem>> -> memref<10240xf32, #tpu.memory_space<vmem>>
      %dma_wait3A_83 = arith.constant 0 : i32
      %dma_wait3A_84 = tpu.memref_slice %arg6[%add3A_71, %dma_wait3A_83] : memref<128x10240xf32, #tpu.memory_space<hbm>> -> memref<1x10240xf32, #tpu.memory_space<hbm>>
      %dma_wait3A_85 = tpu.memref_squeeze %dma_wait3A_84 : memref<1x10240xf32, #tpu.memory_space<hbm>> -> memref<10240xf32, #tpu.memory_space<hbm>>
      %dma_wait3A_86 = arith.constant 0 : i32
      %dma_wait3A_87 = tpu.memref_slice %arg6[%add3A_71, %dma_wait3A_86] : memref<128x10240xf32, #tpu.memory_space<hbm>> -> memref<1x10240xf32, #tpu.memory_space<hbm>>
      %dma_wait3A_88 = tpu.memref_squeeze %dma_wait3A_87 : memref<1x10240xf32, #tpu.memory_space<hbm>> -> memref<10240xf32, #tpu.memory_space<hbm>>
      %dma_wait3A_89 = arith.constant 30720 : i32
      %dma_wait3A_90 = tpu.memref_slice %arg8[%dma_wait3A_89] : memref<40960xf32, #tpu.memory_space<vmem>> -> memref<10240xf32, #tpu.memory_space<vmem>>
      tpu.wait_dma2 semaphore(%run_scoped3A : memref<!tpu.dma_semaphore, #tpu.memory_space<semaphore_mem>>) src(%dma_wait3A_90 : memref<10240xf32, #tpu.memory_space<vmem>>) dst(%dma_wait3A_88 : memref<10240xf32, #tpu.memory_space<hbm>>)
      tpu.yield
    }) : () -> ()
    return
  }
}

#map = affine_map<(d0, d1) -> (0, 0)>
#map1 = affine_map<(d0, d1) -> (0)>
module attributes {stable_mosaic.version = 14 : i64} {
  func.func @_sc_segsum(%arg0: i32, %arg1: i32, %arg2: memref<128x10240xf32, #tpu.memory_space<hbm>>, %arg3: memref<327680xi32, #tpu.memory_space<hbm>>, %arg4: memref<327680xi32, #tpu.memory_space<hbm>>, %arg5: memref<10240xf32, #tpu.memory_space<hbm>>, %arg6: memref<128x10240xf32, #tpu.memory_space<hbm>>, %arg7: memref<40960xf32, #tpu.memory_space<vmem>>, %arg8: memref<40960xf32, #tpu.memory_space<vmem>>, %arg9: memref<4096xi32, #tpu.memory_space<vmem>>, %arg10: memref<4096xi32, #tpu.memory_space<vmem>>, %arg11: memref<4096xi32, #tpu.memory_space<vmem>>, %arg12: memref<4096xi32, #tpu.memory_space<vmem>>, %arg13: memref<!tpu.dma_semaphore, #tpu.memory_space<semaphore_mem>>, %arg14: memref<!tpu.dma_semaphore, #tpu.memory_space<semaphore_mem>>, %arg15: memref<!tpu.dma_semaphore, #tpu.memory_space<semaphore_mem>>, %arg16: memref<!tpu.dma_semaphore, #tpu.memory_space<semaphore_mem>>) attributes {dimension_semantics = [#tpu.dimension_semantics<core_parallel>, #tpu.dimension_semantics<subcore_parallel>], iteration_bounds = array<i64: 2, 16>, scalar_prefetch = 0 : i64, scratch_operands = 10 : i64, tpu.core_type = #tpu.core_type<sc_vector_subcore>, window_params = [{transform_indices = #map}, {transform_indices = #map1}, {transform_indices = #map1}, {transform_indices = #map1}, {transform_indices = #map}]} {
    %mul3A = arith.constant 16 : i32
    %mul3A_0 = arith.muli %arg0, %mul3A : i32
    %add3A = arith.addi %mul3A_0, %arg1 : i32
    %mul3A_1 = arith.constant 4 : i32
    %mul3A_2 = arith.muli %add3A, %mul3A_1 : i32
    %add3A_3 = arith.constant 0 : i32
    %add3A_4 = arith.addi %mul3A_2, %add3A_3 : i32
    "tpu.region"() ({
      %run_scoped3A = tpu.sem_alloc : memref<!tpu.dma_semaphore, #tpu.memory_space<semaphore_mem>>
      %dma_start3A_72 = arith.constant 0 : i32
      %dma_start3A_73 = tpu.memref_slice %arg7[%dma_start3A_72] : memref<40960xf32, #tpu.memory_space<vmem>> -> memref<10240xf32, #tpu.memory_space<vmem>>
      %dma_start3A_74 = arith.constant 0 : i32
      %dma_start3A_75 = tpu.memref_slice %arg2[%add3A_4, %dma_start3A_74] : memref<128x10240xf32, #tpu.memory_space<hbm>> -> memref<1x10240xf32, #tpu.memory_space<hbm>>
      %dma_start3A_76 = tpu.memref_squeeze %dma_start3A_75 : memref<1x10240xf32, #tpu.memory_space<hbm>> -> memref<10240xf32, #tpu.memory_space<hbm>>
      %dma_start3A_77 = arith.constant 0 : i32
      %dma_start3A_78 = tpu.memref_slice %arg7[%dma_start3A_77] : memref<40960xf32, #tpu.memory_space<vmem>> -> memref<10240xf32, #tpu.memory_space<vmem>>
      %dma_start3A_79 = arith.constant 0 : i32
      %dma_start3A_80 = tpu.memref_slice %arg2[%add3A_4, %dma_start3A_79] : memref<128x10240xf32, #tpu.memory_space<hbm>> -> memref<1x10240xf32, #tpu.memory_space<hbm>>
      %dma_start3A_81 = tpu.memref_squeeze %dma_start3A_80 : memref<1x10240xf32, #tpu.memory_space<hbm>> -> memref<10240xf32, #tpu.memory_space<hbm>>
      tpu.enqueue_dma source(%dma_start3A_81 : memref<10240xf32, #tpu.memory_space<hbm>>) target(%dma_start3A_78 : memref<10240xf32, #tpu.memory_space<vmem>>) target_semaphore(%run_scoped3A : memref<!tpu.dma_semaphore, #tpu.memory_space<semaphore_mem>>)
      %dma_wait3A = arith.constant 0 : i32
      %dma_wait3A_82 = tpu.memref_slice %arg7[%dma_wait3A] : memref<40960xf32, #tpu.memory_space<vmem>> -> memref<10240xf32, #tpu.memory_space<vmem>>
      %dma_wait3A_83 = arith.constant 0 : i32
      %dma_wait3A_84 = tpu.memref_slice %arg2[%add3A_4, %dma_wait3A_83] : memref<128x10240xf32, #tpu.memory_space<hbm>> -> memref<1x10240xf32, #tpu.memory_space<hbm>>
      %dma_wait3A_85 = tpu.memref_squeeze %dma_wait3A_84 : memref<1x10240xf32, #tpu.memory_space<hbm>> -> memref<10240xf32, #tpu.memory_space<hbm>>
      %dma_wait3A_86 = arith.constant 0 : i32
      %dma_wait3A_87 = tpu.memref_slice %arg7[%dma_wait3A_86] : memref<40960xf32, #tpu.memory_space<vmem>> -> memref<10240xf32, #tpu.memory_space<vmem>>
      %dma_wait3A_88 = arith.constant 0 : i32
      %dma_wait3A_89 = tpu.memref_slice %arg2[%add3A_4, %dma_wait3A_88] : memref<128x10240xf32, #tpu.memory_space<hbm>> -> memref<1x10240xf32, #tpu.memory_space<hbm>>
      %dma_wait3A_90 = tpu.memref_squeeze %dma_wait3A_89 : memref<1x10240xf32, #tpu.memory_space<hbm>> -> memref<10240xf32, #tpu.memory_space<hbm>>
      tpu.wait_dma2 semaphore(%run_scoped3A : memref<!tpu.dma_semaphore, #tpu.memory_space<semaphore_mem>>) src(%dma_wait3A_90 : memref<10240xf32, #tpu.memory_space<hbm>>) dst(%dma_wait3A_87 : memref<10240xf32, #tpu.memory_space<vmem>>)
      tpu.yield
    }) : () -> ()
    "tpu.region"() ({
      %run_scoped3A = tpu.sem_alloc : memref<!tpu.dma_semaphore, #tpu.memory_space<semaphore_mem>>
      %dma_start3A_72 = arith.constant 0 : i32
      %dma_start3A_73 = tpu.memref_slice %arg8[%dma_start3A_72] : memref<40960xf32, #tpu.memory_space<vmem>> -> memref<10240xf32, #tpu.memory_space<vmem>>
      %dma_start3A_74 = arith.constant 0 : i32
      %dma_start3A_75 = tpu.memref_slice %arg8[%dma_start3A_74] : memref<40960xf32, #tpu.memory_space<vmem>> -> memref<10240xf32, #tpu.memory_space<vmem>>
      tpu.enqueue_dma source(%arg5 : memref<10240xf32, #tpu.memory_space<hbm>>) target(%dma_start3A_75 : memref<10240xf32, #tpu.memory_space<vmem>>) target_semaphore(%run_scoped3A : memref<!tpu.dma_semaphore, #tpu.memory_space<semaphore_mem>>)
      %dma_wait3A = arith.constant 0 : i32
      %dma_wait3A_76 = tpu.memref_slice %arg8[%dma_wait3A] : memref<40960xf32, #tpu.memory_space<vmem>> -> memref<10240xf32, #tpu.memory_space<vmem>>
      %dma_wait3A_77 = arith.constant 0 : i32
      %dma_wait3A_78 = tpu.memref_slice %arg8[%dma_wait3A_77] : memref<40960xf32, #tpu.memory_space<vmem>> -> memref<10240xf32, #tpu.memory_space<vmem>>
      tpu.wait_dma2 semaphore(%run_scoped3A : memref<!tpu.dma_semaphore, #tpu.memory_space<semaphore_mem>>) src(%arg5 : memref<10240xf32, #tpu.memory_space<hbm>>) dst(%dma_wait3A_78 : memref<10240xf32, #tpu.memory_space<vmem>>)
      tpu.yield
    }) : () -> ()
    %mul3A_5 = arith.constant 4 : i32
    %mul3A_6 = arith.muli %add3A, %mul3A_5 : i32
    %add3A_7 = arith.constant 1 : i32
    %add3A_8 = arith.addi %mul3A_6, %add3A_7 : i32
    "tpu.region"() ({
      %run_scoped3A = tpu.sem_alloc : memref<!tpu.dma_semaphore, #tpu.memory_space<semaphore_mem>>
      %dma_start3A_72 = arith.constant 10240 : i32
      %dma_start3A_73 = tpu.memref_slice %arg7[%dma_start3A_72] : memref<40960xf32, #tpu.memory_space<vmem>> -> memref<10240xf32, #tpu.memory_space<vmem>>
      %dma_start3A_74 = arith.constant 0 : i32
      %dma_start3A_75 = tpu.memref_slice %arg2[%add3A_8, %dma_start3A_74] : memref<128x10240xf32, #tpu.memory_space<hbm>> -> memref<1x10240xf32, #tpu.memory_space<hbm>>
      %dma_start3A_76 = tpu.memref_squeeze %dma_start3A_75 : memref<1x10240xf32, #tpu.memory_space<hbm>> -> memref<10240xf32, #tpu.memory_space<hbm>>
      %dma_start3A_77 = arith.constant 10240 : i32
      %dma_start3A_78 = tpu.memref_slice %arg7[%dma_start3A_77] : memref<40960xf32, #tpu.memory_space<vmem>> -> memref<10240xf32, #tpu.memory_space<vmem>>
      %dma_start3A_79 = arith.constant 0 : i32
      %dma_start3A_80 = tpu.memref_slice %arg2[%add3A_8, %dma_start3A_79] : memref<128x10240xf32, #tpu.memory_space<hbm>> -> memref<1x10240xf32, #tpu.memory_space<hbm>>
      %dma_start3A_81 = tpu.memref_squeeze %dma_start3A_80 : memref<1x10240xf32, #tpu.memory_space<hbm>> -> memref<10240xf32, #tpu.memory_space<hbm>>
      tpu.enqueue_dma source(%dma_start3A_81 : memref<10240xf32, #tpu.memory_space<hbm>>) target(%dma_start3A_78 : memref<10240xf32, #tpu.memory_space<vmem>>) target_semaphore(%run_scoped3A : memref<!tpu.dma_semaphore, #tpu.memory_space<semaphore_mem>>)
      %dma_wait3A = arith.constant 10240 : i32
      %dma_wait3A_82 = tpu.memref_slice %arg7[%dma_wait3A] : memref<40960xf32, #tpu.memory_space<vmem>> -> memref<10240xf32, #tpu.memory_space<vmem>>
      %dma_wait3A_83 = arith.constant 0 : i32
      %dma_wait3A_84 = tpu.memref_slice %arg2[%add3A_8, %dma_wait3A_83] : memref<128x10240xf32, #tpu.memory_space<hbm>> -> memref<1x10240xf32, #tpu.memory_space<hbm>>
      %dma_wait3A_85 = tpu.memref_squeeze %dma_wait3A_84 : memref<1x10240xf32, #tpu.memory_space<hbm>> -> memref<10240xf32, #tpu.memory_space<hbm>>
      %dma_wait3A_86 = arith.constant 10240 : i32
      %dma_wait3A_87 = tpu.memref_slice %arg7[%dma_wait3A_86] : memref<40960xf32, #tpu.memory_space<vmem>> -> memref<10240xf32, #tpu.memory_space<vmem>>
      %dma_wait3A_88 = arith.constant 0 : i32
      %dma_wait3A_89 = tpu.memref_slice %arg2[%add3A_8, %dma_wait3A_88] : memref<128x10240xf32, #tpu.memory_space<hbm>> -> memref<1x10240xf32, #tpu.memory_space<hbm>>
      %dma_wait3A_90 = tpu.memref_squeeze %dma_wait3A_89 : memref<1x10240xf32, #tpu.memory_space<hbm>> -> memref<10240xf32, #tpu.memory_space<hbm>>
      tpu.wait_dma2 semaphore(%run_scoped3A : memref<!tpu.dma_semaphore, #tpu.memory_space<semaphore_mem>>) src(%dma_wait3A_90 : memref<10240xf32, #tpu.memory_space<hbm>>) dst(%dma_wait3A_87 : memref<10240xf32, #tpu.memory_space<vmem>>)
      tpu.yield
    }) : () -> ()
    "tpu.region"() ({
      %run_scoped3A = tpu.sem_alloc : memref<!tpu.dma_semaphore, #tpu.memory_space<semaphore_mem>>
      %dma_start3A_72 = arith.constant 10240 : i32
      %dma_start3A_73 = tpu.memref_slice %arg8[%dma_start3A_72] : memref<40960xf32, #tpu.memory_space<vmem>> -> memref<10240xf32, #tpu.memory_space<vmem>>
      %dma_start3A_74 = arith.constant 10240 : i32
      %dma_start3A_75 = tpu.memref_slice %arg8[%dma_start3A_74] : memref<40960xf32, #tpu.memory_space<vmem>> -> memref<10240xf32, #tpu.memory_space<vmem>>
      tpu.enqueue_dma source(%arg5 : memref<10240xf32, #tpu.memory_space<hbm>>) target(%dma_start3A_75 : memref<10240xf32, #tpu.memory_space<vmem>>) target_semaphore(%run_scoped3A : memref<!tpu.dma_semaphore, #tpu.memory_space<semaphore_mem>>)
      %dma_wait3A = arith.constant 10240 : i32
      %dma_wait3A_76 = tpu.memref_slice %arg8[%dma_wait3A] : memref<40960xf32, #tpu.memory_space<vmem>> -> memref<10240xf32, #tpu.memory_space<vmem>>
      %dma_wait3A_77 = arith.constant 10240 : i32
      %dma_wait3A_78 = tpu.memref_slice %arg8[%dma_wait3A_77] : memref<40960xf32, #tpu.memory_space<vmem>> -> memref<10240xf32, #tpu.memory_space<vmem>>
      tpu.wait_dma2 semaphore(%run_scoped3A : memref<!tpu.dma_semaphore, #tpu.memory_space<semaphore_mem>>) src(%arg5 : memref<10240xf32, #tpu.memory_space<hbm>>) dst(%dma_wait3A_78 : memref<10240xf32, #tpu.memory_space<vmem>>)
      tpu.yield
    }) : () -> ()
    %mul3A_9 = arith.constant 4 : i32
    %mul3A_10 = arith.muli %add3A, %mul3A_9 : i32
    %add3A_11 = arith.constant 2 : i32
    %add3A_12 = arith.addi %mul3A_10, %add3A_11 : i32
    "tpu.region"() ({
      %run_scoped3A = tpu.sem_alloc : memref<!tpu.dma_semaphore, #tpu.memory_space<semaphore_mem>>
      %dma_start3A_72 = arith.constant 20480 : i32
      %dma_start3A_73 = tpu.memref_slice %arg7[%dma_start3A_72] : memref<40960xf32, #tpu.memory_space<vmem>> -> memref<10240xf32, #tpu.memory_space<vmem>>
      %dma_start3A_74 = arith.constant 0 : i32
      %dma_start3A_75 = tpu.memref_slice %arg2[%add3A_12, %dma_start3A_74] : memref<128x10240xf32, #tpu.memory_space<hbm>> -> memref<1x10240xf32, #tpu.memory_space<hbm>>
      %dma_start3A_76 = tpu.memref_squeeze %dma_start3A_75 : memref<1x10240xf32, #tpu.memory_space<hbm>> -> memref<10240xf32, #tpu.memory_space<hbm>>
      %dma_start3A_77 = arith.constant 20480 : i32
      %dma_start3A_78 = tpu.memref_slice %arg7[%dma_start3A_77] : memref<40960xf32, #tpu.memory_space<vmem>> -> memref<10240xf32, #tpu.memory_space<vmem>>
      %dma_start3A_79 = arith.constant 0 : i32
      %dma_start3A_80 = tpu.memref_slice %arg2[%add3A_12, %dma_start3A_79] : memref<128x10240xf32, #tpu.memory_space<hbm>> -> memref<1x10240xf32, #tpu.memory_space<hbm>>
      %dma_start3A_81 = tpu.memref_squeeze %dma_start3A_80 : memref<1x10240xf32, #tpu.memory_space<hbm>> -> memref<10240xf32, #tpu.memory_space<hbm>>
      tpu.enqueue_dma source(%dma_start3A_81 : memref<10240xf32, #tpu.memory_space<hbm>>) target(%dma_start3A_78 : memref<10240xf32, #tpu.memory_space<vmem>>) target_semaphore(%run_scoped3A : memref<!tpu.dma_semaphore, #tpu.memory_space<semaphore_mem>>)
      %dma_wait3A = arith.constant 20480 : i32
      %dma_wait3A_82 = tpu.memref_slice %arg7[%dma_wait3A] : memref<40960xf32, #tpu.memory_space<vmem>> -> memref<10240xf32, #tpu.memory_space<vmem>>
      %dma_wait3A_83 = arith.constant 0 : i32
      %dma_wait3A_84 = tpu.memref_slice %arg2[%add3A_12, %dma_wait3A_83] : memref<128x10240xf32, #tpu.memory_space<hbm>> -> memref<1x10240xf32, #tpu.memory_space<hbm>>
      %dma_wait3A_85 = tpu.memref_squeeze %dma_wait3A_84 : memref<1x10240xf32, #tpu.memory_space<hbm>> -> memref<10240xf32, #tpu.memory_space<hbm>>
      %dma_wait3A_86 = arith.constant 20480 : i32
      %dma_wait3A_87 = tpu.memref_slice %arg7[%dma_wait3A_86] : memref<40960xf32, #tpu.memory_space<vmem>> -> memref<10240xf32, #tpu.memory_space<vmem>>
      %dma_wait3A_88 = arith.constant 0 : i32
      %dma_wait3A_89 = tpu.memref_slice %arg2[%add3A_12, %dma_wait3A_88] : memref<128x10240xf32, #tpu.memory_space<hbm>> -> memref<1x10240xf32, #tpu.memory_space<hbm>>
      %dma_wait3A_90 = tpu.memref_squeeze %dma_wait3A_89 : memref<1x10240xf32, #tpu.memory_space<hbm>> -> memref<10240xf32, #tpu.memory_space<hbm>>
      tpu.wait_dma2 semaphore(%run_scoped3A : memref<!tpu.dma_semaphore, #tpu.memory_space<semaphore_mem>>) src(%dma_wait3A_90 : memref<10240xf32, #tpu.memory_space<hbm>>) dst(%dma_wait3A_87 : memref<10240xf32, #tpu.memory_space<vmem>>)
      tpu.yield
    }) : () -> ()
    "tpu.region"() ({
      %run_scoped3A = tpu.sem_alloc : memref<!tpu.dma_semaphore, #tpu.memory_space<semaphore_mem>>
      %dma_start3A_72 = arith.constant 20480 : i32
      %dma_start3A_73 = tpu.memref_slice %arg8[%dma_start3A_72] : memref<40960xf32, #tpu.memory_space<vmem>> -> memref<10240xf32, #tpu.memory_space<vmem>>
      %dma_start3A_74 = arith.constant 20480 : i32
      %dma_start3A_75 = tpu.memref_slice %arg8[%dma_start3A_74] : memref<40960xf32, #tpu.memory_space<vmem>> -> memref<10240xf32, #tpu.memory_space<vmem>>
      tpu.enqueue_dma source(%arg5 : memref<10240xf32, #tpu.memory_space<hbm>>) target(%dma_start3A_75 : memref<10240xf32, #tpu.memory_space<vmem>>) target_semaphore(%run_scoped3A : memref<!tpu.dma_semaphore, #tpu.memory_space<semaphore_mem>>)
      %dma_wait3A = arith.constant 20480 : i32
      %dma_wait3A_76 = tpu.memref_slice %arg8[%dma_wait3A] : memref<40960xf32, #tpu.memory_space<vmem>> -> memref<10240xf32, #tpu.memory_space<vmem>>
      %dma_wait3A_77 = arith.constant 20480 : i32
      %dma_wait3A_78 = tpu.memref_slice %arg8[%dma_wait3A_77] : memref<40960xf32, #tpu.memory_space<vmem>> -> memref<10240xf32, #tpu.memory_space<vmem>>
      tpu.wait_dma2 semaphore(%run_scoped3A : memref<!tpu.dma_semaphore, #tpu.memory_space<semaphore_mem>>) src(%arg5 : memref<10240xf32, #tpu.memory_space<hbm>>) dst(%dma_wait3A_78 : memref<10240xf32, #tpu.memory_space<vmem>>)
      tpu.yield
    }) : () -> ()
    %mul3A_13 = arith.constant 4 : i32
    %mul3A_14 = arith.muli %add3A, %mul3A_13 : i32
    %add3A_15 = arith.constant 3 : i32
    %add3A_16 = arith.addi %mul3A_14, %add3A_15 : i32
    "tpu.region"() ({
      %run_scoped3A = tpu.sem_alloc : memref<!tpu.dma_semaphore, #tpu.memory_space<semaphore_mem>>
      %dma_start3A_72 = arith.constant 30720 : i32
      %dma_start3A_73 = tpu.memref_slice %arg7[%dma_start3A_72] : memref<40960xf32, #tpu.memory_space<vmem>> -> memref<10240xf32, #tpu.memory_space<vmem>>
      %dma_start3A_74 = arith.constant 0 : i32
      %dma_start3A_75 = tpu.memref_slice %arg2[%add3A_16, %dma_start3A_74] : memref<128x10240xf32, #tpu.memory_space<hbm>> -> memref<1x10240xf32, #tpu.memory_space<hbm>>
      %dma_start3A_76 = tpu.memref_squeeze %dma_start3A_75 : memref<1x10240xf32, #tpu.memory_space<hbm>> -> memref<10240xf32, #tpu.memory_space<hbm>>
      %dma_start3A_77 = arith.constant 30720 : i32
      %dma_start3A_78 = tpu.memref_slice %arg7[%dma_start3A_77] : memref<40960xf32, #tpu.memory_space<vmem>> -> memref<10240xf32, #tpu.memory_space<vmem>>
      %dma_start3A_79 = arith.constant 0 : i32
      %dma_start3A_80 = tpu.memref_slice %arg2[%add3A_16, %dma_start3A_79] : memref<128x10240xf32, #tpu.memory_space<hbm>> -> memref<1x10240xf32, #tpu.memory_space<hbm>>
      %dma_start3A_81 = tpu.memref_squeeze %dma_start3A_80 : memref<1x10240xf32, #tpu.memory_space<hbm>> -> memref<10240xf32, #tpu.memory_space<hbm>>
      tpu.enqueue_dma source(%dma_start3A_81 : memref<10240xf32, #tpu.memory_space<hbm>>) target(%dma_start3A_78 : memref<10240xf32, #tpu.memory_space<vmem>>) target_semaphore(%run_scoped3A : memref<!tpu.dma_semaphore, #tpu.memory_space<semaphore_mem>>)
      %dma_wait3A = arith.constant 30720 : i32
      %dma_wait3A_82 = tpu.memref_slice %arg7[%dma_wait3A] : memref<40960xf32, #tpu.memory_space<vmem>> -> memref<10240xf32, #tpu.memory_space<vmem>>
      %dma_wait3A_83 = arith.constant 0 : i32
      %dma_wait3A_84 = tpu.memref_slice %arg2[%add3A_16, %dma_wait3A_83] : memref<128x10240xf32, #tpu.memory_space<hbm>> -> memref<1x10240xf32, #tpu.memory_space<hbm>>
      %dma_wait3A_85 = tpu.memref_squeeze %dma_wait3A_84 : memref<1x10240xf32, #tpu.memory_space<hbm>> -> memref<10240xf32, #tpu.memory_space<hbm>>
      %dma_wait3A_86 = arith.constant 30720 : i32
      %dma_wait3A_87 = tpu.memref_slice %arg7[%dma_wait3A_86] : memref<40960xf32, #tpu.memory_space<vmem>> -> memref<10240xf32, #tpu.memory_space<vmem>>
      %dma_wait3A_88 = arith.constant 0 : i32
      %dma_wait3A_89 = tpu.memref_slice %arg2[%add3A_16, %dma_wait3A_88] : memref<128x10240xf32, #tpu.memory_space<hbm>> -> memref<1x10240xf32, #tpu.memory_space<hbm>>
      %dma_wait3A_90 = tpu.memref_squeeze %dma_wait3A_89 : memref<1x10240xf32, #tpu.memory_space<hbm>> -> memref<10240xf32, #tpu.memory_space<hbm>>
      tpu.wait_dma2 semaphore(%run_scoped3A : memref<!tpu.dma_semaphore, #tpu.memory_space<semaphore_mem>>) src(%dma_wait3A_90 : memref<10240xf32, #tpu.memory_space<hbm>>) dst(%dma_wait3A_87 : memref<10240xf32, #tpu.memory_space<vmem>>)
      tpu.yield
    }) : () -> ()
    "tpu.region"() ({
      %run_scoped3A = tpu.sem_alloc : memref<!tpu.dma_semaphore, #tpu.memory_space<semaphore_mem>>
      %dma_start3A_72 = arith.constant 30720 : i32
      %dma_start3A_73 = tpu.memref_slice %arg8[%dma_start3A_72] : memref<40960xf32, #tpu.memory_space<vmem>> -> memref<10240xf32, #tpu.memory_space<vmem>>
      %dma_start3A_74 = arith.constant 30720 : i32
      %dma_start3A_75 = tpu.memref_slice %arg8[%dma_start3A_74] : memref<40960xf32, #tpu.memory_space<vmem>> -> memref<10240xf32, #tpu.memory_space<vmem>>
      tpu.enqueue_dma source(%arg5 : memref<10240xf32, #tpu.memory_space<hbm>>) target(%dma_start3A_75 : memref<10240xf32, #tpu.memory_space<vmem>>) target_semaphore(%run_scoped3A : memref<!tpu.dma_semaphore, #tpu.memory_space<semaphore_mem>>)
      %dma_wait3A = arith.constant 30720 : i32
      %dma_wait3A_76 = tpu.memref_slice %arg8[%dma_wait3A] : memref<40960xf32, #tpu.memory_space<vmem>> -> memref<10240xf32, #tpu.memory_space<vmem>>
      %dma_wait3A_77 = arith.constant 30720 : i32
      %dma_wait3A_78 = tpu.memref_slice %arg8[%dma_wait3A_77] : memref<40960xf32, #tpu.memory_space<vmem>> -> memref<10240xf32, #tpu.memory_space<vmem>>
      tpu.wait_dma2 semaphore(%run_scoped3A : memref<!tpu.dma_semaphore, #tpu.memory_space<semaphore_mem>>) src(%arg5 : memref<10240xf32, #tpu.memory_space<hbm>>) dst(%dma_wait3A_78 : memref<10240xf32, #tpu.memory_space<vmem>>)
      tpu.yield
    }) : () -> ()
    %mul3A_17 = arith.constant 5 : i32
    %mul3A_18 = arith.muli %add3A, %mul3A_17 : i32
    %rem3A = arith.constant 80 : i32
    %rem3A_19 = arith.remsi %mul3A_18, %rem3A : i32
    %add3A_20 = arith.constant 0 : i32
    %add3A_21 = arith.addi %add3A_20, %rem3A_19 : i32
    %rem3A_22 = arith.constant 80 : i32
    %rem3A_23 = arith.remsi %add3A_21, %rem3A_22 : i32
    %mul3A_24 = arith.constant 4096 : i32
    %mul3A_25 = arith.muli %rem3A_23, %mul3A_24 : i32
    %dma_start3A = tpu.memref_slice %arg3[%mul3A_25] : memref<327680xi32, #tpu.memory_space<hbm>> -> memref<4096xi32, #tpu.memory_space<hbm>>
    %dma_start3A_26 = tpu.memref_slice %arg3[%mul3A_25] : memref<327680xi32, #tpu.memory_space<hbm>> -> memref<4096xi32, #tpu.memory_space<hbm>>
    tpu.enqueue_dma source(%dma_start3A_26 : memref<4096xi32, #tpu.memory_space<hbm>>) target(%arg9 : memref<4096xi32, #tpu.memory_space<vmem>>) target_semaphore(%arg13 : memref<!tpu.dma_semaphore, #tpu.memory_space<semaphore_mem>>)
    %add3A_27 = arith.constant 0 : i32
    %add3A_28 = arith.addi %add3A_27, %rem3A_19 : i32
    %rem3A_29 = arith.constant 80 : i32
    %rem3A_30 = arith.remsi %add3A_28, %rem3A_29 : i32
    %mul3A_31 = arith.constant 4096 : i32
    %mul3A_32 = arith.muli %rem3A_30, %mul3A_31 : i32
    %dma_start3A_33 = tpu.memref_slice %arg4[%mul3A_32] : memref<327680xi32, #tpu.memory_space<hbm>> -> memref<4096xi32, #tpu.memory_space<hbm>>
    %dma_start3A_34 = tpu.memref_slice %arg4[%mul3A_32] : memref<327680xi32, #tpu.memory_space<hbm>> -> memref<4096xi32, #tpu.memory_space<hbm>>
    tpu.enqueue_dma source(%dma_start3A_34 : memref<4096xi32, #tpu.memory_space<hbm>>) target(%arg11 : memref<4096xi32, #tpu.memory_space<vmem>>) target_semaphore(%arg14 : memref<!tpu.dma_semaphore, #tpu.memory_space<semaphore_mem>>)
    %add3A_35 = arith.constant 1 : i32
    %add3A_36 = arith.addi %add3A_35, %rem3A_19 : i32
    %rem3A_37 = arith.constant 80 : i32
    %rem3A_38 = arith.remsi %add3A_36, %rem3A_37 : i32
    %mul3A_39 = arith.constant 4096 : i32
    %mul3A_40 = arith.muli %rem3A_38, %mul3A_39 : i32
    %dma_start3A_41 = tpu.memref_slice %arg3[%mul3A_40] : memref<327680xi32, #tpu.memory_space<hbm>> -> memref<4096xi32, #tpu.memory_space<hbm>>
    %dma_start3A_42 = tpu.memref_slice %arg3[%mul3A_40] : memref<327680xi32, #tpu.memory_space<hbm>> -> memref<4096xi32, #tpu.memory_space<hbm>>
    tpu.enqueue_dma source(%dma_start3A_42 : memref<4096xi32, #tpu.memory_space<hbm>>) target(%arg10 : memref<4096xi32, #tpu.memory_space<vmem>>) target_semaphore(%arg15 : memref<!tpu.dma_semaphore, #tpu.memory_space<semaphore_mem>>)
    %add3A_43 = arith.constant 1 : i32
    %add3A_44 = arith.addi %add3A_43, %rem3A_19 : i32
    %rem3A_45 = arith.constant 80 : i32
    %rem3A_46 = arith.remsi %add3A_44, %rem3A_45 : i32
    %mul3A_47 = arith.constant 4096 : i32
    %mul3A_48 = arith.muli %rem3A_46, %mul3A_47 : i32
    %dma_start3A_49 = tpu.memref_slice %arg4[%mul3A_48] : memref<327680xi32, #tpu.memory_space<hbm>> -> memref<4096xi32, #tpu.memory_space<hbm>>
    %dma_start3A_50 = tpu.memref_slice %arg4[%mul3A_48] : memref<327680xi32, #tpu.memory_space<hbm>> -> memref<4096xi32, #tpu.memory_space<hbm>>
    tpu.enqueue_dma source(%dma_start3A_50 : memref<4096xi32, #tpu.memory_space<hbm>>) target(%arg12 : memref<4096xi32, #tpu.memory_space<vmem>>) target_semaphore(%arg16 : memref<!tpu.dma_semaphore, #tpu.memory_space<semaphore_mem>>)
    %scan3A = arith.constant 0 : i32
    %scan3A_51 = arith.constant 0 : i32
    %scan3A_52 = arith.constant 40 : i32
    %scan3A_53 = arith.addi %scan3A_51, %scan3A_52 : i32
    %scan3A_54 = arith.constant 1 : i32
    scf.for %scan3A_72 = %scan3A_51 to %scan3A_53 step %scan3A_54  : i32 {
      %mul3A_73 = arith.constant 2 : i32
      %mul3A_74 = arith.muli %scan3A_72, %mul3A_73 : i32
      %add3A_75 = arith.constant 0 : i32
      %add3A_76 = arith.addi %mul3A_74, %add3A_75 : i32
      %dma_wait3A = arith.constant 0 : i32
      %dma_wait3A_77 = tpu.memref_slice %arg3[%dma_wait3A] : memref<327680xi32, #tpu.memory_space<hbm>> -> memref<4096xi32, #tpu.memory_space<hbm>>
      %dma_wait3A_78 = arith.constant 0 : i32
      %dma_wait3A_79 = tpu.memref_slice %arg3[%dma_wait3A_78] : memref<327680xi32, #tpu.memory_space<hbm>> -> memref<4096xi32, #tpu.memory_space<hbm>>
      tpu.wait_dma2 semaphore(%arg13 : memref<!tpu.dma_semaphore, #tpu.memory_space<semaphore_mem>>) src(%dma_wait3A_79 : memref<4096xi32, #tpu.memory_space<hbm>>) dst(%arg9 : memref<4096xi32, #tpu.memory_space<vmem>>)
      %dma_wait3A_80 = arith.constant 0 : i32
      %dma_wait3A_81 = tpu.memref_slice %arg4[%dma_wait3A_80] : memref<327680xi32, #tpu.memory_space<hbm>> -> memref<4096xi32, #tpu.memory_space<hbm>>
      %dma_wait3A_82 = arith.constant 0 : i32
      %dma_wait3A_83 = tpu.memref_slice %arg4[%dma_wait3A_82] : memref<327680xi32, #tpu.memory_space<hbm>> -> memref<4096xi32, #tpu.memory_space<hbm>>
      tpu.wait_dma2 semaphore(%arg14 : memref<!tpu.dma_semaphore, #tpu.memory_space<semaphore_mem>>) src(%dma_wait3A_83 : memref<4096xi32, #tpu.memory_space<hbm>>) dst(%arg11 : memref<4096xi32, #tpu.memory_space<vmem>>)
      %parallel_loop3A = arith.constant 0 : i32
      %parallel_loop3A_84 = arith.constant 256 : i32
      %parallel_loop3A_85 = arith.constant 1 : i32
      scf.for %parallel_loop3A_112 = %parallel_loop3A to %parallel_loop3A_84 step %parallel_loop3A_85  : i32 {
        %parallel_loop3A_113 = arith.constant 16 : i32
        %parallel_loop3A_114 = arith.muli %parallel_loop3A_112, %parallel_loop3A_113 : i32
        %parallel_loop3A_115 = arith.index_cast %parallel_loop3A_114 : i32 to index
        %parallel_loop3A_116 = tpu.vector_load %arg9[%parallel_loop3A_115] {strides = array<i32>} : memref<4096xi32, #tpu.memory_space<vmem>>, vector<16xi32>,
        %parallel_loop3A_117 = arith.index_cast %parallel_loop3A_114 : i32 to index
        %parallel_loop3A_118 = tpu.vector_load %arg11[%parallel_loop3A_117] {strides = array<i32>} : memref<4096xi32, #tpu.memory_space<vmem>>, vector<16xi32>,
        %parallel_loop3A_119 = arith.constant 0 : i32
        %parallel_loop3A_120 = vector.broadcast %parallel_loop3A_119 : i32 to vector<16xi32>
        %parallel_loop3A_121 = arith.addi %parallel_loop3A_116, %parallel_loop3A_120 : vector<16xi32>
        %parallel_loop3A_122 = tpu.vector_load_idx %arg7[%parallel_loop3A_121] : memref<40960xf32, #tpu.memory_space<vmem>>[vector<16xi32>], vector<16xf32>,
        %parallel_loop3A_123 = arith.constant 0 : i32
        %parallel_loop3A_124 = vector.broadcast %parallel_loop3A_123 : i32 to vector<16xi32>
        %parallel_loop3A_125 = arith.addi %parallel_loop3A_118, %parallel_loop3A_124 : vector<16xi32>
        tpu.vector_store_idx %arg8[%parallel_loop3A_125], %parallel_loop3A_122 {add = true} : memref<40960xf32, #tpu.memory_space<vmem>>[vector<16xi32>], vector<16xf32>,
        %parallel_loop3A_126 = arith.constant 10240 : i32
        %parallel_loop3A_127 = vector.broadcast %parallel_loop3A_126 : i32 to vector<16xi32>
        %parallel_loop3A_128 = arith.addi %parallel_loop3A_116, %parallel_loop3A_127 : vector<16xi32>
        %parallel_loop3A_129 = tpu.vector_load_idx %arg7[%parallel_loop3A_128] : memref<40960xf32, #tpu.memory_space<vmem>>[vector<16xi32>], vector<16xf32>,
        %parallel_loop3A_130 = arith.constant 10240 : i32
        %parallel_loop3A_131 = vector.broadcast %parallel_loop3A_130 : i32 to vector<16xi32>
        %parallel_loop3A_132 = arith.addi %parallel_loop3A_118, %parallel_loop3A_131 : vector<16xi32>
        tpu.vector_store_idx %arg8[%parallel_loop3A_132], %parallel_loop3A_129 {add = true} : memref<40960xf32, #tpu.memory_space<vmem>>[vector<16xi32>], vector<16xf32>,
        %parallel_loop3A_133 = arith.constant 20480 : i32
        %parallel_loop3A_134 = vector.broadcast %parallel_loop3A_133 : i32 to vector<16xi32>
        %parallel_loop3A_135 = arith.addi %parallel_loop3A_116, %parallel_loop3A_134 : vector<16xi32>
        %parallel_loop3A_136 = tpu.vector_load_idx %arg7[%parallel_loop3A_135] : memref<40960xf32, #tpu.memory_space<vmem>>[vector<16xi32>], vector<16xf32>,
        %parallel_loop3A_137 = arith.constant 20480 : i32
        %parallel_loop3A_138 = vector.broadcast %parallel_loop3A_137 : i32 to vector<16xi32>
        %parallel_loop3A_139 = arith.addi %parallel_loop3A_118, %parallel_loop3A_138 : vector<16xi32>
        tpu.vector_store_idx %arg8[%parallel_loop3A_139], %parallel_loop3A_136 {add = true} : memref<40960xf32, #tpu.memory_space<vmem>>[vector<16xi32>], vector<16xf32>,
        %parallel_loop3A_140 = arith.constant 30720 : i32
        %parallel_loop3A_141 = vector.broadcast %parallel_loop3A_140 : i32 to vector<16xi32>
        %parallel_loop3A_142 = arith.addi %parallel_loop3A_116, %parallel_loop3A_141 : vector<16xi32>
        %parallel_loop3A_143 = tpu.vector_load_idx %arg7[%parallel_loop3A_142] : memref<40960xf32, #tpu.memory_space<vmem>>[vector<16xi32>], vector<16xf32>,
        %parallel_loop3A_144 = arith.constant 30720 : i32
        %parallel_loop3A_145 = vector.broadcast %parallel_loop3A_144 : i32 to vector<16xi32>
        %parallel_loop3A_146 = arith.addi %parallel_loop3A_118, %parallel_loop3A_145 : vector<16xi32>
        tpu.vector_store_idx %arg8[%parallel_loop3A_146], %parallel_loop3A_143 {add = true} : memref<40960xf32, #tpu.memory_space<vmem>>[vector<16xi32>], vector<16xf32>,
      } {sc.loop_unroll_factor = 8 : i64, sc.parallel_access}
      %add3A_86 = arith.constant 2 : i32
      %add3A_87 = arith.addi %add3A_76, %add3A_86 : i32
      %lt3A = arith.constant 80 : i32
      %lt3A_88 = arith.cmpi slt, %add3A_87, %lt3A : i32
      %convert_element_type3A = arith.extui %lt3A_88 : i1 to i32
      %cond3A = arith.constant 0 : i32
      %cond3A_89 = arith.cmpi ne, %convert_element_type3A, %cond3A : i32
      scf.if %cond3A_89 {
        %add3A_112 = arith.constant 2 : i32
        %add3A_113 = arith.addi %add3A_76, %add3A_112 : i32
        %add3A_114 = arith.addi %add3A_113, %rem3A_19 : i32
        %rem3A_115 = arith.constant 80 : i32
        %rem3A_116 = arith.remsi %add3A_114, %rem3A_115 : i32
        %mul3A_117 = arith.constant 4096 : i32
        %mul3A_118 = arith.muli %rem3A_116, %mul3A_117 : i32
        %dma_start3A_119 = tpu.memref_slice %arg3[%mul3A_118] : memref<327680xi32, #tpu.memory_space<hbm>> -> memref<4096xi32, #tpu.memory_space<hbm>>
        %dma_start3A_120 = tpu.memref_slice %arg3[%mul3A_118] : memref<327680xi32, #tpu.memory_space<hbm>> -> memref<4096xi32, #tpu.memory_space<hbm>>
        tpu.enqueue_dma source(%dma_start3A_120 : memref<4096xi32, #tpu.memory_space<hbm>>) target(%arg9 : memref<4096xi32, #tpu.memory_space<vmem>>) target_semaphore(%arg13 : memref<!tpu.dma_semaphore, #tpu.memory_space<semaphore_mem>>)
        %dma_start3A_121 = tpu.memref_slice %arg4[%mul3A_118] : memref<327680xi32, #tpu.memory_space<hbm>> -> memref<4096xi32, #tpu.memory_space<hbm>>
        %dma_start3A_122 = tpu.memref_slice %arg4[%mul3A_118] : memref<327680xi32, #tpu.memory_space<hbm>> -> memref<4096xi32, #tpu.memory_space<hbm>>
        tpu.enqueue_dma source(%dma_start3A_122 : memref<4096xi32, #tpu.memory_space<hbm>>) target(%arg11 : memref<4096xi32, #tpu.memory_space<vmem>>) target_semaphore(%arg14 : memref<!tpu.dma_semaphore, #tpu.memory_space<semaphore_mem>>)
      } else {
      }
      %mul3A_90 = arith.constant 2 : i32
      %mul3A_91 = arith.muli %scan3A_72, %mul3A_90 : i32
      %add3A_92 = arith.constant 1 : i32
      %add3A_93 = arith.addi %mul3A_91, %add3A_92 : i32
      %dma_wait3A_94 = arith.constant 0 : i32
      %dma_wait3A_95 = tpu.memref_slice %arg3[%dma_wait3A_94] : memref<327680xi32, #tpu.memory_space<hbm>> -> memref<4096xi32, #tpu.memory_space<hbm>>
      %dma_wait3A_96 = arith.constant 0 : i32
      %dma_wait3A_97 = tpu.memref_slice %arg3[%dma_wait3A_96] : memref<327680xi32, #tpu.memory_space<hbm>> -> memref<4096xi32, #tpu.memory_space<hbm>>
      tpu.wait_dma2 semaphore(%arg15 : memref<!tpu.dma_semaphore, #tpu.memory_space<semaphore_mem>>) src(%dma_wait3A_97 : memref<4096xi32, #tpu.memory_space<hbm>>) dst(%arg10 : memref<4096xi32, #tpu.memory_space<vmem>>)
      %dma_wait3A_98 = arith.constant 0 : i32
      %dma_wait3A_99 = tpu.memref_slice %arg4[%dma_wait3A_98] : memref<327680xi32, #tpu.memory_space<hbm>> -> memref<4096xi32, #tpu.memory_space<hbm>>
      %dma_wait3A_100 = arith.constant 0 : i32
      %dma_wait3A_101 = tpu.memref_slice %arg4[%dma_wait3A_100] : memref<327680xi32, #tpu.memory_space<hbm>> -> memref<4096xi32, #tpu.memory_space<hbm>>
      tpu.wait_dma2 semaphore(%arg16 : memref<!tpu.dma_semaphore, #tpu.memory_space<semaphore_mem>>) src(%dma_wait3A_101 : memref<4096xi32, #tpu.memory_space<hbm>>) dst(%arg12 : memref<4096xi32, #tpu.memory_space<vmem>>)
      %parallel_loop3A_102 = arith.constant 0 : i32
      %parallel_loop3A_103 = arith.constant 256 : i32
      %parallel_loop3A_104 = arith.constant 1 : i32
      scf.for %parallel_loop3A_112 = %parallel_loop3A_102 to %parallel_loop3A_103 step %parallel_loop3A_104  : i32 {
        %parallel_loop3A_113 = arith.constant 16 : i32
        %parallel_loop3A_114 = arith.muli %parallel_loop3A_112, %parallel_loop3A_113 : i32
        %parallel_loop3A_115 = arith.index_cast %parallel_loop3A_114 : i32 to index
        %parallel_loop3A_116 = tpu.vector_load %arg10[%parallel_loop3A_115] {strides = array<i32>} : memref<4096xi32, #tpu.memory_space<vmem>>, vector<16xi32>,
        %parallel_loop3A_117 = arith.index_cast %parallel_loop3A_114 : i32 to index
        %parallel_loop3A_118 = tpu.vector_load %arg12[%parallel_loop3A_117] {strides = array<i32>} : memref<4096xi32, #tpu.memory_space<vmem>>, vector<16xi32>,
        %parallel_loop3A_119 = arith.constant 0 : i32
        %parallel_loop3A_120 = vector.broadcast %parallel_loop3A_119 : i32 to vector<16xi32>
        %parallel_loop3A_121 = arith.addi %parallel_loop3A_116, %parallel_loop3A_120 : vector<16xi32>
        %parallel_loop3A_122 = tpu.vector_load_idx %arg7[%parallel_loop3A_121] : memref<40960xf32, #tpu.memory_space<vmem>>[vector<16xi32>], vector<16xf32>,
        %parallel_loop3A_123 = arith.constant 0 : i32
        %parallel_loop3A_124 = vector.broadcast %parallel_loop3A_123 : i32 to vector<16xi32>
        %parallel_loop3A_125 = arith.addi %parallel_loop3A_118, %parallel_loop3A_124 : vector<16xi32>
        tpu.vector_store_idx %arg8[%parallel_loop3A_125], %parallel_loop3A_122 {add = true} : memref<40960xf32, #tpu.memory_space<vmem>>[vector<16xi32>], vector<16xf32>,
        %parallel_loop3A_126 = arith.constant 10240 : i32
        %parallel_loop3A_127 = vector.broadcast %parallel_loop3A_126 : i32 to vector<16xi32>
        %parallel_loop3A_128 = arith.addi %parallel_loop3A_116, %parallel_loop3A_127 : vector<16xi32>
        %parallel_loop3A_129 = tpu.vector_load_idx %arg7[%parallel_loop3A_128] : memref<40960xf32, #tpu.memory_space<vmem>>[vector<16xi32>], vector<16xf32>,
        %parallel_loop3A_130 = arith.constant 10240 : i32
        %parallel_loop3A_131 = vector.broadcast %parallel_loop3A_130 : i32 to vector<16xi32>
        %parallel_loop3A_132 = arith.addi %parallel_loop3A_118, %parallel_loop3A_131 : vector<16xi32>
        tpu.vector_store_idx %arg8[%parallel_loop3A_132], %parallel_loop3A_129 {add = true} : memref<40960xf32, #tpu.memory_space<vmem>>[vector<16xi32>], vector<16xf32>,
        %parallel_loop3A_133 = arith.constant 20480 : i32
        %parallel_loop3A_134 = vector.broadcast %parallel_loop3A_133 : i32 to vector<16xi32>
        %parallel_loop3A_135 = arith.addi %parallel_loop3A_116, %parallel_loop3A_134 : vector<16xi32>
        %parallel_loop3A_136 = tpu.vector_load_idx %arg7[%parallel_loop3A_135] : memref<40960xf32, #tpu.memory_space<vmem>>[vector<16xi32>], vector<16xf32>,
        %parallel_loop3A_137 = arith.constant 20480 : i32
        %parallel_loop3A_138 = vector.broadcast %parallel_loop3A_137 : i32 to vector<16xi32>
        %parallel_loop3A_139 = arith.addi %parallel_loop3A_118, %parallel_loop3A_138 : vector<16xi32>
        tpu.vector_store_idx %arg8[%parallel_loop3A_139], %parallel_loop3A_136 {add = true} : memref<40960xf32, #tpu.memory_space<vmem>>[vector<16xi32>], vector<16xf32>,
        %parallel_loop3A_140 = arith.constant 30720 : i32
        %parallel_loop3A_141 = vector.broadcast %parallel_loop3A_140 : i32 to vector<16xi32>
        %parallel_loop3A_142 = arith.addi %parallel_loop3A_116, %parallel_loop3A_141 : vector<16xi32>
        %parallel_loop3A_143 = tpu.vector_load_idx %arg7[%parallel_loop3A_142] : memref<40960xf32, #tpu.memory_space<vmem>>[vector<16xi32>], vector<16xf32>,
        %parallel_loop3A_144 = arith.constant 30720 : i32
        %parallel_loop3A_145 = vector.broadcast %parallel_loop3A_144 : i32 to vector<16xi32>
        %parallel_loop3A_146 = arith.addi %parallel_loop3A_118, %parallel_loop3A_145 : vector<16xi32>
        tpu.vector_store_idx %arg8[%parallel_loop3A_146], %parallel_loop3A_143 {add = true} : memref<40960xf32, #tpu.memory_space<vmem>>[vector<16xi32>], vector<16xf32>,
      } {sc.loop_unroll_factor = 8 : i64, sc.parallel_access}
      %add3A_105 = arith.constant 2 : i32
      %add3A_106 = arith.addi %add3A_93, %add3A_105 : i32
      %lt3A_107 = arith.constant 80 : i32
      %lt3A_108 = arith.cmpi slt, %add3A_106, %lt3A_107 : i32
      %convert_element_type3A_109 = arith.extui %lt3A_108 : i1 to i32
      %cond3A_110 = arith.constant 0 : i32
      %cond3A_111 = arith.cmpi ne, %convert_element_type3A_109, %cond3A_110 : i32
      scf.if %cond3A_111 {
        %add3A_112 = arith.constant 2 : i32
        %add3A_113 = arith.addi %add3A_93, %add3A_112 : i32
        %add3A_114 = arith.addi %add3A_113, %rem3A_19 : i32
        %rem3A_115 = arith.constant 80 : i32
        %rem3A_116 = arith.remsi %add3A_114, %rem3A_115 : i32
        %mul3A_117 = arith.constant 4096 : i32
        %mul3A_118 = arith.muli %rem3A_116, %mul3A_117 : i32
        %dma_start3A_119 = tpu.memref_slice %arg3[%mul3A_118] : memref<327680xi32, #tpu.memory_space<hbm>> -> memref<4096xi32, #tpu.memory_space<hbm>>
        %dma_start3A_120 = tpu.memref_slice %arg3[%mul3A_118] : memref<327680xi32, #tpu.memory_space<hbm>> -> memref<4096xi32, #tpu.memory_space<hbm>>
        tpu.enqueue_dma source(%dma_start3A_120 : memref<4096xi32, #tpu.memory_space<hbm>>) target(%arg10 : memref<4096xi32, #tpu.memory_space<vmem>>) target_semaphore(%arg15 : memref<!tpu.dma_semaphore, #tpu.memory_space<semaphore_mem>>)
        %dma_start3A_121 = tpu.memref_slice %arg4[%mul3A_118] : memref<327680xi32, #tpu.memory_space<hbm>> -> memref<4096xi32, #tpu.memory_space<hbm>>
        %dma_start3A_122 = tpu.memref_slice %arg4[%mul3A_118] : memref<327680xi32, #tpu.memory_space<hbm>> -> memref<4096xi32, #tpu.memory_space<hbm>>
        tpu.enqueue_dma source(%dma_start3A_122 : memref<4096xi32, #tpu.memory_space<hbm>>) target(%arg12 : memref<4096xi32, #tpu.memory_space<vmem>>) target_semaphore(%arg16 : memref<!tpu.dma_semaphore, #tpu.memory_space<semaphore_mem>>)
      } else {
      }
    }
    %scan3A_55 = arith.constant 40 : i32
    %mul3A_56 = arith.constant 4 : i32
    %mul3A_57 = arith.muli %add3A, %mul3A_56 : i32
    %add3A_58 = arith.constant 0 : i32
    %add3A_59 = arith.addi %mul3A_57, %add3A_58 : i32
    "tpu.region"() ({
      %run_scoped3A = tpu.sem_alloc : memref<!tpu.dma_semaphore, #tpu.memory_space<semaphore_mem>>
      %dma_start3A_72 = arith.constant 0 : i32
      %dma_start3A_73 = tpu.memref_slice %arg8[%dma_start3A_72] : memref<40960xf32, #tpu.memory_space<vmem>> -> memref<10240xf32, #tpu.memory_space<vmem>>
      %dma_start3A_74 = arith.constant 0 : i32
      %dma_start3A_75 = tpu.memref_slice %arg6[%add3A_59, %dma_start3A_74] : memref<128x10240xf32, #tpu.memory_space<hbm>> -> memref<1x10240xf32, #tpu.memory_space<hbm>>
      %dma_start3A_76 = tpu.memref_squeeze %dma_start3A_75 : memref<1x10240xf32, #tpu.memory_space<hbm>> -> memref<10240xf32, #tpu.memory_space<hbm>>
      %dma_start3A_77 = arith.constant 0 : i32
      %dma_start3A_78 = tpu.memref_slice %arg6[%add3A_59, %dma_start3A_77] : memref<128x10240xf32, #tpu.memory_space<hbm>> -> memref<1x10240xf32, #tpu.memory_space<hbm>>
      %dma_start3A_79 = tpu.memref_squeeze %dma_start3A_78 : memref<1x10240xf32, #tpu.memory_space<hbm>> -> memref<10240xf32, #tpu.memory_space<hbm>>
      %dma_start3A_80 = arith.constant 0 : i32
      %dma_start3A_81 = tpu.memref_slice %arg8[%dma_start3A_80] : memref<40960xf32, #tpu.memory_space<vmem>> -> memref<10240xf32, #tpu.memory_space<vmem>>
      tpu.enqueue_dma source(%dma_start3A_81 : memref<10240xf32, #tpu.memory_space<vmem>>) target(%dma_start3A_79 : memref<10240xf32, #tpu.memory_space<hbm>>) target_semaphore(%run_scoped3A : memref<!tpu.dma_semaphore, #tpu.memory_space<semaphore_mem>>)
      %dma_wait3A = arith.constant 0 : i32
      %dma_wait3A_82 = tpu.memref_slice %arg8[%dma_wait3A] : memref<40960xf32, #tpu.memory_space<vmem>> -> memref<10240xf32, #tpu.memory_space<vmem>>
      %dma_wait3A_83 = arith.constant 0 : i32
      %dma_wait3A_84 = tpu.memref_slice %arg6[%add3A_59, %dma_wait3A_83] : memref<128x10240xf32, #tpu.memory_space<hbm>> -> memref<1x10240xf32, #tpu.memory_space<hbm>>
      %dma_wait3A_85 = tpu.memref_squeeze %dma_wait3A_84 : memref<1x10240xf32, #tpu.memory_space<hbm>> -> memref<10240xf32, #tpu.memory_space<hbm>>
      %dma_wait3A_86 = arith.constant 0 : i32
      %dma_wait3A_87 = tpu.memref_slice %arg6[%add3A_59, %dma_wait3A_86] : memref<128x10240xf32, #tpu.memory_space<hbm>> -> memref<1x10240xf32, #tpu.memory_space<hbm>>
      %dma_wait3A_88 = tpu.memref_squeeze %dma_wait3A_87 : memref<1x10240xf32, #tpu.memory_space<hbm>> -> memref<10240xf32, #tpu.memory_space<hbm>>
      %dma_wait3A_89 = arith.constant 0 : i32
      %dma_wait3A_90 = tpu.memref_slice %arg8[%dma_wait3A_89] : memref<40960xf32, #tpu.memory_space<vmem>> -> memref<10240xf32, #tpu.memory_space<vmem>>
      tpu.wait_dma2 semaphore(%run_scoped3A : memref<!tpu.dma_semaphore, #tpu.memory_space<semaphore_mem>>) src(%dma_wait3A_90 : memref<10240xf32, #tpu.memory_space<vmem>>) dst(%dma_wait3A_88 : memref<10240xf32, #tpu.memory_space<hbm>>)
      tpu.yield
    }) : () -> ()
    %mul3A_60 = arith.constant 4 : i32
    %mul3A_61 = arith.muli %add3A, %mul3A_60 : i32
    %add3A_62 = arith.constant 1 : i32
    %add3A_63 = arith.addi %mul3A_61, %add3A_62 : i32
    "tpu.region"() ({
      %run_scoped3A = tpu.sem_alloc : memref<!tpu.dma_semaphore, #tpu.memory_space<semaphore_mem>>
      %dma_start3A_72 = arith.constant 10240 : i32
      %dma_start3A_73 = tpu.memref_slice %arg8[%dma_start3A_72] : memref<40960xf32, #tpu.memory_space<vmem>> -> memref<10240xf32, #tpu.memory_space<vmem>>
      %dma_start3A_74 = arith.constant 0 : i32
      %dma_start3A_75 = tpu.memref_slice %arg6[%add3A_63, %dma_start3A_74] : memref<128x10240xf32, #tpu.memory_space<hbm>> -> memref<1x10240xf32, #tpu.memory_space<hbm>>
      %dma_start3A_76 = tpu.memref_squeeze %dma_start3A_75 : memref<1x10240xf32, #tpu.memory_space<hbm>> -> memref<10240xf32, #tpu.memory_space<hbm>>
      %dma_start3A_77 = arith.constant 0 : i32
      %dma_start3A_78 = tpu.memref_slice %arg6[%add3A_63, %dma_start3A_77] : memref<128x10240xf32, #tpu.memory_space<hbm>> -> memref<1x10240xf32, #tpu.memory_space<hbm>>
      %dma_start3A_79 = tpu.memref_squeeze %dma_start3A_78 : memref<1x10240xf32, #tpu.memory_space<hbm>> -> memref<10240xf32, #tpu.memory_space<hbm>>
      %dma_start3A_80 = arith.constant 10240 : i32
      %dma_start3A_81 = tpu.memref_slice %arg8[%dma_start3A_80] : memref<40960xf32, #tpu.memory_space<vmem>> -> memref<10240xf32, #tpu.memory_space<vmem>>
      tpu.enqueue_dma source(%dma_start3A_81 : memref<10240xf32, #tpu.memory_space<vmem>>) target(%dma_start3A_79 : memref<10240xf32, #tpu.memory_space<hbm>>) target_semaphore(%run_scoped3A : memref<!tpu.dma_semaphore, #tpu.memory_space<semaphore_mem>>)
      %dma_wait3A = arith.constant 10240 : i32
      %dma_wait3A_82 = tpu.memref_slice %arg8[%dma_wait3A] : memref<40960xf32, #tpu.memory_space<vmem>> -> memref<10240xf32, #tpu.memory_space<vmem>>
      %dma_wait3A_83 = arith.constant 0 : i32
      %dma_wait3A_84 = tpu.memref_slice %arg6[%add3A_63, %dma_wait3A_83] : memref<128x10240xf32, #tpu.memory_space<hbm>> -> memref<1x10240xf32, #tpu.memory_space<hbm>>
      %dma_wait3A_85 = tpu.memref_squeeze %dma_wait3A_84 : memref<1x10240xf32, #tpu.memory_space<hbm>> -> memref<10240xf32, #tpu.memory_space<hbm>>
      %dma_wait3A_86 = arith.constant 0 : i32
      %dma_wait3A_87 = tpu.memref_slice %arg6[%add3A_63, %dma_wait3A_86] : memref<128x10240xf32, #tpu.memory_space<hbm>> -> memref<1x10240xf32, #tpu.memory_space<hbm>>
      %dma_wait3A_88 = tpu.memref_squeeze %dma_wait3A_87 : memref<1x10240xf32, #tpu.memory_space<hbm>> -> memref<10240xf32, #tpu.memory_space<hbm>>
      %dma_wait3A_89 = arith.constant 10240 : i32
      %dma_wait3A_90 = tpu.memref_slice %arg8[%dma_wait3A_89] : memref<40960xf32, #tpu.memory_space<vmem>> -> memref<10240xf32, #tpu.memory_space<vmem>>
      tpu.wait_dma2 semaphore(%run_scoped3A : memref<!tpu.dma_semaphore, #tpu.memory_space<semaphore_mem>>) src(%dma_wait3A_90 : memref<10240xf32, #tpu.memory_space<vmem>>) dst(%dma_wait3A_88 : memref<10240xf32, #tpu.memory_space<hbm>>)
      tpu.yield
    }) : () -> ()
    %mul3A_64 = arith.constant 4 : i32
    %mul3A_65 = arith.muli %add3A, %mul3A_64 : i32
    %add3A_66 = arith.constant 2 : i32
    %add3A_67 = arith.addi %mul3A_65, %add3A_66 : i32
    "tpu.region"() ({
      %run_scoped3A = tpu.sem_alloc : memref<!tpu.dma_semaphore, #tpu.memory_space<semaphore_mem>>
      %dma_start3A_72 = arith.constant 20480 : i32
      %dma_start3A_73 = tpu.memref_slice %arg8[%dma_start3A_72] : memref<40960xf32, #tpu.memory_space<vmem>> -> memref<10240xf32, #tpu.memory_space<vmem>>
      %dma_start3A_74 = arith.constant 0 : i32
      %dma_start3A_75 = tpu.memref_slice %arg6[%add3A_67, %dma_start3A_74] : memref<128x10240xf32, #tpu.memory_space<hbm>> -> memref<1x10240xf32, #tpu.memory_space<hbm>>
      %dma_start3A_76 = tpu.memref_squeeze %dma_start3A_75 : memref<1x10240xf32, #tpu.memory_space<hbm>> -> memref<10240xf32, #tpu.memory_space<hbm>>
      %dma_start3A_77 = arith.constant 0 : i32
      %dma_start3A_78 = tpu.memref_slice %arg6[%add3A_67, %dma_start3A_77] : memref<128x10240xf32, #tpu.memory_space<hbm>> -> memref<1x10240xf32, #tpu.memory_space<hbm>>
      %dma_start3A_79 = tpu.memref_squeeze %dma_start3A_78 : memref<1x10240xf32, #tpu.memory_space<hbm>> -> memref<10240xf32, #tpu.memory_space<hbm>>
      %dma_start3A_80 = arith.constant 20480 : i32
      %dma_start3A_81 = tpu.memref_slice %arg8[%dma_start3A_80] : memref<40960xf32, #tpu.memory_space<vmem>> -> memref<10240xf32, #tpu.memory_space<vmem>>
      tpu.enqueue_dma source(%dma_start3A_81 : memref<10240xf32, #tpu.memory_space<vmem>>) target(%dma_start3A_79 : memref<10240xf32, #tpu.memory_space<hbm>>) target_semaphore(%run_scoped3A : memref<!tpu.dma_semaphore, #tpu.memory_space<semaphore_mem>>)
      %dma_wait3A = arith.constant 20480 : i32
      %dma_wait3A_82 = tpu.memref_slice %arg8[%dma_wait3A] : memref<40960xf32, #tpu.memory_space<vmem>> -> memref<10240xf32, #tpu.memory_space<vmem>>
      %dma_wait3A_83 = arith.constant 0 : i32
      %dma_wait3A_84 = tpu.memref_slice %arg6[%add3A_67, %dma_wait3A_83] : memref<128x10240xf32, #tpu.memory_space<hbm>> -> memref<1x10240xf32, #tpu.memory_space<hbm>>
      %dma_wait3A_85 = tpu.memref_squeeze %dma_wait3A_84 : memref<1x10240xf32, #tpu.memory_space<hbm>> -> memref<10240xf32, #tpu.memory_space<hbm>>
      %dma_wait3A_86 = arith.constant 0 : i32
      %dma_wait3A_87 = tpu.memref_slice %arg6[%add3A_67, %dma_wait3A_86] : memref<128x10240xf32, #tpu.memory_space<hbm>> -> memref<1x10240xf32, #tpu.memory_space<hbm>>
      %dma_wait3A_88 = tpu.memref_squeeze %dma_wait3A_87 : memref<1x10240xf32, #tpu.memory_space<hbm>> -> memref<10240xf32, #tpu.memory_space<hbm>>
      %dma_wait3A_89 = arith.constant 20480 : i32
      %dma_wait3A_90 = tpu.memref_slice %arg8[%dma_wait3A_89] : memref<40960xf32, #tpu.memory_space<vmem>> -> memref<10240xf32, #tpu.memory_space<vmem>>
      tpu.wait_dma2 semaphore(%run_scoped3A : memref<!tpu.dma_semaphore, #tpu.memory_space<semaphore_mem>>) src(%dma_wait3A_90 : memref<10240xf32, #tpu.memory_space<vmem>>) dst(%dma_wait3A_88 : memref<10240xf32, #tpu.memory_space<hbm>>)
      tpu.yield
    }) : () -> ()
    %mul3A_68 = arith.constant 4 : i32
    %mul3A_69 = arith.muli %add3A, %mul3A_68 : i32
    %add3A_70 = arith.constant 3 : i32
    %add3A_71 = arith.addi %mul3A_69, %add3A_70 : i32
    "tpu.region"() ({
      %run_scoped3A = tpu.sem_alloc : memref<!tpu.dma_semaphore, #tpu.memory_space<semaphore_mem>>
      %dma_start3A_72 = arith.constant 30720 : i32
      %dma_start3A_73 = tpu.memref_slice %arg8[%dma_start3A_72] : memref<40960xf32, #tpu.memory_space<vmem>> -> memref<10240xf32, #tpu.memory_space<vmem>>
      %dma_start3A_74 = arith.constant 0 : i32
      %dma_start3A_75 = tpu.memref_slice %arg6[%add3A_71, %dma_start3A_74] : memref<128x10240xf32, #tpu.memory_space<hbm>> -> memref<1x10240xf32, #tpu.memory_space<hbm>>
      %dma_start3A_76 = tpu.memref_squeeze %dma_start3A_75 : memref<1x10240xf32, #tpu.memory_space<hbm>> -> memref<10240xf32, #tpu.memory_space<hbm>>
      %dma_start3A_77 = arith.constant 0 : i32
      %dma_start3A_78 = tpu.memref_slice %arg6[%add3A_71, %dma_start3A_77] : memref<128x10240xf32, #tpu.memory_space<hbm>> -> memref<1x10240xf32, #tpu.memory_space<hbm>>
      %dma_start3A_79 = tpu.memref_squeeze %dma_start3A_78 : memref<1x10240xf32, #tpu.memory_space<hbm>> -> memref<10240xf32, #tpu.memory_space<hbm>>
      %dma_start3A_80 = arith.constant 30720 : i32
      %dma_start3A_81 = tpu.memref_slice %arg8[%dma_start3A_80] : memref<40960xf32, #tpu.memory_space<vmem>> -> memref<10240xf32, #tpu.memory_space<vmem>>
      tpu.enqueue_dma source(%dma_start3A_81 : memref<10240xf32, #tpu.memory_space<vmem>>) target(%dma_start3A_79 : memref<10240xf32, #tpu.memory_space<hbm>>) target_semaphore(%run_scoped3A : memref<!tpu.dma_semaphore, #tpu.memory_space<semaphore_mem>>)
      %dma_wait3A = arith.constant 30720 : i32
      %dma_wait3A_82 = tpu.memref_slice %arg8[%dma_wait3A] : memref<40960xf32, #tpu.memory_space<vmem>> -> memref<10240xf32, #tpu.memory_space<vmem>>
      %dma_wait3A_83 = arith.constant 0 : i32
      %dma_wait3A_84 = tpu.memref_slice %arg6[%add3A_71, %dma_wait3A_83] : memref<128x10240xf32, #tpu.memory_space<hbm>> -> memref<1x10240xf32, #tpu.memory_space<hbm>>
      %dma_wait3A_85 = tpu.memref_squeeze %dma_wait3A_84 : memref<1x10240xf32, #tpu.memory_space<hbm>> -> memref<10240xf32, #tpu.memory_space<hbm>>
      %dma_wait3A_86 = arith.constant 0 : i32
      %dma_wait3A_87 = tpu.memref_slice %arg6[%add3A_71, %dma_wait3A_86] : memref<128x10240xf32, #tpu.memory_space<hbm>> -> memref<1x10240xf32, #tpu.memory_space<hbm>>
      %dma_wait3A_88 = tpu.memref_squeeze %dma_wait3A_87 : memref<1x10240xf32, #tpu.memory_space<hbm>> -> memref<10240xf32, #tpu.memory_space<hbm>>
      %dma_wait3A_89 = arith.constant 30720 : i32
      %dma_wait3A_90 = tpu.memref_slice %arg8[%dma_wait3A_89] : memref<40960xf32, #tpu.memory_space<vmem>> -> memref<10240xf32, #tpu.memory_space<vmem>>
      tpu.wait_dma2 semaphore(%run_scoped3A : memref<!tpu.dma_semaphore, #tpu.memory_space<semaphore_mem>>) src(%dma_wait3A_90 : memref<10240xf32, #tpu.memory_space<vmem>>) dst(%dma_wait3A_88 : memref<10240xf32, #tpu.memory_space<hbm>>)
      tpu.yield
    }) : () -> ()
    return
  }
}

#map = affine_map<(d0, d1) -> (0, 0)>
#map1 = affine_map<(d0, d1) -> (0)>
module attributes {stable_mosaic.version = 14 : i64} {
  func.func @_sc_segsum(%arg0: i32, %arg1: i32, %arg2: memref<128x10240xf32, #tpu.memory_space<hbm>>, %arg3: memref<327680xi32, #tpu.memory_space<hbm>>, %arg4: memref<327680xi32, #tpu.memory_space<hbm>>, %arg5: memref<10240xf32, #tpu.memory_space<hbm>>, %arg6: memref<128x10240xf32, #tpu.memory_space<hbm>>, %arg7: memref<40960xf32, #tpu.memory_space<vmem>>, %arg8: memref<40960xf32, #tpu.memory_space<vmem>>, %arg9: memref<4096xi32, #tpu.memory_space<vmem>>, %arg10: memref<4096xi32, #tpu.memory_space<vmem>>, %arg11: memref<4096xi32, #tpu.memory_space<vmem>>, %arg12: memref<4096xi32, #tpu.memory_space<vmem>>, %arg13: memref<!tpu.dma_semaphore, #tpu.memory_space<semaphore_mem>>, %arg14: memref<!tpu.dma_semaphore, #tpu.memory_space<semaphore_mem>>, %arg15: memref<!tpu.dma_semaphore, #tpu.memory_space<semaphore_mem>>, %arg16: memref<!tpu.dma_semaphore, #tpu.memory_space<semaphore_mem>>) attributes {dimension_semantics = [#tpu.dimension_semantics<core_parallel>, #tpu.dimension_semantics<subcore_parallel>], iteration_bounds = array<i64: 2, 16>, scalar_prefetch = 0 : i64, scratch_operands = 10 : i64, tpu.core_type = #tpu.core_type<sc_vector_subcore>, window_params = [{transform_indices = #map}, {transform_indices = #map1}, {transform_indices = #map1}, {transform_indices = #map1}, {transform_indices = #map}]} {
    %mul3A = arith.constant 16 : i32
    %mul3A_0 = arith.muli %arg0, %mul3A : i32
    %add3A = arith.addi %mul3A_0, %arg1 : i32
    %mul3A_1 = arith.constant 4 : i32
    %mul3A_2 = arith.muli %add3A, %mul3A_1 : i32
    %add3A_3 = arith.constant 0 : i32
    %add3A_4 = arith.addi %mul3A_2, %add3A_3 : i32
    "tpu.region"() ({
      %run_scoped3A = tpu.sem_alloc : memref<!tpu.dma_semaphore, #tpu.memory_space<semaphore_mem>>
      %dma_start3A_72 = arith.constant 0 : i32
      %dma_start3A_73 = tpu.memref_slice %arg7[%dma_start3A_72] : memref<40960xf32, #tpu.memory_space<vmem>> -> memref<10240xf32, #tpu.memory_space<vmem>>
      %dma_start3A_74 = arith.constant 0 : i32
      %dma_start3A_75 = tpu.memref_slice %arg2[%add3A_4, %dma_start3A_74] : memref<128x10240xf32, #tpu.memory_space<hbm>> -> memref<1x10240xf32, #tpu.memory_space<hbm>>
      %dma_start3A_76 = tpu.memref_squeeze %dma_start3A_75 : memref<1x10240xf32, #tpu.memory_space<hbm>> -> memref<10240xf32, #tpu.memory_space<hbm>>
      %dma_start3A_77 = arith.constant 0 : i32
      %dma_start3A_78 = tpu.memref_slice %arg7[%dma_start3A_77] : memref<40960xf32, #tpu.memory_space<vmem>> -> memref<10240xf32, #tpu.memory_space<vmem>>
      %dma_start3A_79 = arith.constant 0 : i32
      %dma_start3A_80 = tpu.memref_slice %arg2[%add3A_4, %dma_start3A_79] : memref<128x10240xf32, #tpu.memory_space<hbm>> -> memref<1x10240xf32, #tpu.memory_space<hbm>>
      %dma_start3A_81 = tpu.memref_squeeze %dma_start3A_80 : memref<1x10240xf32, #tpu.memory_space<hbm>> -> memref<10240xf32, #tpu.memory_space<hbm>>
      tpu.enqueue_dma source(%dma_start3A_81 : memref<10240xf32, #tpu.memory_space<hbm>>) target(%dma_start3A_78 : memref<10240xf32, #tpu.memory_space<vmem>>) target_semaphore(%run_scoped3A : memref<!tpu.dma_semaphore, #tpu.memory_space<semaphore_mem>>)
      %dma_wait3A = arith.constant 0 : i32
      %dma_wait3A_82 = tpu.memref_slice %arg7[%dma_wait3A] : memref<40960xf32, #tpu.memory_space<vmem>> -> memref<10240xf32, #tpu.memory_space<vmem>>
      %dma_wait3A_83 = arith.constant 0 : i32
      %dma_wait3A_84 = tpu.memref_slice %arg2[%add3A_4, %dma_wait3A_83] : memref<128x10240xf32, #tpu.memory_space<hbm>> -> memref<1x10240xf32, #tpu.memory_space<hbm>>
      %dma_wait3A_85 = tpu.memref_squeeze %dma_wait3A_84 : memref<1x10240xf32, #tpu.memory_space<hbm>> -> memref<10240xf32, #tpu.memory_space<hbm>>
      %dma_wait3A_86 = arith.constant 0 : i32
      %dma_wait3A_87 = tpu.memref_slice %arg7[%dma_wait3A_86] : memref<40960xf32, #tpu.memory_space<vmem>> -> memref<10240xf32, #tpu.memory_space<vmem>>
      %dma_wait3A_88 = arith.constant 0 : i32
      %dma_wait3A_89 = tpu.memref_slice %arg2[%add3A_4, %dma_wait3A_88] : memref<128x10240xf32, #tpu.memory_space<hbm>> -> memref<1x10240xf32, #tpu.memory_space<hbm>>
      %dma_wait3A_90 = tpu.memref_squeeze %dma_wait3A_89 : memref<1x10240xf32, #tpu.memory_space<hbm>> -> memref<10240xf32, #tpu.memory_space<hbm>>
      tpu.wait_dma2 semaphore(%run_scoped3A : memref<!tpu.dma_semaphore, #tpu.memory_space<semaphore_mem>>) src(%dma_wait3A_90 : memref<10240xf32, #tpu.memory_space<hbm>>) dst(%dma_wait3A_87 : memref<10240xf32, #tpu.memory_space<vmem>>)
      tpu.yield
    }) : () -> ()
    "tpu.region"() ({
      %run_scoped3A = tpu.sem_alloc : memref<!tpu.dma_semaphore, #tpu.memory_space<semaphore_mem>>
      %dma_start3A_72 = arith.constant 0 : i32
      %dma_start3A_73 = tpu.memref_slice %arg8[%dma_start3A_72] : memref<40960xf32, #tpu.memory_space<vmem>> -> memref<10240xf32, #tpu.memory_space<vmem>>
      %dma_start3A_74 = arith.constant 0 : i32
      %dma_start3A_75 = tpu.memref_slice %arg8[%dma_start3A_74] : memref<40960xf32, #tpu.memory_space<vmem>> -> memref<10240xf32, #tpu.memory_space<vmem>>
      tpu.enqueue_dma source(%arg5 : memref<10240xf32, #tpu.memory_space<hbm>>) target(%dma_start3A_75 : memref<10240xf32, #tpu.memory_space<vmem>>) target_semaphore(%run_scoped3A : memref<!tpu.dma_semaphore, #tpu.memory_space<semaphore_mem>>)
      %dma_wait3A = arith.constant 0 : i32
      %dma_wait3A_76 = tpu.memref_slice %arg8[%dma_wait3A] : memref<40960xf32, #tpu.memory_space<vmem>> -> memref<10240xf32, #tpu.memory_space<vmem>>
      %dma_wait3A_77 = arith.constant 0 : i32
      %dma_wait3A_78 = tpu.memref_slice %arg8[%dma_wait3A_77] : memref<40960xf32, #tpu.memory_space<vmem>> -> memref<10240xf32, #tpu.memory_space<vmem>>
      tpu.wait_dma2 semaphore(%run_scoped3A : memref<!tpu.dma_semaphore, #tpu.memory_space<semaphore_mem>>) src(%arg5 : memref<10240xf32, #tpu.memory_space<hbm>>) dst(%dma_wait3A_78 : memref<10240xf32, #tpu.memory_space<vmem>>)
      tpu.yield
    }) : () -> ()
    %mul3A_5 = arith.constant 4 : i32
    %mul3A_6 = arith.muli %add3A, %mul3A_5 : i32
    %add3A_7 = arith.constant 1 : i32
    %add3A_8 = arith.addi %mul3A_6, %add3A_7 : i32
    "tpu.region"() ({
      %run_scoped3A = tpu.sem_alloc : memref<!tpu.dma_semaphore, #tpu.memory_space<semaphore_mem>>
      %dma_start3A_72 = arith.constant 10240 : i32
      %dma_start3A_73 = tpu.memref_slice %arg7[%dma_start3A_72] : memref<40960xf32, #tpu.memory_space<vmem>> -> memref<10240xf32, #tpu.memory_space<vmem>>
      %dma_start3A_74 = arith.constant 0 : i32
      %dma_start3A_75 = tpu.memref_slice %arg2[%add3A_8, %dma_start3A_74] : memref<128x10240xf32, #tpu.memory_space<hbm>> -> memref<1x10240xf32, #tpu.memory_space<hbm>>
      %dma_start3A_76 = tpu.memref_squeeze %dma_start3A_75 : memref<1x10240xf32, #tpu.memory_space<hbm>> -> memref<10240xf32, #tpu.memory_space<hbm>>
      %dma_start3A_77 = arith.constant 10240 : i32
      %dma_start3A_78 = tpu.memref_slice %arg7[%dma_start3A_77] : memref<40960xf32, #tpu.memory_space<vmem>> -> memref<10240xf32, #tpu.memory_space<vmem>>
      %dma_start3A_79 = arith.constant 0 : i32
      %dma_start3A_80 = tpu.memref_slice %arg2[%add3A_8, %dma_start3A_79] : memref<128x10240xf32, #tpu.memory_space<hbm>> -> memref<1x10240xf32, #tpu.memory_space<hbm>>
      %dma_start3A_81 = tpu.memref_squeeze %dma_start3A_80 : memref<1x10240xf32, #tpu.memory_space<hbm>> -> memref<10240xf32, #tpu.memory_space<hbm>>
      tpu.enqueue_dma source(%dma_start3A_81 : memref<10240xf32, #tpu.memory_space<hbm>>) target(%dma_start3A_78 : memref<10240xf32, #tpu.memory_space<vmem>>) target_semaphore(%run_scoped3A : memref<!tpu.dma_semaphore, #tpu.memory_space<semaphore_mem>>)
      %dma_wait3A = arith.constant 10240 : i32
      %dma_wait3A_82 = tpu.memref_slice %arg7[%dma_wait3A] : memref<40960xf32, #tpu.memory_space<vmem>> -> memref<10240xf32, #tpu.memory_space<vmem>>
      %dma_wait3A_83 = arith.constant 0 : i32
      %dma_wait3A_84 = tpu.memref_slice %arg2[%add3A_8, %dma_wait3A_83] : memref<128x10240xf32, #tpu.memory_space<hbm>> -> memref<1x10240xf32, #tpu.memory_space<hbm>>
      %dma_wait3A_85 = tpu.memref_squeeze %dma_wait3A_84 : memref<1x10240xf32, #tpu.memory_space<hbm>> -> memref<10240xf32, #tpu.memory_space<hbm>>
      %dma_wait3A_86 = arith.constant 10240 : i32
      %dma_wait3A_87 = tpu.memref_slice %arg7[%dma_wait3A_86] : memref<40960xf32, #tpu.memory_space<vmem>> -> memref<10240xf32, #tpu.memory_space<vmem>>
      %dma_wait3A_88 = arith.constant 0 : i32
      %dma_wait3A_89 = tpu.memref_slice %arg2[%add3A_8, %dma_wait3A_88] : memref<128x10240xf32, #tpu.memory_space<hbm>> -> memref<1x10240xf32, #tpu.memory_space<hbm>>
      %dma_wait3A_90 = tpu.memref_squeeze %dma_wait3A_89 : memref<1x10240xf32, #tpu.memory_space<hbm>> -> memref<10240xf32, #tpu.memory_space<hbm>>
      tpu.wait_dma2 semaphore(%run_scoped3A : memref<!tpu.dma_semaphore, #tpu.memory_space<semaphore_mem>>) src(%dma_wait3A_90 : memref<10240xf32, #tpu.memory_space<hbm>>) dst(%dma_wait3A_87 : memref<10240xf32, #tpu.memory_space<vmem>>)
      tpu.yield
    }) : () -> ()
    "tpu.region"() ({
      %run_scoped3A = tpu.sem_alloc : memref<!tpu.dma_semaphore, #tpu.memory_space<semaphore_mem>>
      %dma_start3A_72 = arith.constant 10240 : i32
      %dma_start3A_73 = tpu.memref_slice %arg8[%dma_start3A_72] : memref<40960xf32, #tpu.memory_space<vmem>> -> memref<10240xf32, #tpu.memory_space<vmem>>
      %dma_start3A_74 = arith.constant 10240 : i32
      %dma_start3A_75 = tpu.memref_slice %arg8[%dma_start3A_74] : memref<40960xf32, #tpu.memory_space<vmem>> -> memref<10240xf32, #tpu.memory_space<vmem>>
      tpu.enqueue_dma source(%arg5 : memref<10240xf32, #tpu.memory_space<hbm>>) target(%dma_start3A_75 : memref<10240xf32, #tpu.memory_space<vmem>>) target_semaphore(%run_scoped3A : memref<!tpu.dma_semaphore, #tpu.memory_space<semaphore_mem>>)
      %dma_wait3A = arith.constant 10240 : i32
      %dma_wait3A_76 = tpu.memref_slice %arg8[%dma_wait3A] : memref<40960xf32, #tpu.memory_space<vmem>> -> memref<10240xf32, #tpu.memory_space<vmem>>
      %dma_wait3A_77 = arith.constant 10240 : i32
      %dma_wait3A_78 = tpu.memref_slice %arg8[%dma_wait3A_77] : memref<40960xf32, #tpu.memory_space<vmem>> -> memref<10240xf32, #tpu.memory_space<vmem>>
      tpu.wait_dma2 semaphore(%run_scoped3A : memref<!tpu.dma_semaphore, #tpu.memory_space<semaphore_mem>>) src(%arg5 : memref<10240xf32, #tpu.memory_space<hbm>>) dst(%dma_wait3A_78 : memref<10240xf32, #tpu.memory_space<vmem>>)
      tpu.yield
    }) : () -> ()
    %mul3A_9 = arith.constant 4 : i32
    %mul3A_10 = arith.muli %add3A, %mul3A_9 : i32
    %add3A_11 = arith.constant 2 : i32
    %add3A_12 = arith.addi %mul3A_10, %add3A_11 : i32
    "tpu.region"() ({
      %run_scoped3A = tpu.sem_alloc : memref<!tpu.dma_semaphore, #tpu.memory_space<semaphore_mem>>
      %dma_start3A_72 = arith.constant 20480 : i32
      %dma_start3A_73 = tpu.memref_slice %arg7[%dma_start3A_72] : memref<40960xf32, #tpu.memory_space<vmem>> -> memref<10240xf32, #tpu.memory_space<vmem>>
      %dma_start3A_74 = arith.constant 0 : i32
      %dma_start3A_75 = tpu.memref_slice %arg2[%add3A_12, %dma_start3A_74] : memref<128x10240xf32, #tpu.memory_space<hbm>> -> memref<1x10240xf32, #tpu.memory_space<hbm>>
      %dma_start3A_76 = tpu.memref_squeeze %dma_start3A_75 : memref<1x10240xf32, #tpu.memory_space<hbm>> -> memref<10240xf32, #tpu.memory_space<hbm>>
      %dma_start3A_77 = arith.constant 20480 : i32
      %dma_start3A_78 = tpu.memref_slice %arg7[%dma_start3A_77] : memref<40960xf32, #tpu.memory_space<vmem>> -> memref<10240xf32, #tpu.memory_space<vmem>>
      %dma_start3A_79 = arith.constant 0 : i32
      %dma_start3A_80 = tpu.memref_slice %arg2[%add3A_12, %dma_start3A_79] : memref<128x10240xf32, #tpu.memory_space<hbm>> -> memref<1x10240xf32, #tpu.memory_space<hbm>>
      %dma_start3A_81 = tpu.memref_squeeze %dma_start3A_80 : memref<1x10240xf32, #tpu.memory_space<hbm>> -> memref<10240xf32, #tpu.memory_space<hbm>>
      tpu.enqueue_dma source(%dma_start3A_81 : memref<10240xf32, #tpu.memory_space<hbm>>) target(%dma_start3A_78 : memref<10240xf32, #tpu.memory_space<vmem>>) target_semaphore(%run_scoped3A : memref<!tpu.dma_semaphore, #tpu.memory_space<semaphore_mem>>)
      %dma_wait3A = arith.constant 20480 : i32
      %dma_wait3A_82 = tpu.memref_slice %arg7[%dma_wait3A] : memref<40960xf32, #tpu.memory_space<vmem>> -> memref<10240xf32, #tpu.memory_space<vmem>>
      %dma_wait3A_83 = arith.constant 0 : i32
      %dma_wait3A_84 = tpu.memref_slice %arg2[%add3A_12, %dma_wait3A_83] : memref<128x10240xf32, #tpu.memory_space<hbm>> -> memref<1x10240xf32, #tpu.memory_space<hbm>>
      %dma_wait3A_85 = tpu.memref_squeeze %dma_wait3A_84 : memref<1x10240xf32, #tpu.memory_space<hbm>> -> memref<10240xf32, #tpu.memory_space<hbm>>
      %dma_wait3A_86 = arith.constant 20480 : i32
      %dma_wait3A_87 = tpu.memref_slice %arg7[%dma_wait3A_86] : memref<40960xf32, #tpu.memory_space<vmem>> -> memref<10240xf32, #tpu.memory_space<vmem>>
      %dma_wait3A_88 = arith.constant 0 : i32
      %dma_wait3A_89 = tpu.memref_slice %arg2[%add3A_12, %dma_wait3A_88] : memref<128x10240xf32, #tpu.memory_space<hbm>> -> memref<1x10240xf32, #tpu.memory_space<hbm>>
      %dma_wait3A_90 = tpu.memref_squeeze %dma_wait3A_89 : memref<1x10240xf32, #tpu.memory_space<hbm>> -> memref<10240xf32, #tpu.memory_space<hbm>>
      tpu.wait_dma2 semaphore(%run_scoped3A : memref<!tpu.dma_semaphore, #tpu.memory_space<semaphore_mem>>) src(%dma_wait3A_90 : memref<10240xf32, #tpu.memory_space<hbm>>) dst(%dma_wait3A_87 : memref<10240xf32, #tpu.memory_space<vmem>>)
      tpu.yield
    }) : () -> ()
    "tpu.region"() ({
      %run_scoped3A = tpu.sem_alloc : memref<!tpu.dma_semaphore, #tpu.memory_space<semaphore_mem>>
      %dma_start3A_72 = arith.constant 20480 : i32
      %dma_start3A_73 = tpu.memref_slice %arg8[%dma_start3A_72] : memref<40960xf32, #tpu.memory_space<vmem>> -> memref<10240xf32, #tpu.memory_space<vmem>>
      %dma_start3A_74 = arith.constant 20480 : i32
      %dma_start3A_75 = tpu.memref_slice %arg8[%dma_start3A_74] : memref<40960xf32, #tpu.memory_space<vmem>> -> memref<10240xf32, #tpu.memory_space<vmem>>
      tpu.enqueue_dma source(%arg5 : memref<10240xf32, #tpu.memory_space<hbm>>) target(%dma_start3A_75 : memref<10240xf32, #tpu.memory_space<vmem>>) target_semaphore(%run_scoped3A : memref<!tpu.dma_semaphore, #tpu.memory_space<semaphore_mem>>)
      %dma_wait3A = arith.constant 20480 : i32
      %dma_wait3A_76 = tpu.memref_slice %arg8[%dma_wait3A] : memref<40960xf32, #tpu.memory_space<vmem>> -> memref<10240xf32, #tpu.memory_space<vmem>>
      %dma_wait3A_77 = arith.constant 20480 : i32
      %dma_wait3A_78 = tpu.memref_slice %arg8[%dma_wait3A_77] : memref<40960xf32, #tpu.memory_space<vmem>> -> memref<10240xf32, #tpu.memory_space<vmem>>
      tpu.wait_dma2 semaphore(%run_scoped3A : memref<!tpu.dma_semaphore, #tpu.memory_space<semaphore_mem>>) src(%arg5 : memref<10240xf32, #tpu.memory_space<hbm>>) dst(%dma_wait3A_78 : memref<10240xf32, #tpu.memory_space<vmem>>)
      tpu.yield
    }) : () -> ()
    %mul3A_13 = arith.constant 4 : i32
    %mul3A_14 = arith.muli %add3A, %mul3A_13 : i32
    %add3A_15 = arith.constant 3 : i32
    %add3A_16 = arith.addi %mul3A_14, %add3A_15 : i32
    "tpu.region"() ({
      %run_scoped3A = tpu.sem_alloc : memref<!tpu.dma_semaphore, #tpu.memory_space<semaphore_mem>>
      %dma_start3A_72 = arith.constant 30720 : i32
      %dma_start3A_73 = tpu.memref_slice %arg7[%dma_start3A_72] : memref<40960xf32, #tpu.memory_space<vmem>> -> memref<10240xf32, #tpu.memory_space<vmem>>
      %dma_start3A_74 = arith.constant 0 : i32
      %dma_start3A_75 = tpu.memref_slice %arg2[%add3A_16, %dma_start3A_74] : memref<128x10240xf32, #tpu.memory_space<hbm>> -> memref<1x10240xf32, #tpu.memory_space<hbm>>
      %dma_start3A_76 = tpu.memref_squeeze %dma_start3A_75 : memref<1x10240xf32, #tpu.memory_space<hbm>> -> memref<10240xf32, #tpu.memory_space<hbm>>
      %dma_start3A_77 = arith.constant 30720 : i32
      %dma_start3A_78 = tpu.memref_slice %arg7[%dma_start3A_77] : memref<40960xf32, #tpu.memory_space<vmem>> -> memref<10240xf32, #tpu.memory_space<vmem>>
      %dma_start3A_79 = arith.constant 0 : i32
      %dma_start3A_80 = tpu.memref_slice %arg2[%add3A_16, %dma_start3A_79] : memref<128x10240xf32, #tpu.memory_space<hbm>> -> memref<1x10240xf32, #tpu.memory_space<hbm>>
      %dma_start3A_81 = tpu.memref_squeeze %dma_start3A_80 : memref<1x10240xf32, #tpu.memory_space<hbm>> -> memref<10240xf32, #tpu.memory_space<hbm>>
      tpu.enqueue_dma source(%dma_start3A_81 : memref<10240xf32, #tpu.memory_space<hbm>>) target(%dma_start3A_78 : memref<10240xf32, #tpu.memory_space<vmem>>) target_semaphore(%run_scoped3A : memref<!tpu.dma_semaphore, #tpu.memory_space<semaphore_mem>>)
      %dma_wait3A = arith.constant 30720 : i32
      %dma_wait3A_82 = tpu.memref_slice %arg7[%dma_wait3A] : memref<40960xf32, #tpu.memory_space<vmem>> -> memref<10240xf32, #tpu.memory_space<vmem>>
      %dma_wait3A_83 = arith.constant 0 : i32
      %dma_wait3A_84 = tpu.memref_slice %arg2[%add3A_16, %dma_wait3A_83] : memref<128x10240xf32, #tpu.memory_space<hbm>> -> memref<1x10240xf32, #tpu.memory_space<hbm>>
      %dma_wait3A_85 = tpu.memref_squeeze %dma_wait3A_84 : memref<1x10240xf32, #tpu.memory_space<hbm>> -> memref<10240xf32, #tpu.memory_space<hbm>>
      %dma_wait3A_86 = arith.constant 30720 : i32
      %dma_wait3A_87 = tpu.memref_slice %arg7[%dma_wait3A_86] : memref<40960xf32, #tpu.memory_space<vmem>> -> memref<10240xf32, #tpu.memory_space<vmem>>
      %dma_wait3A_88 = arith.constant 0 : i32
      %dma_wait3A_89 = tpu.memref_slice %arg2[%add3A_16, %dma_wait3A_88] : memref<128x10240xf32, #tpu.memory_space<hbm>> -> memref<1x10240xf32, #tpu.memory_space<hbm>>
      %dma_wait3A_90 = tpu.memref_squeeze %dma_wait3A_89 : memref<1x10240xf32, #tpu.memory_space<hbm>> -> memref<10240xf32, #tpu.memory_space<hbm>>
      tpu.wait_dma2 semaphore(%run_scoped3A : memref<!tpu.dma_semaphore, #tpu.memory_space<semaphore_mem>>) src(%dma_wait3A_90 : memref<10240xf32, #tpu.memory_space<hbm>>) dst(%dma_wait3A_87 : memref<10240xf32, #tpu.memory_space<vmem>>)
      tpu.yield
    }) : () -> ()
    "tpu.region"() ({
      %run_scoped3A = tpu.sem_alloc : memref<!tpu.dma_semaphore, #tpu.memory_space<semaphore_mem>>
      %dma_start3A_72 = arith.constant 30720 : i32
      %dma_start3A_73 = tpu.memref_slice %arg8[%dma_start3A_72] : memref<40960xf32, #tpu.memory_space<vmem>> -> memref<10240xf32, #tpu.memory_space<vmem>>
      %dma_start3A_74 = arith.constant 30720 : i32
      %dma_start3A_75 = tpu.memref_slice %arg8[%dma_start3A_74] : memref<40960xf32, #tpu.memory_space<vmem>> -> memref<10240xf32, #tpu.memory_space<vmem>>
      tpu.enqueue_dma source(%arg5 : memref<10240xf32, #tpu.memory_space<hbm>>) target(%dma_start3A_75 : memref<10240xf32, #tpu.memory_space<vmem>>) target_semaphore(%run_scoped3A : memref<!tpu.dma_semaphore, #tpu.memory_space<semaphore_mem>>)
      %dma_wait3A = arith.constant 30720 : i32
      %dma_wait3A_76 = tpu.memref_slice %arg8[%dma_wait3A] : memref<40960xf32, #tpu.memory_space<vmem>> -> memref<10240xf32, #tpu.memory_space<vmem>>
      %dma_wait3A_77 = arith.constant 30720 : i32
      %dma_wait3A_78 = tpu.memref_slice %arg8[%dma_wait3A_77] : memref<40960xf32, #tpu.memory_space<vmem>> -> memref<10240xf32, #tpu.memory_space<vmem>>
      tpu.wait_dma2 semaphore(%run_scoped3A : memref<!tpu.dma_semaphore, #tpu.memory_space<semaphore_mem>>) src(%arg5 : memref<10240xf32, #tpu.memory_space<hbm>>) dst(%dma_wait3A_78 : memref<10240xf32, #tpu.memory_space<vmem>>)
      tpu.yield
    }) : () -> ()
    %mul3A_17 = arith.constant 5 : i32
    %mul3A_18 = arith.muli %add3A, %mul3A_17 : i32
    %rem3A = arith.constant 80 : i32
    %rem3A_19 = arith.remsi %mul3A_18, %rem3A : i32
    %add3A_20 = arith.constant 0 : i32
    %add3A_21 = arith.addi %add3A_20, %rem3A_19 : i32
    %rem3A_22 = arith.constant 80 : i32
    %rem3A_23 = arith.remsi %add3A_21, %rem3A_22 : i32
    %mul3A_24 = arith.constant 4096 : i32
    %mul3A_25 = arith.muli %rem3A_23, %mul3A_24 : i32
    %dma_start3A = tpu.memref_slice %arg3[%mul3A_25] : memref<327680xi32, #tpu.memory_space<hbm>> -> memref<4096xi32, #tpu.memory_space<hbm>>
    %dma_start3A_26 = tpu.memref_slice %arg3[%mul3A_25] : memref<327680xi32, #tpu.memory_space<hbm>> -> memref<4096xi32, #tpu.memory_space<hbm>>
    tpu.enqueue_dma source(%dma_start3A_26 : memref<4096xi32, #tpu.memory_space<hbm>>) target(%arg9 : memref<4096xi32, #tpu.memory_space<vmem>>) target_semaphore(%arg13 : memref<!tpu.dma_semaphore, #tpu.memory_space<semaphore_mem>>)
    %add3A_27 = arith.constant 0 : i32
    %add3A_28 = arith.addi %add3A_27, %rem3A_19 : i32
    %rem3A_29 = arith.constant 80 : i32
    %rem3A_30 = arith.remsi %add3A_28, %rem3A_29 : i32
    %mul3A_31 = arith.constant 4096 : i32
    %mul3A_32 = arith.muli %rem3A_30, %mul3A_31 : i32
    %dma_start3A_33 = tpu.memref_slice %arg4[%mul3A_32] : memref<327680xi32, #tpu.memory_space<hbm>> -> memref<4096xi32, #tpu.memory_space<hbm>>
    %dma_start3A_34 = tpu.memref_slice %arg4[%mul3A_32] : memref<327680xi32, #tpu.memory_space<hbm>> -> memref<4096xi32, #tpu.memory_space<hbm>>
    tpu.enqueue_dma source(%dma_start3A_34 : memref<4096xi32, #tpu.memory_space<hbm>>) target(%arg11 : memref<4096xi32, #tpu.memory_space<vmem>>) target_semaphore(%arg14 : memref<!tpu.dma_semaphore, #tpu.memory_space<semaphore_mem>>)
    %add3A_35 = arith.constant 1 : i32
    %add3A_36 = arith.addi %add3A_35, %rem3A_19 : i32
    %rem3A_37 = arith.constant 80 : i32
    %rem3A_38 = arith.remsi %add3A_36, %rem3A_37 : i32
    %mul3A_39 = arith.constant 4096 : i32
    %mul3A_40 = arith.muli %rem3A_38, %mul3A_39 : i32
    %dma_start3A_41 = tpu.memref_slice %arg3[%mul3A_40] : memref<327680xi32, #tpu.memory_space<hbm>> -> memref<4096xi32, #tpu.memory_space<hbm>>
    %dma_start3A_42 = tpu.memref_slice %arg3[%mul3A_40] : memref<327680xi32, #tpu.memory_space<hbm>> -> memref<4096xi32, #tpu.memory_space<hbm>>
    tpu.enqueue_dma source(%dma_start3A_42 : memref<4096xi32, #tpu.memory_space<hbm>>) target(%arg10 : memref<4096xi32, #tpu.memory_space<vmem>>) target_semaphore(%arg15 : memref<!tpu.dma_semaphore, #tpu.memory_space<semaphore_mem>>)
    %add3A_43 = arith.constant 1 : i32
    %add3A_44 = arith.addi %add3A_43, %rem3A_19 : i32
    %rem3A_45 = arith.constant 80 : i32
    %rem3A_46 = arith.remsi %add3A_44, %rem3A_45 : i32
    %mul3A_47 = arith.constant 4096 : i32
    %mul3A_48 = arith.muli %rem3A_46, %mul3A_47 : i32
    %dma_start3A_49 = tpu.memref_slice %arg4[%mul3A_48] : memref<327680xi32, #tpu.memory_space<hbm>> -> memref<4096xi32, #tpu.memory_space<hbm>>
    %dma_start3A_50 = tpu.memref_slice %arg4[%mul3A_48] : memref<327680xi32, #tpu.memory_space<hbm>> -> memref<4096xi32, #tpu.memory_space<hbm>>
    tpu.enqueue_dma source(%dma_start3A_50 : memref<4096xi32, #tpu.memory_space<hbm>>) target(%arg12 : memref<4096xi32, #tpu.memory_space<vmem>>) target_semaphore(%arg16 : memref<!tpu.dma_semaphore, #tpu.memory_space<semaphore_mem>>)
    %scan3A = arith.constant 0 : i32
    %scan3A_51 = arith.constant 0 : i32
    %scan3A_52 = arith.constant 40 : i32
    %scan3A_53 = arith.addi %scan3A_51, %scan3A_52 : i32
    %scan3A_54 = arith.constant 1 : i32
    scf.for %scan3A_72 = %scan3A_51 to %scan3A_53 step %scan3A_54  : i32 {
      %mul3A_73 = arith.constant 2 : i32
      %mul3A_74 = arith.muli %scan3A_72, %mul3A_73 : i32
      %add3A_75 = arith.constant 0 : i32
      %add3A_76 = arith.addi %mul3A_74, %add3A_75 : i32
      %dma_wait3A = arith.constant 0 : i32
      %dma_wait3A_77 = tpu.memref_slice %arg3[%dma_wait3A] : memref<327680xi32, #tpu.memory_space<hbm>> -> memref<4096xi32, #tpu.memory_space<hbm>>
      %dma_wait3A_78 = arith.constant 0 : i32
      %dma_wait3A_79 = tpu.memref_slice %arg3[%dma_wait3A_78] : memref<327680xi32, #tpu.memory_space<hbm>> -> memref<4096xi32, #tpu.memory_space<hbm>>
      tpu.wait_dma2 semaphore(%arg13 : memref<!tpu.dma_semaphore, #tpu.memory_space<semaphore_mem>>) src(%dma_wait3A_79 : memref<4096xi32, #tpu.memory_space<hbm>>) dst(%arg9 : memref<4096xi32, #tpu.memory_space<vmem>>)
      %dma_wait3A_80 = arith.constant 0 : i32
      %dma_wait3A_81 = tpu.memref_slice %arg4[%dma_wait3A_80] : memref<327680xi32, #tpu.memory_space<hbm>> -> memref<4096xi32, #tpu.memory_space<hbm>>
      %dma_wait3A_82 = arith.constant 0 : i32
      %dma_wait3A_83 = tpu.memref_slice %arg4[%dma_wait3A_82] : memref<327680xi32, #tpu.memory_space<hbm>> -> memref<4096xi32, #tpu.memory_space<hbm>>
      tpu.wait_dma2 semaphore(%arg14 : memref<!tpu.dma_semaphore, #tpu.memory_space<semaphore_mem>>) src(%dma_wait3A_83 : memref<4096xi32, #tpu.memory_space<hbm>>) dst(%arg11 : memref<4096xi32, #tpu.memory_space<vmem>>)
      %parallel_loop3A = arith.constant 0 : i32
      %parallel_loop3A_84 = arith.constant 256 : i32
      %parallel_loop3A_85 = arith.constant 1 : i32
      scf.for %parallel_loop3A_112 = %parallel_loop3A to %parallel_loop3A_84 step %parallel_loop3A_85  : i32 {
        %parallel_loop3A_113 = arith.constant 16 : i32
        %parallel_loop3A_114 = arith.muli %parallel_loop3A_112, %parallel_loop3A_113 : i32
        %parallel_loop3A_115 = arith.index_cast %parallel_loop3A_114 : i32 to index
        %parallel_loop3A_116 = tpu.vector_load %arg9[%parallel_loop3A_115] {strides = array<i32>} : memref<4096xi32, #tpu.memory_space<vmem>>, vector<16xi32>,
        %parallel_loop3A_117 = arith.index_cast %parallel_loop3A_114 : i32 to index
        %parallel_loop3A_118 = tpu.vector_load %arg11[%parallel_loop3A_117] {strides = array<i32>} : memref<4096xi32, #tpu.memory_space<vmem>>, vector<16xi32>,
        %parallel_loop3A_119 = arith.constant 0 : i32
        %parallel_loop3A_120 = vector.broadcast %parallel_loop3A_119 : i32 to vector<16xi32>
        %parallel_loop3A_121 = arith.addi %parallel_loop3A_116, %parallel_loop3A_120 : vector<16xi32>
        %parallel_loop3A_122 = tpu.vector_load_idx %arg7[%parallel_loop3A_121] : memref<40960xf32, #tpu.memory_space<vmem>>[vector<16xi32>], vector<16xf32>,
        %parallel_loop3A_123 = arith.constant 0 : i32
        %parallel_loop3A_124 = vector.broadcast %parallel_loop3A_123 : i32 to vector<16xi32>
        %parallel_loop3A_125 = arith.addi %parallel_loop3A_118, %parallel_loop3A_124 : vector<16xi32>
        tpu.vector_store_idx %arg8[%parallel_loop3A_125], %parallel_loop3A_122 {add = true} : memref<40960xf32, #tpu.memory_space<vmem>>[vector<16xi32>], vector<16xf32>,
        %parallel_loop3A_126 = arith.constant 10240 : i32
        %parallel_loop3A_127 = vector.broadcast %parallel_loop3A_126 : i32 to vector<16xi32>
        %parallel_loop3A_128 = arith.addi %parallel_loop3A_116, %parallel_loop3A_127 : vector<16xi32>
        %parallel_loop3A_129 = tpu.vector_load_idx %arg7[%parallel_loop3A_128] : memref<40960xf32, #tpu.memory_space<vmem>>[vector<16xi32>], vector<16xf32>,
        %parallel_loop3A_130 = arith.constant 10240 : i32
        %parallel_loop3A_131 = vector.broadcast %parallel_loop3A_130 : i32 to vector<16xi32>
        %parallel_loop3A_132 = arith.addi %parallel_loop3A_118, %parallel_loop3A_131 : vector<16xi32>
        tpu.vector_store_idx %arg8[%parallel_loop3A_132], %parallel_loop3A_129 {add = true} : memref<40960xf32, #tpu.memory_space<vmem>>[vector<16xi32>], vector<16xf32>,
        %parallel_loop3A_133 = arith.constant 20480 : i32
        %parallel_loop3A_134 = vector.broadcast %parallel_loop3A_133 : i32 to vector<16xi32>
        %parallel_loop3A_135 = arith.addi %parallel_loop3A_116, %parallel_loop3A_134 : vector<16xi32>
        %parallel_loop3A_136 = tpu.vector_load_idx %arg7[%parallel_loop3A_135] : memref<40960xf32, #tpu.memory_space<vmem>>[vector<16xi32>], vector<16xf32>,
        %parallel_loop3A_137 = arith.constant 20480 : i32
        %parallel_loop3A_138 = vector.broadcast %parallel_loop3A_137 : i32 to vector<16xi32>
        %parallel_loop3A_139 = arith.addi %parallel_loop3A_118, %parallel_loop3A_138 : vector<16xi32>
        tpu.vector_store_idx %arg8[%parallel_loop3A_139], %parallel_loop3A_136 {add = true} : memref<40960xf32, #tpu.memory_space<vmem>>[vector<16xi32>], vector<16xf32>,
        %parallel_loop3A_140 = arith.constant 30720 : i32
        %parallel_loop3A_141 = vector.broadcast %parallel_loop3A_140 : i32 to vector<16xi32>
        %parallel_loop3A_142 = arith.addi %parallel_loop3A_116, %parallel_loop3A_141 : vector<16xi32>
        %parallel_loop3A_143 = tpu.vector_load_idx %arg7[%parallel_loop3A_142] : memref<40960xf32, #tpu.memory_space<vmem>>[vector<16xi32>], vector<16xf32>,
        %parallel_loop3A_144 = arith.constant 30720 : i32
        %parallel_loop3A_145 = vector.broadcast %parallel_loop3A_144 : i32 to vector<16xi32>
        %parallel_loop3A_146 = arith.addi %parallel_loop3A_118, %parallel_loop3A_145 : vector<16xi32>
        tpu.vector_store_idx %arg8[%parallel_loop3A_146], %parallel_loop3A_143 {add = true} : memref<40960xf32, #tpu.memory_space<vmem>>[vector<16xi32>], vector<16xf32>,
      } {sc.loop_unroll_factor = 8 : i64, sc.parallel_access}
      %add3A_86 = arith.constant 2 : i32
      %add3A_87 = arith.addi %add3A_76, %add3A_86 : i32
      %lt3A = arith.constant 80 : i32
      %lt3A_88 = arith.cmpi slt, %add3A_87, %lt3A : i32
      %convert_element_type3A = arith.extui %lt3A_88 : i1 to i32
      %cond3A = arith.constant 0 : i32
      %cond3A_89 = arith.cmpi ne, %convert_element_type3A, %cond3A : i32
      scf.if %cond3A_89 {
        %add3A_112 = arith.constant 2 : i32
        %add3A_113 = arith.addi %add3A_76, %add3A_112 : i32
        %add3A_114 = arith.addi %add3A_113, %rem3A_19 : i32
        %rem3A_115 = arith.constant 80 : i32
        %rem3A_116 = arith.remsi %add3A_114, %rem3A_115 : i32
        %mul3A_117 = arith.constant 4096 : i32
        %mul3A_118 = arith.muli %rem3A_116, %mul3A_117 : i32
        %dma_start3A_119 = tpu.memref_slice %arg3[%mul3A_118] : memref<327680xi32, #tpu.memory_space<hbm>> -> memref<4096xi32, #tpu.memory_space<hbm>>
        %dma_start3A_120 = tpu.memref_slice %arg3[%mul3A_118] : memref<327680xi32, #tpu.memory_space<hbm>> -> memref<4096xi32, #tpu.memory_space<hbm>>
        tpu.enqueue_dma source(%dma_start3A_120 : memref<4096xi32, #tpu.memory_space<hbm>>) target(%arg9 : memref<4096xi32, #tpu.memory_space<vmem>>) target_semaphore(%arg13 : memref<!tpu.dma_semaphore, #tpu.memory_space<semaphore_mem>>)
        %dma_start3A_121 = tpu.memref_slice %arg4[%mul3A_118] : memref<327680xi32, #tpu.memory_space<hbm>> -> memref<4096xi32, #tpu.memory_space<hbm>>
        %dma_start3A_122 = tpu.memref_slice %arg4[%mul3A_118] : memref<327680xi32, #tpu.memory_space<hbm>> -> memref<4096xi32, #tpu.memory_space<hbm>>
        tpu.enqueue_dma source(%dma_start3A_122 : memref<4096xi32, #tpu.memory_space<hbm>>) target(%arg11 : memref<4096xi32, #tpu.memory_space<vmem>>) target_semaphore(%arg14 : memref<!tpu.dma_semaphore, #tpu.memory_space<semaphore_mem>>)
      } else {
      }
      %mul3A_90 = arith.constant 2 : i32
      %mul3A_91 = arith.muli %scan3A_72, %mul3A_90 : i32
      %add3A_92 = arith.constant 1 : i32
      %add3A_93 = arith.addi %mul3A_91, %add3A_92 : i32
      %dma_wait3A_94 = arith.constant 0 : i32
      %dma_wait3A_95 = tpu.memref_slice %arg3[%dma_wait3A_94] : memref<327680xi32, #tpu.memory_space<hbm>> -> memref<4096xi32, #tpu.memory_space<hbm>>
      %dma_wait3A_96 = arith.constant 0 : i32
      %dma_wait3A_97 = tpu.memref_slice %arg3[%dma_wait3A_96] : memref<327680xi32, #tpu.memory_space<hbm>> -> memref<4096xi32, #tpu.memory_space<hbm>>
      tpu.wait_dma2 semaphore(%arg15 : memref<!tpu.dma_semaphore, #tpu.memory_space<semaphore_mem>>) src(%dma_wait3A_97 : memref<4096xi32, #tpu.memory_space<hbm>>) dst(%arg10 : memref<4096xi32, #tpu.memory_space<vmem>>)
      %dma_wait3A_98 = arith.constant 0 : i32
      %dma_wait3A_99 = tpu.memref_slice %arg4[%dma_wait3A_98] : memref<327680xi32, #tpu.memory_space<hbm>> -> memref<4096xi32, #tpu.memory_space<hbm>>
      %dma_wait3A_100 = arith.constant 0 : i32
      %dma_wait3A_101 = tpu.memref_slice %arg4[%dma_wait3A_100] : memref<327680xi32, #tpu.memory_space<hbm>> -> memref<4096xi32, #tpu.memory_space<hbm>>
      tpu.wait_dma2 semaphore(%arg16 : memref<!tpu.dma_semaphore, #tpu.memory_space<semaphore_mem>>) src(%dma_wait3A_101 : memref<4096xi32, #tpu.memory_space<hbm>>) dst(%arg12 : memref<4096xi32, #tpu.memory_space<vmem>>)
      %parallel_loop3A_102 = arith.constant 0 : i32
      %parallel_loop3A_103 = arith.constant 256 : i32
      %parallel_loop3A_104 = arith.constant 1 : i32
      scf.for %parallel_loop3A_112 = %parallel_loop3A_102 to %parallel_loop3A_103 step %parallel_loop3A_104  : i32 {
        %parallel_loop3A_113 = arith.constant 16 : i32
        %parallel_loop3A_114 = arith.muli %parallel_loop3A_112, %parallel_loop3A_113 : i32
        %parallel_loop3A_115 = arith.index_cast %parallel_loop3A_114 : i32 to index
        %parallel_loop3A_116 = tpu.vector_load %arg10[%parallel_loop3A_115] {strides = array<i32>} : memref<4096xi32, #tpu.memory_space<vmem>>, vector<16xi32>,
        %parallel_loop3A_117 = arith.index_cast %parallel_loop3A_114 : i32 to index
        %parallel_loop3A_118 = tpu.vector_load %arg12[%parallel_loop3A_117] {strides = array<i32>} : memref<4096xi32, #tpu.memory_space<vmem>>, vector<16xi32>,
        %parallel_loop3A_119 = arith.constant 0 : i32
        %parallel_loop3A_120 = vector.broadcast %parallel_loop3A_119 : i32 to vector<16xi32>
        %parallel_loop3A_121 = arith.addi %parallel_loop3A_116, %parallel_loop3A_120 : vector<16xi32>
        %parallel_loop3A_122 = tpu.vector_load_idx %arg7[%parallel_loop3A_121] : memref<40960xf32, #tpu.memory_space<vmem>>[vector<16xi32>], vector<16xf32>,
        %parallel_loop3A_123 = arith.constant 0 : i32
        %parallel_loop3A_124 = vector.broadcast %parallel_loop3A_123 : i32 to vector<16xi32>
        %parallel_loop3A_125 = arith.addi %parallel_loop3A_118, %parallel_loop3A_124 : vector<16xi32>
        tpu.vector_store_idx %arg8[%parallel_loop3A_125], %parallel_loop3A_122 {add = true} : memref<40960xf32, #tpu.memory_space<vmem>>[vector<16xi32>], vector<16xf32>,
        %parallel_loop3A_126 = arith.constant 10240 : i32
        %parallel_loop3A_127 = vector.broadcast %parallel_loop3A_126 : i32 to vector<16xi32>
        %parallel_loop3A_128 = arith.addi %parallel_loop3A_116, %parallel_loop3A_127 : vector<16xi32>
        %parallel_loop3A_129 = tpu.vector_load_idx %arg7[%parallel_loop3A_128] : memref<40960xf32, #tpu.memory_space<vmem>>[vector<16xi32>], vector<16xf32>,
        %parallel_loop3A_130 = arith.constant 10240 : i32
        %parallel_loop3A_131 = vector.broadcast %parallel_loop3A_130 : i32 to vector<16xi32>
        %parallel_loop3A_132 = arith.addi %parallel_loop3A_118, %parallel_loop3A_131 : vector<16xi32>
        tpu.vector_store_idx %arg8[%parallel_loop3A_132], %parallel_loop3A_129 {add = true} : memref<40960xf32, #tpu.memory_space<vmem>>[vector<16xi32>], vector<16xf32>,
        %parallel_loop3A_133 = arith.constant 20480 : i32
        %parallel_loop3A_134 = vector.broadcast %parallel_loop3A_133 : i32 to vector<16xi32>
        %parallel_loop3A_135 = arith.addi %parallel_loop3A_116, %parallel_loop3A_134 : vector<16xi32>
        %parallel_loop3A_136 = tpu.vector_load_idx %arg7[%parallel_loop3A_135] : memref<40960xf32, #tpu.memory_space<vmem>>[vector<16xi32>], vector<16xf32>,
        %parallel_loop3A_137 = arith.constant 20480 : i32
        %parallel_loop3A_138 = vector.broadcast %parallel_loop3A_137 : i32 to vector<16xi32>
        %parallel_loop3A_139 = arith.addi %parallel_loop3A_118, %parallel_loop3A_138 : vector<16xi32>
        tpu.vector_store_idx %arg8[%parallel_loop3A_139], %parallel_loop3A_136 {add = true} : memref<40960xf32, #tpu.memory_space<vmem>>[vector<16xi32>], vector<16xf32>,
        %parallel_loop3A_140 = arith.constant 30720 : i32
        %parallel_loop3A_141 = vector.broadcast %parallel_loop3A_140 : i32 to vector<16xi32>
        %parallel_loop3A_142 = arith.addi %parallel_loop3A_116, %parallel_loop3A_141 : vector<16xi32>
        %parallel_loop3A_143 = tpu.vector_load_idx %arg7[%parallel_loop3A_142] : memref<40960xf32, #tpu.memory_space<vmem>>[vector<16xi32>], vector<16xf32>,
        %parallel_loop3A_144 = arith.constant 30720 : i32
        %parallel_loop3A_145 = vector.broadcast %parallel_loop3A_144 : i32 to vector<16xi32>
        %parallel_loop3A_146 = arith.addi %parallel_loop3A_118, %parallel_loop3A_145 : vector<16xi32>
        tpu.vector_store_idx %arg8[%parallel_loop3A_146], %parallel_loop3A_143 {add = true} : memref<40960xf32, #tpu.memory_space<vmem>>[vector<16xi32>], vector<16xf32>,
      } {sc.loop_unroll_factor = 8 : i64, sc.parallel_access}
      %add3A_105 = arith.constant 2 : i32
      %add3A_106 = arith.addi %add3A_93, %add3A_105 : i32
      %lt3A_107 = arith.constant 80 : i32
      %lt3A_108 = arith.cmpi slt, %add3A_106, %lt3A_107 : i32
      %convert_element_type3A_109 = arith.extui %lt3A_108 : i1 to i32
      %cond3A_110 = arith.constant 0 : i32
      %cond3A_111 = arith.cmpi ne, %convert_element_type3A_109, %cond3A_110 : i32
      scf.if %cond3A_111 {
        %add3A_112 = arith.constant 2 : i32
        %add3A_113 = arith.addi %add3A_93, %add3A_112 : i32
        %add3A_114 = arith.addi %add3A_113, %rem3A_19 : i32
        %rem3A_115 = arith.constant 80 : i32
        %rem3A_116 = arith.remsi %add3A_114, %rem3A_115 : i32
        %mul3A_117 = arith.constant 4096 : i32
        %mul3A_118 = arith.muli %rem3A_116, %mul3A_117 : i32
        %dma_start3A_119 = tpu.memref_slice %arg3[%mul3A_118] : memref<327680xi32, #tpu.memory_space<hbm>> -> memref<4096xi32, #tpu.memory_space<hbm>>
        %dma_start3A_120 = tpu.memref_slice %arg3[%mul3A_118] : memref<327680xi32, #tpu.memory_space<hbm>> -> memref<4096xi32, #tpu.memory_space<hbm>>
        tpu.enqueue_dma source(%dma_start3A_120 : memref<4096xi32, #tpu.memory_space<hbm>>) target(%arg10 : memref<4096xi32, #tpu.memory_space<vmem>>) target_semaphore(%arg15 : memref<!tpu.dma_semaphore, #tpu.memory_space<semaphore_mem>>)
        %dma_start3A_121 = tpu.memref_slice %arg4[%mul3A_118] : memref<327680xi32, #tpu.memory_space<hbm>> -> memref<4096xi32, #tpu.memory_space<hbm>>
        %dma_start3A_122 = tpu.memref_slice %arg4[%mul3A_118] : memref<327680xi32, #tpu.memory_space<hbm>> -> memref<4096xi32, #tpu.memory_space<hbm>>
        tpu.enqueue_dma source(%dma_start3A_122 : memref<4096xi32, #tpu.memory_space<hbm>>) target(%arg12 : memref<4096xi32, #tpu.memory_space<vmem>>) target_semaphore(%arg16 : memref<!tpu.dma_semaphore, #tpu.memory_space<semaphore_mem>>)
      } else {
      }
    }
    %scan3A_55 = arith.constant 40 : i32
    %mul3A_56 = arith.constant 4 : i32
    %mul3A_57 = arith.muli %add3A, %mul3A_56 : i32
    %add3A_58 = arith.constant 0 : i32
    %add3A_59 = arith.addi %mul3A_57, %add3A_58 : i32
    "tpu.region"() ({
      %run_scoped3A = tpu.sem_alloc : memref<!tpu.dma_semaphore, #tpu.memory_space<semaphore_mem>>
      %dma_start3A_72 = arith.constant 0 : i32
      %dma_start3A_73 = tpu.memref_slice %arg8[%dma_start3A_72] : memref<40960xf32, #tpu.memory_space<vmem>> -> memref<10240xf32, #tpu.memory_space<vmem>>
      %dma_start3A_74 = arith.constant 0 : i32
      %dma_start3A_75 = tpu.memref_slice %arg6[%add3A_59, %dma_start3A_74] : memref<128x10240xf32, #tpu.memory_space<hbm>> -> memref<1x10240xf32, #tpu.memory_space<hbm>>
      %dma_start3A_76 = tpu.memref_squeeze %dma_start3A_75 : memref<1x10240xf32, #tpu.memory_space<hbm>> -> memref<10240xf32, #tpu.memory_space<hbm>>
      %dma_start3A_77 = arith.constant 0 : i32
      %dma_start3A_78 = tpu.memref_slice %arg6[%add3A_59, %dma_start3A_77] : memref<128x10240xf32, #tpu.memory_space<hbm>> -> memref<1x10240xf32, #tpu.memory_space<hbm>>
      %dma_start3A_79 = tpu.memref_squeeze %dma_start3A_78 : memref<1x10240xf32, #tpu.memory_space<hbm>> -> memref<10240xf32, #tpu.memory_space<hbm>>
      %dma_start3A_80 = arith.constant 0 : i32
      %dma_start3A_81 = tpu.memref_slice %arg8[%dma_start3A_80] : memref<40960xf32, #tpu.memory_space<vmem>> -> memref<10240xf32, #tpu.memory_space<vmem>>
      tpu.enqueue_dma source(%dma_start3A_81 : memref<10240xf32, #tpu.memory_space<vmem>>) target(%dma_start3A_79 : memref<10240xf32, #tpu.memory_space<hbm>>) target_semaphore(%run_scoped3A : memref<!tpu.dma_semaphore, #tpu.memory_space<semaphore_mem>>)
      %dma_wait3A = arith.constant 0 : i32
      %dma_wait3A_82 = tpu.memref_slice %arg8[%dma_wait3A] : memref<40960xf32, #tpu.memory_space<vmem>> -> memref<10240xf32, #tpu.memory_space<vmem>>
      %dma_wait3A_83 = arith.constant 0 : i32
      %dma_wait3A_84 = tpu.memref_slice %arg6[%add3A_59, %dma_wait3A_83] : memref<128x10240xf32, #tpu.memory_space<hbm>> -> memref<1x10240xf32, #tpu.memory_space<hbm>>
      %dma_wait3A_85 = tpu.memref_squeeze %dma_wait3A_84 : memref<1x10240xf32, #tpu.memory_space<hbm>> -> memref<10240xf32, #tpu.memory_space<hbm>>
      %dma_wait3A_86 = arith.constant 0 : i32
      %dma_wait3A_87 = tpu.memref_slice %arg6[%add3A_59, %dma_wait3A_86] : memref<128x10240xf32, #tpu.memory_space<hbm>> -> memref<1x10240xf32, #tpu.memory_space<hbm>>
      %dma_wait3A_88 = tpu.memref_squeeze %dma_wait3A_87 : memref<1x10240xf32, #tpu.memory_space<hbm>> -> memref<10240xf32, #tpu.memory_space<hbm>>
      %dma_wait3A_89 = arith.constant 0 : i32
      %dma_wait3A_90 = tpu.memref_slice %arg8[%dma_wait3A_89] : memref<40960xf32, #tpu.memory_space<vmem>> -> memref<10240xf32, #tpu.memory_space<vmem>>
      tpu.wait_dma2 semaphore(%run_scoped3A : memref<!tpu.dma_semaphore, #tpu.memory_space<semaphore_mem>>) src(%dma_wait3A_90 : memref<10240xf32, #tpu.memory_space<vmem>>) dst(%dma_wait3A_88 : memref<10240xf32, #tpu.memory_space<hbm>>)
      tpu.yield
    }) : () -> ()
    %mul3A_60 = arith.constant 4 : i32
    %mul3A_61 = arith.muli %add3A, %mul3A_60 : i32
    %add3A_62 = arith.constant 1 : i32
    %add3A_63 = arith.addi %mul3A_61, %add3A_62 : i32
    "tpu.region"() ({
      %run_scoped3A = tpu.sem_alloc : memref<!tpu.dma_semaphore, #tpu.memory_space<semaphore_mem>>
      %dma_start3A_72 = arith.constant 10240 : i32
      %dma_start3A_73 = tpu.memref_slice %arg8[%dma_start3A_72] : memref<40960xf32, #tpu.memory_space<vmem>> -> memref<10240xf32, #tpu.memory_space<vmem>>
      %dma_start3A_74 = arith.constant 0 : i32
      %dma_start3A_75 = tpu.memref_slice %arg6[%add3A_63, %dma_start3A_74] : memref<128x10240xf32, #tpu.memory_space<hbm>> -> memref<1x10240xf32, #tpu.memory_space<hbm>>
      %dma_start3A_76 = tpu.memref_squeeze %dma_start3A_75 : memref<1x10240xf32, #tpu.memory_space<hbm>> -> memref<10240xf32, #tpu.memory_space<hbm>>
      %dma_start3A_77 = arith.constant 0 : i32
      %dma_start3A_78 = tpu.memref_slice %arg6[%add3A_63, %dma_start3A_77] : memref<128x10240xf32, #tpu.memory_space<hbm>> -> memref<1x10240xf32, #tpu.memory_space<hbm>>
      %dma_start3A_79 = tpu.memref_squeeze %dma_start3A_78 : memref<1x10240xf32, #tpu.memory_space<hbm>> -> memref<10240xf32, #tpu.memory_space<hbm>>
      %dma_start3A_80 = arith.constant 10240 : i32
      %dma_start3A_81 = tpu.memref_slice %arg8[%dma_start3A_80] : memref<40960xf32, #tpu.memory_space<vmem>> -> memref<10240xf32, #tpu.memory_space<vmem>>
      tpu.enqueue_dma source(%dma_start3A_81 : memref<10240xf32, #tpu.memory_space<vmem>>) target(%dma_start3A_79 : memref<10240xf32, #tpu.memory_space<hbm>>) target_semaphore(%run_scoped3A : memref<!tpu.dma_semaphore, #tpu.memory_space<semaphore_mem>>)
      %dma_wait3A = arith.constant 10240 : i32
      %dma_wait3A_82 = tpu.memref_slice %arg8[%dma_wait3A] : memref<40960xf32, #tpu.memory_space<vmem>> -> memref<10240xf32, #tpu.memory_space<vmem>>
      %dma_wait3A_83 = arith.constant 0 : i32
      %dma_wait3A_84 = tpu.memref_slice %arg6[%add3A_63, %dma_wait3A_83] : memref<128x10240xf32, #tpu.memory_space<hbm>> -> memref<1x10240xf32, #tpu.memory_space<hbm>>
      %dma_wait3A_85 = tpu.memref_squeeze %dma_wait3A_84 : memref<1x10240xf32, #tpu.memory_space<hbm>> -> memref<10240xf32, #tpu.memory_space<hbm>>
      %dma_wait3A_86 = arith.constant 0 : i32
      %dma_wait3A_87 = tpu.memref_slice %arg6[%add3A_63, %dma_wait3A_86] : memref<128x10240xf32, #tpu.memory_space<hbm>> -> memref<1x10240xf32, #tpu.memory_space<hbm>>
      %dma_wait3A_88 = tpu.memref_squeeze %dma_wait3A_87 : memref<1x10240xf32, #tpu.memory_space<hbm>> -> memref<10240xf32, #tpu.memory_space<hbm>>
      %dma_wait3A_89 = arith.constant 10240 : i32
      %dma_wait3A_90 = tpu.memref_slice %arg8[%dma_wait3A_89] : memref<40960xf32, #tpu.memory_space<vmem>> -> memref<10240xf32, #tpu.memory_space<vmem>>
      tpu.wait_dma2 semaphore(%run_scoped3A : memref<!tpu.dma_semaphore, #tpu.memory_space<semaphore_mem>>) src(%dma_wait3A_90 : memref<10240xf32, #tpu.memory_space<vmem>>) dst(%dma_wait3A_88 : memref<10240xf32, #tpu.memory_space<hbm>>)
      tpu.yield
    }) : () -> ()
    %mul3A_64 = arith.constant 4 : i32
    %mul3A_65 = arith.muli %add3A, %mul3A_64 : i32
    %add3A_66 = arith.constant 2 : i32
    %add3A_67 = arith.addi %mul3A_65, %add3A_66 : i32
    "tpu.region"() ({
      %run_scoped3A = tpu.sem_alloc : memref<!tpu.dma_semaphore, #tpu.memory_space<semaphore_mem>>
      %dma_start3A_72 = arith.constant 20480 : i32
      %dma_start3A_73 = tpu.memref_slice %arg8[%dma_start3A_72] : memref<40960xf32, #tpu.memory_space<vmem>> -> memref<10240xf32, #tpu.memory_space<vmem>>
      %dma_start3A_74 = arith.constant 0 : i32
      %dma_start3A_75 = tpu.memref_slice %arg6[%add3A_67, %dma_start3A_74] : memref<128x10240xf32, #tpu.memory_space<hbm>> -> memref<1x10240xf32, #tpu.memory_space<hbm>>
      %dma_start3A_76 = tpu.memref_squeeze %dma_start3A_75 : memref<1x10240xf32, #tpu.memory_space<hbm>> -> memref<10240xf32, #tpu.memory_space<hbm>>
      %dma_start3A_77 = arith.constant 0 : i32
      %dma_start3A_78 = tpu.memref_slice %arg6[%add3A_67, %dma_start3A_77] : memref<128x10240xf32, #tpu.memory_space<hbm>> -> memref<1x10240xf32, #tpu.memory_space<hbm>>
      %dma_start3A_79 = tpu.memref_squeeze %dma_start3A_78 : memref<1x10240xf32, #tpu.memory_space<hbm>> -> memref<10240xf32, #tpu.memory_space<hbm>>
      %dma_start3A_80 = arith.constant 20480 : i32
      %dma_start3A_81 = tpu.memref_slice %arg8[%dma_start3A_80] : memref<40960xf32, #tpu.memory_space<vmem>> -> memref<10240xf32, #tpu.memory_space<vmem>>
      tpu.enqueue_dma source(%dma_start3A_81 : memref<10240xf32, #tpu.memory_space<vmem>>) target(%dma_start3A_79 : memref<10240xf32, #tpu.memory_space<hbm>>) target_semaphore(%run_scoped3A : memref<!tpu.dma_semaphore, #tpu.memory_space<semaphore_mem>>)
      %dma_wait3A = arith.constant 20480 : i32
      %dma_wait3A_82 = tpu.memref_slice %arg8[%dma_wait3A] : memref<40960xf32, #tpu.memory_space<vmem>> -> memref<10240xf32, #tpu.memory_space<vmem>>
      %dma_wait3A_83 = arith.constant 0 : i32
      %dma_wait3A_84 = tpu.memref_slice %arg6[%add3A_67, %dma_wait3A_83] : memref<128x10240xf32, #tpu.memory_space<hbm>> -> memref<1x10240xf32, #tpu.memory_space<hbm>>
      %dma_wait3A_85 = tpu.memref_squeeze %dma_wait3A_84 : memref<1x10240xf32, #tpu.memory_space<hbm>> -> memref<10240xf32, #tpu.memory_space<hbm>>
      %dma_wait3A_86 = arith.constant 0 : i32
      %dma_wait3A_87 = tpu.memref_slice %arg6[%add3A_67, %dma_wait3A_86] : memref<128x10240xf32, #tpu.memory_space<hbm>> -> memref<1x10240xf32, #tpu.memory_space<hbm>>
      %dma_wait3A_88 = tpu.memref_squeeze %dma_wait3A_87 : memref<1x10240xf32, #tpu.memory_space<hbm>> -> memref<10240xf32, #tpu.memory_space<hbm>>
      %dma_wait3A_89 = arith.constant 20480 : i32
      %dma_wait3A_90 = tpu.memref_slice %arg8[%dma_wait3A_89] : memref<40960xf32, #tpu.memory_space<vmem>> -> memref<10240xf32, #tpu.memory_space<vmem>>
      tpu.wait_dma2 semaphore(%run_scoped3A : memref<!tpu.dma_semaphore, #tpu.memory_space<semaphore_mem>>) src(%dma_wait3A_90 : memref<10240xf32, #tpu.memory_space<vmem>>) dst(%dma_wait3A_88 : memref<10240xf32, #tpu.memory_space<hbm>>)
      tpu.yield
    }) : () -> ()
    %mul3A_68 = arith.constant 4 : i32
    %mul3A_69 = arith.muli %add3A, %mul3A_68 : i32
    %add3A_70 = arith.constant 3 : i32
    %add3A_71 = arith.addi %mul3A_69, %add3A_70 : i32
    "tpu.region"() ({
      %run_scoped3A = tpu.sem_alloc : memref<!tpu.dma_semaphore, #tpu.memory_space<semaphore_mem>>
      %dma_start3A_72 = arith.constant 30720 : i32
      %dma_start3A_73 = tpu.memref_slice %arg8[%dma_start3A_72] : memref<40960xf32, #tpu.memory_space<vmem>> -> memref<10240xf32, #tpu.memory_space<vmem>>
      %dma_start3A_74 = arith.constant 0 : i32
      %dma_start3A_75 = tpu.memref_slice %arg6[%add3A_71, %dma_start3A_74] : memref<128x10240xf32, #tpu.memory_space<hbm>> -> memref<1x10240xf32, #tpu.memory_space<hbm>>
      %dma_start3A_76 = tpu.memref_squeeze %dma_start3A_75 : memref<1x10240xf32, #tpu.memory_space<hbm>> -> memref<10240xf32, #tpu.memory_space<hbm>>
      %dma_start3A_77 = arith.constant 0 : i32
      %dma_start3A_78 = tpu.memref_slice %arg6[%add3A_71, %dma_start3A_77] : memref<128x10240xf32, #tpu.memory_space<hbm>> -> memref<1x10240xf32, #tpu.memory_space<hbm>>
      %dma_start3A_79 = tpu.memref_squeeze %dma_start3A_78 : memref<1x10240xf32, #tpu.memory_space<hbm>> -> memref<10240xf32, #tpu.memory_space<hbm>>
      %dma_start3A_80 = arith.constant 30720 : i32
      %dma_start3A_81 = tpu.memref_slice %arg8[%dma_start3A_80] : memref<40960xf32, #tpu.memory_space<vmem>> -> memref<10240xf32, #tpu.memory_space<vmem>>
      tpu.enqueue_dma source(%dma_start3A_81 : memref<10240xf32, #tpu.memory_space<vmem>>) target(%dma_start3A_79 : memref<10240xf32, #tpu.memory_space<hbm>>) target_semaphore(%run_scoped3A : memref<!tpu.dma_semaphore, #tpu.memory_space<semaphore_mem>>)
      %dma_wait3A = arith.constant 30720 : i32
      %dma_wait3A_82 = tpu.memref_slice %arg8[%dma_wait3A] : memref<40960xf32, #tpu.memory_space<vmem>> -> memref<10240xf32, #tpu.memory_space<vmem>>
      %dma_wait3A_83 = arith.constant 0 : i32
      %dma_wait3A_84 = tpu.memref_slice %arg6[%add3A_71, %dma_wait3A_83] : memref<128x10240xf32, #tpu.memory_space<hbm>> -> memref<1x10240xf32, #tpu.memory_space<hbm>>
      %dma_wait3A_85 = tpu.memref_squeeze %dma_wait3A_84 : memref<1x10240xf32, #tpu.memory_space<hbm>> -> memref<10240xf32, #tpu.memory_space<hbm>>
      %dma_wait3A_86 = arith.constant 0 : i32
      %dma_wait3A_87 = tpu.memref_slice %arg6[%add3A_71, %dma_wait3A_86] : memref<128x10240xf32, #tpu.memory_space<hbm>> -> memref<1x10240xf32, #tpu.memory_space<hbm>>
      %dma_wait3A_88 = tpu.memref_squeeze %dma_wait3A_87 : memref<1x10240xf32, #tpu.memory_space<hbm>> -> memref<10240xf32, #tpu.memory_space<hbm>>
      %dma_wait3A_89 = arith.constant 30720 : i32
      %dma_wait3A_90 = tpu.memref_slice %arg8[%dma_wait3A_89] : memref<40960xf32, #tpu.memory_space<vmem>> -> memref<10240xf32, #tpu.memory_space<vmem>>
      tpu.wait_dma2 semaphore(%run_scoped3A : memref<!tpu.dma_semaphore, #tpu.memory_space<semaphore_mem>>) src(%dma_wait3A_90 : memref<10240xf32, #tpu.memory_space<vmem>>) dst(%dma_wait3A_88 : memref<10240xf32, #tpu.memory_space<hbm>>)
      tpu.yield
    }) : () -> ()
    return
  }
}

module attributes {stable_mosaic.version = 14 : i64} {
  func.func @_prep_body(%arg0: i32, %arg1: memref<1024x128xf32, #tpu.memory_space<vmem>>, %arg2: memref<128x1024xf32, #tpu.memory_space<vmem>>, %arg3: memref<128x1024xf32, #tpu.memory_space<vmem>>) attributes {dimension_semantics = [#tpu.dimension_semantics<arbitrary>], iteration_bounds = array<i64: 10>, scalar_prefetch = 0 : i64, scratch_operands = 0 : i64, tpu.core_type = #tpu.core_type<tc>, window_params = [{transform_indices = @transform_0, window_bounds = array<i64: 1024, 128>}, {transform_indices = @transform_1, window_bounds = array<i64: 128, 1024>}, {transform_indices = @transform_2, window_bounds = array<i64: 128, 1024>}]} {
    %get3A = arith.constant 0 : index
    %get3A_0 = arith.constant 0 : index
    %get3A_1 = vector.load %arg1[%get3A, %get3A_0] : memref<1024x128xf32, #tpu.memory_space<vmem>>, vector<1024x128xf32>
    %transpose3A = tpu.transpose %get3A_1, [1, 0] : vector<1024x128xf32> -> vector<128x1024xf32>
    %swap3A = arith.constant 0 : index
    %swap3A_2 = arith.constant 0 : index
    %swap3A_3 = vector.load %arg2[%swap3A, %swap3A_2] : memref<128x1024xf32, #tpu.memory_space<vmem>>, vector<128x1024xf32>
    tpu.vector_store %arg2[%swap3A, %swap3A_2], %transpose3A {strides = array<i32>} : memref<128x1024xf32, #tpu.memory_space<vmem>>, vector<128x1024xf32>,
    %max3A = arith.constant 0.000000e+00 : f32
    %max3A_4 = vector.broadcast %max3A : f32 to vector<128x1024xf32>
    %max3A_5 = arith.maximumf %transpose3A, %max3A_4 : vector<128x1024xf32>
    %swap3A_6 = arith.constant 0 : index
    %swap3A_7 = arith.constant 0 : index
    %swap3A_8 = vector.load %arg3[%swap3A_6, %swap3A_7] : memref<128x1024xf32, #tpu.memory_space<vmem>>, vector<128x1024xf32>
    tpu.vector_store %arg3[%swap3A_6, %swap3A_7], %max3A_5 {strides = array<i32>} : memref<128x1024xf32, #tpu.memory_space<vmem>>, vector<128x1024xf32>,
    return
  }
  func.func @transform_0(%arg0: i32) -> (i32, i32) {
    %c0_i32 = arith.constant 0 : i32
    %c0_i32_0 = arith.constant 0 : i32
    return %arg0, %c0_i32 : i32, i32
  }
  func.func @transform_1(%arg0: i32) -> (i32, i32) {
    %c0_i32 = arith.constant 0 : i32
    %c0_i32_0 = arith.constant 0 : i32
    return %c0_i32, %arg0 : i32, i32
  }
  func.func @transform_2(%arg0: i32) -> (i32, i32) {
    %c0_i32 = arith.constant 0 : i32
    %c0_i32_0 = arith.constant 0 : i32
    return %c0_i32, %arg0 : i32, i32
  }
}

module attributes {stable_mosaic.version = 14 : i64} {
  func.func @_bn_body(%arg0: i32, %arg1: memref<128x1024xf32, #tpu.memory_space<vmem>>, %arg2: memref<128x8xf32, #tpu.memory_space<vmem>>, %arg3: memref<128x1xf32, #tpu.memory_space<vmem>>, %arg4: memref<128x1xf32, #tpu.memory_space<vmem>>, %arg5: memref<128x1024xf32, #tpu.memory_space<vmem>>, %arg6: memref<128x1024xf32, #tpu.memory_space<vmem>>, %arg7: memref<128x1024xf32, #tpu.memory_space<vmem>>) attributes {dimension_semantics = [#tpu.dimension_semantics<arbitrary>], iteration_bounds = array<i64: 10>, scalar_prefetch = 0 : i64, scratch_operands = 0 : i64, tpu.core_type = #tpu.core_type<tc>, window_params = [{transform_indices = @transform_0, window_bounds = array<i64: 128, 1024>}, {pipeline_mode = #tpu.pipeline_mode<synchronous>, transform_indices = @transform_1, window_bounds = array<i64: 128, 8>}, {pipeline_mode = #tpu.pipeline_mode<synchronous>, transform_indices = @transform_2, window_bounds = array<i64: 128, 1>}, {pipeline_mode = #tpu.pipeline_mode<synchronous>, transform_indices = @transform_3, window_bounds = array<i64: 128, 1>}, {transform_indices = @transform_4, window_bounds = array<i64: 128, 1024>}, {transform_indices = @transform_5, window_bounds = array<i64: 128, 1024>}, {transform_indices = @transform_6, window_bounds = array<i64: 128, 1024>}]} {
    %get3A = arith.constant 0 : index
    %get3A_0 = arith.constant 0 : index
    %get3A_1 = vector.load %arg2[%get3A, %get3A_0] : memref<128x8xf32, #tpu.memory_space<vmem>>, vector<128x8xf32>
    %slice3A = vector.extract_strided_slice %get3A_1 {offsets = [0, 0], sizes = [128, 1], strides = [1, 1]} : vector<128x8xf32> to vector<128x1xf32>
    %mul3A = arith.constant 9.99999974E-5 : f32
    %mul3A_2 = vector.broadcast %mul3A : f32 to vector<128x1xf32>
    %mul3A_3 = arith.mulf %slice3A, %mul3A_2 : vector<128x1xf32>
    %slice3A_4 = vector.extract_strided_slice %get3A_1 {offsets = [0, 1], sizes = [128, 1], strides = [1, 1]} : vector<128x8xf32> to vector<128x1xf32>
    %mul3A_5 = arith.constant 9.99999974E-5 : f32
    %mul3A_6 = vector.broadcast %mul3A_5 : f32 to vector<128x1xf32>
    %mul3A_7 = arith.mulf %slice3A_4, %mul3A_6 : vector<128x1xf32>
    %mul3A_8 = arith.mulf %mul3A_3, %mul3A_3 : vector<128x1xf32>
    %sub3A = arith.subf %mul3A_7, %mul3A_8 : vector<128x1xf32>
    %add3A = arith.constant 9.99999974E-6 : f32
    %add3A_9 = vector.broadcast %add3A : f32 to vector<128x1xf32>
    %add3A_10 = arith.addf %sub3A, %add3A_9 : vector<128x1xf32>
    %rsqrt3A = math.rsqrt %add3A_10 : vector<128x1xf32>
    %get3A_11 = arith.constant 0 : index
    %get3A_12 = arith.constant 0 : index
    %get3A_13 = vector.load %arg3[%get3A_11, %get3A_12] : memref<128x1xf32, #tpu.memory_space<vmem>>, vector<128x1xf32>
    %mul3A_14 = arith.mulf %rsqrt3A, %get3A_13 : vector<128x1xf32>
    %get3A_15 = arith.constant 0 : index
    %get3A_16 = arith.constant 0 : index
    %get3A_17 = vector.load %arg1[%get3A_15, %get3A_16] : memref<128x1024xf32, #tpu.memory_space<vmem>>, vector<128x1024xf32>
    %sub3A_18 = vector.broadcast %mul3A_3 : vector<128x1xf32> to vector<128x1024xf32>
    %sub3A_19 = arith.subf %get3A_17, %sub3A_18 : vector<128x1024xf32>
    %mul3A_20 = vector.broadcast %mul3A_14 : vector<128x1xf32> to vector<128x1024xf32>
    %mul3A_21 = arith.mulf %sub3A_19, %mul3A_20 : vector<128x1024xf32>
    %get3A_22 = arith.constant 0 : index
    %get3A_23 = arith.constant 0 : index
    %get3A_24 = vector.load %arg4[%get3A_22, %get3A_23] : memref<128x1xf32, #tpu.memory_space<vmem>>, vector<128x1xf32>
    %add3A_25 = vector.broadcast %get3A_24 : vector<128x1xf32> to vector<128x1024xf32>
    %add3A_26 = arith.addf %mul3A_21, %add3A_25 : vector<128x1024xf32>
    %get3A_27 = arith.constant 0 : index
    %get3A_28 = arith.constant 0 : index
    %get3A_29 = vector.load %arg5[%get3A_27, %get3A_28] : memref<128x1024xf32, #tpu.memory_space<vmem>>, vector<128x1024xf32>
    %add3A_30 = arith.addf %add3A_26, %get3A_29 : vector<128x1024xf32>
    %swap3A = arith.constant 0 : index
    %swap3A_31 = arith.constant 0 : index
    %swap3A_32 = vector.load %arg6[%swap3A, %swap3A_31] : memref<128x1024xf32, #tpu.memory_space<vmem>>, vector<128x1024xf32>
    tpu.vector_store %arg6[%swap3A, %swap3A_31], %add3A_30 {strides = array<i32>} : memref<128x1024xf32, #tpu.memory_space<vmem>>, vector<128x1024xf32>,
    %max3A = arith.constant 0.000000e+00 : f32
    %max3A_33 = vector.broadcast %max3A : f32 to vector<128x1024xf32>
    %max3A_34 = arith.maximumf %add3A_30, %max3A_33 : vector<128x1024xf32>
    %swap3A_35 = arith.constant 0 : index
    %swap3A_36 = arith.constant 0 : index
    %swap3A_37 = vector.load %arg7[%swap3A_35, %swap3A_36] : memref<128x1024xf32, #tpu.memory_space<vmem>>, vector<128x1024xf32>
    tpu.vector_store %arg7[%swap3A_35, %swap3A_36], %max3A_34 {strides = array<i32>} : memref<128x1024xf32, #tpu.memory_space<vmem>>, vector<128x1024xf32>,
    return
  }
  func.func @transform_0(%arg0: i32) -> (i32, i32) {
    %c0_i32 = arith.constant 0 : i32
    %c0_i32_0 = arith.constant 0 : i32
    return %c0_i32, %arg0 : i32, i32
  }
  func.func @transform_1(%arg0: i32) -> (i32, i32) {
    %c0_i32 = arith.constant 0 : i32
    %c0_i32_0 = arith.constant 0 : i32
    %c0_i32_1 = arith.constant 0 : i32
    return %c0_i32, %c0_i32_0 : i32, i32
  }
  func.func @transform_2(%arg0: i32) -> (i32, i32) {
    %c0_i32 = arith.constant 0 : i32
    %c0_i32_0 = arith.constant 0 : i32
    %c0_i32_1 = arith.constant 0 : i32
    return %c0_i32, %c0_i32_0 : i32, i32
  }
  func.func @transform_3(%arg0: i32) -> (i32, i32) {
    %c0_i32 = arith.constant 0 : i32
    %c0_i32_0 = arith.constant 0 : i32
    %c0_i32_1 = arith.constant 0 : i32
    return %c0_i32, %c0_i32_0 : i32, i32
  }
  func.func @transform_4(%arg0: i32) -> (i32, i32) {
    %c0_i32 = arith.constant 0 : i32
    %c0_i32_0 = arith.constant 0 : i32
    return %c0_i32, %arg0 : i32, i32
  }
  func.func @transform_5(%arg0: i32) -> (i32, i32) {
    %c0_i32 = arith.constant 0 : i32
    %c0_i32_0 = arith.constant 0 : i32
    return %c0_i32, %arg0 : i32, i32
  }
  func.func @transform_6(%arg0: i32) -> (i32, i32) {
    %c0_i32 = arith.constant 0 : i32
    %c0_i32_0 = arith.constant 0 : i32
    return %c0_i32, %arg0 : i32, i32
  }
}

module attributes {stable_mosaic.version = 14 : i64} {
  func.func @_mlp_body(%arg0: i32, %arg1: memref<1x1xf32, #tpu.memory_space<smem>>, %arg2: memref<128x1024xf32, #tpu.memory_space<vmem>>, %arg3: memref<128x1024xf32, #tpu.memory_space<vmem>>, %arg4: memref<128x128xf32, #tpu.memory_space<vmem>>, %arg5: memref<128x1xf32, #tpu.memory_space<vmem>>, %arg6: memref<128x128xf32, #tpu.memory_space<vmem>>, %arg7: memref<128x1xf32, #tpu.memory_space<vmem>>, %arg8: memref<128x1024xf32, #tpu.memory_space<vmem>>, %arg9: memref<128x8xf32, #tpu.memory_space<vmem>>) attributes {dimension_semantics = [#tpu.dimension_semantics<arbitrary>], iteration_bounds = array<i64: 10>, scalar_prefetch = 0 : i64, scratch_operands = 0 : i64, tpu.core_type = #tpu.core_type<tc>, window_params = [{transform_indices = @transform_0, window_bounds = array<i64: 1, 1>}, {transform_indices = @transform_1, window_bounds = array<i64: 128, 1024>}, {transform_indices = @transform_2, window_bounds = array<i64: 128, 1024>}, {pipeline_mode = #tpu.pipeline_mode<synchronous>, transform_indices = @transform_3, window_bounds = array<i64: 128, 128>}, {pipeline_mode = #tpu.pipeline_mode<synchronous>, transform_indices = @transform_4, window_bounds = array<i64: 128, 1>}, {pipeline_mode = #tpu.pipeline_mode<synchronous>, transform_indices = @transform_5, window_bounds = array<i64: 128, 128>}, {pipeline_mode = #tpu.pipeline_mode<synchronous>, transform_indices = @transform_6, window_bounds = array<i64: 128, 1>}, {transform_indices = @transform_7, window_bounds = array<i64: 128, 1024>}, {pipeline_mode = #tpu.pipeline_mode<synchronous>, transform_indices = @transform_8, window_bounds = array<i64: 128, 8>}]} {
    %get3A = arith.constant 0 : index
    %get3A_0 = arith.constant 0 : index
    %get3A_1 = vector.load %arg2[%get3A, %get3A_0] : memref<128x1024xf32, #tpu.memory_space<vmem>>, vector<128x1024xf32>
    %get3A_2 = arith.constant 0 : index
    %get3A_3 = arith.constant 0 : index
    %get3A_4 = memref.load %arg1[%get3A_2, %get3A_3] : memref<1x1xf32, #tpu.memory_space<smem>>
    %mul3A = vector.broadcast %get3A_4 : f32 to vector<128x1024xf32>
    %mul3A_5 = arith.mulf %get3A_1, %mul3A : vector<128x1024xf32>
    %get3A_6 = arith.constant 0 : index
    %get3A_7 = arith.constant 0 : index
    %get3A_8 = vector.load %arg3[%get3A_6, %get3A_7] : memref<128x1024xf32, #tpu.memory_space<vmem>>, vector<128x1024xf32>
    %add3A = arith.addf %mul3A_5, %get3A_8 : vector<128x1024xf32>
    %get3A_9 = arith.constant 0 : index
    %get3A_10 = arith.constant 0 : index
    %get3A_11 = vector.load %arg4[%get3A_9, %get3A_10] : memref<128x128xf32, #tpu.memory_space<vmem>>, vector<128x128xf32>
    %dot_general3A = arith.constant dense<0.000000e+00> : vector<128x1024xf32>
    %dot_general3A_12 = tpu.matmul %get3A_11, %add3A, %dot_general3A {dimension_numbers = #tpu.dot_dimension_numbers<[1], [0], [0], [1], [0, 0, 1, 1], [], []>, transpose_lhs_hint = false} : vector<128x128xf32>, vector<128x1024xf32>, vector<128x1024xf32> -> vector<128x1024xf32>
    %get3A_13 = arith.constant 0 : index
    %get3A_14 = arith.constant 0 : index
    %get3A_15 = vector.load %arg5[%get3A_13, %get3A_14] : memref<128x1xf32, #tpu.memory_space<vmem>>, vector<128x1xf32>
    %add3A_16 = vector.broadcast %get3A_15 : vector<128x1xf32> to vector<128x1024xf32>
    %add3A_17 = arith.addf %dot_general3A_12, %add3A_16 : vector<128x1024xf32>
    %max3A = arith.constant 0.000000e+00 : f32
    %max3A_18 = vector.broadcast %max3A : f32 to vector<128x1024xf32>
    %max3A_19 = arith.maximumf %add3A_17, %max3A_18 : vector<128x1024xf32>
    %get3A_20 = arith.constant 0 : index
    %get3A_21 = arith.constant 0 : index
    %get3A_22 = vector.load %arg6[%get3A_20, %get3A_21] : memref<128x128xf32, #tpu.memory_space<vmem>>, vector<128x128xf32>
    %dot_general3A_23 = arith.constant dense<0.000000e+00> : vector<128x1024xf32>
    %dot_general3A_24 = tpu.matmul %get3A_22, %max3A_19, %dot_general3A_23 {dimension_numbers = #tpu.dot_dimension_numbers<[1], [0], [0], [1], [0, 0, 1, 1], [], []>, transpose_lhs_hint = false} : vector<128x128xf32>, vector<128x1024xf32>, vector<128x1024xf32> -> vector<128x1024xf32>
    %get3A_25 = arith.constant 0 : index
    %get3A_26 = arith.constant 0 : index
    %get3A_27 = vector.load %arg7[%get3A_25, %get3A_26] : memref<128x1xf32, #tpu.memory_space<vmem>>, vector<128x1xf32>
    %add3A_28 = vector.broadcast %get3A_27 : vector<128x1xf32> to vector<128x1024xf32>
    %add3A_29 = arith.addf %dot_general3A_24, %add3A_28 : vector<128x1024xf32>
    %swap3A = arith.constant 0 : index
    %swap3A_30 = arith.constant 0 : index
    %swap3A_31 = vector.load %arg8[%swap3A, %swap3A_30] : memref<128x1024xf32, #tpu.memory_space<vmem>>, vector<128x1024xf32>
    tpu.vector_store %arg8[%swap3A, %swap3A_30], %add3A_29 {strides = array<i32>} : memref<128x1024xf32, #tpu.memory_space<vmem>>, vector<128x1024xf32>,
    %eq3A = arith.constant 0 : i32
    %eq3A_32 = arith.cmpi eq, %arg0, %eq3A : i32
    %convert_element_type3A = arith.extui %eq3A_32 : i1 to i32
    %cond3A = arith.constant 0 : i32
    %cond3A_33 = arith.cmpi ne, %convert_element_type3A, %cond3A : i32
    scf.if %cond3A_33 {
      %broadcast_in_dim3A_55 = arith.constant 0.000000e+00 : f32
      %broadcast_in_dim3A_56 = vector.broadcast %broadcast_in_dim3A_55 : f32 to vector<128x8xf32>
      %swap3A_57 = arith.constant 0 : index
      %swap3A_58 = arith.constant 0 : index
      %swap3A_59 = vector.load %arg9[%swap3A_57, %swap3A_58] : memref<128x8xf32, #tpu.memory_space<vmem>>, vector<128x8xf32>
      tpu.vector_store %arg9[%swap3A_57, %swap3A_58], %broadcast_in_dim3A_56 {strides = array<i32>} : memref<128x8xf32, #tpu.memory_space<vmem>>, vector<128x8xf32>,
    } else {
    }
    %iota3A = tpu.iota {dimensions = array<i32: 1>} : vector<128x1024xi32>
    %mul3A_34 = arith.constant 1024 : i32
    %mul3A_35 = arith.muli %arg0, %mul3A_34 : i32
    %add3A_36 = vector.broadcast %mul3A_35 : i32 to vector<128x1024xi32>
    %add3A_37 = arith.addi %iota3A, %add3A_36 : vector<128x1024xi32>
    %lt3A = arith.constant 10000 : i32
    %lt3A_38 = vector.broadcast %lt3A : i32 to vector<128x1024xi32>
    %lt3A_39 = arith.cmpi slt, %add3A_37, %lt3A_38 : vector<128x1024xi32>
    %jit3A = arith.constant 0.000000e+00 : f32
    %broadcast_in_dim3A = vector.broadcast %jit3A : f32 to vector<128x1024xf32>
    %select_n3A = arith.select %lt3A_39, %add3A_29, %broadcast_in_dim3A : vector<128x1024xi1>, vector<128x1024xf32>
    %reduce_sum3A = arith.constant dense<0.000000e+00> : vector<128xf32>
    %reduce_sum3A_40 = vector.multi_reduction <add>, %select_n3A, %reduce_sum3A [1] : vector<128x1024xf32> to vector<128xf32>
    %broadcast_in_dim3A_41 = vector.shape_cast %reduce_sum3A_40 : vector<128xf32> to vector<128x1xf32>
    %mul3A_42 = arith.mulf %select_n3A, %select_n3A : vector<128x1024xf32>
    %reduce_sum3A_43 = arith.constant dense<0.000000e+00> : vector<128xf32>
    %reduce_sum3A_44 = vector.multi_reduction <add>, %mul3A_42, %reduce_sum3A_43 [1] : vector<128x1024xf32> to vector<128xf32>
    %broadcast_in_dim3A_45 = vector.shape_cast %reduce_sum3A_44 : vector<128xf32> to vector<128x1xf32>
    %broadcast_in_dim3A_46 = arith.constant 0.000000e+00 : f32
    %broadcast_in_dim3A_47 = vector.broadcast %broadcast_in_dim3A_46 : f32 to vector<128x6xf32>
    %concatenate3A = tpu.concatenate %broadcast_in_dim3A_41, %broadcast_in_dim3A_45, %broadcast_in_dim3A_47 in 1 : vector<128x1xf32>, vector<128x1xf32>, vector<128x6xf32> -> vector<128x8xf32>
    %get3A_48 = arith.constant 0 : index
    %get3A_49 = arith.constant 0 : index
    %get3A_50 = vector.load %arg9[%get3A_48, %get3A_49] : memref<128x8xf32, #tpu.memory_space<vmem>>, vector<128x8xf32>
    %add3A_51 = arith.addf %get3A_50, %concatenate3A : vector<128x8xf32>
    %swap3A_52 = arith.constant 0 : index
    %swap3A_53 = arith.constant 0 : index
    %swap3A_54 = vector.load %arg9[%swap3A_52, %swap3A_53] : memref<128x8xf32, #tpu.memory_space<vmem>>, vector<128x8xf32>
    tpu.vector_store %arg9[%swap3A_52, %swap3A_53], %add3A_51 {strides = array<i32>} : memref<128x8xf32, #tpu.memory_space<vmem>>, vector<128x8xf32>,
    return
  }
  func.func @transform_0(%arg0: i32) -> (i32, i32) {
    %c0_i32 = arith.constant 0 : i32
    %c0_i32_0 = arith.constant 0 : i32
    %c0_i32_1 = arith.constant 0 : i32
    return %c0_i32, %c0_i32_0 : i32, i32
  }
  func.func @transform_1(%arg0: i32) -> (i32, i32) {
    %c0_i32 = arith.constant 0 : i32
    %c0_i32_0 = arith.constant 0 : i32
    return %c0_i32, %arg0 : i32, i32
  }
  func.func @transform_2(%arg0: i32) -> (i32, i32) {
    %c0_i32 = arith.constant 0 : i32
    %c0_i32_0 = arith.constant 0 : i32
    return %c0_i32, %arg0 : i32, i32
  }
  func.func @transform_3(%arg0: i32) -> (i32, i32) {
    %c0_i32 = arith.constant 0 : i32
    %c0_i32_0 = arith.constant 0 : i32
    %c0_i32_1 = arith.constant 0 : i32
    return %c0_i32, %c0_i32_0 : i32, i32
  }
  func.func @transform_4(%arg0: i32) -> (i32, i32) {
    %c0_i32 = arith.constant 0 : i32
    %c0_i32_0 = arith.constant 0 : i32
    %c0_i32_1 = arith.constant 0 : i32
    return %c0_i32, %c0_i32_0 : i32, i32
  }
  func.func @transform_5(%arg0: i32) -> (i32, i32) {
    %c0_i32 = arith.constant 0 : i32
    %c0_i32_0 = arith.constant 0 : i32
    %c0_i32_1 = arith.constant 0 : i32
    return %c0_i32, %c0_i32_0 : i32, i32
  }
  func.func @transform_6(%arg0: i32) -> (i32, i32) {
    %c0_i32 = arith.constant 0 : i32
    %c0_i32_0 = arith.constant 0 : i32
    %c0_i32_1 = arith.constant 0 : i32
    return %c0_i32, %c0_i32_0 : i32, i32
  }
  func.func @transform_7(%arg0: i32) -> (i32, i32) {
    %c0_i32 = arith.constant 0 : i32
    %c0_i32_0 = arith.constant 0 : i32
    return %c0_i32, %arg0 : i32, i32
  }
  func.func @transform_8(%arg0: i32) -> (i32, i32) {
    %c0_i32 = arith.constant 0 : i32
    %c0_i32_0 = arith.constant 0 : i32
    %c0_i32_1 = arith.constant 0 : i32
    return %c0_i32, %c0_i32_0 : i32, i32
  }
}

module attributes {stable_mosaic.version = 14 : i64} {
  func.func @_mlp_res_body(%arg0: i32, %arg1: memref<1x1xf32, #tpu.memory_space<smem>>, %arg2: memref<128x1024xf32, #tpu.memory_space<vmem>>, %arg3: memref<128x1024xf32, #tpu.memory_space<vmem>>, %arg4: memref<128x128xf32, #tpu.memory_space<vmem>>, %arg5: memref<128x1xf32, #tpu.memory_space<vmem>>, %arg6: memref<128x128xf32, #tpu.memory_space<vmem>>, %arg7: memref<128x1xf32, #tpu.memory_space<vmem>>, %arg8: memref<1024x128xf32, #tpu.memory_space<vmem>>) attributes {dimension_semantics = [#tpu.dimension_semantics<arbitrary>], iteration_bounds = array<i64: 10>, scalar_prefetch = 0 : i64, scratch_operands = 0 : i64, tpu.core_type = #tpu.core_type<tc>, window_params = [{transform_indices = @transform_0, window_bounds = array<i64: 1, 1>}, {transform_indices = @transform_1, window_bounds = array<i64: 128, 1024>}, {transform_indices = @transform_2, window_bounds = array<i64: 128, 1024>}, {pipeline_mode = #tpu.pipeline_mode<synchronous>, transform_indices = @transform_3, window_bounds = array<i64: 128, 128>}, {pipeline_mode = #tpu.pipeline_mode<synchronous>, transform_indices = @transform_4, window_bounds = array<i64: 128, 1>}, {pipeline_mode = #tpu.pipeline_mode<synchronous>, transform_indices = @transform_5, window_bounds = array<i64: 128, 128>}, {pipeline_mode = #tpu.pipeline_mode<synchronous>, transform_indices = @transform_6, window_bounds = array<i64: 128, 1>}, {transform_indices = @transform_7, window_bounds = array<i64: 1024, 128>}]} {
    %get3A = arith.constant 0 : index
    %get3A_0 = arith.constant 0 : index
    %get3A_1 = vector.load %arg2[%get3A, %get3A_0] : memref<128x1024xf32, #tpu.memory_space<vmem>>, vector<128x1024xf32>
    %get3A_2 = arith.constant 0 : index
    %get3A_3 = arith.constant 0 : index
    %get3A_4 = memref.load %arg1[%get3A_2, %get3A_3] : memref<1x1xf32, #tpu.memory_space<smem>>
    %mul3A = vector.broadcast %get3A_4 : f32 to vector<128x1024xf32>
    %mul3A_5 = arith.mulf %get3A_1, %mul3A : vector<128x1024xf32>
    %get3A_6 = arith.constant 0 : index
    %get3A_7 = arith.constant 0 : index
    %get3A_8 = vector.load %arg3[%get3A_6, %get3A_7] : memref<128x1024xf32, #tpu.memory_space<vmem>>, vector<128x1024xf32>
    %add3A = arith.addf %mul3A_5, %get3A_8 : vector<128x1024xf32>
    %get3A_9 = arith.constant 0 : index
    %get3A_10 = arith.constant 0 : index
    %get3A_11 = vector.load %arg4[%get3A_9, %get3A_10] : memref<128x128xf32, #tpu.memory_space<vmem>>, vector<128x128xf32>
    %dot_general3A = arith.constant dense<0.000000e+00> : vector<128x1024xf32>
    %dot_general3A_12 = tpu.matmul %get3A_11, %add3A, %dot_general3A {dimension_numbers = #tpu.dot_dimension_numbers<[1], [0], [0], [1], [0, 0, 1, 1], [], []>, transpose_lhs_hint = false} : vector<128x128xf32>, vector<128x1024xf32>, vector<128x1024xf32> -> vector<128x1024xf32>
    %get3A_13 = arith.constant 0 : index
    %get3A_14 = arith.constant 0 : index
    %get3A_15 = vector.load %arg5[%get3A_13, %get3A_14] : memref<128x1xf32, #tpu.memory_space<vmem>>, vector<128x1xf32>
    %add3A_16 = vector.broadcast %get3A_15 : vector<128x1xf32> to vector<128x1024xf32>
    %add3A_17 = arith.addf %dot_general3A_12, %add3A_16 : vector<128x1024xf32>
    %max3A = arith.constant 0.000000e+00 : f32
    %max3A_18 = vector.broadcast %max3A : f32 to vector<128x1024xf32>
    %max3A_19 = arith.maximumf %add3A_17, %max3A_18 : vector<128x1024xf32>
    %get3A_20 = arith.constant 0 : index
    %get3A_21 = arith.constant 0 : index
    %get3A_22 = vector.load %arg6[%get3A_20, %get3A_21] : memref<128x128xf32, #tpu.memory_space<vmem>>, vector<128x128xf32>
    %dot_general3A_23 = arith.constant dense<0.000000e+00> : vector<128x1024xf32>
    %dot_general3A_24 = tpu.matmul %get3A_22, %max3A_19, %dot_general3A_23 {dimension_numbers = #tpu.dot_dimension_numbers<[1], [0], [0], [1], [0, 0, 1, 1], [], []>, transpose_lhs_hint = false} : vector<128x128xf32>, vector<128x1024xf32>, vector<128x1024xf32> -> vector<128x1024xf32>
    %get3A_25 = arith.constant 0 : index
    %get3A_26 = arith.constant 0 : index
    %get3A_27 = vector.load %arg7[%get3A_25, %get3A_26] : memref<128x1xf32, #tpu.memory_space<vmem>>, vector<128x1xf32>
    %add3A_28 = vector.broadcast %get3A_27 : vector<128x1xf32> to vector<128x1024xf32>
    %add3A_29 = arith.addf %dot_general3A_24, %add3A_28 : vector<128x1024xf32>
    %get3A_30 = arith.constant 0 : index
    %get3A_31 = arith.constant 0 : index
    %get3A_32 = vector.load %arg2[%get3A_30, %get3A_31] : memref<128x1024xf32, #tpu.memory_space<vmem>>, vector<128x1024xf32>
    %add3A_33 = arith.addf %add3A_29, %get3A_32 : vector<128x1024xf32>
    %transpose3A = tpu.transpose %add3A_33, [1, 0] : vector<128x1024xf32> -> vector<1024x128xf32>
    %swap3A = arith.constant 0 : index
    %swap3A_34 = arith.constant 0 : index
    %swap3A_35 = vector.load %arg8[%swap3A, %swap3A_34] : memref<1024x128xf32, #tpu.memory_space<vmem>>, vector<1024x128xf32>
    tpu.vector_store %arg8[%swap3A, %swap3A_34], %transpose3A {strides = array<i32>} : memref<1024x128xf32, #tpu.memory_space<vmem>>, vector<1024x128xf32>,
    return
  }
  func.func @transform_0(%arg0: i32) -> (i32, i32) {
    %c0_i32 = arith.constant 0 : i32
    %c0_i32_0 = arith.constant 0 : i32
    %c0_i32_1 = arith.constant 0 : i32
    return %c0_i32, %c0_i32_0 : i32, i32
  }
  func.func @transform_1(%arg0: i32) -> (i32, i32) {
    %c0_i32 = arith.constant 0 : i32
    %c0_i32_0 = arith.constant 0 : i32
    return %c0_i32, %arg0 : i32, i32
  }
  func.func @transform_2(%arg0: i32) -> (i32, i32) {
    %c0_i32 = arith.constant 0 : i32
    %c0_i32_0 = arith.constant 0 : i32
    return %c0_i32, %arg0 : i32, i32
  }
  func.func @transform_3(%arg0: i32) -> (i32, i32) {
    %c0_i32 = arith.constant 0 : i32
    %c0_i32_0 = arith.constant 0 : i32
    %c0_i32_1 = arith.constant 0 : i32
    return %c0_i32, %c0_i32_0 : i32, i32
  }
  func.func @transform_4(%arg0: i32) -> (i32, i32) {
    %c0_i32 = arith.constant 0 : i32
    %c0_i32_0 = arith.constant 0 : i32
    %c0_i32_1 = arith.constant 0 : i32
    return %c0_i32, %c0_i32_0 : i32, i32
  }
  func.func @transform_5(%arg0: i32) -> (i32, i32) {
    %c0_i32 = arith.constant 0 : i32
    %c0_i32_0 = arith.constant 0 : i32
    %c0_i32_1 = arith.constant 0 : i32
    return %c0_i32, %c0_i32_0 : i32, i32
  }
  func.func @transform_6(%arg0: i32) -> (i32, i32) {
    %c0_i32 = arith.constant 0 : i32
    %c0_i32_0 = arith.constant 0 : i32
    %c0_i32_1 = arith.constant 0 : i32
    return %c0_i32, %c0_i32_0 : i32, i32
  }
  func.func @transform_7(%arg0: i32) -> (i32, i32) {
    %c0_i32 = arith.constant 0 : i32
    %c0_i32_0 = arith.constant 0 : i32
    return %arg0, %c0_i32 : i32, i32
  }
}

</mosaic_0001>

<sc_bundles>
// kernel: kernel.11.cloned.1.call-start
scs
__scs_entry_jumppad:
0x0: {  	(pc) =	sbr.rel $0x88, $3  }
0x1: {  	(tag) =	ssettag $0x0;
	lr =	simm.s32 $0x1  }
0x2: {  	[smem:$0x3F8C] =	sst lr;
	_ =	strace $0xD0000000  }
0x3: {  	_ = 	snop  }
0x4: {  	_ = 	snop  }
0x5: {  	_ = 	snop  }
0x6: {  	_ = 	snop  }
0x7: {  	_ = 	snop  }
__scs_overlays_trampoline_lowered:
0x8: {  	[smem:$0x3F9B] =	sst s0  }
0x9: {  	[smem:$0x3F9C] =	sst s1  }
0xa: {  	[smem:$0x3F9D] =	sst s2  }
0xb: {  	[smem:$0x3F9E] =	sst s3  }
0xc: {  	[smem:$0x3F9F] =	sst s4  }
0xd: {  	[smem:$0x3FA0] =	sst s5  }
0xe: {  	[smem:$0x3FA1] =	sst s6  }
0xf: {  	[smem:$0x3FA2] =	sst s7  }
0x10: {  	[smem:$0x3FA3] =	sst s8  }
0x11: {  	[smem:$0x3FA4] =	sst s9;
	s0 =	simm.s32 @!p0 $0x0  }
0x12: {  	s1 =	sld [smem:$0x3F8A];
	s0 =	simm.s32 @p0 $0x1  }
0x13: {  	[smem:$0x3FA5] =	sst s0;
	s0 =	simm.s32 @!p1 $0x0  }
0x14: {  	s2 =	sld [smem:$0x3F89];
	s0 =	simm.s32 @p1 $0x1  }
0x15: {  	[smem:$0x3FA6] =	sst s0;
	s0 =	simm.s32 @!p2 $0x0  }
0x16: {  	s3 =	sld [smem:$0x3FDB];
	s0 =	simm.s32 @p2 $0x1  }
0x17: {  	s4 =	simm.s32 $0x1BF5;
	[smem:$0x3FA8] =	sst s0  }
0x18: {  	s0 =	sld [smem:$0x3F8B];
	_ =	swait.ge [sflag:s4], $0x0  }
0x19: {  	s7 =	sld [smem:$0x3F8C]  }
0x1a: {  	s8 =	sadd.s32 $0xFFFFE003, lr  }
0x1b: {  	s9 =	sadd.s32 $0xFFFFFEF7, lr;
	s5 =	simm.s32 $0xFFFFFFFF;
	p2 =	slt.u32 s8, $0xFFFFF086  }
0x1c: {  	p1 =	slt.u32 s9, $0xF7A;
	s5 =	simm.s32 @!p2 $0x0  }
0x1d: {  	s5 =	simm.s32 @p1 $0x1;
	p0 =	seq.s32 s7, s2  }
0x1e: {  	s7 =	smul.u32 @!p0 $0xF7A, s2;
	p2 =	seq.s32 @!p0 s5, $0x0  }
0x1f: {  	s9 =	smul.u32 $0xF7A, s1;
	s8 =	simm.s32 @!p0 $0x1BF5;
	p2 =	por !p2, p0  }
0x20: {  	[sflag:s8] =	ssyncset.s32 @!p0 $0xFFFFF086;
	s6 =	sadd.s32 @!p0 s3, s7;
	s7 =	simm.s32 @!p0 $0x108  }
0x21: {  	s3 =	sadd.s32 s3, s9;
	s6 =	sadd.s32 @!p0 $0x88, s6;
	s7 =	simm.s32 @p2 $0x1082  }
0x22: {  	[simem:s7], [sflag:s8] =	dma.local @!p0 [hbm:s6], $0xF7A  }
0x23: {  	s9 =	sor.u32 $0xD0000000, s2;
	s6 =	simm.s32 $0x108;
	_ =	swait.ge @!p0 [sflag:s8], $0x0  }
0x24: {  	s3 =	sadd.s32 $0x88, s3;
	s6 =	simm.s32 @!p1 $0x1082;
	[sflag:s4] =	ssyncset.s32 $0xFFFFF086  }
0x25: {  	[simem:s6], [sflag:s4] =	dma.local [hbm:s3], $0xF7A  }
0x26: {  	[smem:$0x3F8C] =	sst s1;
	(tag) =	ssettag s2;
	_ =	strace s9  }
0x27: {  	s1 =	sld [smem:$0x3F9C]  }
0x28: {  	s2 =	sld [smem:$0x3F9D]  }
0x29: {  	s4 =	sld [smem:$0x3F9F]  }
0x2a: {  	p0 =	seq.s32 s5, $0x0;
	s5 =	sld [smem:$0x3FA0]  }
0x2b: {  	s6 =	sld [smem:$0x3FA1]  }
0x2c: {  	s7 =	sld [smem:$0x3FA2]  }
0x2d: {  	s3 =	simm.s32 $0x108;
	s8 =	sld [smem:$0x3FA3]  }
0x2e: {  	s3 =	simm.s32 @!p0 $0x1082;
	s9 =	sld [smem:$0x3FA4]  }
0x2f: {  	lr =	sadd.s32 s0, s3;
	s0 =	sld [smem:$0x3F9B]  }
0x30: {  	s3 =	sld [smem:$0x3F9E]  }
0x31: {  	[smem:$0x3FA7] =	sst s10  }
0x32: {  	s10 =	sld [smem:$0x3FA5];
	_ =	sdelay $0x3  }
0x33: {  	p0 =	seq.s32 s10, $0x1;
	s10 =	sld [smem:$0x3FA7];
	_ =	sdelay $0x3  }
0x34: {  	[smem:$0x3FA7] =	sst s10  }
0x35: {  	s10 =	sld [smem:$0x3FA6];
	_ =	sdelay $0x3  }
0x36: {  	p1 =	seq.s32 s10, $0x1;
	s10 =	sld [smem:$0x3FA7];
	_ =	sdelay $0x3  }
0x37: {  	[smem:$0x3FA7] =	sst s10  }
0x38: {  	s10 =	sld [smem:$0x3FA8]  }
0x39: {  	_ = 	snop;
	(pc) =	sbr.ind lr, $3  }
0x3a: {  	_ = 	snop  }
0x3b: {  	_ = 	snop  }
0x3c: {  	p2 =	seq.s32 s10, $0x1;
	s10 =	sld [smem:$0x3FA7]  }
0x3d: {  	_ =	shalt  }
0x3e: {  	_ =	shalt  }
0x3f: {  	_ =	shalt  }
0x40: {  	_ =	shalt  }
0x41: {  	_ =	shalt  }
0x42: {  	_ =	shalt  }
0x43: {  	_ =	shalt  }
0x44: {  	_ =	shalt  }
0x45: {  	_ =	shalt  }
0x46: {  	_ =	shalt  }
0x47: {  	_ =	shalt  }
0x48: {  	_ =	shalt  }
0x49: {  	_ =	shalt  }
0x4a: {  	_ =	shalt  }
0x4b: {  	_ =	shalt  }
0x4c: {  	_ =	shalt  }
0x4d: {  	_ =	shalt  }
0x4e: {  	_ =	shalt  }
0x4f: {  	_ =	shalt  }
0x50: {  	_ =	shalt  }
0x51: {  	_ =	shalt  }
0x52: {  	_ =	shalt  }
0x53: {  	_ =	shalt  }
0x54: {  	_ =	shalt  }
0x55: {  	_ =	shalt  }
0x56: {  	_ =	shalt  }
0x57: {  	_ =	shalt  }
0x58: {  	_ =	shalt  }
0x59: {  	_ =	shalt  }
0x5a: {  	_ =	shalt  }
0x5b: {  	_ =	shalt  }
0x5c: {  	_ =	shalt  }
0x5d: {  	_ =	shalt  }
0x5e: {  	_ =	shalt  }
0x5f: {  	_ =	shalt  }
0x60: {  	_ =	shalt  }
0x61: {  	_ =	shalt  }
0x62: {  	_ =	shalt  }
0x63: {  	_ =	shalt  }
0x64: {  	_ =	shalt  }
0x65: {  	_ =	shalt  }
0x66: {  	_ =	shalt  }
0x67: {  	_ =	shalt  }
0x68: {  	_ =	shalt  }
0x69: {  	_ =	shalt  }
0x6a: {  	_ =	shalt  }
0x6b: {  	_ =	shalt  }
0x6c: {  	_ =	shalt  }
0x6d: {  	_ =	shalt  }
0x6e: {  	_ =	shalt  }
0x6f: {  	_ =	shalt  }
0x70: {  	_ =	shalt  }
0x71: {  	_ =	shalt  }
0x72: {  	_ =	shalt  }
0x73: {  	_ =	shalt  }
0x74: {  	_ =	shalt  }
0x75: {  	_ =	shalt  }
0x76: {  	_ =	shalt  }
0x77: {  	_ =	shalt  }
0x78: {  	_ =	shalt  }
0x79: {  	_ =	shalt  }
0x7a: {  	_ =	shalt  }
0x7b: {  	_ =	shalt  }
0x7c: {  	_ =	shalt  }
0x7d: {  	_ =	shalt  }
0x7e: {  	_ =	shalt  }
0x7f: {  	_ =	shalt  }
0x80: {  	_ =	shalt  }
0x81: {  	_ =	shalt  }
0x82: {  	_ =	shalt  }
0x83: {  	_ =	shalt  }
0x84: {  	_ =	shalt  }
0x85: {  	_ =	shalt  }
0x86: {  	_ =	shalt  }
0x87: {  	_ =	shalt  }
.Lfunc_end0:
.L_simem_size_0:
called_computation_lowered:
.L_overlay_start_0:
0x88: {  	s2 =	sld [smem:$0x3FD9]  }
0x89: {  	s3 =	sld [smem:$0x3FFE];
	_ =	sdelay $0x1  }
0x8a: {  	s1 =	srdreg.scid  }
0x8b: {  	s0 =	sand.u32 $0x1, s1  }
0x8c: {  	s17 =	sshll.u32 s0, $0xA;
	s2 =	sadd.s32 s3, s2  }
0x8d: {  	s2 =	sadd.s32 s2, s17  }
0x8e: {  	[smem:$0x3FB3] =	sst s2  }
0x8f: {  	_ = 	snop  }
0x90: {  	s2 =	sld [smem:$0x3FD0];
	(tm) =	ssettm $0x1  }
0x91: {  	s18 =	sld [smem:$0x3FFB];
	_ =	sdelay $0x3  }
0x92: {  	_ =	strace s18  }
0x93: {  	s3 =	sld [smem:$0x3FFC];
	_ =	sdelay $0x3  }
0x94: {  	_ =	strace s3  }
0x95: {  	s3 =	sld [smem:$0x3FFD];
	_ =	sdelay $0x3  }
0x96: {  	_ =	strace s3  }
0x97: {  	_ =	strace $0x8FFFFFFF  }
0x98: {  	s19 =	sld [smem:$0x3FDB];
	_ =	sdelay $0x1  }
0x99: {  	s4 =	simm.s32 $_scs_section_size  }
0x9a: {  	s5 =	simm.s32 $_size__tile_overlayer_lowered;
	s6 =	simm.s32 $_tile_overlayer_lowered  }
0x9b: {  	s22 =	simm.s32 $0x1BFF;
	s21 =	sshll.u32 s6, $0x1;
	s3 =	sadd.s32 s4, s19  }
0x9c: {  	s7 =	simm.s32 $0x0;
	s20 =	sshll.u32 s5, $0x1;
	s5 =	sadd.s32 s21, s3  }
0x9d: {  	[timem:s7], [sflag:s22] =	dma.local [hbm:s5], s20  }
0x9e: {  	_ =	swait.ge [sflag:s22], s20  }
0x9f: {  	s4 =	ssub.s32 $0x0, s20;
	[sflag:s22] =	ssyncset.done $0x0  }
0xa0: {  	[sflag:s22] =	ssyncadd.s32 s4;
	_ =	sdelay $0x1  }
0xa1: {  	s23 =	simm.s32 $0x1B8B  }
0xa2: {  	_ =	swait.ge [sflag:s23], $0x1  }
0xa3: {  	[sflag:s23] =	ssyncset.done $0x0  }
0xa4: {  	s25 =	simm.s32 $0x1B8E;
	s24 =	sld [smem:$0x3FFE];
	[sflag:s23] =	ssyncadd.s32 $0xFFFFFFFF  }
0xa5: {  	s26 =	simm.s32 $execute0_lowered;
	[smem:$0x3FD2] =	sst s25  }
0xa6: {  	s5 =	sshll.u32 s26, $0x1;
	_ =	strace $0x80000046;
	[dreg:$0x1] =	wrdreg $0xFFFFFFFF  }
0xa7: {  	s28 =	simm.s32 $_size_execute0_lowered;
	s3 =	sadd.s32 s3, s5;
	[dreg:$0x0] =	wrdreg $0x0  }
0xa8: {  	s5 =	sshll.u32 s28, $0x1;
	[dreg:$0x2] =	wrdreg s3  }
0xa9: {  	[dreg:$0x3] =	wrdreg s5  }
0xaa: {  	[dreg:$0x4] =	wrdreg $0xC0  }
0xab: {  	_ =	task [dreg:s7], $0x5FFFF  }
0xac: {  	[dreg:$0x1] =	wrdreg $0xFFFFFFFF  }
0xad: {  	[dreg:$0x0] =	wrdreg $0x60  }
0xae: {  	[dreg:$0x2] =	wrdreg s24  }
0xaf: {  	[dreg:$0x3] =	wrdreg s2  }
0xb0: {  	[dreg:$0x4] =	wrdreg $0x9  }
0xb1: {  	_ =	task.clear_ibuf [dreg:s7], $0x5FFFF;
	_ =	strace $0x90000046  }
0xb2: {  	s29 =	simm.s32 $0x9;
	_ =	strace $0x80000048  }
0xb3: {  	_ =	swait.ge [sflag:s29], $0x1  }
0xb4: {  	[sflag:s29] =	ssyncadd.s32 $0xFFFFFFFF  }
0xb5: {  	_ =	strace $0x90000048  }
0xb6: {  	_ =	sfence  }
0xb7: {  	s30 =	sld [smem:$0x0];
	_ =	sdelay $0x2  }
0xb8: {  	s31 =	sshll.u32 s1, $0xD;
	s1 =	sshrl.u32 s1, $0x2  }
0xb9: {  	s3 =	sand.u32 $0x4000, s31;
	s1 =	sadd.s32 s1, s30  }
0xba: {  	s0 =	sor.u32 s3, s0;
	s1 =	sshll.u32 s1, $0x11  }
0xbb: {  	s0 =	sor.u32 s1, s0  }
0xbc: {  	s0 =	sadd.s32 $0x8F2B, s0  }
0xbd: {  	[sflag:s0] =	ssyncadd.remote.s32 $0x1  }
0xbe: {  	_ =	sfence.sel $0xFFFF  }
0xbf: {  	[dreg:$0x0] =	wrdreg $0xFFFFFFFF;
	(pc) =	sbr.abs _section_cstart, $3  }
0xc0: {  	[dreg:$0x1] =	wrdreg $0xFFFFFFFF  }
0xc1: {  	_ =	task.clear_ibuf [dreg:s7], $0x2FFFF;
	_ =	strace $0x9FFFFFFF  }
0xc2: {  	(tm) =	ssettm $0x7FFFFFFF  }
0xc3: {  	_ =	shalt  }
tec
execute0_lowered:
.L_overlay_start_1:
0x0: {  	(tag) =	ssettag $0x1  }
0x1: {  	s0 =	srdreg.scid;
	s1 =	rddreg [dreg:$0x0]  }
0x2: {  	s2 =	rddreg [dreg:$0x1];
	s9 =	stileid.u32;
	s3 =	simm.s32 $0x0  }
0x3: {  	s29 =	simm.s32 $0xF000;
	s31 =	simm.s32 $0x11800;
	s0 =	sand.u32 $0x1, s0  }
0x4: {  	s28 =	simm.s32 $0x17000;
	s30 =	simm.s32 $0x1;
	s4 =	sshll.u32 s0, $0x4  }
0x5: {  	[smem:$0x7FF] =	sst s3;
	s8 =	sadd.s32 $0x4000, s1;
	s4 =	sor.u32 s9, s4  }
0x6: {  	_ =	strace $0x80000047;
	s5 =	sshrl.u32 s4, $0x1;
	s6 =	smul.u32 $0x5, s4  }
0x7: {  	s0 =	ssub.s32 $0x2, s0;
	s9 =	sshll.u32 s9, $0x9;
	s7 =	smul.u32 $0x14000, s5  }
0x8: {  	s18 =	sshrl.u32 s0, $0x1;
	s9 =	sand.u32 $0x200, s9;
	s10 =	smulhi.u32 $0xCCCCCCCD, s6  }
0x9: {  	s4 =	sadd.s32 $0x2C000, s1;
	s0 =	ssub.s32 s0, s18;
	s7 =	sor.u32 s9, s7  }
0xa: {  	s5 =	sadd.s32 $0x36000, s1;
	s17 =	sshrl.u32 s10, $0x6;
	s7 =	sshrl.u32 s7, $0x3  }
0xb: {  	s1 =	sadd.s32 $0x36600, s1;
	s9 =	smul.u32 $0x50, s17;
	s19 =	sadd.s32 s8, s7  }
0xc: {  	s20 =	sor.u32 $0x10, s7;
	s11 =	sor.u32 $0x20, s7;
	s12 =	sor.u32 $0x30, s7  }
0xd: {  	s16 =	sadd.s32 s1, s7;
	s7 =	simm.s32 $0x0;
	[dreg:$0x3] =	wrdreg s19  }
0xe: {  	s21 =	sadd.s32 s8, s20;
	s22 =	sadd.s32 s8, s11;
	s8 =	sadd.s32 s8, s12  }
0xf: {  	s17 =	sadd.s32 s1, s20;
	s18 =	sadd.s32 s1, s11;
	s19 =	sadd.s32 s1, s12  }
0x10: {  	s20 =	smax.u32 s0, $0x1;
	s0 =	simm.s32 $0x2;
	[dreg:$0x4] =	wrdreg s21  }
0x11: {  	s1 =	simm.s32 $0x3;
	s6 =	ssub.s32 s6, s9;
	[dreg:$0x5] =	wrdreg s22  }
0x12: {  	[dreg:$0x6] =	wrdreg s8;
	s21 =	simm.s32 $0x80;
	s22 =	simm.s32 $0x400  }
0x13: {  	s23 =	sadd.s32 $0x1, s6;
	s24 =	sshll.u32 s6, $0x9;
	s14 =	sadd.s32 $0x2, s6  }
0x14: {  	s15 =	sadd.s32 $0x3, s6;
	s6 =	simm.s32 $0x4;
	p0 =	seq.s32 s23, $0x50  }
.Ltmp0:
0x15: {  	s9 =	sshll.u32 s23, $0x9;
	s13 =	sadd.s32 s2, s24;
	(pc) =	sbr.rel .LBB2_1-.Ltmp0, $4  }
0x16: {  	s8 =	sadd.s32 s4, s24;
	s9 =	simm.s32 @p0 $0x0;
	[dreg:$0x7] =	wrdreg s13  }
0x17: {  	s23 =	simm.s32 $0x5;
	[dreg:$0x8] =	wrdreg s8;
	s25 =	sadd.s32 s2, s9  }
0x18: {  	s24 =	simm.s32 $0xA000;
	s26 =	sadd.s32 s4, s9;
	[dreg:$0x9] =	wrdreg s25  }
0x19: {  	[dreg:$0xa] =	wrdreg s26;
	s26 =	simm.s32 $0xC800;
	s25 =	simm.s32 $0x15000  }
.LBB2_8:
0x1a: {  	[hbm4b:s16+s21] =	stream.strided.scatter [tilespmem:s24], [sflag:$0x5], $0x2800, s22, s21, $0x38;
	[tilespmem:$0x18000] =	vst v63  }
0x1b: {  	_ =	swait.ge [sflag:s23], $0x2800  }
0x1c: {  	[sflag:s23] =	ssyncset.done $0x0  }
0x1d: {  	[sflag:s23] =	ssyncadd.s32 $0xFFFFD800  }
0x1e: {  	[hbm4b:s17+s21] =	stream.strided.scatter [tilespmem:s26], [sflag:$0x5], $0x2800, s22, s21, $0x38;
	[tilespmem:$0x18000] =	vst v63  }
0x1f: {  	_ =	swait.ge [sflag:s23], $0x2800  }
0x20: {  	[sflag:s23] =	ssyncset.done $0x0  }
0x21: {  	[sflag:s23] =	ssyncadd.s32 $0xFFFFD800  }
0x22: {  	[hbm4b:s18+s21] =	stream.strided.scatter [tilespmem:s29], [sflag:$0x5], $0x2800, s22, s21, $0x38;
	[tilespmem:$0x18000] =	vst v63  }
0x23: {  	s7 =	sadd.s32 $0x1, s7;
	_ =	swait.ge [sflag:s23], $0x2800  }
0x24: {  	p0 =	sne.s32 s7, s20;
	[sflag:s23] =	ssyncset.done $0x0  }
.Ltmp1:
0x25: {  	[sflag:s23] =	ssyncadd.s32 $0xFFFFD800;
	(pc) =	sbr.rel @!p0 .LBB2_9-.Ltmp1, $4  }
0x26: {  	[hbm4b:s19+s21] =	stream.strided.scatter [tilespmem:s31], [sflag:$0x5], $0x2800, s22, s21, $0x38;
	[tilespmem:$0x18000] =	vst v63  }
0x27: {  	_ =	swait.ge [sflag:s23], $0x2800  }
0x28: {  	[sflag:s23] =	ssyncset.done $0x0  }
0x29: {  	[sflag:s23] =	ssyncadd.s32 $0xFFFFD800  }
.LBB2_1:
0x2a: {  	s8 =	rddreg [dreg:$0x3]  }
0x2b: {  	[tilespmem:s3], [sflag:$0x5] =	stream.strided.gather [hbm4b:s8+s21], $0x2800, s22, s21, $0x38;
	[tilespmem:$0x18000] =	vst v63  }
0x2c: {  	_ =	swait.ge [sflag:s23], $0x2800  }
0x2d: {  	[sflag:s23] =	ssyncset.done $0x0  }
0x2e: {  	[sflag:s23] =	ssyncadd.s32 $0xFFFFD800  }
0x2f: {  	[tilespmem:s24], [sflag:$0x5] =	stream.linear.gather [hbm4b:s5+s3], $0x2800, $0x38;
	[tilespmem:$0x18000] =	vst v63  }
0x30: {  	_ =	swait.ge [sflag:s23], $0x2800  }
0x31: {  	[sflag:s23] =	ssyncset.done $0x0  }
0x32: {  	s9 =	simm.s32 $0x2800;
	s11 =	rddreg [dreg:$0x4];
	[sflag:s23] =	ssyncadd.s32 $0xFFFFD800  }
0x33: {  	[tilespmem:s9], [sflag:$0x5] =	stream.strided.gather [hbm4b:s11+s21], $0x2800, s22, s21, $0x38;
	[tilespmem:$0x18000] =	vst v63  }
0x34: {  	_ =	swait.ge [sflag:s23], $0x2800  }
0x35: {  	[sflag:s23] =	ssyncset.done $0x0  }
0x36: {  	[sflag:s23] =	ssyncadd.s32 $0xFFFFD800  }
0x37: {  	[tilespmem:s26], [sflag:$0x5] =	stream.linear.gather [hbm4b:s5+s3], $0x2800, $0x38;
	[tilespmem:$0x18000] =	vst v63  }
0x38: {  	_ =	swait.ge [sflag:s23], $0x2800  }
0x39: {  	[sflag:s23] =	ssyncset.done $0x0  }
0x3a: {  	s13 =	simm.s32 $0x5000;
	s12 =	rddreg [dreg:$0x5];
	[sflag:s23] =	ssyncadd.s32 $0xFFFFD800  }
0x3b: {  	[tilespmem:s13], [sflag:$0x5] =	stream.strided.gather [hbm4b:s12+s21], $0x2800, s22, s21, $0x38;
	[tilespmem:$0x18000] =	vst v63  }
0x3c: {  	_ =	swait.ge [sflag:s23], $0x2800  }
0x3d: {  	[sflag:s23] =	ssyncset.done $0x0  }
0x3e: {  	[sflag:s23] =	ssyncadd.s32 $0xFFFFD800  }
0x3f: {  	[tilespmem:s29], [sflag:$0x5] =	stream.linear.gather [hbm4b:s5+s3], $0x2800, $0x38;
	[tilespmem:$0x18000] =	vst v63  }
0x40: {  	_ =	swait.ge [sflag:s23], $0x2800  }
0x41: {  	[sflag:s23] =	ssyncset.done $0x0  }
0x42: {  	s11 =	simm.s32 $0x7800;
	s10 =	rddreg [dreg:$0x6];
	[sflag:s23] =	ssyncadd.s32 $0xFFFFD800  }
0x43: {  	[tilespmem:s11], [sflag:$0x5] =	stream.strided.gather [hbm4b:s10+s21], $0x2800, s22, s21, $0x38;
	[tilespmem:$0x18000] =	vst v63  }
0x44: {  	_ =	swait.ge [sflag:s23], $0x2800  }
0x45: {  	[sflag:s23] =	ssyncset.done $0x0  }
0x46: {  	[sflag:s23] =	ssyncadd.s32 $0xFFFFD800  }
0x47: {  	[tilespmem:s31], [sflag:$0x5] =	stream.linear.gather [hbm4b:s5+s3], $0x2800, $0x38;
	[tilespmem:$0x18000] =	vst v63  }
0x48: {  	_ =	swait.ge [sflag:s23], $0x2800  }
0x49: {  	[sflag:s23] =	ssyncset.done $0x0  }
0x4a: {  	s13 =	simm.s32 $0x14000;
	s12 =	rddreg [dreg:$0x7];
	[sflag:s23] =	ssyncadd.s32 $0xFFFFD800  }
0x4b: {  	[tilespmem:s13], [sflag:$0x1] =	stream.linear.gather [hbm4b:s12+s3], $0x1000, $0x38;
	[tilespmem:$0x18000] =	vst v63  }
0x4c: {  	s11 =	simm.s32 $0x16000;
	s10 =	rddreg [dreg:$0x8]  }
0x4d: {  	[tilespmem:s11], [sflag:$0x2] =	stream.linear.gather [hbm4b:s10+s3], $0x1000, $0x38;
	[tilespmem:$0x18000] =	vst v63  }
0x4e: {  	s12 =	rddreg [dreg:$0x9]  }
0x4f: {  	[tilespmem:s25], [sflag:$0x3] =	stream.linear.gather [hbm4b:s12+s3], $0x1000, $0x38;
	[tilespmem:$0x18000] =	vst v63  }
0x50: {  	s8 =	simm.s32 $0x0;
	s13 =	rddreg [dreg:$0xa]  }
0x51: {  	[tilespmem:s28], [sflag:$0x4] =	stream.linear.gather [hbm4b:s13+s3], $0x1000, $0x38;
	[tilespmem:$0x18000] =	vst v63  }
.LBB2_2:
0x52: {  	_ =	swait.ge [sflag:s30], $0x1000  }
0x53: {  	[sflag:s30] =	ssyncset.done $0x0  }
0x54: {  	[sflag:s30] =	ssyncadd.s32 $0xFFFFF000  }
0x55: {  	_ =	swait.ge [sflag:s0], $0x1000  }
0x56: {  	[sflag:s0] =	ssyncset.done $0x0  }
0x57: {  	s10 =	simm.s32 $0x14040;
	[sflag:s0] =	ssyncadd.s32 $0xFFFFF000  }
0x58: {  	v0 =	vld [tilespmem:s10+$0x30]  }
0x59: {  	v1 =	vld [tilespmem:s10+$0xFFFFFFD0]  }
0x5a: {  	v2 =	vld [tilespmem:s10+$0xFFFFFFE0]  }
0x5b: {  	v3 =	vld [tilespmem:s10+$0xFFFFFFF0]  }
0x5c: {  	v4 =	vld [tilespmem:s10+$0x0]  }
0x5d: {  	s9 =	simm.s32 $0x16040;
	v5 =	vld [tilespmem:s10+$0x10]  }
0x5e: {  	v6 =	vld [tilespmem:s9+$0x30]  }
0x5f: {  	v7 =	vld [tilespmem:s10+$0x20]  }
0x60: {  	v9 =	vld [tilespmem:s10+$0xFFFFFFC0]  }
0x61: {  	v19 =	vld [tilespmem:s9+$0xFFFFFFC0]  }
0x62: {  	v20 =	vld [tilespmem:s9+$0xFFFFFFD0]  }
0x63: {  	v62 =	vld [tilespmem:s9+$0xFFFFFFE0]  }
0x64: {  	v21 =	vld [tilespmem:s9+$0xFFFFFFF0]  }
0x65: {  	v22 =	vld [tilespmem:s9+$0x0]  }
0x66: {  	v23 =	vld [tilespmem:s9+$0x10]  }
0x67: {  	v24 =	vld [tilespmem:s9+$0x20]  }
0x68: {  	v8 =	vld.idx.msk [tilespmem:v0+s3+$0x0], $0xffff  }
0x69: {  	v10 =	vld.idx.msk [tilespmem:v1+s3+$0x0], $0xffff  }
0x6a: {  	v12 =	vld.idx.msk [tilespmem:v2+s3+$0x0], $0xffff  }
0x6b: {  	v13 =	vld.idx.msk [tilespmem:v3+s3+$0x0], $0xffff  }
0x6c: {  	v16 =	vld.idx.msk [tilespmem:v9+s3+$0x0], $0xffff  }
0x6d: {  	v14 =	vld.idx.msk [tilespmem:v4+s3+$0x0], $0xffff  }
0x6e: {  	v61 =	vld.idx.msk [tilespmem:v5+s3+$0x0], $0xffff  }
0x6f: {  	v18 =	vld.idx.msk [tilespmem:v7+s3+$0x0], $0xffff  }
0x70: {  	[tilespmem:v6+s24+$0x0] =	vst.idx.add.f32.msk $0xffff, v8  }
0x71: {  	[tilespmem:v19+s24+$0x0] =	vst.idx.add.f32.msk $0xffff, v16  }
0x72: {  	[tilespmem:v20+s24+$0x0] =	vst.idx.add.f32.msk $0xffff, v10  }
0x73: {  	v11 =	vadd.s32 $0x2800, v0;
	[tilespmem:v62+s24+$0x0] =	vst.idx.add.f32.msk $0xffff, v12  }
0x74: {  	v25 =	vadd.s32 $0x2800, v1;
	[tilespmem:v21+s24+$0x0] =	vst.idx.add.f32.msk $0xffff, v13  }
0x75: {  	v26 =	vadd.s32 $0x2800, v2;
	[tilespmem:v22+s24+$0x0] =	vst.idx.add.f32.msk $0xffff, v14  }
0x76: {  	v29 =	vadd.s32 $0x2800, v5;
	[tilespmem:v23+s24+$0x0] =	vst.idx.add.f32.msk $0xffff, v61  }
0x77: {  	v30 =	vadd.s32 $0x2800, v7;
	[tilespmem:v24+s24+$0x0] =	vst.idx.add.f32.msk $0xffff, v18  }
0x78: {  	v15 =	vadd.s32 $0x2800, v6;
	v8 =	vld.idx.msk [tilespmem:v11+s3+$0x0], $0xffff  }
0x79: {  	v17 =	vadd.s32 $0x5000, v0;
	v10 =	vld.idx.msk [tilespmem:v25+s3+$0x0], $0xffff  }
0x7a: {  	v32 =	vadd.s32 $0x2800, v20;
	v12 =	vld.idx.msk [tilespmem:v26+s3+$0x0], $0xffff  }
0x7b: {  	v33 =	vadd.s32 $0x2800, v62;
	v11 =	vld.idx.msk [tilespmem:v29+s3+$0x0], $0xffff  }
0x7c: {  	v13 =	vld.idx.msk [tilespmem:v30+s3+$0x0], $0xffff;
	v26 =	vadd.s32 $0x2800, v23  }
0x7d: {  	v37 =	vadd.s32 $0x5000, v1;
	[tilespmem:v15+s24+$0x0] =	vst.idx.add.f32.msk $0xffff, v8  }
0x7e: {  	v63 =	vadd.s32 $0x5000, v6;
	v8 =	vld.idx.msk [tilespmem:v17+s3+$0x0], $0xffff  }
0x7f: {  	[tilespmem:v32+s24+$0x0] =	vst.idx.add.f32.msk $0xffff, v10;
	v17 =	vadd.s32 $0x2800, v9  }
0x80: {  	v35 =	vadd.s32 $0x2800, v24;
	[tilespmem:v33+s24+$0x0] =	vst.idx.add.f32.msk $0xffff, v12  }
0x81: {  	v0 =	vadd.s32 $0x7800, v0;
	[tilespmem:v26+s24+$0x0] =	vst.idx.add.f32.msk $0xffff, v11  }
0x82: {  	v42 =	vadd.s32 $0x5000, v7;
	v12 =	vld.idx.msk [tilespmem:v37+s3+$0x0], $0xffff  }
0x83: {  	v44 =	vadd.s32 $0x5000, v20;
	[tilespmem:v63+s24+$0x0] =	vst.idx.add.f32.msk $0xffff, v8  }
0x84: {  	v31 =	vadd.s32 $0x2800, v19;
	v8 =	vld.idx.msk [tilespmem:v17+s3+$0x0], $0xffff  }
0x85: {  	v41 =	vadd.s32 $0x5000, v5;
	[tilespmem:v35+s24+$0x0] =	vst.idx.add.f32.msk $0xffff, v13  }
0x86: {  	v6 =	vadd.s32 $0x7800, v6;
	v0 =	vld.idx.msk [tilespmem:v0+s3+$0x0], $0xffff  }
0x87: {  	v27 =	vadd.s32 $0x2800, v3;
	v13 =	vld.idx.msk [tilespmem:v42+s3+$0x0], $0xffff  }
0x88: {  	v28 =	vadd.s32 $0x2800, v4;
	[tilespmem:v44+s24+$0x0] =	vst.idx.add.f32.msk $0xffff, v12  }
0x89: {  	v49 =	vadd.s32 $0x5000, v24;
	[tilespmem:v31+s24+$0x0] =	vst.idx.add.f32.msk $0xffff, v8  }
0x8a: {  	v36 =	vadd.s32 $0x5000, v9;
	v8 =	vld.idx.msk [tilespmem:v41+s3+$0x0], $0xffff  }
0x8b: {  	v48 =	vadd.s32 $0x5000, v23;
	[tilespmem:v6+s24+$0x0] =	vst.idx.add.f32.msk $0xffff, v0  }
0x8c: {  	v34 =	vadd.s32 $0x2800, v21;
	v0 =	vld.idx.msk [tilespmem:v27+s3+$0x0], $0xffff  }
0x8d: {  	v25 =	vadd.s32 $0x2800, v22;
	v6 =	vld.idx.msk [tilespmem:v28+s3+$0x0], $0xffff  }
0x8e: {  	v38 =	vadd.s32 $0x5000, v2;
	[tilespmem:v49+s24+$0x0] =	vst.idx.add.f32.msk $0xffff, v13  }
0x8f: {  	v43 =	vadd.s32 $0x5000, v19;
	v10 =	vld.idx.msk [tilespmem:v36+s3+$0x0], $0xffff  }
0x90: {  	v54 =	vadd.s32 $0x7800, v5;
	[tilespmem:v48+s24+$0x0] =	vst.idx.add.f32.msk $0xffff, v8  }
0x91: {  	v39 =	vadd.s32 $0x5000, v3;
	[tilespmem:v34+s24+$0x0] =	vst.idx.add.f32.msk $0xffff, v0  }
0x92: {  	v40 =	vadd.s32 $0x5000, v4;
	[tilespmem:v25+s24+$0x0] =	vst.idx.add.f32.msk $0xffff, v6  }
0x93: {  	v9 =	vadd.s32 $0x7800, v9;
	v0 =	vld.idx.msk [tilespmem:v38+s3+$0x0], $0xffff  }
0x94: {  	v45 =	vadd.s32 $0x5000, v62;
	[tilespmem:v43+s24+$0x0] =	vst.idx.add.f32.msk $0xffff, v10  }
0x95: {  	v50 =	vadd.s32 $0x7800, v1;
	v53 =	vadd.s32 $0x7800, v4;
	v4 =	vld.idx.msk [tilespmem:v54+s3+$0x0], $0xffff  }
0x96: {  	v59 =	vadd.s32 $0x7800, v62;
	v62 =	vadd.s32 $0x7800, v23;
	v6 =	vld.idx.msk [tilespmem:v39+s3+$0x0], $0xffff  }
0x97: {  	v46 =	vadd.s32 $0x5000, v21;
	v11 =	vld.idx.msk [tilespmem:v40+s3+$0x0], $0xffff  }
0x98: {  	v47 =	vadd.s32 $0x5000, v22;
	v55 =	vld.idx.msk [tilespmem:v9+s3+$0x0], $0xffff  }
0x99: {  	v51 =	vadd.s32 $0x7800, v2;
	[tilespmem:v45+s24+$0x0] =	vst.idx.add.f32.msk $0xffff, v0  }
0x9a: {  	v56 =	vadd.s32 $0x7800, v7;
	v0 =	vld.idx.msk [tilespmem:v50+s3+$0x0], $0xffff  }
0x9b: {  	v57 =	vadd.s32 $0x7800, v19;
	[tilespmem:v62+s24+$0x0] =	vst.idx.add.f32.msk $0xffff, v4  }
0x9c: {  	v52 =	vadd.s32 $0x7800, v3;
	[tilespmem:v46+s24+$0x0] =	vst.idx.add.f32.msk $0xffff, v6  }
0x9d: {  	[tilespmem:v47+s24+$0x0] =	vst.idx.add.f32.msk $0xffff, v11  }
0x9e: {  	v58 =	vadd.s32 $0x7800, v20;
	v1 =	vld.idx.msk [tilespmem:v51+s3+$0x0], $0xffff  }
0x9f: {  	v6 =	vld.idx.msk [tilespmem:v56+s3+$0x0], $0xffff  }
0xa0: {  	v63 =	vadd.s32 $0x7800, v24;
	[tilespmem:v57+s24+$0x0] =	vst.idx.add.f32.msk $0xffff, v55  }
0xa1: {  	v60 =	vadd.s32 $0x7800, v21;
	v2 =	vld.idx.msk [tilespmem:v52+s3+$0x0], $0xffff  }
0xa2: {  	v61 =	vadd.s32 $0x7800, v22;
	v3 =	vld.idx.msk [tilespmem:v53+s3+$0x0], $0xffff  }
0xa3: {  	[tilespmem:v58+s24+$0x0] =	vst.idx.add.f32.msk $0xffff, v0  }
0xa4: {  	[tilespmem:v59+s24+$0x0] =	vst.idx.add.f32.msk $0xffff, v1  }
0xa5: {  	[tilespmem:v63+s24+$0x0] =	vst.idx.add.f32.msk $0xffff, v6  }
0xa6: {  	[tilespmem:v60+s24+$0x0] =	vst.idx.add.f32.msk $0xffff, v2  }
0xa7: {  	s11 =	simm.s32 $0x140C0;
	s10 =	simm.s32 $0x0;
	[tilespmem:v61+s24+$0x0] =	vst.idx.add.f32.msk $0xffff, v3  }
.LBB2_3:
0xa8: {  	v11 =	vld [tilespmem:s11+$0x30];
	s10 =	sadd.s32 $0x8, s10  }
0xa9: {  	v4 =	vld [tilespmem:s11+$0xFFFFFFD0];
	p0 =	slt.u32 s10, $0xF8  }
0xaa: {  	v5 =	vld [tilespmem:s11+$0xFFFFFFE0]  }
0xab: {  	v9 =	vld [tilespmem:s11+$0xFFFFFFF0]  }
0xac: {  	v12 =	vld [tilespmem:s11+$0x0]  }
0xad: {  	s9 =	sadd.s32 $0x80, s9;
	v13 =	vld [tilespmem:s11+$0x10]  }
0xae: {  	v14 =	vadd.s32 $0x2800, v4;
	v6 =	vadd.s32 $0x5000, v4;
	v0 =	vadd.s32 $0x7800, v4;
	v15 =	vld [tilespmem:s9+$0x30]  }
0xaf: {  	v16 =	vadd.s32 $0x2800, v5;
	v7 =	vadd.s32 $0x5000, v5;
	v1 =	vadd.s32 $0x7800, v5;
	v17 =	vld [tilespmem:s11+$0x20]  }
0xb0: {  	v18 =	vadd.s32 $0x2800, v9;
	v8 =	vadd.s32 $0x5000, v9;
	v2 =	vadd.s32 $0x7800, v9;
	v19 =	vld.idx.msk [tilespmem:v11+s3+$0x0], $0xffff  }
0xb1: {  	v20 =	vld [tilespmem:s11+$0xFFFFFFC0];
	v21 =	vadd.s32 $0x2800, v12;
	v10 =	vadd.s32 $0x5000, v12;
	v3 =	vadd.s32 $0x7800, v12  }
0xb2: {  	v25 =	vadd.s32 $0x2800, v11;
	v22 =	vld.idx.msk [tilespmem:v4+s3+$0x0], $0xffff;
	v23 =	vadd.s32 $0x2800, v13;
	v24 =	vadd.s32 $0x5000, v13  }
0xb3: {  	v4 =	vadd.s32 $0x7800, v13;
	v26 =	vld.idx.msk [tilespmem:v5+s3+$0x0], $0xffff  }
0xb4: {  	v27 =	vld.idx.msk [tilespmem:v9+s3+$0x0], $0xffff;
	v28 =	vadd.s32 $0x2800, v17;
	v29 =	vadd.s32 $0x5000, v17;
	v5 =	vadd.s32 $0x7800, v17  }
0xb5: {  	v12 =	vld.idx.msk [tilespmem:v12+s3+$0x0], $0xffff  }
0xb6: {  	v30 =	vadd.s32 $0x2800, v20;
	v31 =	vadd.s32 $0x5000, v20;
	v9 =	vadd.s32 $0x7800, v20;
	[tilespmem:v15+s24+$0x0] =	vst.idx.add.f32.msk $0xffff, v19  }
0xb7: {  	v19 =	vld.idx.msk [tilespmem:v25+s3+$0x0], $0xffff  }
0xb8: {  	v25 =	vadd.s32 $0x2800, v15;
	v13 =	vld.idx.msk [tilespmem:v13+s3+$0x0], $0xffff  }
0xb9: {  	v32 =	vadd.s32 $0x5000, v11;
	v20 =	vld.idx.msk [tilespmem:v20+s3+$0x0], $0xffff  }
0xba: {  	v17 =	vld.idx.msk [tilespmem:v17+s3+$0x0], $0xffff  }
0xbb: {  	v33 =	vld [tilespmem:s9+$0xFFFFFFC0]  }
0xbc: {  	v34 =	vld [tilespmem:s9+$0xFFFFFFD0]  }
0xbd: {  	[tilespmem:v25+s24+$0x0] =	vst.idx.add.f32.msk $0xffff, v19  }
0xbe: {  	v19 =	vld.idx.msk [tilespmem:v32+s3+$0x0], $0xffff  }
0xbf: {  	v32 =	vadd.s32 $0x5000, v15;
	v25 =	vld [tilespmem:s9+$0xFFFFFFE0]  }
0xc0: {  	v11 =	vadd.s32 $0x7800, v11;
	v35 =	vadd.s32 $0x2800, v33;
	v36 =	vadd.s32 $0x5000, v33;
	v37 =	vld [tilespmem:s9+$0xFFFFFFF0]  }
0xc1: {  	v38 =	vadd.s32 $0x7800, v33;
	v39 =	vadd.s32 $0x2800, v34;
	v40 =	vadd.s32 $0x5000, v34;
	v41 =	vld [tilespmem:s9+$0x0]  }
0xc2: {  	v42 =	vadd.s32 $0x7800, v34;
	v43 =	vld [tilespmem:s9+$0x10]  }
0xc3: {  	v44 =	vld [tilespmem:s9+$0x20]  }
0xc4: {  	v45 =	vadd.s32 $0x2800, v25;
	v46 =	vadd.s32 $0x5000, v25;
	v47 =	vadd.s32 $0x7800, v25;
	[tilespmem:v32+s24+$0x0] =	vst.idx.add.f32.msk $0xffff, v19  }
0xc5: {  	v19 =	vadd.s32 $0x2800, v37;
	v32 =	vadd.s32 $0x5000, v37;
	v48 =	vadd.s32 $0x7800, v37;
	v11 =	vld.idx.msk [tilespmem:v11+s3+$0x0], $0xffff  }
0xc6: {  	v15 =	vadd.s32 $0x7800, v15;
	[tilespmem:v33+s24+$0x0] =	vst.idx.add.f32.msk $0xffff, v20;
	v20 =	vadd.s32 $0x2800, v41;
	v33 =	vadd.s32 $0x5000, v41  }
0xc7: {  	[tilespmem:v34+s24+$0x0] =	vst.idx.add.f32.msk $0xffff, v22;
	v22 =	vadd.s32 $0x7800, v41;
	v34 =	vadd.s32 $0x2800, v43;
	v49 =	vadd.s32 $0x5000, v43  }
0xc8: {  	[tilespmem:v25+s24+$0x0] =	vst.idx.add.f32.msk $0xffff, v26;
	v25 =	vadd.s32 $0x7800, v43;
	v26 =	vadd.s32 $0x2800, v44;
	v50 =	vadd.s32 $0x5000, v44  }
0xc9: {  	[tilespmem:v37+s24+$0x0] =	vst.idx.add.f32.msk $0xffff, v27;
	v27 =	vadd.s32 $0x7800, v44  }
0xca: {  	[tilespmem:v41+s24+$0x0] =	vst.idx.add.f32.msk $0xffff, v12  }
0xcb: {  	[tilespmem:v15+s24+$0x0] =	vst.idx.add.f32.msk $0xffff, v11  }
0xcc: {  	[tilespmem:v43+s24+$0x0] =	vst.idx.add.f32.msk $0xffff, v13  }
0xcd: {  	[tilespmem:v44+s24+$0x0] =	vst.idx.add.f32.msk $0xffff, v17  }
0xce: {  	v11 =	vld.idx.msk [tilespmem:v30+s3+$0x0], $0xffff  }
0xcf: {  	v12 =	vld.idx.msk [tilespmem:v14+s3+$0x0], $0xffff  }
0xd0: {  	v13 =	vld.idx.msk [tilespmem:v16+s3+$0x0], $0xffff  }
0xd1: {  	v14 =	vld.idx.msk [tilespmem:v18+s3+$0x0], $0xffff  }
0xd2: {  	v15 =	vld.idx.msk [tilespmem:v21+s3+$0x0], $0xffff  }
0xd3: {  	v16 =	vld.idx.msk [tilespmem:v23+s3+$0x0], $0xffff  }
0xd4: {  	v17 =	vld.idx.msk [tilespmem:v28+s3+$0x0], $0xffff  }
0xd5: {  	[tilespmem:v35+s24+$0x0] =	vst.idx.add.f32.msk $0xffff, v11  }
0xd6: {  	[tilespmem:v39+s24+$0x0] =	vst.idx.add.f32.msk $0xffff, v12  }
0xd7: {  	[tilespmem:v45+s24+$0x0] =	vst.idx.add.f32.msk $0xffff, v13  }
0xd8: {  	[tilespmem:v19+s24+$0x0] =	vst.idx.add.f32.msk $0xffff, v14  }
0xd9: {  	[tilespmem:v20+s24+$0x0] =	vst.idx.add.f32.msk $0xffff, v15  }
0xda: {  	[tilespmem:v34+s24+$0x0] =	vst.idx.add.f32.msk $0xffff, v16  }
0xdb: {  	[tilespmem:v26+s24+$0x0] =	vst.idx.add.f32.msk $0xffff, v17  }
0xdc: {  	v11 =	vld.idx.msk [tilespmem:v31+s3+$0x0], $0xffff  }
0xdd: {  	v6 =	vld.idx.msk [tilespmem:v6+s3+$0x0], $0xffff  }
0xde: {  	v7 =	vld.idx.msk [tilespmem:v7+s3+$0x0], $0xffff  }
0xdf: {  	v8 =	vld.idx.msk [tilespmem:v8+s3+$0x0], $0xffff  }
0xe0: {  	v10 =	vld.idx.msk [tilespmem:v10+s3+$0x0], $0xffff  }
0xe1: {  	v12 =	vld.idx.msk [tilespmem:v24+s3+$0x0], $0xffff  }
0xe2: {  	v13 =	vld.idx.msk [tilespmem:v29+s3+$0x0], $0xffff  }
0xe3: {  	[tilespmem:v36+s24+$0x0] =	vst.idx.add.f32.msk $0xffff, v11  }
0xe4: {  	[tilespmem:v40+s24+$0x0] =	vst.idx.add.f32.msk $0xffff, v6  }
0xe5: {  	[tilespmem:v46+s24+$0x0] =	vst.idx.add.f32.msk $0xffff, v7  }
0xe6: {  	[tilespmem:v32+s24+$0x0] =	vst.idx.add.f32.msk $0xffff, v8  }
0xe7: {  	[tilespmem:v33+s24+$0x0] =	vst.idx.add.f32.msk $0xffff, v10  }
0xe8: {  	[tilespmem:v49+s24+$0x0] =	vst.idx.add.f32.msk $0xffff, v12  }
0xe9: {  	[tilespmem:v50+s24+$0x0] =	vst.idx.add.f32.msk $0xffff, v13  }
0xea: {  	v6 =	vld.idx.msk [tilespmem:v9+s3+$0x0], $0xffff  }
0xeb: {  	v0 =	vld.idx.msk [tilespmem:v0+s3+$0x0], $0xffff  }
0xec: {  	v1 =	vld.idx.msk [tilespmem:v1+s3+$0x0], $0xffff  }
0xed: {  	v2 =	vld.idx.msk [tilespmem:v2+s3+$0x0], $0xffff  }
0xee: {  	v3 =	vld.idx.msk [tilespmem:v3+s3+$0x0], $0xffff  }
0xef: {  	v4 =	vld.idx.msk [tilespmem:v4+s3+$0x0], $0xffff  }
0xf0: {  	v5 =	vld.idx.msk [tilespmem:v5+s3+$0x0], $0xffff  }
0xf1: {  	[tilespmem:v38+s24+$0x0] =	vst.idx.add.f32.msk $0xffff, v6  }
0xf2: {  	[tilespmem:v42+s24+$0x0] =	vst.idx.add.f32.msk $0xffff, v0  }
.Ltmp2:
0xf3: {  	[tilespmem:v47+s24+$0x0] =	vst.idx.add.f32.msk $0xffff, v1;
	(pc) =	sbr.rel @p0 .LBB2_3-.Ltmp2, $4  }
0xf4: {  	[tilespmem:v48+s24+$0x0] =	vst.idx.add.f32.msk $0xffff, v2  }
0xf5: {  	[tilespmem:v22+s24+$0x0] =	vst.idx.add.f32.msk $0xffff, v3  }
0xf6: {  	[tilespmem:v25+s24+$0x0] =	vst.idx.add.f32.msk $0xffff, v4  }
0xf7: {  	s11 =	sadd.s32 $0x80, s11;
	[tilespmem:v27+s24+$0x0] =	vst.idx.add.f32.msk $0xffff, v5  }
0xf8: {  	s9 =	sshll.u32 s8, $0x1;
	p0 =	seq.s32 s8, $0x27  }
0xf9: {  	s10 =	sadd.s32 @!p0 s9, s14  }
0xfa: {  	s11 =	smulhi.u32 @!p0 $0xCCCCCCCD, s10;
	_ =	sdelay $0x1  }
0xfb: {  	s11 =	sshrl.u32 @!p0 s11, $0x6  }
0xfc: {  	s11 =	smul.u32 @!p0 $0x50, s11;
	_ =	sdelay $0x1  }
0xfd: {  	s10 =	ssub.s32 @!p0 s10, s11  }
0xfe: {  	s10 =	sshll.u32 @!p0 s10, $0x9  }
0xff: {  	s12 =	simm.s32 @!p0 $0x0;
	s13 =	simm.s32 @!p0 $0x14000;
	s11 =	sadd.s32 @!p0 s2, s10  }
0x100: {  	[tilespmem:s13], [sflag:$0x1] =	stream.linear.gather @!p0 [hbm4b:s11+s12], $0x1000, $0x38;
	[tilespmem:$0x18000] =	vst v63  }
0x101: {  	s10 =	sadd.s32 @!p0 s4, s10;
	s11 =	simm.s32 @!p0 $0x16000  }
0x102: {  	[tilespmem:s11], [sflag:$0x2] =	stream.linear.gather @!p0 [hbm4b:s10+s12], $0x1000, $0x38;
	[tilespmem:$0x18000] =	vst v63  }
0x103: {  	_ =	swait.ge [sflag:s1], $0x1000  }
0x104: {  	[sflag:s1] =	ssyncset.done $0x0  }
0x105: {  	[sflag:s1] =	ssyncadd.s32 $0xFFFFF000  }
0x106: {  	_ =	swait.ge [sflag:s6], $0x1000  }
0x107: {  	[sflag:s6] =	ssyncset.done $0x0  }
0x108: {  	s13 =	simm.s32 $0x15040;
	[sflag:s6] =	ssyncadd.s32 $0xFFFFF000  }
0x109: {  	v0 =	vld [tilespmem:s13+$0x30]  }
0x10a: {  	v1 =	vld [tilespmem:s13+$0xFFFFFFD0]  }
0x10b: {  	v2 =	vld [tilespmem:s13+$0xFFFFFFE0]  }
0x10c: {  	v3 =	vld [tilespmem:s13+$0xFFFFFFF0]  }
0x10d: {  	v4 =	vld [tilespmem:s13+$0x0]  }
0x10e: {  	s10 =	simm.s32 $0x17040;
	v5 =	vld [tilespmem:s13+$0x10]  }
0x10f: {  	v6 =	vld [tilespmem:s10+$0x30]  }
0x110: {  	v7 =	vld [tilespmem:s13+$0x20]  }
0x111: {  	v9 =	vld [tilespmem:s13+$0xFFFFFFC0]  }
0x112: {  	v19 =	vld [tilespmem:s10+$0xFFFFFFC0]  }
0x113: {  	v20 =	vld [tilespmem:s10+$0xFFFFFFD0]  }
0x114: {  	v62 =	vld [tilespmem:s10+$0xFFFFFFE0]  }
0x115: {  	v21 =	vld [tilespmem:s10+$0xFFFFFFF0]  }
0x116: {  	v22 =	vld [tilespmem:s10+$0x0]  }
0x117: {  	v23 =	vld [tilespmem:s10+$0x10]  }
0x118: {  	v24 =	vld [tilespmem:s10+$0x20]  }
0x119: {  	v8 =	vld.idx.msk [tilespmem:v0+s3+$0x0], $0xffff  }
0x11a: {  	v10 =	vld.idx.msk [tilespmem:v1+s3+$0x0], $0xffff  }
0x11b: {  	v12 =	vld.idx.msk [tilespmem:v2+s3+$0x0], $0xffff  }
0x11c: {  	v13 =	vld.idx.msk [tilespmem:v3+s3+$0x0], $0xffff  }
0x11d: {  	v16 =	vld.idx.msk [tilespmem:v9+s3+$0x0], $0xffff  }
0x11e: {  	v14 =	vld.idx.msk [tilespmem:v4+s3+$0x0], $0xffff  }
0x11f: {  	v61 =	vld.idx.msk [tilespmem:v5+s3+$0x0], $0xffff  }
0x120: {  	v18 =	vld.idx.msk [tilespmem:v7+s3+$0x0], $0xffff  }
0x121: {  	[tilespmem:v6+s24+$0x0] =	vst.idx.add.f32.msk $0xffff, v8  }
0x122: {  	[tilespmem:v19+s24+$0x0] =	vst.idx.add.f32.msk $0xffff, v16  }
0x123: {  	[tilespmem:v20+s24+$0x0] =	vst.idx.add.f32.msk $0xffff, v10  }
0x124: {  	v11 =	vadd.s32 $0x2800, v0;
	[tilespmem:v62+s24+$0x0] =	vst.idx.add.f32.msk $0xffff, v12  }
0x125: {  	v25 =	vadd.s32 $0x2800, v1;
	[tilespmem:v21+s24+$0x0] =	vst.idx.add.f32.msk $0xffff, v13  }
0x126: {  	v26 =	vadd.s32 $0x2800, v2;
	[tilespmem:v22+s24+$0x0] =	vst.idx.add.f32.msk $0xffff, v14  }
0x127: {  	v29 =	vadd.s32 $0x2800, v5;
	[tilespmem:v23+s24+$0x0] =	vst.idx.add.f32.msk $0xffff, v61  }
0x128: {  	v30 =	vadd.s32 $0x2800, v7;
	[tilespmem:v24+s24+$0x0] =	vst.idx.add.f32.msk $0xffff, v18  }
0x129: {  	v15 =	vadd.s32 $0x2800, v6;
	v8 =	vld.idx.msk [tilespmem:v11+s3+$0x0], $0xffff  }
0x12a: {  	v17 =	vadd.s32 $0x5000, v0;
	v10 =	vld.idx.msk [tilespmem:v25+s3+$0x0], $0xffff  }
0x12b: {  	v32 =	vadd.s32 $0x2800, v20;
	v12 =	vld.idx.msk [tilespmem:v26+s3+$0x0], $0xffff  }
0x12c: {  	v33 =	vadd.s32 $0x2800, v62;
	v11 =	vld.idx.msk [tilespmem:v29+s3+$0x0], $0xffff  }
0x12d: {  	v13 =	vld.idx.msk [tilespmem:v30+s3+$0x0], $0xffff;
	v26 =	vadd.s32 $0x2800, v23  }
0x12e: {  	v37 =	vadd.s32 $0x5000, v1;
	[tilespmem:v15+s24+$0x0] =	vst.idx.add.f32.msk $0xffff, v8  }
0x12f: {  	v63 =	vadd.s32 $0x5000, v6;
	v8 =	vld.idx.msk [tilespmem:v17+s3+$0x0], $0xffff  }
0x130: {  	[tilespmem:v32+s24+$0x0] =	vst.idx.add.f32.msk $0xffff, v10;
	v17 =	vadd.s32 $0x2800, v9  }
0x131: {  	v35 =	vadd.s32 $0x2800, v24;
	[tilespmem:v33+s24+$0x0] =	vst.idx.add.f32.msk $0xffff, v12  }
0x132: {  	v0 =	vadd.s32 $0x7800, v0;
	[tilespmem:v26+s24+$0x0] =	vst.idx.add.f32.msk $0xffff, v11  }
0x133: {  	v42 =	vadd.s32 $0x5000, v7;
	v12 =	vld.idx.msk [tilespmem:v37+s3+$0x0], $0xffff  }
0x134: {  	v44 =	vadd.s32 $0x5000, v20;
	[tilespmem:v63+s24+$0x0] =	vst.idx.add.f32.msk $0xffff, v8  }
0x135: {  	v31 =	vadd.s32 $0x2800, v19;
	v8 =	vld.idx.msk [tilespmem:v17+s3+$0x0], $0xffff  }
0x136: {  	v41 =	vadd.s32 $0x5000, v5;
	[tilespmem:v35+s24+$0x0] =	vst.idx.add.f32.msk $0xffff, v13  }
0x137: {  	v6 =	vadd.s32 $0x7800, v6;
	v0 =	vld.idx.msk [tilespmem:v0+s3+$0x0], $0xffff  }
0x138: {  	v27 =	vadd.s32 $0x2800, v3;
	v13 =	vld.idx.msk [tilespmem:v42+s3+$0x0], $0xffff  }
0x139: {  	v28 =	vadd.s32 $0x2800, v4;
	[tilespmem:v44+s24+$0x0] =	vst.idx.add.f32.msk $0xffff, v12  }
0x13a: {  	v49 =	vadd.s32 $0x5000, v24;
	[tilespmem:v31+s24+$0x0] =	vst.idx.add.f32.msk $0xffff, v8  }
0x13b: {  	v36 =	vadd.s32 $0x5000, v9;
	v8 =	vld.idx.msk [tilespmem:v41+s3+$0x0], $0xffff  }
0x13c: {  	v48 =	vadd.s32 $0x5000, v23;
	[tilespmem:v6+s24+$0x0] =	vst.idx.add.f32.msk $0xffff, v0  }
0x13d: {  	v34 =	vadd.s32 $0x2800, v21;
	v0 =	vld.idx.msk [tilespmem:v27+s3+$0x0], $0xffff  }
0x13e: {  	v25 =	vadd.s32 $0x2800, v22;
	v6 =	vld.idx.msk [tilespmem:v28+s3+$0x0], $0xffff  }
0x13f: {  	v38 =	vadd.s32 $0x5000, v2;
	[tilespmem:v49+s24+$0x0] =	vst.idx.add.f32.msk $0xffff, v13  }
0x140: {  	v43 =	vadd.s32 $0x5000, v19;
	v10 =	vld.idx.msk [tilespmem:v36+s3+$0x0], $0xffff  }
0x141: {  	v54 =	vadd.s32 $0x7800, v5;
	[tilespmem:v48+s24+$0x0] =	vst.idx.add.f32.msk $0xffff, v8  }
0x142: {  	v39 =	vadd.s32 $0x5000, v3;
	[tilespmem:v34+s24+$0x0] =	vst.idx.add.f32.msk $0xffff, v0  }
0x143: {  	v40 =	vadd.s32 $0x5000, v4;
	[tilespmem:v25+s24+$0x0] =	vst.idx.add.f32.msk $0xffff, v6  }
0x144: {  	v9 =	vadd.s32 $0x7800, v9;
	v0 =	vld.idx.msk [tilespmem:v38+s3+$0x0], $0xffff  }
0x145: {  	v45 =	vadd.s32 $0x5000, v62;
	[tilespmem:v43+s24+$0x0] =	vst.idx.add.f32.msk $0xffff, v10  }
0x146: {  	v50 =	vadd.s32 $0x7800, v1;
	v53 =	vadd.s32 $0x7800, v4;
	v4 =	vld.idx.msk [tilespmem:v54+s3+$0x0], $0xffff  }
0x147: {  	v59 =	vadd.s32 $0x7800, v62;
	v62 =	vadd.s32 $0x7800, v23;
	v6 =	vld.idx.msk [tilespmem:v39+s3+$0x0], $0xffff  }
0x148: {  	v46 =	vadd.s32 $0x5000, v21;
	v11 =	vld.idx.msk [tilespmem:v40+s3+$0x0], $0xffff  }
0x149: {  	v47 =	vadd.s32 $0x5000, v22;
	v55 =	vld.idx.msk [tilespmem:v9+s3+$0x0], $0xffff  }
0x14a: {  	v51 =	vadd.s32 $0x7800, v2;
	[tilespmem:v45+s24+$0x0] =	vst.idx.add.f32.msk $0xffff, v0  }
0x14b: {  	v56 =	vadd.s32 $0x7800, v7;
	v0 =	vld.idx.msk [tilespmem:v50+s3+$0x0], $0xffff  }
0x14c: {  	v57 =	vadd.s32 $0x7800, v19;
	[tilespmem:v62+s24+$0x0] =	vst.idx.add.f32.msk $0xffff, v4  }
0x14d: {  	v52 =	vadd.s32 $0x7800, v3;
	[tilespmem:v46+s24+$0x0] =	vst.idx.add.f32.msk $0xffff, v6  }
0x14e: {  	[tilespmem:v47+s24+$0x0] =	vst.idx.add.f32.msk $0xffff, v11  }
0x14f: {  	v58 =	vadd.s32 $0x7800, v20;
	v1 =	vld.idx.msk [tilespmem:v51+s3+$0x0], $0xffff  }
0x150: {  	v6 =	vld.idx.msk [tilespmem:v56+s3+$0x0], $0xffff  }
0x151: {  	v63 =	vadd.s32 $0x7800, v24;
	[tilespmem:v57+s24+$0x0] =	vst.idx.add.f32.msk $0xffff, v55  }
0x152: {  	v60 =	vadd.s32 $0x7800, v21;
	v2 =	vld.idx.msk [tilespmem:v52+s3+$0x0], $0xffff  }
0x153: {  	v61 =	vadd.s32 $0x7800, v22;
	v3 =	vld.idx.msk [tilespmem:v53+s3+$0x0], $0xffff  }
0x154: {  	[tilespmem:v58+s24+$0x0] =	vst.idx.add.f32.msk $0xffff, v0  }
0x155: {  	[tilespmem:v59+s24+$0x0] =	vst.idx.add.f32.msk $0xffff, v1  }
0x156: {  	[tilespmem:v63+s24+$0x0] =	vst.idx.add.f32.msk $0xffff, v6  }
0x157: {  	[tilespmem:v60+s24+$0x0] =	vst.idx.add.f32.msk $0xffff, v2  }
0x158: {  	s11 =	simm.s32 $0x0;
	s12 =	simm.s32 $0x150C0;
	[tilespmem:v61+s24+$0x0] =	vst.idx.add.f32.msk $0xffff, v3  }
.LBB2_5:
0x159: {  	v11 =	vld [tilespmem:s12+$0x30];
	s11 =	sadd.s32 $0x8, s11  }
0x15a: {  	v4 =	vld [tilespmem:s12+$0xFFFFFFD0];
	p1 =	slt.u32 s11, $0xF8  }
0x15b: {  	v5 =	vld [tilespmem:s12+$0xFFFFFFE0]  }
0x15c: {  	v9 =	vld [tilespmem:s12+$0xFFFFFFF0]  }
0x15d: {  	v12 =	vld [tilespmem:s12+$0x0]  }
0x15e: {  	s10 =	sadd.s32 $0x80, s10;
	v13 =	vld [tilespmem:s12+$0x10]  }
0x15f: {  	v14 =	vadd.s32 $0x2800, v4;
	v6 =	vadd.s32 $0x5000, v4;
	v0 =	vadd.s32 $0x7800, v4;
	v15 =	vld [tilespmem:s10+$0x30]  }
0x160: {  	v16 =	vadd.s32 $0x2800, v5;
	v7 =	vadd.s32 $0x5000, v5;
	v1 =	vadd.s32 $0x7800, v5;
	v17 =	vld [tilespmem:s12+$0x20]  }
0x161: {  	v18 =	vadd.s32 $0x2800, v9;
	v8 =	vadd.s32 $0x5000, v9;
	v2 =	vadd.s32 $0x7800, v9;
	v19 =	vld.idx.msk [tilespmem:v11+s3+$0x0], $0xffff  }
0x162: {  	v20 =	vld [tilespmem:s12+$0xFFFFFFC0];
	v21 =	vadd.s32 $0x2800, v12;
	v10 =	vadd.s32 $0x5000, v12;
	v3 =	vadd.s32 $0x7800, v12  }
0x163: {  	v25 =	vadd.s32 $0x2800, v11;
	v22 =	vld.idx.msk [tilespmem:v4+s3+$0x0], $0xffff;
	v23 =	vadd.s32 $0x2800, v13;
	v24 =	vadd.s32 $0x5000, v13  }
0x164: {  	v4 =	vadd.s32 $0x7800, v13;
	v26 =	vld.idx.msk [tilespmem:v5+s3+$0x0], $0xffff  }
0x165: {  	v27 =	vld.idx.msk [tilespmem:v9+s3+$0x0], $0xffff;
	v28 =	vadd.s32 $0x2800, v17;
	v29 =	vadd.s32 $0x5000, v17;
	v5 =	vadd.s32 $0x7800, v17  }
0x166: {  	v12 =	vld.idx.msk [tilespmem:v12+s3+$0x0], $0xffff  }
0x167: {  	v30 =	vadd.s32 $0x2800, v20;
	v31 =	vadd.s32 $0x5000, v20;
	v9 =	vadd.s32 $0x7800, v20;
	[tilespmem:v15+s24+$0x0] =	vst.idx.add.f32.msk $0xffff, v19  }
0x168: {  	v19 =	vld.idx.msk [tilespmem:v25+s3+$0x0], $0xffff  }
0x169: {  	v25 =	vadd.s32 $0x2800, v15;
	v13 =	vld.idx.msk [tilespmem:v13+s3+$0x0], $0xffff  }
0x16a: {  	v32 =	vadd.s32 $0x5000, v11;
	v20 =	vld.idx.msk [tilespmem:v20+s3+$0x0], $0xffff  }
0x16b: {  	v17 =	vld.idx.msk [tilespmem:v17+s3+$0x0], $0xffff  }
0x16c: {  	v33 =	vld [tilespmem:s10+$0xFFFFFFC0]  }
0x16d: {  	v34 =	vld [tilespmem:s10+$0xFFFFFFD0]  }
0x16e: {  	[tilespmem:v25+s24+$0x0] =	vst.idx.add.f32.msk $0xffff, v19  }
0x16f: {  	v19 =	vld.idx.msk [tilespmem:v32+s3+$0x0], $0xffff  }
0x170: {  	v32 =	vadd.s32 $0x5000, v15;
	v25 =	vld [tilespmem:s10+$0xFFFFFFE0]  }
0x171: {  	v11 =	vadd.s32 $0x7800, v11;
	v35 =	vadd.s32 $0x2800, v33;
	v36 =	vadd.s32 $0x5000, v33;
	v37 =	vld [tilespmem:s10+$0xFFFFFFF0]  }
0x172: {  	v38 =	vadd.s32 $0x7800, v33;
	v39 =	vadd.s32 $0x2800, v34;
	v40 =	vadd.s32 $0x5000, v34;
	v41 =	vld [tilespmem:s10+$0x0]  }
0x173: {  	v42 =	vadd.s32 $0x7800, v34;
	v43 =	vld [tilespmem:s10+$0x10]  }
0x174: {  	v44 =	vld [tilespmem:s10+$0x20]  }
0x175: {  	v45 =	vadd.s32 $0x2800, v25;
	v46 =	vadd.s32 $0x5000, v25;
	v47 =	vadd.s32 $0x7800, v25;
	[tilespmem:v32+s24+$0x0] =	vst.idx.add.f32.msk $0xffff, v19  }
0x176: {  	v19 =	vadd.s32 $0x2800, v37;
	v32 =	vadd.s32 $0x5000, v37;
	v48 =	vadd.s32 $0x7800, v37;
	v11 =	vld.idx.msk [tilespmem:v11+s3+$0x0], $0xffff  }
0x177: {  	v15 =	vadd.s32 $0x7800, v15;
	[tilespmem:v33+s24+$0x0] =	vst.idx.add.f32.msk $0xffff, v20;
	v20 =	vadd.s32 $0x2800, v41;
	v33 =	vadd.s32 $0x5000, v41  }
0x178: {  	[tilespmem:v34+s24+$0x0] =	vst.idx.add.f32.msk $0xffff, v22;
	v22 =	vadd.s32 $0x7800, v41;
	v34 =	vadd.s32 $0x2800, v43;
	v49 =	vadd.s32 $0x5000, v43  }
0x179: {  	[tilespmem:v25+s24+$0x0] =	vst.idx.add.f32.msk $0xffff, v26;
	v25 =	vadd.s32 $0x7800, v43;
	v26 =	vadd.s32 $0x2800, v44;
	v50 =	vadd.s32 $0x5000, v44  }
0x17a: {  	[tilespmem:v37+s24+$0x0] =	vst.idx.add.f32.msk $0xffff, v27;
	v27 =	vadd.s32 $0x7800, v44  }
0x17b: {  	[tilespmem:v41+s24+$0x0] =	vst.idx.add.f32.msk $0xffff, v12  }
0x17c: {  	[tilespmem:v15+s24+$0x0] =	vst.idx.add.f32.msk $0xffff, v11  }
0x17d: {  	[tilespmem:v43+s24+$0x0] =	vst.idx.add.f32.msk $0xffff, v13  }
0x17e: {  	[tilespmem:v44+s24+$0x0] =	vst.idx.add.f32.msk $0xffff, v17  }
0x17f: {  	v11 =	vld.idx.msk [tilespmem:v30+s3+$0x0], $0xffff  }
0x180: {  	v12 =	vld.idx.msk [tilespmem:v14+s3+$0x0], $0xffff  }
0x181: {  	v13 =	vld.idx.msk [tilespmem:v16+s3+$0x0], $0xffff  }
0x182: {  	v14 =	vld.idx.msk [tilespmem:v18+s3+$0x0], $0xffff  }
0x183: {  	v15 =	vld.idx.msk [tilespmem:v21+s3+$0x0], $0xffff  }
0x184: {  	v16 =	vld.idx.msk [tilespmem:v23+s3+$0x0], $0xffff  }
0x185: {  	v17 =	vld.idx.msk [tilespmem:v28+s3+$0x0], $0xffff  }
0x186: {  	[tilespmem:v35+s24+$0x0] =	vst.idx.add.f32.msk $0xffff, v11  }
0x187: {  	[tilespmem:v39+s24+$0x0] =	vst.idx.add.f32.msk $0xffff, v12  }
0x188: {  	[tilespmem:v45+s24+$0x0] =	vst.idx.add.f32.msk $0xffff, v13  }
0x189: {  	[tilespmem:v19+s24+$0x0] =	vst.idx.add.f32.msk $0xffff, v14  }
0x18a: {  	[tilespmem:v20+s24+$0x0] =	vst.idx.add.f32.msk $0xffff, v15  }
0x18b: {  	[tilespmem:v34+s24+$0x0] =	vst.idx.add.f32.msk $0xffff, v16  }
0x18c: {  	[tilespmem:v26+s24+$0x0] =	vst.idx.add.f32.msk $0xffff, v17  }
0x18d: {  	v11 =	vld.idx.msk [tilespmem:v31+s3+$0x0], $0xffff  }
0x18e: {  	v6 =	vld.idx.msk [tilespmem:v6+s3+$0x0], $0xffff  }
0x18f: {  	v7 =	vld.idx.msk [tilespmem:v7+s3+$0x0], $0xffff  }
0x190: {  	v8 =	vld.idx.msk [tilespmem:v8+s3+$0x0], $0xffff  }
0x191: {  	v10 =	vld.idx.msk [tilespmem:v10+s3+$0x0], $0xffff  }
0x192: {  	v12 =	vld.idx.msk [tilespmem:v24+s3+$0x0], $0xffff  }
0x193: {  	v13 =	vld.idx.msk [tilespmem:v29+s3+$0x0], $0xffff  }
0x194: {  	[tilespmem:v36+s24+$0x0] =	vst.idx.add.f32.msk $0xffff, v11  }
0x195: {  	[tilespmem:v40+s24+$0x0] =	vst.idx.add.f32.msk $0xffff, v6  }
0x196: {  	[tilespmem:v46+s24+$0x0] =	vst.idx.add.f32.msk $0xffff, v7  }
0x197: {  	[tilespmem:v32+s24+$0x0] =	vst.idx.add.f32.msk $0xffff, v8  }
0x198: {  	[tilespmem:v33+s24+$0x0] =	vst.idx.add.f32.msk $0xffff, v10  }
0x199: {  	[tilespmem:v49+s24+$0x0] =	vst.idx.add.f32.msk $0xffff, v12  }
0x19a: {  	[tilespmem:v50+s24+$0x0] =	vst.idx.add.f32.msk $0xffff, v13  }
0x19b: {  	v6 =	vld.idx.msk [tilespmem:v9+s3+$0x0], $0xffff  }
0x19c: {  	v0 =	vld.idx.msk [tilespmem:v0+s3+$0x0], $0xffff  }
0x19d: {  	v1 =	vld.idx.msk [tilespmem:v1+s3+$0x0], $0xffff  }
0x19e: {  	v2 =	vld.idx.msk [tilespmem:v2+s3+$0x0], $0xffff  }
0x19f: {  	v3 =	vld.idx.msk [tilespmem:v3+s3+$0x0], $0xffff  }
0x1a0: {  	v4 =	vld.idx.msk [tilespmem:v4+s3+$0x0], $0xffff  }
0x1a1: {  	v5 =	vld.idx.msk [tilespmem:v5+s3+$0x0], $0xffff  }
0x1a2: {  	[tilespmem:v38+s24+$0x0] =	vst.idx.add.f32.msk $0xffff, v6  }
0x1a3: {  	[tilespmem:v42+s24+$0x0] =	vst.idx.add.f32.msk $0xffff, v0  }
.Ltmp3:
0x1a4: {  	[tilespmem:v47+s24+$0x0] =	vst.idx.add.f32.msk $0xffff, v1;
	(pc) =	sbr.rel @p1 .LBB2_5-.Ltmp3, $4  }
0x1a5: {  	[tilespmem:v48+s24+$0x0] =	vst.idx.add.f32.msk $0xffff, v2  }
0x1a6: {  	[tilespmem:v22+s24+$0x0] =	vst.idx.add.f32.msk $0xffff, v3  }
0x1a7: {  	[tilespmem:v25+s24+$0x0] =	vst.idx.add.f32.msk $0xffff, v4  }
0x1a8: {  	s12 =	sadd.s32 $0x80, s12;
	[tilespmem:v27+s24+$0x0] =	vst.idx.add.f32.msk $0xffff, v5  }
.Ltmp4:
0x1a9: {  	(pc) =	sbr.rel @p0 .LBB2_8-.Ltmp4, $1  }
0x1aa: {  	_ =	sdelay $0x3  }
0x1ab: {  	s9 =	sadd.s32 s9, s15  }
0x1ac: {  	s10 =	smulhi.u32 $0xCCCCCCCD, s9;
	_ =	sdelay $0x1  }
0x1ad: {  	s10 =	sshrl.u32 s10, $0x6  }
0x1ae: {  	s10 =	smul.u32 $0x50, s10;
	_ =	sdelay $0x1  }
0x1af: {  	s9 =	ssub.s32 s9, s10  }
.Ltmp5:
0x1b0: {  	s9 =	sshll.u32 s9, $0x9;
	(pc) =	sbr.rel .LBB2_2-.Ltmp5, $4  }
0x1b1: {  	s13 =	sadd.s32 s2, s9  }
0x1b2: {  	[tilespmem:s25], [sflag:$0x3] =	stream.linear.gather [hbm4b:s13+s3], $0x1000, $0x38;
	[tilespmem:$0x18000] =	vst v63  }
0x1b3: {  	s8 =	sadd.s32 $0x1, s8;
	s9 =	sadd.s32 s4, s9  }
0x1b4: {  	[tilespmem:s28], [sflag:$0x4] =	stream.linear.gather [hbm4b:s9+s3], $0x1000, $0x38;
	[tilespmem:$0x18000] =	vst v63  }
.LBB2_9:
0x1b5: {  	_ =	sfence.sel $0x180000  }
0x1b6: {  	[bflag:$0x0] =	sbarrier.arrive $0xFFFF  }
0x1b7: {  	_ =	strace $0x90000047  }
0x1b8: {  	s0 =	stileid.u32;
	[bflag:$0x2] =	sbarrier.arrive $0xFFFF  }
0x1b9: {  	p0 =	sne.s32 s0, $0x0;
	s0 =	rddreg [dreg:$0x2]  }
0x1ba: {  	s0 =	sadd.s32 @!p0 $0x100000, s0  }
0x1bb: {  	[sflag:s0] =	ssyncadd.tile.s32 @!p0 $0x1;
	_ =	shalt  }
.Lfunc_end2:
_tile_overlayer_lowered:
.L_overlay_start_2:
0x1bc: {  	(tag) =	ssettag $0x2  }
0x1bd: {  	s0 =	rddreg [dreg:$0x0];
	s2 =	stileid.u32  }
0x1be: {  	s1 =	rddreg [dreg:$0x1];
	p0 =	sne.s32 s2, $0x0  }
0x1bf: {  	s3 =	rddreg [dreg:$0x2];
	[bflag:$0x3] =	sbarrier.arrive $0xFFFF;
	s2 =	simm.s32 @!p0 $0x1C05  }
0x1c0: {  	[timem:s3], [sflag:s2] =	dma.local @!p0 [hbm:s0], s1  }
0x1c1: {  	s0 =	simm.s32 @!p0 $0x5  }
0x1c2: {  	_ =	swait.ge @!p0 [sflag:s0], s1  }
0x1c3: {  	s1 =	ssub.s32 @!p0 $0x0, s1;
	[sflag:s0] =	ssyncset.done @!p0 $0x0  }
0x1c4: {  	[sflag:s0] =	ssyncadd.s32 @!p0 s1  }
0x1c5: {  	[bflag:$0x3] =	sbarrier.arrive $0xFFFF  }
0x1c6: {  	_ =	shalt  }

// kernel: kernel.14.cloned.1.call-start
scs
__scs_entry_jumppad:
0x0: {  	(pc) =	sbr.rel $0x88, $3  }
0x1: {  	(tag) =	ssettag $0x0;
	lr =	simm.s32 $0x1  }
0x2: {  	[smem:$0x3F8C] =	sst lr;
	_ =	strace $0xD0000000  }
0x3: {  	_ = 	snop  }
0x4: {  	_ = 	snop  }
0x5: {  	_ = 	snop  }
0x6: {  	_ = 	snop  }
0x7: {  	_ = 	snop  }
__scs_overlays_trampoline_lowered:
0x8: {  	[smem:$0x3F9B] =	sst s0  }
0x9: {  	[smem:$0x3F9C] =	sst s1  }
0xa: {  	[smem:$0x3F9D] =	sst s2  }
0xb: {  	[smem:$0x3F9E] =	sst s3  }
0xc: {  	[smem:$0x3F9F] =	sst s4  }
0xd: {  	[smem:$0x3FA0] =	sst s5  }
0xe: {  	[smem:$0x3FA1] =	sst s6  }
0xf: {  	[smem:$0x3FA2] =	sst s7  }
0x10: {  	[smem:$0x3FA3] =	sst s8  }
0x11: {  	[smem:$0x3FA4] =	sst s9;
	s0 =	simm.s32 @!p0 $0x0  }
0x12: {  	s1 =	sld [smem:$0x3F8A];
	s0 =	simm.s32 @p0 $0x1  }
0x13: {  	[smem:$0x3FA5] =	sst s0;
	s0 =	simm.s32 @!p1 $0x0  }
0x14: {  	s2 =	sld [smem:$0x3F89];
	s0 =	simm.s32 @p1 $0x1  }
0x15: {  	[smem:$0x3FA6] =	sst s0;
	s0 =	simm.s32 @!p2 $0x0  }
0x16: {  	s3 =	sld [smem:$0x3FDB];
	s0 =	simm.s32 @p2 $0x1  }
0x17: {  	s4 =	simm.s32 $0x1BF5;
	[smem:$0x3FA8] =	sst s0  }
0x18: {  	s0 =	sld [smem:$0x3F8B];
	_ =	swait.ge [sflag:s4], $0x0  }
0x19: {  	s7 =	sld [smem:$0x3F8C]  }
0x1a: {  	s8 =	sadd.s32 $0xFFFFE003, lr  }
0x1b: {  	s9 =	sadd.s32 $0xFFFFFEF7, lr;
	s5 =	simm.s32 $0xFFFFFFFF;
	p2 =	slt.u32 s8, $0xFFFFF086  }
0x1c: {  	p1 =	slt.u32 s9, $0xF7A;
	s5 =	simm.s32 @!p2 $0x0  }
0x1d: {  	s5 =	simm.s32 @p1 $0x1;
	p0 =	seq.s32 s7, s2  }
0x1e: {  	s7 =	smul.u32 @!p0 $0xF7A, s2;
	p2 =	seq.s32 @!p0 s5, $0x0  }
0x1f: {  	s9 =	smul.u32 $0xF7A, s1;
	s8 =	simm.s32 @!p0 $0x1BF5;
	p2 =	por !p2, p0  }
0x20: {  	[sflag:s8] =	ssyncset.s32 @!p0 $0xFFFFF086;
	s6 =	sadd.s32 @!p0 s3, s7;
	s7 =	simm.s32 @!p0 $0x108  }
0x21: {  	s3 =	sadd.s32 s3, s9;
	s6 =	sadd.s32 @!p0 $0x88, s6;
	s7 =	simm.s32 @p2 $0x1082  }
0x22: {  	[simem:s7], [sflag:s8] =	dma.local @!p0 [hbm:s6], $0xF7A  }
0x23: {  	s9 =	sor.u32 $0xD0000000, s2;
	s6 =	simm.s32 $0x108;
	_ =	swait.ge @!p0 [sflag:s8], $0x0  }
0x24: {  	s3 =	sadd.s32 $0x88, s3;
	s6 =	simm.s32 @!p1 $0x1082;
	[sflag:s4] =	ssyncset.s32 $0xFFFFF086  }
0x25: {  	[simem:s6], [sflag:s4] =	dma.local [hbm:s3], $0xF7A  }
0x26: {  	[smem:$0x3F8C] =	sst s1;
	(tag) =	ssettag s2;
	_ =	strace s9  }
0x27: {  	s1 =	sld [smem:$0x3F9C]  }
0x28: {  	s2 =	sld [smem:$0x3F9D]  }
0x29: {  	s4 =	sld [smem:$0x3F9F]  }
0x2a: {  	p0 =	seq.s32 s5, $0x0;
	s5 =	sld [smem:$0x3FA0]  }
0x2b: {  	s6 =	sld [smem:$0x3FA1]  }
0x2c: {  	s7 =	sld [smem:$0x3FA2]  }
0x2d: {  	s3 =	simm.s32 $0x108;
	s8 =	sld [smem:$0x3FA3]  }
0x2e: {  	s3 =	simm.s32 @!p0 $0x1082;
	s9 =	sld [smem:$0x3FA4]  }
0x2f: {  	lr =	sadd.s32 s0, s3;
	s0 =	sld [smem:$0x3F9B]  }
0x30: {  	s3 =	sld [smem:$0x3F9E]  }
0x31: {  	[smem:$0x3FA7] =	sst s10  }
0x32: {  	s10 =	sld [smem:$0x3FA5];
	_ =	sdelay $0x3  }
0x33: {  	p0 =	seq.s32 s10, $0x1;
	s10 =	sld [smem:$0x3FA7];
	_ =	sdelay $0x3  }
0x34: {  	[smem:$0x3FA7] =	sst s10  }
0x35: {  	s10 =	sld [smem:$0x3FA6];
	_ =	sdelay $0x3  }
0x36: {  	p1 =	seq.s32 s10, $0x1;
	s10 =	sld [smem:$0x3FA7];
	_ =	sdelay $0x3  }
0x37: {  	[smem:$0x3FA7] =	sst s10  }
0x38: {  	s10 =	sld [smem:$0x3FA8]  }
0x39: {  	_ = 	snop;
	(pc) =	sbr.ind lr, $3  }
0x3a: {  	_ = 	snop  }
0x3b: {  	_ = 	snop  }
0x3c: {  	p2 =	seq.s32 s10, $0x1;
	s10 =	sld [smem:$0x3FA7]  }
0x3d: {  	_ =	shalt  }
0x3e: {  	_ =	shalt  }
0x3f: {  	_ =	shalt  }
0x40: {  	_ =	shalt  }
0x41: {  	_ =	shalt  }
0x42: {  	_ =	shalt  }
0x43: {  	_ =	shalt  }
0x44: {  	_ =	shalt  }
0x45: {  	_ =	shalt  }
0x46: {  	_ =	shalt  }
0x47: {  	_ =	shalt  }
0x48: {  	_ =	shalt  }
0x49: {  	_ =	shalt  }
0x4a: {  	_ =	shalt  }
0x4b: {  	_ =	shalt  }
0x4c: {  	_ =	shalt  }
0x4d: {  	_ =	shalt  }
0x4e: {  	_ =	shalt  }
0x4f: {  	_ =	shalt  }
0x50: {  	_ =	shalt  }
0x51: {  	_ =	shalt  }
0x52: {  	_ =	shalt  }
0x53: {  	_ =	shalt  }
0x54: {  	_ =	shalt  }
0x55: {  	_ =	shalt  }
0x56: {  	_ =	shalt  }
0x57: {  	_ =	shalt  }
0x58: {  	_ =	shalt  }
0x59: {  	_ =	shalt  }
0x5a: {  	_ =	shalt  }
0x5b: {  	_ =	shalt  }
0x5c: {  	_ =	shalt  }
0x5d: {  	_ =	shalt  }
0x5e: {  	_ =	shalt  }
0x5f: {  	_ =	shalt  }
0x60: {  	_ =	shalt  }
0x61: {  	_ =	shalt  }
0x62: {  	_ =	shalt  }
0x63: {  	_ =	shalt  }
0x64: {  	_ =	shalt  }
0x65: {  	_ =	shalt  }
0x66: {  	_ =	shalt  }
0x67: {  	_ =	shalt  }
0x68: {  	_ =	shalt  }
0x69: {  	_ =	shalt  }
0x6a: {  	_ =	shalt  }
0x6b: {  	_ =	shalt  }
0x6c: {  	_ =	shalt  }
0x6d: {  	_ =	shalt  }
0x6e: {  	_ =	shalt  }
0x6f: {  	_ =	shalt  }
0x70: {  	_ =	shalt  }
0x71: {  	_ =	shalt  }
0x72: {  	_ =	shalt  }
0x73: {  	_ =	shalt  }
0x74: {  	_ =	shalt  }
0x75: {  	_ =	shalt  }
0x76: {  	_ =	shalt  }
0x77: {  	_ =	shalt  }
0x78: {  	_ =	shalt  }
0x79: {  	_ =	shalt  }
0x7a: {  	_ =	shalt  }
0x7b: {  	_ =	shalt  }
0x7c: {  	_ =	shalt  }
0x7d: {  	_ =	shalt  }
0x7e: {  	_ =	shalt  }
0x7f: {  	_ =	shalt  }
0x80: {  	_ =	shalt  }
0x81: {  	_ =	shalt  }
0x82: {  	_ =	shalt  }
0x83: {  	_ =	shalt  }
0x84: {  	_ =	shalt  }
0x85: {  	_ =	shalt  }
0x86: {  	_ =	shalt  }
0x87: {  	_ =	shalt  }
.Lfunc_end0:
.L_simem_size_0:
called_computation.1_lowered:
.L_overlay_start_0:
0x88: {  	s2 =	sld [smem:$0x3FD9]  }
0x89: {  	s3 =	sld [smem:$0x3FFE];
	_ =	sdelay $0x1  }
0x8a: {  	s1 =	srdreg.scid  }
0x8b: {  	s0 =	sand.u32 $0x1, s1  }
0x8c: {  	s17 =	sshll.u32 s0, $0xA;
	s2 =	sadd.s32 s3, s2  }
0x8d: {  	s2 =	sadd.s32 s2, s17  }
0x8e: {  	[smem:$0x3FB3] =	sst s2  }
0x8f: {  	_ = 	snop  }
0x90: {  	s2 =	sld [smem:$0x3FD0];
	(tm) =	ssettm $0x1  }
0x91: {  	s18 =	sld [smem:$0x3FFB];
	_ =	sdelay $0x3  }
0x92: {  	_ =	strace s18  }
0x93: {  	s3 =	sld [smem:$0x3FFC];
	_ =	sdelay $0x3  }
0x94: {  	_ =	strace s3  }
0x95: {  	s3 =	sld [smem:$0x3FFD];
	_ =	sdelay $0x3  }
0x96: {  	_ =	strace s3  }
0x97: {  	_ =	strace $0x8FFFFFFF  }
0x98: {  	s19 =	sld [smem:$0x3FDB];
	_ =	sdelay $0x1  }
0x99: {  	s4 =	simm.s32 $_scs_section_size  }
0x9a: {  	s5 =	simm.s32 $_size__tile_overlayer_lowered;
	s6 =	simm.s32 $_tile_overlayer_lowered  }
0x9b: {  	s22 =	simm.s32 $0x1BFF;
	s21 =	sshll.u32 s6, $0x1;
	s3 =	sadd.s32 s4, s19  }
0x9c: {  	s7 =	simm.s32 $0x0;
	s20 =	sshll.u32 s5, $0x1;
	s5 =	sadd.s32 s21, s3  }
0x9d: {  	[timem:s7], [sflag:s22] =	dma.local [hbm:s5], s20  }
0x9e: {  	_ =	swait.ge [sflag:s22], s20  }
0x9f: {  	s4 =	ssub.s32 $0x0, s20;
	[sflag:s22] =	ssyncset.done $0x0  }
0xa0: {  	[sflag:s22] =	ssyncadd.s32 s4;
	_ =	sdelay $0x1  }
0xa1: {  	s23 =	simm.s32 $0x1B8B  }
0xa2: {  	_ =	swait.ge [sflag:s23], $0x1  }
0xa3: {  	[sflag:s23] =	ssyncset.done $0x0  }
0xa4: {  	s25 =	simm.s32 $0x1B8E;
	s24 =	sld [smem:$0x3FFE];
	[sflag:s23] =	ssyncadd.s32 $0xFFFFFFFF  }
0xa5: {  	s26 =	simm.s32 $execute0_lowered;
	[smem:$0x3FD2] =	sst s25  }
0xa6: {  	s5 =	sshll.u32 s26, $0x1;
	_ =	strace $0x80000049;
	[dreg:$0x1] =	wrdreg $0xFFFFFFFF  }
0xa7: {  	s28 =	simm.s32 $_size_execute0_lowered;
	s3 =	sadd.s32 s3, s5;
	[dreg:$0x0] =	wrdreg $0x0  }
0xa8: {  	s5 =	sshll.u32 s28, $0x1;
	[dreg:$0x2] =	wrdreg s3  }
0xa9: {  	[dreg:$0x3] =	wrdreg s5  }
0xaa: {  	[dreg:$0x4] =	wrdreg $0xC0  }
0xab: {  	_ =	task [dreg:s7], $0x5FFFF  }
0xac: {  	[dreg:$0x1] =	wrdreg $0xFFFFFFFF  }
0xad: {  	[dreg:$0x0] =	wrdreg $0x60  }
0xae: {  	[dreg:$0x2] =	wrdreg s24  }
0xaf: {  	[dreg:$0x3] =	wrdreg s2  }
0xb0: {  	[dreg:$0x4] =	wrdreg $0x9  }
0xb1: {  	_ =	task.clear_ibuf [dreg:s7], $0x5FFFF;
	_ =	strace $0x90000049  }
0xb2: {  	s29 =	simm.s32 $0x9;
	_ =	strace $0x8000004B  }
0xb3: {  	_ =	swait.ge [sflag:s29], $0x1  }
0xb4: {  	[sflag:s29] =	ssyncadd.s32 $0xFFFFFFFF  }
0xb5: {  	_ =	strace $0x9000004B  }
0xb6: {  	_ =	sfence  }
0xb7: {  	s30 =	sld [smem:$0x0];
	_ =	sdelay $0x2  }
0xb8: {  	s31 =	sshll.u32 s1, $0xD;
	s1 =	sshrl.u32 s1, $0x2  }
0xb9: {  	s3 =	sand.u32 $0x4000, s31;
	s1 =	sadd.s32 s1, s30  }
0xba: {  	s0 =	sor.u32 s3, s0;
	s1 =	sshll.u32 s1, $0x11  }
0xbb: {  	s0 =	sor.u32 s1, s0  }
0xbc: {  	s0 =	sadd.s32 $0x8F2B, s0  }
0xbd: {  	[sflag:s0] =	ssyncadd.remote.s32 $0x1  }
0xbe: {  	_ =	sfence.sel $0xFFFF  }
0xbf: {  	[dreg:$0x0] =	wrdreg $0xFFFFFFFF;
	(pc) =	sbr.abs _section_cstart, $3  }
0xc0: {  	[dreg:$0x1] =	wrdreg $0xFFFFFFFF  }
0xc1: {  	_ =	task.clear_ibuf [dreg:s7], $0x2FFFF;
	_ =	strace $0x9FFFFFFF  }
0xc2: {  	(tm) =	ssettm $0x7FFFFFFF  }
0xc3: {  	_ =	shalt  }
tec
execute0_lowered:
.L_overlay_start_1:
0x0: {  	(tag) =	ssettag $0x1  }
0x1: {  	s0 =	srdreg.scid;
	s1 =	rddreg [dreg:$0x0]  }
0x2: {  	s2 =	rddreg [dreg:$0x1];
	s9 =	stileid.u32;
	s3 =	simm.s32 $0x0  }
0x3: {  	s29 =	simm.s32 $0xF000;
	s31 =	simm.s32 $0x11800;
	s0 =	sand.u32 $0x1, s0  }
0x4: {  	s28 =	simm.s32 $0x17000;
	s30 =	simm.s32 $0x1;
	s4 =	sshll.u32 s0, $0x4  }
0x5: {  	[smem:$0x7FF] =	sst s3;
	s8 =	sadd.s32 $0x4000, s1;
	s4 =	sor.u32 s9, s4  }
0x6: {  	_ =	strace $0x8000004A;
	s5 =	sshrl.u32 s4, $0x1;
	s6 =	smul.u32 $0x5, s4  }
0x7: {  	s0 =	ssub.s32 $0x2, s0;
	s9 =	sshll.u32 s9, $0x9;
	s7 =	smul.u32 $0x14000, s5  }
0x8: {  	s18 =	sshrl.u32 s0, $0x1;
	s9 =	sand.u32 $0x200, s9;
	s10 =	smulhi.u32 $0xCCCCCCCD, s6  }
0x9: {  	s4 =	sadd.s32 $0x2C000, s1;
	s0 =	ssub.s32 s0, s18;
	s7 =	sor.u32 s9, s7  }
0xa: {  	s5 =	sadd.s32 $0x36000, s1;
	s17 =	sshrl.u32 s10, $0x6;
	s7 =	sshrl.u32 s7, $0x3  }
0xb: {  	s1 =	sadd.s32 $0x36600, s1;
	s9 =	smul.u32 $0x50, s17;
	s19 =	sadd.s32 s8, s7  }
0xc: {  	s20 =	sor.u32 $0x10, s7;
	s11 =	sor.u32 $0x20, s7;
	s12 =	sor.u32 $0x30, s7  }
0xd: {  	s16 =	sadd.s32 s1, s7;
	s7 =	simm.s32 $0x0;
	[dreg:$0x3] =	wrdreg s19  }
0xe: {  	s21 =	sadd.s32 s8, s20;
	s22 =	sadd.s32 s8, s11;
	s8 =	sadd.s32 s8, s12  }
0xf: {  	s17 =	sadd.s32 s1, s20;
	s18 =	sadd.s32 s1, s11;
	s19 =	sadd.s32 s1, s12  }
0x10: {  	s20 =	smax.u32 s0, $0x1;
	s0 =	simm.s32 $0x2;
	[dreg:$0x4] =	wrdreg s21  }
0x11: {  	s1 =	simm.s32 $0x3;
	s6 =	ssub.s32 s6, s9;
	[dreg:$0x5] =	wrdreg s22  }
0x12: {  	[dreg:$0x6] =	wrdreg s8;
	s21 =	simm.s32 $0x80;
	s22 =	simm.s32 $0x400  }
0x13: {  	s23 =	sadd.s32 $0x1, s6;
	s24 =	sshll.u32 s6, $0x9;
	s14 =	sadd.s32 $0x2, s6  }
0x14: {  	s15 =	sadd.s32 $0x3, s6;
	s6 =	simm.s32 $0x4;
	p0 =	seq.s32 s23, $0x50  }
.Ltmp0:
0x15: {  	s9 =	sshll.u32 s23, $0x9;
	s13 =	sadd.s32 s2, s24;
	(pc) =	sbr.rel .LBB2_1-.Ltmp0, $4  }
0x16: {  	s8 =	sadd.s32 s4, s24;
	s9 =	simm.s32 @p0 $0x0;
	[dreg:$0x7] =	wrdreg s13  }
0x17: {  	s23 =	simm.s32 $0x5;
	[dreg:$0x8] =	wrdreg s8;
	s25 =	sadd.s32 s2, s9  }
0x18: {  	s24 =	simm.s32 $0xA000;
	s26 =	sadd.s32 s4, s9;
	[dreg:$0x9] =	wrdreg s25  }
0x19: {  	[dreg:$0xa] =	wrdreg s26;
	s26 =	simm.s32 $0xC800;
	s25 =	simm.s32 $0x15000  }
.LBB2_8:
0x1a: {  	[hbm4b:s16+s21] =	stream.strided.scatter [tilespmem:s24], [sflag:$0x5], $0x2800, s22, s21, $0x38;
	[tilespmem:$0x18000] =	vst v63  }
0x1b: {  	_ =	swait.ge [sflag:s23], $0x2800  }
0x1c: {  	[sflag:s23] =	ssyncset.done $0x0  }
0x1d: {  	[sflag:s23] =	ssyncadd.s32 $0xFFFFD800  }
0x1e: {  	[hbm4b:s17+s21] =	stream.strided.scatter [tilespmem:s26], [sflag:$0x5], $0x2800, s22, s21, $0x38;
	[tilespmem:$0x18000] =	vst v63  }
0x1f: {  	_ =	swait.ge [sflag:s23], $0x2800  }
0x20: {  	[sflag:s23] =	ssyncset.done $0x0  }
0x21: {  	[sflag:s23] =	ssyncadd.s32 $0xFFFFD800  }
0x22: {  	[hbm4b:s18+s21] =	stream.strided.scatter [tilespmem:s29], [sflag:$0x5], $0x2800, s22, s21, $0x38;
	[tilespmem:$0x18000] =	vst v63  }
0x23: {  	s7 =	sadd.s32 $0x1, s7;
	_ =	swait.ge [sflag:s23], $0x2800  }
0x24: {  	p0 =	sne.s32 s7, s20;
	[sflag:s23] =	ssyncset.done $0x0  }
.Ltmp1:
0x25: {  	[sflag:s23] =	ssyncadd.s32 $0xFFFFD800;
	(pc) =	sbr.rel @!p0 .LBB2_9-.Ltmp1, $4  }
0x26: {  	[hbm4b:s19+s21] =	stream.strided.scatter [tilespmem:s31], [sflag:$0x5], $0x2800, s22, s21, $0x38;
	[tilespmem:$0x18000] =	vst v63  }
0x27: {  	_ =	swait.ge [sflag:s23], $0x2800  }
0x28: {  	[sflag:s23] =	ssyncset.done $0x0  }
0x29: {  	[sflag:s23] =	ssyncadd.s32 $0xFFFFD800  }
.LBB2_1:
0x2a: {  	s8 =	rddreg [dreg:$0x3]  }
0x2b: {  	[tilespmem:s3], [sflag:$0x5] =	stream.strided.gather [hbm4b:s8+s21], $0x2800, s22, s21, $0x38;
	[tilespmem:$0x18000] =	vst v63  }
0x2c: {  	_ =	swait.ge [sflag:s23], $0x2800  }
0x2d: {  	[sflag:s23] =	ssyncset.done $0x0  }
0x2e: {  	[sflag:s23] =	ssyncadd.s32 $0xFFFFD800  }
0x2f: {  	[tilespmem:s24], [sflag:$0x5] =	stream.linear.gather [hbm4b:s5+s3], $0x2800, $0x38;
	[tilespmem:$0x18000] =	vst v63  }
0x30: {  	_ =	swait.ge [sflag:s23], $0x2800  }
0x31: {  	[sflag:s23] =	ssyncset.done $0x0  }
0x32: {  	s9 =	simm.s32 $0x2800;
	s11 =	rddreg [dreg:$0x4];
	[sflag:s23] =	ssyncadd.s32 $0xFFFFD800  }
0x33: {  	[tilespmem:s9], [sflag:$0x5] =	stream.strided.gather [hbm4b:s11+s21], $0x2800, s22, s21, $0x38;
	[tilespmem:$0x18000] =	vst v63  }
0x34: {  	_ =	swait.ge [sflag:s23], $0x2800  }
0x35: {  	[sflag:s23] =	ssyncset.done $0x0  }
0x36: {  	[sflag:s23] =	ssyncadd.s32 $0xFFFFD800  }
0x37: {  	[tilespmem:s26], [sflag:$0x5] =	stream.linear.gather [hbm4b:s5+s3], $0x2800, $0x38;
	[tilespmem:$0x18000] =	vst v63  }
0x38: {  	_ =	swait.ge [sflag:s23], $0x2800  }
0x39: {  	[sflag:s23] =	ssyncset.done $0x0  }
0x3a: {  	s13 =	simm.s32 $0x5000;
	s12 =	rddreg [dreg:$0x5];
	[sflag:s23] =	ssyncadd.s32 $0xFFFFD800  }
0x3b: {  	[tilespmem:s13], [sflag:$0x5] =	stream.strided.gather [hbm4b:s12+s21], $0x2800, s22, s21, $0x38;
	[tilespmem:$0x18000] =	vst v63  }
0x3c: {  	_ =	swait.ge [sflag:s23], $0x2800  }
0x3d: {  	[sflag:s23] =	ssyncset.done $0x0  }
0x3e: {  	[sflag:s23] =	ssyncadd.s32 $0xFFFFD800  }
0x3f: {  	[tilespmem:s29], [sflag:$0x5] =	stream.linear.gather [hbm4b:s5+s3], $0x2800, $0x38;
	[tilespmem:$0x18000] =	vst v63  }
0x40: {  	_ =	swait.ge [sflag:s23], $0x2800  }
0x41: {  	[sflag:s23] =	ssyncset.done $0x0  }
0x42: {  	s11 =	simm.s32 $0x7800;
	s10 =	rddreg [dreg:$0x6];
	[sflag:s23] =	ssyncadd.s32 $0xFFFFD800  }
0x43: {  	[tilespmem:s11], [sflag:$0x5] =	stream.strided.gather [hbm4b:s10+s21], $0x2800, s22, s21, $0x38;
	[tilespmem:$0x18000] =	vst v63  }
0x44: {  	_ =	swait.ge [sflag:s23], $0x2800  }
0x45: {  	[sflag:s23] =	ssyncset.done $0x0  }
0x46: {  	[sflag:s23] =	ssyncadd.s32 $0xFFFFD800  }
0x47: {  	[tilespmem:s31], [sflag:$0x5] =	stream.linear.gather [hbm4b:s5+s3], $0x2800, $0x38;
	[tilespmem:$0x18000] =	vst v63  }
0x48: {  	_ =	swait.ge [sflag:s23], $0x2800  }
0x49: {  	[sflag:s23] =	ssyncset.done $0x0  }
0x4a: {  	s13 =	simm.s32 $0x14000;
	s12 =	rddreg [dreg:$0x7];
	[sflag:s23] =	ssyncadd.s32 $0xFFFFD800  }
0x4b: {  	[tilespmem:s13], [sflag:$0x1] =	stream.linear.gather [hbm4b:s12+s3], $0x1000, $0x38;
	[tilespmem:$0x18000] =	vst v63  }
0x4c: {  	s11 =	simm.s32 $0x16000;
	s10 =	rddreg [dreg:$0x8]  }
0x4d: {  	[tilespmem:s11], [sflag:$0x2] =	stream.linear.gather [hbm4b:s10+s3], $0x1000, $0x38;
	[tilespmem:$0x18000] =	vst v63  }
0x4e: {  	s12 =	rddreg [dreg:$0x9]  }
0x4f: {  	[tilespmem:s25], [sflag:$0x3] =	stream.linear.gather [hbm4b:s12+s3], $0x1000, $0x38;
	[tilespmem:$0x18000] =	vst v63  }
0x50: {  	s8 =	simm.s32 $0x0;
	s13 =	rddreg [dreg:$0xa]  }
0x51: {  	[tilespmem:s28], [sflag:$0x4] =	stream.linear.gather [hbm4b:s13+s3], $0x1000, $0x38;
	[tilespmem:$0x18000] =	vst v63  }
.LBB2_2:
0x52: {  	_ =	swait.ge [sflag:s30], $0x1000  }
0x53: {  	[sflag:s30] =	ssyncset.done $0x0  }
0x54: {  	[sflag:s30] =	ssyncadd.s32 $0xFFFFF000  }
0x55: {  	_ =	swait.ge [sflag:s0], $0x1000  }
0x56: {  	[sflag:s0] =	ssyncset.done $0x0  }
0x57: {  	s10 =	simm.s32 $0x14040;
	[sflag:s0] =	ssyncadd.s32 $0xFFFFF000  }
0x58: {  	v0 =	vld [tilespmem:s10+$0x30]  }
0x59: {  	v1 =	vld [tilespmem:s10+$0xFFFFFFD0]  }
0x5a: {  	v2 =	vld [tilespmem:s10+$0xFFFFFFE0]  }
0x5b: {  	v3 =	vld [tilespmem:s10+$0xFFFFFFF0]  }
0x5c: {  	v4 =	vld [tilespmem:s10+$0x0]  }
0x5d: {  	s9 =	simm.s32 $0x16040;
	v5 =	vld [tilespmem:s10+$0x10]  }
0x5e: {  	v6 =	vld [tilespmem:s9+$0x30]  }
0x5f: {  	v7 =	vld [tilespmem:s10+$0x20]  }
0x60: {  	v9 =	vld [tilespmem:s10+$0xFFFFFFC0]  }
0x61: {  	v19 =	vld [tilespmem:s9+$0xFFFFFFC0]  }
0x62: {  	v20 =	vld [tilespmem:s9+$0xFFFFFFD0]  }
0x63: {  	v62 =	vld [tilespmem:s9+$0xFFFFFFE0]  }
0x64: {  	v21 =	vld [tilespmem:s9+$0xFFFFFFF0]  }
0x65: {  	v22 =	vld [tilespmem:s9+$0x0]  }
0x66: {  	v23 =	vld [tilespmem:s9+$0x10]  }
0x67: {  	v24 =	vld [tilespmem:s9+$0x20]  }
0x68: {  	v8 =	vld.idx.msk [tilespmem:v0+s3+$0x0], $0xffff  }
0x69: {  	v10 =	vld.idx.msk [tilespmem:v1+s3+$0x0], $0xffff  }
0x6a: {  	v12 =	vld.idx.msk [tilespmem:v2+s3+$0x0], $0xffff  }
0x6b: {  	v13 =	vld.idx.msk [tilespmem:v3+s3+$0x0], $0xffff  }
0x6c: {  	v16 =	vld.idx.msk [tilespmem:v9+s3+$0x0], $0xffff  }
0x6d: {  	v14 =	vld.idx.msk [tilespmem:v4+s3+$0x0], $0xffff  }
0x6e: {  	v61 =	vld.idx.msk [tilespmem:v5+s3+$0x0], $0xffff  }
0x6f: {  	v18 =	vld.idx.msk [tilespmem:v7+s3+$0x0], $0xffff  }
0x70: {  	[tilespmem:v6+s24+$0x0] =	vst.idx.add.f32.msk $0xffff, v8  }
0x71: {  	[tilespmem:v19+s24+$0x0] =	vst.idx.add.f32.msk $0xffff, v16  }
0x72: {  	[tilespmem:v20+s24+$0x0] =	vst.idx.add.f32.msk $0xffff, v10  }
0x73: {  	v11 =	vadd.s32 $0x2800, v0;
	[tilespmem:v62+s24+$0x0] =	vst.idx.add.f32.msk $0xffff, v12  }
0x74: {  	v25 =	vadd.s32 $0x2800, v1;
	[tilespmem:v21+s24+$0x0] =	vst.idx.add.f32.msk $0xffff, v13  }
0x75: {  	v26 =	vadd.s32 $0x2800, v2;
	[tilespmem:v22+s24+$0x0] =	vst.idx.add.f32.msk $0xffff, v14  }
0x76: {  	v29 =	vadd.s32 $0x2800, v5;
	[tilespmem:v23+s24+$0x0] =	vst.idx.add.f32.msk $0xffff, v61  }
0x77: {  	v30 =	vadd.s32 $0x2800, v7;
	[tilespmem:v24+s24+$0x0] =	vst.idx.add.f32.msk $0xffff, v18  }
0x78: {  	v15 =	vadd.s32 $0x2800, v6;
	v8 =	vld.idx.msk [tilespmem:v11+s3+$0x0], $0xffff  }
0x79: {  	v17 =	vadd.s32 $0x5000, v0;
	v10 =	vld.idx.msk [tilespmem:v25+s3+$0x0], $0xffff  }
0x7a: {  	v32 =	vadd.s32 $0x2800, v20;
	v12 =	vld.idx.msk [tilespmem:v26+s3+$0x0], $0xffff  }
0x7b: {  	v33 =	vadd.s32 $0x2800, v62;
	v11 =	vld.idx.msk [tilespmem:v29+s3+$0x0], $0xffff  }
0x7c: {  	v13 =	vld.idx.msk [tilespmem:v30+s3+$0x0], $0xffff;
	v26 =	vadd.s32 $0x2800, v23  }
0x7d: {  	v37 =	vadd.s32 $0x5000, v1;
	[tilespmem:v15+s24+$0x0] =	vst.idx.add.f32.msk $0xffff, v8  }
0x7e: {  	v63 =	vadd.s32 $0x5000, v6;
	v8 =	vld.idx.msk [tilespmem:v17+s3+$0x0], $0xffff  }
0x7f: {  	[tilespmem:v32+s24+$0x0] =	vst.idx.add.f32.msk $0xffff, v10;
	v17 =	vadd.s32 $0x2800, v9  }
0x80: {  	v35 =	vadd.s32 $0x2800, v24;
	[tilespmem:v33+s24+$0x0] =	vst.idx.add.f32.msk $0xffff, v12  }
0x81: {  	v0 =	vadd.s32 $0x7800, v0;
	[tilespmem:v26+s24+$0x0] =	vst.idx.add.f32.msk $0xffff, v11  }
0x82: {  	v42 =	vadd.s32 $0x5000, v7;
	v12 =	vld.idx.msk [tilespmem:v37+s3+$0x0], $0xffff  }
0x83: {  	v44 =	vadd.s32 $0x5000, v20;
	[tilespmem:v63+s24+$0x0] =	vst.idx.add.f32.msk $0xffff, v8  }
0x84: {  	v31 =	vadd.s32 $0x2800, v19;
	v8 =	vld.idx.msk [tilespmem:v17+s3+$0x0], $0xffff  }
0x85: {  	v41 =	vadd.s32 $0x5000, v5;
	[tilespmem:v35+s24+$0x0] =	vst.idx.add.f32.msk $0xffff, v13  }
0x86: {  	v6 =	vadd.s32 $0x7800, v6;
	v0 =	vld.idx.msk [tilespmem:v0+s3+$0x0], $0xffff  }
0x87: {  	v27 =	vadd.s32 $0x2800, v3;
	v13 =	vld.idx.msk [tilespmem:v42+s3+$0x0], $0xffff  }
0x88: {  	v28 =	vadd.s32 $0x2800, v4;
	[tilespmem:v44+s24+$0x0] =	vst.idx.add.f32.msk $0xffff, v12  }
0x89: {  	v49 =	vadd.s32 $0x5000, v24;
	[tilespmem:v31+s24+$0x0] =	vst.idx.add.f32.msk $0xffff, v8  }
0x8a: {  	v36 =	vadd.s32 $0x5000, v9;
	v8 =	vld.idx.msk [tilespmem:v41+s3+$0x0], $0xffff  }
0x8b: {  	v48 =	vadd.s32 $0x5000, v23;
	[tilespmem:v6+s24+$0x0] =	vst.idx.add.f32.msk $0xffff, v0  }
0x8c: {  	v34 =	vadd.s32 $0x2800, v21;
	v0 =	vld.idx.msk [tilespmem:v27+s3+$0x0], $0xffff  }
0x8d: {  	v25 =	vadd.s32 $0x2800, v22;
	v6 =	vld.idx.msk [tilespmem:v28+s3+$0x0], $0xffff  }
0x8e: {  	v38 =	vadd.s32 $0x5000, v2;
	[tilespmem:v49+s24+$0x0] =	vst.idx.add.f32.msk $0xffff, v13  }
0x8f: {  	v43 =	vadd.s32 $0x5000, v19;
	v10 =	vld.idx.msk [tilespmem:v36+s3+$0x0], $0xffff  }
0x90: {  	v54 =	vadd.s32 $0x7800, v5;
	[tilespmem:v48+s24+$0x0] =	vst.idx.add.f32.msk $0xffff, v8  }
0x91: {  	v39 =	vadd.s32 $0x5000, v3;
	[tilespmem:v34+s24+$0x0] =	vst.idx.add.f32.msk $0xffff, v0  }
0x92: {  	v40 =	vadd.s32 $0x5000, v4;
	[tilespmem:v25+s24+$0x0] =	vst.idx.add.f32.msk $0xffff, v6  }
0x93: {  	v9 =	vadd.s32 $0x7800, v9;
	v0 =	vld.idx.msk [tilespmem:v38+s3+$0x0], $0xffff  }
0x94: {  	v45 =	vadd.s32 $0x5000, v62;
	[tilespmem:v43+s24+$0x0] =	vst.idx.add.f32.msk $0xffff, v10  }
0x95: {  	v50 =	vadd.s32 $0x7800, v1;
	v53 =	vadd.s32 $0x7800, v4;
	v4 =	vld.idx.msk [tilespmem:v54+s3+$0x0], $0xffff  }
0x96: {  	v59 =	vadd.s32 $0x7800, v62;
	v62 =	vadd.s32 $0x7800, v23;
	v6 =	vld.idx.msk [tilespmem:v39+s3+$0x0], $0xffff  }
0x97: {  	v46 =	vadd.s32 $0x5000, v21;
	v11 =	vld.idx.msk [tilespmem:v40+s3+$0x0], $0xffff  }
0x98: {  	v47 =	vadd.s32 $0x5000, v22;
	v55 =	vld.idx.msk [tilespmem:v9+s3+$0x0], $0xffff  }
0x99: {  	v51 =	vadd.s32 $0x7800, v2;
	[tilespmem:v45+s24+$0x0] =	vst.idx.add.f32.msk $0xffff, v0  }
0x9a: {  	v56 =	vadd.s32 $0x7800, v7;
	v0 =	vld.idx.msk [tilespmem:v50+s3+$0x0], $0xffff  }
0x9b: {  	v57 =	vadd.s32 $0x7800, v19;
	[tilespmem:v62+s24+$0x0] =	vst.idx.add.f32.msk $0xffff, v4  }
0x9c: {  	v52 =	vadd.s32 $0x7800, v3;
	[tilespmem:v46+s24+$0x0] =	vst.idx.add.f32.msk $0xffff, v6  }
0x9d: {  	[tilespmem:v47+s24+$0x0] =	vst.idx.add.f32.msk $0xffff, v11  }
0x9e: {  	v58 =	vadd.s32 $0x7800, v20;
	v1 =	vld.idx.msk [tilespmem:v51+s3+$0x0], $0xffff  }
0x9f: {  	v6 =	vld.idx.msk [tilespmem:v56+s3+$0x0], $0xffff  }
0xa0: {  	v63 =	vadd.s32 $0x7800, v24;
	[tilespmem:v57+s24+$0x0] =	vst.idx.add.f32.msk $0xffff, v55  }
0xa1: {  	v60 =	vadd.s32 $0x7800, v21;
	v2 =	vld.idx.msk [tilespmem:v52+s3+$0x0], $0xffff  }
0xa2: {  	v61 =	vadd.s32 $0x7800, v22;
	v3 =	vld.idx.msk [tilespmem:v53+s3+$0x0], $0xffff  }
0xa3: {  	[tilespmem:v58+s24+$0x0] =	vst.idx.add.f32.msk $0xffff, v0  }
0xa4: {  	[tilespmem:v59+s24+$0x0] =	vst.idx.add.f32.msk $0xffff, v1  }
0xa5: {  	[tilespmem:v63+s24+$0x0] =	vst.idx.add.f32.msk $0xffff, v6  }
0xa6: {  	[tilespmem:v60+s24+$0x0] =	vst.idx.add.f32.msk $0xffff, v2  }
0xa7: {  	s11 =	simm.s32 $0x140C0;
	s10 =	simm.s32 $0x0;
	[tilespmem:v61+s24+$0x0] =	vst.idx.add.f32.msk $0xffff, v3  }
.LBB2_3:
0xa8: {  	v11 =	vld [tilespmem:s11+$0x30];
	s10 =	sadd.s32 $0x8, s10  }
0xa9: {  	v4 =	vld [tilespmem:s11+$0xFFFFFFD0];
	p0 =	slt.u32 s10, $0xF8  }
0xaa: {  	v5 =	vld [tilespmem:s11+$0xFFFFFFE0]  }
0xab: {  	v9 =	vld [tilespmem:s11+$0xFFFFFFF0]  }
0xac: {  	v12 =	vld [tilespmem:s11+$0x0]  }
0xad: {  	s9 =	sadd.s32 $0x80, s9;
	v13 =	vld [tilespmem:s11+$0x10]  }
0xae: {  	v14 =	vadd.s32 $0x2800, v4;
	v6 =	vadd.s32 $0x5000, v4;
	v0 =	vadd.s32 $0x7800, v4;
	v15 =	vld [tilespmem:s9+$0x30]  }
0xaf: {  	v16 =	vadd.s32 $0x2800, v5;
	v7 =	vadd.s32 $0x5000, v5;
	v1 =	vadd.s32 $0x7800, v5;
	v17 =	vld [tilespmem:s11+$0x20]  }
0xb0: {  	v18 =	vadd.s32 $0x2800, v9;
	v8 =	vadd.s32 $0x5000, v9;
	v2 =	vadd.s32 $0x7800, v9;
	v19 =	vld.idx.msk [tilespmem:v11+s3+$0x0], $0xffff  }
0xb1: {  	v20 =	vld [tilespmem:s11+$0xFFFFFFC0];
	v21 =	vadd.s32 $0x2800, v12;
	v10 =	vadd.s32 $0x5000, v12;
	v3 =	vadd.s32 $0x7800, v12  }
0xb2: {  	v25 =	vadd.s32 $0x2800, v11;
	v22 =	vld.idx.msk [tilespmem:v4+s3+$0x0], $0xffff;
	v23 =	vadd.s32 $0x2800, v13;
	v24 =	vadd.s32 $0x5000, v13  }
0xb3: {  	v4 =	vadd.s32 $0x7800, v13;
	v26 =	vld.idx.msk [tilespmem:v5+s3+$0x0], $0xffff  }
0xb4: {  	v27 =	vld.idx.msk [tilespmem:v9+s3+$0x0], $0xffff;
	v28 =	vadd.s32 $0x2800, v17;
	v29 =	vadd.s32 $0x5000, v17;
	v5 =	vadd.s32 $0x7800, v17  }
0xb5: {  	v12 =	vld.idx.msk [tilespmem:v12+s3+$0x0], $0xffff  }
0xb6: {  	v30 =	vadd.s32 $0x2800, v20;
	v31 =	vadd.s32 $0x5000, v20;
	v9 =	vadd.s32 $0x7800, v20;
	[tilespmem:v15+s24+$0x0] =	vst.idx.add.f32.msk $0xffff, v19  }
0xb7: {  	v19 =	vld.idx.msk [tilespmem:v25+s3+$0x0], $0xffff  }
0xb8: {  	v25 =	vadd.s32 $0x2800, v15;
	v13 =	vld.idx.msk [tilespmem:v13+s3+$0x0], $0xffff  }
0xb9: {  	v32 =	vadd.s32 $0x5000, v11;
	v20 =	vld.idx.msk [tilespmem:v20+s3+$0x0], $0xffff  }
0xba: {  	v17 =	vld.idx.msk [tilespmem:v17+s3+$0x0], $0xffff  }
0xbb: {  	v33 =	vld [tilespmem:s9+$0xFFFFFFC0]  }
0xbc: {  	v34 =	vld [tilespmem:s9+$0xFFFFFFD0]  }
0xbd: {  	[tilespmem:v25+s24+$0x0] =	vst.idx.add.f32.msk $0xffff, v19  }
0xbe: {  	v19 =	vld.idx.msk [tilespmem:v32+s3+$0x0], $0xffff  }
0xbf: {  	v32 =	vadd.s32 $0x5000, v15;
	v25 =	vld [tilespmem:s9+$0xFFFFFFE0]  }
0xc0: {  	v11 =	vadd.s32 $0x7800, v11;
	v35 =	vadd.s32 $0x2800, v33;
	v36 =	vadd.s32 $0x5000, v33;
	v37 =	vld [tilespmem:s9+$0xFFFFFFF0]  }
0xc1: {  	v38 =	vadd.s32 $0x7800, v33;
	v39 =	vadd.s32 $0x2800, v34;
	v40 =	vadd.s32 $0x5000, v34;
	v41 =	vld [tilespmem:s9+$0x0]  }
0xc2: {  	v42 =	vadd.s32 $0x7800, v34;
	v43 =	vld [tilespmem:s9+$0x10]  }
0xc3: {  	v44 =	vld [tilespmem:s9+$0x20]  }
0xc4: {  	v45 =	vadd.s32 $0x2800, v25;
	v46 =	vadd.s32 $0x5000, v25;
	v47 =	vadd.s32 $0x7800, v25;
	[tilespmem:v32+s24+$0x0] =	vst.idx.add.f32.msk $0xffff, v19  }
0xc5: {  	v19 =	vadd.s32 $0x2800, v37;
	v32 =	vadd.s32 $0x5000, v37;
	v48 =	vadd.s32 $0x7800, v37;
	v11 =	vld.idx.msk [tilespmem:v11+s3+$0x0], $0xffff  }
0xc6: {  	v15 =	vadd.s32 $0x7800, v15;
	[tilespmem:v33+s24+$0x0] =	vst.idx.add.f32.msk $0xffff, v20;
	v20 =	vadd.s32 $0x2800, v41;
	v33 =	vadd.s32 $0x5000, v41  }
0xc7: {  	[tilespmem:v34+s24+$0x0] =	vst.idx.add.f32.msk $0xffff, v22;
	v22 =	vadd.s32 $0x7800, v41;
	v34 =	vadd.s32 $0x2800, v43;
	v49 =	vadd.s32 $0x5000, v43  }
0xc8: {  	[tilespmem:v25+s24+$0x0] =	vst.idx.add.f32.msk $0xffff, v26;
	v25 =	vadd.s32 $0x7800, v43;
	v26 =	vadd.s32 $0x2800, v44;
	v50 =	vadd.s32 $0x5000, v44  }
0xc9: {  	[tilespmem:v37+s24+$0x0] =	vst.idx.add.f32.msk $0xffff, v27;
	v27 =	vadd.s32 $0x7800, v44  }
0xca: {  	[tilespmem:v41+s24+$0x0] =	vst.idx.add.f32.msk $0xffff, v12  }
0xcb: {  	[tilespmem:v15+s24+$0x0] =	vst.idx.add.f32.msk $0xffff, v11  }
0xcc: {  	[tilespmem:v43+s24+$0x0] =	vst.idx.add.f32.msk $0xffff, v13  }
0xcd: {  	[tilespmem:v44+s24+$0x0] =	vst.idx.add.f32.msk $0xffff, v17  }
0xce: {  	v11 =	vld.idx.msk [tilespmem:v30+s3+$0x0], $0xffff  }
0xcf: {  	v12 =	vld.idx.msk [tilespmem:v14+s3+$0x0], $0xffff  }
0xd0: {  	v13 =	vld.idx.msk [tilespmem:v16+s3+$0x0], $0xffff  }
0xd1: {  	v14 =	vld.idx.msk [tilespmem:v18+s3+$0x0], $0xffff  }
0xd2: {  	v15 =	vld.idx.msk [tilespmem:v21+s3+$0x0], $0xffff  }
0xd3: {  	v16 =	vld.idx.msk [tilespmem:v23+s3+$0x0], $0xffff  }
0xd4: {  	v17 =	vld.idx.msk [tilespmem:v28+s3+$0x0], $0xffff  }
0xd5: {  	[tilespmem:v35+s24+$0x0] =	vst.idx.add.f32.msk $0xffff, v11  }
0xd6: {  	[tilespmem:v39+s24+$0x0] =	vst.idx.add.f32.msk $0xffff, v12  }
0xd7: {  	[tilespmem:v45+s24+$0x0] =	vst.idx.add.f32.msk $0xffff, v13  }
0xd8: {  	[tilespmem:v19+s24+$0x0] =	vst.idx.add.f32.msk $0xffff, v14  }
0xd9: {  	[tilespmem:v20+s24+$0x0] =	vst.idx.add.f32.msk $0xffff, v15  }
0xda: {  	[tilespmem:v34+s24+$0x0] =	vst.idx.add.f32.msk $0xffff, v16  }
0xdb: {  	[tilespmem:v26+s24+$0x0] =	vst.idx.add.f32.msk $0xffff, v17  }
0xdc: {  	v11 =	vld.idx.msk [tilespmem:v31+s3+$0x0], $0xffff  }
0xdd: {  	v6 =	vld.idx.msk [tilespmem:v6+s3+$0x0], $0xffff  }
0xde: {  	v7 =	vld.idx.msk [tilespmem:v7+s3+$0x0], $0xffff  }
0xdf: {  	v8 =	vld.idx.msk [tilespmem:v8+s3+$0x0], $0xffff  }
0xe0: {  	v10 =	vld.idx.msk [tilespmem:v10+s3+$0x0], $0xffff  }
0xe1: {  	v12 =	vld.idx.msk [tilespmem:v24+s3+$0x0], $0xffff  }
0xe2: {  	v13 =	vld.idx.msk [tilespmem:v29+s3+$0x0], $0xffff  }
0xe3: {  	[tilespmem:v36+s24+$0x0] =	vst.idx.add.f32.msk $0xffff, v11  }
0xe4: {  	[tilespmem:v40+s24+$0x0] =	vst.idx.add.f32.msk $0xffff, v6  }
0xe5: {  	[tilespmem:v46+s24+$0x0] =	vst.idx.add.f32.msk $0xffff, v7  }
0xe6: {  	[tilespmem:v32+s24+$0x0] =	vst.idx.add.f32.msk $0xffff, v8  }
0xe7: {  	[tilespmem:v33+s24+$0x0] =	vst.idx.add.f32.msk $0xffff, v10  }
0xe8: {  	[tilespmem:v49+s24+$0x0] =	vst.idx.add.f32.msk $0xffff, v12  }
0xe9: {  	[tilespmem:v50+s24+$0x0] =	vst.idx.add.f32.msk $0xffff, v13  }
0xea: {  	v6 =	vld.idx.msk [tilespmem:v9+s3+$0x0], $0xffff  }
0xeb: {  	v0 =	vld.idx.msk [tilespmem:v0+s3+$0x0], $0xffff  }
0xec: {  	v1 =	vld.idx.msk [tilespmem:v1+s3+$0x0], $0xffff  }
0xed: {  	v2 =	vld.idx.msk [tilespmem:v2+s3+$0x0], $0xffff  }
0xee: {  	v3 =	vld.idx.msk [tilespmem:v3+s3+$0x0], $0xffff  }
0xef: {  	v4 =	vld.idx.msk [tilespmem:v4+s3+$0x0], $0xffff  }
0xf0: {  	v5 =	vld.idx.msk [tilespmem:v5+s3+$0x0], $0xffff  }
0xf1: {  	[tilespmem:v38+s24+$0x0] =	vst.idx.add.f32.msk $0xffff, v6  }
0xf2: {  	[tilespmem:v42+s24+$0x0] =	vst.idx.add.f32.msk $0xffff, v0  }
.Ltmp2:
0xf3: {  	[tilespmem:v47+s24+$0x0] =	vst.idx.add.f32.msk $0xffff, v1;
	(pc) =	sbr.rel @p0 .LBB2_3-.Ltmp2, $4  }
0xf4: {  	[tilespmem:v48+s24+$0x0] =	vst.idx.add.f32.msk $0xffff, v2  }
0xf5: {  	[tilespmem:v22+s24+$0x0] =	vst.idx.add.f32.msk $0xffff, v3  }
0xf6: {  	[tilespmem:v25+s24+$0x0] =	vst.idx.add.f32.msk $0xffff, v4  }
0xf7: {  	s11 =	sadd.s32 $0x80, s11;
	[tilespmem:v27+s24+$0x0] =	vst.idx.add.f32.msk $0xffff, v5  }
0xf8: {  	s9 =	sshll.u32 s8, $0x1;
	p0 =	seq.s32 s8, $0x27  }
0xf9: {  	s10 =	sadd.s32 @!p0 s9, s14  }
0xfa: {  	s11 =	smulhi.u32 @!p0 $0xCCCCCCCD, s10;
	_ =	sdelay $0x1  }
0xfb: {  	s11 =	sshrl.u32 @!p0 s11, $0x6  }
0xfc: {  	s11 =	smul.u32 @!p0 $0x50, s11;
	_ =	sdelay $0x1  }
0xfd: {  	s10 =	ssub.s32 @!p0 s10, s11  }
0xfe: {  	s10 =	sshll.u32 @!p0 s10, $0x9  }
0xff: {  	s12 =	simm.s32 @!p0 $0x0;
	s13 =	simm.s32 @!p0 $0x14000;
	s11 =	sadd.s32 @!p0 s2, s10  }
0x100: {  	[tilespmem:s13], [sflag:$0x1] =	stream.linear.gather @!p0 [hbm4b:s11+s12], $0x1000, $0x38;
	[tilespmem:$0x18000] =	vst v63  }
0x101: {  	s10 =	sadd.s32 @!p0 s4, s10;
	s11 =	simm.s32 @!p0 $0x16000  }
0x102: {  	[tilespmem:s11], [sflag:$0x2] =	stream.linear.gather @!p0 [hbm4b:s10+s12], $0x1000, $0x38;
	[tilespmem:$0x18000] =	vst v63  }
0x103: {  	_ =	swait.ge [sflag:s1], $0x1000  }
0x104: {  	[sflag:s1] =	ssyncset.done $0x0  }
0x105: {  	[sflag:s1] =	ssyncadd.s32 $0xFFFFF000  }
0x106: {  	_ =	swait.ge [sflag:s6], $0x1000  }
0x107: {  	[sflag:s6] =	ssyncset.done $0x0  }
0x108: {  	s13 =	simm.s32 $0x15040;
	[sflag:s6] =	ssyncadd.s32 $0xFFFFF000  }
0x109: {  	v0 =	vld [tilespmem:s13+$0x30]  }
0x10a: {  	v1 =	vld [tilespmem:s13+$0xFFFFFFD0]  }
0x10b: {  	v2 =	vld [tilespmem:s13+$0xFFFFFFE0]  }
0x10c: {  	v3 =	vld [tilespmem:s13+$0xFFFFFFF0]  }
0x10d: {  	v4 =	vld [tilespmem:s13+$0x0]  }
0x10e: {  	s10 =	simm.s32 $0x17040;
	v5 =	vld [tilespmem:s13+$0x10]  }
0x10f: {  	v6 =	vld [tilespmem:s10+$0x30]  }
0x110: {  	v7 =	vld [tilespmem:s13+$0x20]  }
0x111: {  	v9 =	vld [tilespmem:s13+$0xFFFFFFC0]  }
0x112: {  	v19 =	vld [tilespmem:s10+$0xFFFFFFC0]  }
0x113: {  	v20 =	vld [tilespmem:s10+$0xFFFFFFD0]  }
0x114: {  	v62 =	vld [tilespmem:s10+$0xFFFFFFE0]  }
0x115: {  	v21 =	vld [tilespmem:s10+$0xFFFFFFF0]  }
0x116: {  	v22 =	vld [tilespmem:s10+$0x0]  }
0x117: {  	v23 =	vld [tilespmem:s10+$0x10]  }
0x118: {  	v24 =	vld [tilespmem:s10+$0x20]  }
0x119: {  	v8 =	vld.idx.msk [tilespmem:v0+s3+$0x0], $0xffff  }
0x11a: {  	v10 =	vld.idx.msk [tilespmem:v1+s3+$0x0], $0xffff  }
0x11b: {  	v12 =	vld.idx.msk [tilespmem:v2+s3+$0x0], $0xffff  }
0x11c: {  	v13 =	vld.idx.msk [tilespmem:v3+s3+$0x0], $0xffff  }
0x11d: {  	v16 =	vld.idx.msk [tilespmem:v9+s3+$0x0], $0xffff  }
0x11e: {  	v14 =	vld.idx.msk [tilespmem:v4+s3+$0x0], $0xffff  }
0x11f: {  	v61 =	vld.idx.msk [tilespmem:v5+s3+$0x0], $0xffff  }
0x120: {  	v18 =	vld.idx.msk [tilespmem:v7+s3+$0x0], $0xffff  }
0x121: {  	[tilespmem:v6+s24+$0x0] =	vst.idx.add.f32.msk $0xffff, v8  }
0x122: {  	[tilespmem:v19+s24+$0x0] =	vst.idx.add.f32.msk $0xffff, v16  }
0x123: {  	[tilespmem:v20+s24+$0x0] =	vst.idx.add.f32.msk $0xffff, v10  }
0x124: {  	v11 =	vadd.s32 $0x2800, v0;
	[tilespmem:v62+s24+$0x0] =	vst.idx.add.f32.msk $0xffff, v12  }
0x125: {  	v25 =	vadd.s32 $0x2800, v1;
	[tilespmem:v21+s24+$0x0] =	vst.idx.add.f32.msk $0xffff, v13  }
0x126: {  	v26 =	vadd.s32 $0x2800, v2;
	[tilespmem:v22+s24+$0x0] =	vst.idx.add.f32.msk $0xffff, v14  }
0x127: {  	v29 =	vadd.s32 $0x2800, v5;
	[tilespmem:v23+s24+$0x0] =	vst.idx.add.f32.msk $0xffff, v61  }
0x128: {  	v30 =	vadd.s32 $0x2800, v7;
	[tilespmem:v24+s24+$0x0] =	vst.idx.add.f32.msk $0xffff, v18  }
0x129: {  	v15 =	vadd.s32 $0x2800, v6;
	v8 =	vld.idx.msk [tilespmem:v11+s3+$0x0], $0xffff  }
0x12a: {  	v17 =	vadd.s32 $0x5000, v0;
	v10 =	vld.idx.msk [tilespmem:v25+s3+$0x0], $0xffff  }
0x12b: {  	v32 =	vadd.s32 $0x2800, v20;
	v12 =	vld.idx.msk [tilespmem:v26+s3+$0x0], $0xffff  }
0x12c: {  	v33 =	vadd.s32 $0x2800, v62;
	v11 =	vld.idx.msk [tilespmem:v29+s3+$0x0], $0xffff  }
0x12d: {  	v13 =	vld.idx.msk [tilespmem:v30+s3+$0x0], $0xffff;
	v26 =	vadd.s32 $0x2800, v23  }
0x12e: {  	v37 =	vadd.s32 $0x5000, v1;
	[tilespmem:v15+s24+$0x0] =	vst.idx.add.f32.msk $0xffff, v8  }
0x12f: {  	v63 =	vadd.s32 $0x5000, v6;
	v8 =	vld.idx.msk [tilespmem:v17+s3+$0x0], $0xffff  }
0x130: {  	[tilespmem:v32+s24+$0x0] =	vst.idx.add.f32.msk $0xffff, v10;
	v17 =	vadd.s32 $0x2800, v9  }
0x131: {  	v35 =	vadd.s32 $0x2800, v24;
	[tilespmem:v33+s24+$0x0] =	vst.idx.add.f32.msk $0xffff, v12  }
0x132: {  	v0 =	vadd.s32 $0x7800, v0;
	[tilespmem:v26+s24+$0x0] =	vst.idx.add.f32.msk $0xffff, v11  }
0x133: {  	v42 =	vadd.s32 $0x5000, v7;
	v12 =	vld.idx.msk [tilespmem:v37+s3+$0x0], $0xffff  }
0x134: {  	v44 =	vadd.s32 $0x5000, v20;
	[tilespmem:v63+s24+$0x0] =	vst.idx.add.f32.msk $0xffff, v8  }
0x135: {  	v31 =	vadd.s32 $0x2800, v19;
	v8 =	vld.idx.msk [tilespmem:v17+s3+$0x0], $0xffff  }
0x136: {  	v41 =	vadd.s32 $0x5000, v5;
	[tilespmem:v35+s24+$0x0] =	vst.idx.add.f32.msk $0xffff, v13  }
0x137: {  	v6 =	vadd.s32 $0x7800, v6;
	v0 =	vld.idx.msk [tilespmem:v0+s3+$0x0], $0xffff  }
0x138: {  	v27 =	vadd.s32 $0x2800, v3;
	v13 =	vld.idx.msk [tilespmem:v42+s3+$0x0], $0xffff  }
0x139: {  	v28 =	vadd.s32 $0x2800, v4;
	[tilespmem:v44+s24+$0x0] =	vst.idx.add.f32.msk $0xffff, v12  }
0x13a: {  	v49 =	vadd.s32 $0x5000, v24;
	[tilespmem:v31+s24+$0x0] =	vst.idx.add.f32.msk $0xffff, v8  }
0x13b: {  	v36 =	vadd.s32 $0x5000, v9;
	v8 =	vld.idx.msk [tilespmem:v41+s3+$0x0], $0xffff  }
0x13c: {  	v48 =	vadd.s32 $0x5000, v23;
	[tilespmem:v6+s24+$0x0] =	vst.idx.add.f32.msk $0xffff, v0  }
0x13d: {  	v34 =	vadd.s32 $0x2800, v21;
	v0 =	vld.idx.msk [tilespmem:v27+s3+$0x0], $0xffff  }
0x13e: {  	v25 =	vadd.s32 $0x2800, v22;
	v6 =	vld.idx.msk [tilespmem:v28+s3+$0x0], $0xffff  }
0x13f: {  	v38 =	vadd.s32 $0x5000, v2;
	[tilespmem:v49+s24+$0x0] =	vst.idx.add.f32.msk $0xffff, v13  }
0x140: {  	v43 =	vadd.s32 $0x5000, v19;
	v10 =	vld.idx.msk [tilespmem:v36+s3+$0x0], $0xffff  }
0x141: {  	v54 =	vadd.s32 $0x7800, v5;
	[tilespmem:v48+s24+$0x0] =	vst.idx.add.f32.msk $0xffff, v8  }
0x142: {  	v39 =	vadd.s32 $0x5000, v3;
	[tilespmem:v34+s24+$0x0] =	vst.idx.add.f32.msk $0xffff, v0  }
0x143: {  	v40 =	vadd.s32 $0x5000, v4;
	[tilespmem:v25+s24+$0x0] =	vst.idx.add.f32.msk $0xffff, v6  }
0x144: {  	v9 =	vadd.s32 $0x7800, v9;
	v0 =	vld.idx.msk [tilespmem:v38+s3+$0x0], $0xffff  }
0x145: {  	v45 =	vadd.s32 $0x5000, v62;
	[tilespmem:v43+s24+$0x0] =	vst.idx.add.f32.msk $0xffff, v10  }
0x146: {  	v50 =	vadd.s32 $0x7800, v1;
	v53 =	vadd.s32 $0x7800, v4;
	v4 =	vld.idx.msk [tilespmem:v54+s3+$0x0], $0xffff  }
0x147: {  	v59 =	vadd.s32 $0x7800, v62;
	v62 =	vadd.s32 $0x7800, v23;
	v6 =	vld.idx.msk [tilespmem:v39+s3+$0x0], $0xffff  }
0x148: {  	v46 =	vadd.s32 $0x5000, v21;
	v11 =	vld.idx.msk [tilespmem:v40+s3+$0x0], $0xffff  }
0x149: {  	v47 =	vadd.s32 $0x5000, v22;
	v55 =	vld.idx.msk [tilespmem:v9+s3+$0x0], $0xffff  }
0x14a: {  	v51 =	vadd.s32 $0x7800, v2;
	[tilespmem:v45+s24+$0x0] =	vst.idx.add.f32.msk $0xffff, v0  }
0x14b: {  	v56 =	vadd.s32 $0x7800, v7;
	v0 =	vld.idx.msk [tilespmem:v50+s3+$0x0], $0xffff  }
0x14c: {  	v57 =	vadd.s32 $0x7800, v19;
	[tilespmem:v62+s24+$0x0] =	vst.idx.add.f32.msk $0xffff, v4  }
0x14d: {  	v52 =	vadd.s32 $0x7800, v3;
	[tilespmem:v46+s24+$0x0] =	vst.idx.add.f32.msk $0xffff, v6  }
0x14e: {  	[tilespmem:v47+s24+$0x0] =	vst.idx.add.f32.msk $0xffff, v11  }
0x14f: {  	v58 =	vadd.s32 $0x7800, v20;
	v1 =	vld.idx.msk [tilespmem:v51+s3+$0x0], $0xffff  }
0x150: {  	v6 =	vld.idx.msk [tilespmem:v56+s3+$0x0], $0xffff  }
0x151: {  	v63 =	vadd.s32 $0x7800, v24;
	[tilespmem:v57+s24+$0x0] =	vst.idx.add.f32.msk $0xffff, v55  }
0x152: {  	v60 =	vadd.s32 $0x7800, v21;
	v2 =	vld.idx.msk [tilespmem:v52+s3+$0x0], $0xffff  }
0x153: {  	v61 =	vadd.s32 $0x7800, v22;
	v3 =	vld.idx.msk [tilespmem:v53+s3+$0x0], $0xffff  }
0x154: {  	[tilespmem:v58+s24+$0x0] =	vst.idx.add.f32.msk $0xffff, v0  }
0x155: {  	[tilespmem:v59+s24+$0x0] =	vst.idx.add.f32.msk $0xffff, v1  }
0x156: {  	[tilespmem:v63+s24+$0x0] =	vst.idx.add.f32.msk $0xffff, v6  }
0x157: {  	[tilespmem:v60+s24+$0x0] =	vst.idx.add.f32.msk $0xffff, v2  }
0x158: {  	s11 =	simm.s32 $0x0;
	s12 =	simm.s32 $0x150C0;
	[tilespmem:v61+s24+$0x0] =	vst.idx.add.f32.msk $0xffff, v3  }
.LBB2_5:
0x159: {  	v11 =	vld [tilespmem:s12+$0x30];
	s11 =	sadd.s32 $0x8, s11  }
0x15a: {  	v4 =	vld [tilespmem:s12+$0xFFFFFFD0];
	p1 =	slt.u32 s11, $0xF8  }
0x15b: {  	v5 =	vld [tilespmem:s12+$0xFFFFFFE0]  }
0x15c: {  	v9 =	vld [tilespmem:s12+$0xFFFFFFF0]  }
0x15d: {  	v12 =	vld [tilespmem:s12+$0x0]  }
0x15e: {  	s10 =	sadd.s32 $0x80, s10;
	v13 =	vld [tilespmem:s12+$0x10]  }
0x15f: {  	v14 =	vadd.s32 $0x2800, v4;
	v6 =	vadd.s32 $0x5000, v4;
	v0 =	vadd.s32 $0x7800, v4;
	v15 =	vld [tilespmem:s10+$0x30]  }
0x160: {  	v16 =	vadd.s32 $0x2800, v5;
	v7 =	vadd.s32 $0x5000, v5;
	v1 =	vadd.s32 $0x7800, v5;
	v17 =	vld [tilespmem:s12+$0x20]  }
0x161: {  	v18 =	vadd.s32 $0x2800, v9;
	v8 =	vadd.s32 $0x5000, v9;
	v2 =	vadd.s32 $0x7800, v9;
	v19 =	vld.idx.msk [tilespmem:v11+s3+$0x0], $0xffff  }
0x162: {  	v20 =	vld [tilespmem:s12+$0xFFFFFFC0];
	v21 =	vadd.s32 $0x2800, v12;
	v10 =	vadd.s32 $0x5000, v12;
	v3 =	vadd.s32 $0x7800, v12  }
0x163: {  	v25 =	vadd.s32 $0x2800, v11;
	v22 =	vld.idx.msk [tilespmem:v4+s3+$0x0], $0xffff;
	v23 =	vadd.s32 $0x2800, v13;
	v24 =	vadd.s32 $0x5000, v13  }
0x164: {  	v4 =	vadd.s32 $0x7800, v13;
	v26 =	vld.idx.msk [tilespmem:v5+s3+$0x0], $0xffff  }
0x165: {  	v27 =	vld.idx.msk [tilespmem:v9+s3+$0x0], $0xffff;
	v28 =	vadd.s32 $0x2800, v17;
	v29 =	vadd.s32 $0x5000, v17;
	v5 =	vadd.s32 $0x7800, v17  }
0x166: {  	v12 =	vld.idx.msk [tilespmem:v12+s3+$0x0], $0xffff  }
0x167: {  	v30 =	vadd.s32 $0x2800, v20;
	v31 =	vadd.s32 $0x5000, v20;
	v9 =	vadd.s32 $0x7800, v20;
	[tilespmem:v15+s24+$0x0] =	vst.idx.add.f32.msk $0xffff, v19  }
0x168: {  	v19 =	vld.idx.msk [tilespmem:v25+s3+$0x0], $0xffff  }
0x169: {  	v25 =	vadd.s32 $0x2800, v15;
	v13 =	vld.idx.msk [tilespmem:v13+s3+$0x0], $0xffff  }
0x16a: {  	v32 =	vadd.s32 $0x5000, v11;
	v20 =	vld.idx.msk [tilespmem:v20+s3+$0x0], $0xffff  }
0x16b: {  	v17 =	vld.idx.msk [tilespmem:v17+s3+$0x0], $0xffff  }
0x16c: {  	v33 =	vld [tilespmem:s10+$0xFFFFFFC0]  }
0x16d: {  	v34 =	vld [tilespmem:s10+$0xFFFFFFD0]  }
0x16e: {  	[tilespmem:v25+s24+$0x0] =	vst.idx.add.f32.msk $0xffff, v19  }
0x16f: {  	v19 =	vld.idx.msk [tilespmem:v32+s3+$0x0], $0xffff  }
0x170: {  	v32 =	vadd.s32 $0x5000, v15;
	v25 =	vld [tilespmem:s10+$0xFFFFFFE0]  }
0x171: {  	v11 =	vadd.s32 $0x7800, v11;
	v35 =	vadd.s32 $0x2800, v33;
	v36 =	vadd.s32 $0x5000, v33;
	v37 =	vld [tilespmem:s10+$0xFFFFFFF0]  }
0x172: {  	v38 =	vadd.s32 $0x7800, v33;
	v39 =	vadd.s32 $0x2800, v34;
	v40 =	vadd.s32 $0x5000, v34;
	v41 =	vld [tilespmem:s10+$0x0]  }
0x173: {  	v42 =	vadd.s32 $0x7800, v34;
	v43 =	vld [tilespmem:s10+$0x10]  }
0x174: {  	v44 =	vld [tilespmem:s10+$0x20]  }
0x175: {  	v45 =	vadd.s32 $0x2800, v25;
	v46 =	vadd.s32 $0x5000, v25;
	v47 =	vadd.s32 $0x7800, v25;
	[tilespmem:v32+s24+$0x0] =	vst.idx.add.f32.msk $0xffff, v19  }
0x176: {  	v19 =	vadd.s32 $0x2800, v37;
	v32 =	vadd.s32 $0x5000, v37;
	v48 =	vadd.s32 $0x7800, v37;
	v11 =	vld.idx.msk [tilespmem:v11+s3+$0x0], $0xffff  }
0x177: {  	v15 =	vadd.s32 $0x7800, v15;
	[tilespmem:v33+s24+$0x0] =	vst.idx.add.f32.msk $0xffff, v20;
	v20 =	vadd.s32 $0x2800, v41;
	v33 =	vadd.s32 $0x5000, v41  }
0x178: {  	[tilespmem:v34+s24+$0x0] =	vst.idx.add.f32.msk $0xffff, v22;
	v22 =	vadd.s32 $0x7800, v41;
	v34 =	vadd.s32 $0x2800, v43;
	v49 =	vadd.s32 $0x5000, v43  }
0x179: {  	[tilespmem:v25+s24+$0x0] =	vst.idx.add.f32.msk $0xffff, v26;
	v25 =	vadd.s32 $0x7800, v43;
	v26 =	vadd.s32 $0x2800, v44;
	v50 =	vadd.s32 $0x5000, v44  }
0x17a: {  	[tilespmem:v37+s24+$0x0] =	vst.idx.add.f32.msk $0xffff, v27;
	v27 =	vadd.s32 $0x7800, v44  }
0x17b: {  	[tilespmem:v41+s24+$0x0] =	vst.idx.add.f32.msk $0xffff, v12  }
0x17c: {  	[tilespmem:v15+s24+$0x0] =	vst.idx.add.f32.msk $0xffff, v11  }
0x17d: {  	[tilespmem:v43+s24+$0x0] =	vst.idx.add.f32.msk $0xffff, v13  }
0x17e: {  	[tilespmem:v44+s24+$0x0] =	vst.idx.add.f32.msk $0xffff, v17  }
0x17f: {  	v11 =	vld.idx.msk [tilespmem:v30+s3+$0x0], $0xffff  }
0x180: {  	v12 =	vld.idx.msk [tilespmem:v14+s3+$0x0], $0xffff  }
0x181: {  	v13 =	vld.idx.msk [tilespmem:v16+s3+$0x0], $0xffff  }
0x182: {  	v14 =	vld.idx.msk [tilespmem:v18+s3+$0x0], $0xffff  }
0x183: {  	v15 =	vld.idx.msk [tilespmem:v21+s3+$0x0], $0xffff  }
0x184: {  	v16 =	vld.idx.msk [tilespmem:v23+s3+$0x0], $0xffff  }
0x185: {  	v17 =	vld.idx.msk [tilespmem:v28+s3+$0x0], $0xffff  }
0x186: {  	[tilespmem:v35+s24+$0x0] =	vst.idx.add.f32.msk $0xffff, v11  }
0x187: {  	[tilespmem:v39+s24+$0x0] =	vst.idx.add.f32.msk $0xffff, v12  }
0x188: {  	[tilespmem:v45+s24+$0x0] =	vst.idx.add.f32.msk $0xffff, v13  }
0x189: {  	[tilespmem:v19+s24+$0x0] =	vst.idx.add.f32.msk $0xffff, v14  }
0x18a: {  	[tilespmem:v20+s24+$0x0] =	vst.idx.add.f32.msk $0xffff, v15  }
0x18b: {  	[tilespmem:v34+s24+$0x0] =	vst.idx.add.f32.msk $0xffff, v16  }
0x18c: {  	[tilespmem:v26+s24+$0x0] =	vst.idx.add.f32.msk $0xffff, v17  }
0x18d: {  	v11 =	vld.idx.msk [tilespmem:v31+s3+$0x0], $0xffff  }
0x18e: {  	v6 =	vld.idx.msk [tilespmem:v6+s3+$0x0], $0xffff  }
0x18f: {  	v7 =	vld.idx.msk [tilespmem:v7+s3+$0x0], $0xffff  }
0x190: {  	v8 =	vld.idx.msk [tilespmem:v8+s3+$0x0], $0xffff  }
0x191: {  	v10 =	vld.idx.msk [tilespmem:v10+s3+$0x0], $0xffff  }
0x192: {  	v12 =	vld.idx.msk [tilespmem:v24+s3+$0x0], $0xffff  }
0x193: {  	v13 =	vld.idx.msk [tilespmem:v29+s3+$0x0], $0xffff  }
0x194: {  	[tilespmem:v36+s24+$0x0] =	vst.idx.add.f32.msk $0xffff, v11  }
0x195: {  	[tilespmem:v40+s24+$0x0] =	vst.idx.add.f32.msk $0xffff, v6  }
0x196: {  	[tilespmem:v46+s24+$0x0] =	vst.idx.add.f32.msk $0xffff, v7  }
0x197: {  	[tilespmem:v32+s24+$0x0] =	vst.idx.add.f32.msk $0xffff, v8  }
0x198: {  	[tilespmem:v33+s24+$0x0] =	vst.idx.add.f32.msk $0xffff, v10  }
0x199: {  	[tilespmem:v49+s24+$0x0] =	vst.idx.add.f32.msk $0xffff, v12  }
0x19a: {  	[tilespmem:v50+s24+$0x0] =	vst.idx.add.f32.msk $0xffff, v13  }
0x19b: {  	v6 =	vld.idx.msk [tilespmem:v9+s3+$0x0], $0xffff  }
0x19c: {  	v0 =	vld.idx.msk [tilespmem:v0+s3+$0x0], $0xffff  }
0x19d: {  	v1 =	vld.idx.msk [tilespmem:v1+s3+$0x0], $0xffff  }
0x19e: {  	v2 =	vld.idx.msk [tilespmem:v2+s3+$0x0], $0xffff  }
0x19f: {  	v3 =	vld.idx.msk [tilespmem:v3+s3+$0x0], $0xffff  }
0x1a0: {  	v4 =	vld.idx.msk [tilespmem:v4+s3+$0x0], $0xffff  }
0x1a1: {  	v5 =	vld.idx.msk [tilespmem:v5+s3+$0x0], $0xffff  }
0x1a2: {  	[tilespmem:v38+s24+$0x0] =	vst.idx.add.f32.msk $0xffff, v6  }
0x1a3: {  	[tilespmem:v42+s24+$0x0] =	vst.idx.add.f32.msk $0xffff, v0  }
.Ltmp3:
0x1a4: {  	[tilespmem:v47+s24+$0x0] =	vst.idx.add.f32.msk $0xffff, v1;
	(pc) =	sbr.rel @p1 .LBB2_5-.Ltmp3, $4  }
0x1a5: {  	[tilespmem:v48+s24+$0x0] =	vst.idx.add.f32.msk $0xffff, v2  }
0x1a6: {  	[tilespmem:v22+s24+$0x0] =	vst.idx.add.f32.msk $0xffff, v3  }
0x1a7: {  	[tilespmem:v25+s24+$0x0] =	vst.idx.add.f32.msk $0xffff, v4  }
0x1a8: {  	s12 =	sadd.s32 $0x80, s12;
	[tilespmem:v27+s24+$0x0] =	vst.idx.add.f32.msk $0xffff, v5  }
.Ltmp4:
0x1a9: {  	(pc) =	sbr.rel @p0 .LBB2_8-.Ltmp4, $1  }
0x1aa: {  	_ =	sdelay $0x3  }
0x1ab: {  	s9 =	sadd.s32 s9, s15  }
0x1ac: {  	s10 =	smulhi.u32 $0xCCCCCCCD, s9;
	_ =	sdelay $0x1  }
0x1ad: {  	s10 =	sshrl.u32 s10, $0x6  }
0x1ae: {  	s10 =	smul.u32 $0x50, s10;
	_ =	sdelay $0x1  }
0x1af: {  	s9 =	ssub.s32 s9, s10  }
.Ltmp5:
0x1b0: {  	s9 =	sshll.u32 s9, $0x9;
	(pc) =	sbr.rel .LBB2_2-.Ltmp5, $4  }
0x1b1: {  	s13 =	sadd.s32 s2, s9  }
0x1b2: {  	[tilespmem:s25], [sflag:$0x3] =	stream.linear.gather [hbm4b:s13+s3], $0x1000, $0x38;
	[tilespmem:$0x18000] =	vst v63  }
0x1b3: {  	s8 =	sadd.s32 $0x1, s8;
	s9 =	sadd.s32 s4, s9  }
0x1b4: {  	[tilespmem:s28], [sflag:$0x4] =	stream.linear.gather [hbm4b:s9+s3], $0x1000, $0x38;
	[tilespmem:$0x18000] =	vst v63  }
.LBB2_9:
0x1b5: {  	_ =	sfence.sel $0x180000  }
0x1b6: {  	[bflag:$0x0] =	sbarrier.arrive $0xFFFF  }
0x1b7: {  	_ =	strace $0x9000004A  }
0x1b8: {  	s0 =	stileid.u32;
	[bflag:$0x2] =	sbarrier.arrive $0xFFFF  }
0x1b9: {  	p0 =	sne.s32 s0, $0x0;
	s0 =	rddreg [dreg:$0x2]  }
0x1ba: {  	s0 =	sadd.s32 @!p0 $0x100000, s0  }
0x1bb: {  	[sflag:s0] =	ssyncadd.tile.s32 @!p0 $0x1;
	_ =	shalt  }
.Lfunc_end2:
_tile_overlayer_lowered:
.L_overlay_start_2:
0x1bc: {  	(tag) =	ssettag $0x2  }
0x1bd: {  	s0 =	rddreg [dreg:$0x0];
	s2 =	stileid.u32  }
0x1be: {  	s1 =	rddreg [dreg:$0x1];
	p0 =	sne.s32 s2, $0x0  }
0x1bf: {  	s3 =	rddreg [dreg:$0x2];
	[bflag:$0x3] =	sbarrier.arrive $0xFFFF;
	s2 =	simm.s32 @!p0 $0x1C05  }
0x1c0: {  	[timem:s3], [sflag:s2] =	dma.local @!p0 [hbm:s0], s1  }
0x1c1: {  	s0 =	simm.s32 @!p0 $0x5  }
0x1c2: {  	_ =	swait.ge @!p0 [sflag:s0], s1  }
0x1c3: {  	s1 =	ssub.s32 @!p0 $0x0, s1;
	[sflag:s0] =	ssyncset.done @!p0 $0x0  }
0x1c4: {  	[sflag:s0] =	ssyncadd.s32 @!p0 s1  }
0x1c5: {  	[bflag:$0x3] =	sbarrier.arrive $0xFFFF  }
0x1c6: {  	_ =	shalt  }

// kernel: kernel.17.cloned.1.call-start
scs
__scs_entry_jumppad:
0x0: {  	(pc) =	sbr.rel $0x88, $3  }
0x1: {  	(tag) =	ssettag $0x0;
	lr =	simm.s32 $0x1  }
0x2: {  	[smem:$0x3F8C] =	sst lr;
	_ =	strace $0xD0000000  }
0x3: {  	_ = 	snop  }
0x4: {  	_ = 	snop  }
0x5: {  	_ = 	snop  }
0x6: {  	_ = 	snop  }
0x7: {  	_ = 	snop  }
__scs_overlays_trampoline_lowered:
0x8: {  	[smem:$0x3F9B] =	sst s0  }
0x9: {  	[smem:$0x3F9C] =	sst s1  }
0xa: {  	[smem:$0x3F9D] =	sst s2  }
0xb: {  	[smem:$0x3F9E] =	sst s3  }
0xc: {  	[smem:$0x3F9F] =	sst s4  }
0xd: {  	[smem:$0x3FA0] =	sst s5  }
0xe: {  	[smem:$0x3FA1] =	sst s6  }
0xf: {  	[smem:$0x3FA2] =	sst s7  }
0x10: {  	[smem:$0x3FA3] =	sst s8  }
0x11: {  	[smem:$0x3FA4] =	sst s9;
	s0 =	simm.s32 @!p0 $0x0  }
0x12: {  	s1 =	sld [smem:$0x3F8A];
	s0 =	simm.s32 @p0 $0x1  }
0x13: {  	[smem:$0x3FA5] =	sst s0;
	s0 =	simm.s32 @!p1 $0x0  }
0x14: {  	s2 =	sld [smem:$0x3F89];
	s0 =	simm.s32 @p1 $0x1  }
0x15: {  	[smem:$0x3FA6] =	sst s0;
	s0 =	simm.s32 @!p2 $0x0  }
0x16: {  	s3 =	sld [smem:$0x3FDB];
	s0 =	simm.s32 @p2 $0x1  }
0x17: {  	s4 =	simm.s32 $0x1BF5;
	[smem:$0x3FA8] =	sst s0  }
0x18: {  	s0 =	sld [smem:$0x3F8B];
	_ =	swait.ge [sflag:s4], $0x0  }
0x19: {  	s7 =	sld [smem:$0x3F8C]  }
0x1a: {  	s8 =	sadd.s32 $0xFFFFE003, lr  }
0x1b: {  	s9 =	sadd.s32 $0xFFFFFEF7, lr;
	s5 =	simm.s32 $0xFFFFFFFF;
	p2 =	slt.u32 s8, $0xFFFFF086  }
0x1c: {  	p1 =	slt.u32 s9, $0xF7A;
	s5 =	simm.s32 @!p2 $0x0  }
0x1d: {  	s5 =	simm.s32 @p1 $0x1;
	p0 =	seq.s32 s7, s2  }
0x1e: {  	s7 =	smul.u32 @!p0 $0xF7A, s2;
	p2 =	seq.s32 @!p0 s5, $0x0  }
0x1f: {  	s9 =	smul.u32 $0xF7A, s1;
	s8 =	simm.s32 @!p0 $0x1BF5;
	p2 =	por !p2, p0  }
0x20: {  	[sflag:s8] =	ssyncset.s32 @!p0 $0xFFFFF086;
	s6 =	sadd.s32 @!p0 s3, s7;
	s7 =	simm.s32 @!p0 $0x108  }
0x21: {  	s3 =	sadd.s32 s3, s9;
	s6 =	sadd.s32 @!p0 $0x88, s6;
	s7 =	simm.s32 @p2 $0x1082  }
0x22: {  	[simem:s7], [sflag:s8] =	dma.local @!p0 [hbm:s6], $0xF7A  }
0x23: {  	s9 =	sor.u32 $0xD0000000, s2;
	s6 =	simm.s32 $0x108;
	_ =	swait.ge @!p0 [sflag:s8], $0x0  }
0x24: {  	s3 =	sadd.s32 $0x88, s3;
	s6 =	simm.s32 @!p1 $0x1082;
	[sflag:s4] =	ssyncset.s32 $0xFFFFF086  }
0x25: {  	[simem:s6], [sflag:s4] =	dma.local [hbm:s3], $0xF7A  }
0x26: {  	[smem:$0x3F8C] =	sst s1;
	(tag) =	ssettag s2;
	_ =	strace s9  }
0x27: {  	s1 =	sld [smem:$0x3F9C]  }
0x28: {  	s2 =	sld [smem:$0x3F9D]  }
0x29: {  	s4 =	sld [smem:$0x3F9F]  }
0x2a: {  	p0 =	seq.s32 s5, $0x0;
	s5 =	sld [smem:$0x3FA0]  }
0x2b: {  	s6 =	sld [smem:$0x3FA1]  }
0x2c: {  	s7 =	sld [smem:$0x3FA2]  }
0x2d: {  	s3 =	simm.s32 $0x108;
	s8 =	sld [smem:$0x3FA3]  }
0x2e: {  	s3 =	simm.s32 @!p0 $0x1082;
	s9 =	sld [smem:$0x3FA4]  }
0x2f: {  	lr =	sadd.s32 s0, s3;
	s0 =	sld [smem:$0x3F9B]  }
0x30: {  	s3 =	sld [smem:$0x3F9E]  }
0x31: {  	[smem:$0x3FA7] =	sst s10  }
0x32: {  	s10 =	sld [smem:$0x3FA5];
	_ =	sdelay $0x3  }
0x33: {  	p0 =	seq.s32 s10, $0x1;
	s10 =	sld [smem:$0x3FA7];
	_ =	sdelay $0x3  }
0x34: {  	[smem:$0x3FA7] =	sst s10  }
0x35: {  	s10 =	sld [smem:$0x3FA6];
	_ =	sdelay $0x3  }
0x36: {  	p1 =	seq.s32 s10, $0x1;
	s10 =	sld [smem:$0x3FA7];
	_ =	sdelay $0x3  }
0x37: {  	[smem:$0x3FA7] =	sst s10  }
0x38: {  	s10 =	sld [smem:$0x3FA8]  }
0x39: {  	_ = 	snop;
	(pc) =	sbr.ind lr, $3  }
0x3a: {  	_ = 	snop  }
0x3b: {  	_ = 	snop  }
0x3c: {  	p2 =	seq.s32 s10, $0x1;
	s10 =	sld [smem:$0x3FA7]  }
0x3d: {  	_ =	shalt  }
0x3e: {  	_ =	shalt  }
0x3f: {  	_ =	shalt  }
0x40: {  	_ =	shalt  }
0x41: {  	_ =	shalt  }
0x42: {  	_ =	shalt  }
0x43: {  	_ =	shalt  }
0x44: {  	_ =	shalt  }
0x45: {  	_ =	shalt  }
0x46: {  	_ =	shalt  }
0x47: {  	_ =	shalt  }
0x48: {  	_ =	shalt  }
0x49: {  	_ =	shalt  }
0x4a: {  	_ =	shalt  }
0x4b: {  	_ =	shalt  }
0x4c: {  	_ =	shalt  }
0x4d: {  	_ =	shalt  }
0x4e: {  	_ =	shalt  }
0x4f: {  	_ =	shalt  }
0x50: {  	_ =	shalt  }
0x51: {  	_ =	shalt  }
0x52: {  	_ =	shalt  }
0x53: {  	_ =	shalt  }
0x54: {  	_ =	shalt  }
0x55: {  	_ =	shalt  }
0x56: {  	_ =	shalt  }
0x57: {  	_ =	shalt  }
0x58: {  	_ =	shalt  }
0x59: {  	_ =	shalt  }
0x5a: {  	_ =	shalt  }
0x5b: {  	_ =	shalt  }
0x5c: {  	_ =	shalt  }
0x5d: {  	_ =	shalt  }
0x5e: {  	_ =	shalt  }
0x5f: {  	_ =	shalt  }
0x60: {  	_ =	shalt  }
0x61: {  	_ =	shalt  }
0x62: {  	_ =	shalt  }
0x63: {  	_ =	shalt  }
0x64: {  	_ =	shalt  }
0x65: {  	_ =	shalt  }
0x66: {  	_ =	shalt  }
0x67: {  	_ =	shalt  }
0x68: {  	_ =	shalt  }
0x69: {  	_ =	shalt  }
0x6a: {  	_ =	shalt  }
0x6b: {  	_ =	shalt  }
0x6c: {  	_ =	shalt  }
0x6d: {  	_ =	shalt  }
0x6e: {  	_ =	shalt  }
0x6f: {  	_ =	shalt  }
0x70: {  	_ =	shalt  }
0x71: {  	_ =	shalt  }
0x72: {  	_ =	shalt  }
0x73: {  	_ =	shalt  }
0x74: {  	_ =	shalt  }
0x75: {  	_ =	shalt  }
0x76: {  	_ =	shalt  }
0x77: {  	_ =	shalt  }
0x78: {  	_ =	shalt  }
0x79: {  	_ =	shalt  }
0x7a: {  	_ =	shalt  }
0x7b: {  	_ =	shalt  }
0x7c: {  	_ =	shalt  }
0x7d: {  	_ =	shalt  }
0x7e: {  	_ =	shalt  }
0x7f: {  	_ =	shalt  }
0x80: {  	_ =	shalt  }
0x81: {  	_ =	shalt  }
0x82: {  	_ =	shalt  }
0x83: {  	_ =	shalt  }
0x84: {  	_ =	shalt  }
0x85: {  	_ =	shalt  }
0x86: {  	_ =	shalt  }
0x87: {  	_ =	shalt  }
.Lfunc_end0:
.L_simem_size_0:
called_computation.2_lowered:
.L_overlay_start_0:
0x88: {  	s2 =	sld [smem:$0x3FD9]  }
0x89: {  	s3 =	sld [smem:$0x3FFE];
	_ =	sdelay $0x1  }
0x8a: {  	s1 =	srdreg.scid  }
0x8b: {  	s0 =	sand.u32 $0x1, s1  }
0x8c: {  	s17 =	sshll.u32 s0, $0xA;
	s2 =	sadd.s32 s3, s2  }
0x8d: {  	s2 =	sadd.s32 s2, s17  }
0x8e: {  	[smem:$0x3FB3] =	sst s2  }
0x8f: {  	_ = 	snop  }
0x90: {  	s2 =	sld [smem:$0x3FD0];
	(tm) =	ssettm $0x1  }
0x91: {  	s18 =	sld [smem:$0x3FFB];
	_ =	sdelay $0x3  }
0x92: {  	_ =	strace s18  }
0x93: {  	s3 =	sld [smem:$0x3FFC];
	_ =	sdelay $0x3  }
0x94: {  	_ =	strace s3  }
0x95: {  	s3 =	sld [smem:$0x3FFD];
	_ =	sdelay $0x3  }
0x96: {  	_ =	strace s3  }
0x97: {  	_ =	strace $0x8FFFFFFF  }
0x98: {  	s19 =	sld [smem:$0x3FDB];
	_ =	sdelay $0x1  }
0x99: {  	s4 =	simm.s32 $_scs_section_size  }
0x9a: {  	s5 =	simm.s32 $_size__tile_overlayer_lowered;
	s6 =	simm.s32 $_tile_overlayer_lowered  }
0x9b: {  	s22 =	simm.s32 $0x1BFF;
	s21 =	sshll.u32 s6, $0x1;
	s3 =	sadd.s32 s4, s19  }
0x9c: {  	s7 =	simm.s32 $0x0;
	s20 =	sshll.u32 s5, $0x1;
	s5 =	sadd.s32 s21, s3  }
0x9d: {  	[timem:s7], [sflag:s22] =	dma.local [hbm:s5], s20  }
0x9e: {  	_ =	swait.ge [sflag:s22], s20  }
0x9f: {  	s4 =	ssub.s32 $0x0, s20;
	[sflag:s22] =	ssyncset.done $0x0  }
0xa0: {  	[sflag:s22] =	ssyncadd.s32 s4;
	_ =	sdelay $0x1  }
0xa1: {  	s23 =	simm.s32 $0x1B8B  }
0xa2: {  	_ =	swait.ge [sflag:s23], $0x1  }
0xa3: {  	[sflag:s23] =	ssyncset.done $0x0  }
0xa4: {  	s25 =	simm.s32 $0x1B8E;
	s24 =	sld [smem:$0x3FFE];
	[sflag:s23] =	ssyncadd.s32 $0xFFFFFFFF  }
0xa5: {  	s26 =	simm.s32 $execute0_lowered;
	[smem:$0x3FD2] =	sst s25  }
0xa6: {  	s5 =	sshll.u32 s26, $0x1;
	_ =	strace $0x8000004C;
	[dreg:$0x1] =	wrdreg $0xFFFFFFFF  }
0xa7: {  	s28 =	simm.s32 $_size_execute0_lowered;
	s3 =	sadd.s32 s3, s5;
	[dreg:$0x0] =	wrdreg $0x0  }
0xa8: {  	s5 =	sshll.u32 s28, $0x1;
	[dreg:$0x2] =	wrdreg s3  }
0xa9: {  	[dreg:$0x3] =	wrdreg s5  }
0xaa: {  	[dreg:$0x4] =	wrdreg $0xC0  }
0xab: {  	_ =	task [dreg:s7], $0x5FFFF  }
0xac: {  	[dreg:$0x1] =	wrdreg $0xFFFFFFFF  }
0xad: {  	[dreg:$0x0] =	wrdreg $0x60  }
0xae: {  	[dreg:$0x2] =	wrdreg s24  }
0xaf: {  	[dreg:$0x3] =	wrdreg s2  }
0xb0: {  	[dreg:$0x4] =	wrdreg $0x9  }
0xb1: {  	_ =	task.clear_ibuf [dreg:s7], $0x5FFFF;
	_ =	strace $0x9000004C  }
0xb2: {  	s29 =	simm.s32 $0x9;
	_ =	strace $0x8000004E  }
0xb3: {  	_ =	swait.ge [sflag:s29], $0x1  }
0xb4: {  	[sflag:s29] =	ssyncadd.s32 $0xFFFFFFFF  }
0xb5: {  	_ =	strace $0x9000004E  }
0xb6: {  	_ =	sfence  }
0xb7: {  	s30 =	sld [smem:$0x0];
	_ =	sdelay $0x2  }
0xb8: {  	s31 =	sshll.u32 s1, $0xD;
	s1 =	sshrl.u32 s1, $0x2  }
0xb9: {  	s3 =	sand.u32 $0x4000, s31;
	s1 =	sadd.s32 s1, s30  }
0xba: {  	s0 =	sor.u32 s3, s0;
	s1 =	sshll.u32 s1, $0x11  }
0xbb: {  	s0 =	sor.u32 s1, s0  }
0xbc: {  	s0 =	sadd.s32 $0x8F2B, s0  }
0xbd: {  	[sflag:s0] =	ssyncadd.remote.s32 $0x1  }
0xbe: {  	_ =	sfence.sel $0xFFFF  }
0xbf: {  	[dreg:$0x0] =	wrdreg $0xFFFFFFFF;
	(pc) =	sbr.abs _section_cstart, $3  }
0xc0: {  	[dreg:$0x1] =	wrdreg $0xFFFFFFFF  }
0xc1: {  	_ =	task.clear_ibuf [dreg:s7], $0x2FFFF;
	_ =	strace $0x9FFFFFFF  }
0xc2: {  	(tm) =	ssettm $0x7FFFFFFF  }
0xc3: {  	_ =	shalt  }
tec
execute0_lowered:
.L_overlay_start_1:
0x0: {  	(tag) =	ssettag $0x1  }
0x1: {  	s0 =	srdreg.scid;
	s1 =	rddreg [dreg:$0x0]  }
0x2: {  	s2 =	rddreg [dreg:$0x1];
	s9 =	stileid.u32;
	s3 =	simm.s32 $0x0  }
0x3: {  	s29 =	simm.s32 $0xF000;
	s31 =	simm.s32 $0x11800;
	s0 =	sand.u32 $0x1, s0  }
0x4: {  	s28 =	simm.s32 $0x17000;
	s30 =	simm.s32 $0x1;
	s4 =	sshll.u32 s0, $0x4  }
0x5: {  	[smem:$0x7FF] =	sst s3;
	s8 =	sadd.s32 $0x4000, s1;
	s4 =	sor.u32 s9, s4  }
0x6: {  	_ =	strace $0x8000004D;
	s5 =	sshrl.u32 s4, $0x1;
	s6 =	smul.u32 $0x5, s4  }
0x7: {  	s0 =	ssub.s32 $0x2, s0;
	s9 =	sshll.u32 s9, $0x9;
	s7 =	smul.u32 $0x14000, s5  }
0x8: {  	s18 =	sshrl.u32 s0, $0x1;
	s9 =	sand.u32 $0x200, s9;
	s10 =	smulhi.u32 $0xCCCCCCCD, s6  }
0x9: {  	s4 =	sadd.s32 $0x2C000, s1;
	s0 =	ssub.s32 s0, s18;
	s7 =	sor.u32 s9, s7  }
0xa: {  	s5 =	sadd.s32 $0x36000, s1;
	s17 =	sshrl.u32 s10, $0x6;
	s7 =	sshrl.u32 s7, $0x3  }
0xb: {  	s1 =	sadd.s32 $0x36600, s1;
	s9 =	smul.u32 $0x50, s17;
	s19 =	sadd.s32 s8, s7  }
0xc: {  	s20 =	sor.u32 $0x10, s7;
	s11 =	sor.u32 $0x20, s7;
	s12 =	sor.u32 $0x30, s7  }
0xd: {  	s16 =	sadd.s32 s1, s7;
	s7 =	simm.s32 $0x0;
	[dreg:$0x3] =	wrdreg s19  }
0xe: {  	s21 =	sadd.s32 s8, s20;
	s22 =	sadd.s32 s8, s11;
	s8 =	sadd.s32 s8, s12  }
0xf: {  	s17 =	sadd.s32 s1, s20;
	s18 =	sadd.s32 s1, s11;
	s19 =	sadd.s32 s1, s12  }
0x10: {  	s20 =	smax.u32 s0, $0x1;
	s0 =	simm.s32 $0x2;
	[dreg:$0x4] =	wrdreg s21  }
0x11: {  	s1 =	simm.s32 $0x3;
	s6 =	ssub.s32 s6, s9;
	[dreg:$0x5] =	wrdreg s22  }
0x12: {  	[dreg:$0x6] =	wrdreg s8;
	s21 =	simm.s32 $0x80;
	s22 =	simm.s32 $0x400  }
0x13: {  	s23 =	sadd.s32 $0x1, s6;
	s24 =	sshll.u32 s6, $0x9;
	s14 =	sadd.s32 $0x2, s6  }
0x14: {  	s15 =	sadd.s32 $0x3, s6;
	s6 =	simm.s32 $0x4;
	p0 =	seq.s32 s23, $0x50  }
.Ltmp0:
0x15: {  	s9 =	sshll.u32 s23, $0x9;
	s13 =	sadd.s32 s2, s24;
	(pc) =	sbr.rel .LBB2_1-.Ltmp0, $4  }
0x16: {  	s8 =	sadd.s32 s4, s24;
	s9 =	simm.s32 @p0 $0x0;
	[dreg:$0x7] =	wrdreg s13  }
0x17: {  	s23 =	simm.s32 $0x5;
	[dreg:$0x8] =	wrdreg s8;
	s25 =	sadd.s32 s2, s9  }
0x18: {  	s24 =	simm.s32 $0xA000;
	s26 =	sadd.s32 s4, s9;
	[dreg:$0x9] =	wrdreg s25  }
0x19: {  	[dreg:$0xa] =	wrdreg s26;
	s26 =	simm.s32 $0xC800;
	s25 =	simm.s32 $0x15000  }
.LBB2_8:
0x1a: {  	[hbm4b:s16+s21] =	stream.strided.scatter [tilespmem:s24], [sflag:$0x5], $0x2800, s22, s21, $0x38;
	[tilespmem:$0x18000] =	vst v63  }
0x1b: {  	_ =	swait.ge [sflag:s23], $0x2800  }
0x1c: {  	[sflag:s23] =	ssyncset.done $0x0  }
0x1d: {  	[sflag:s23] =	ssyncadd.s32 $0xFFFFD800  }
0x1e: {  	[hbm4b:s17+s21] =	stream.strided.scatter [tilespmem:s26], [sflag:$0x5], $0x2800, s22, s21, $0x38;
	[tilespmem:$0x18000] =	vst v63  }
0x1f: {  	_ =	swait.ge [sflag:s23], $0x2800  }
0x20: {  	[sflag:s23] =	ssyncset.done $0x0  }
0x21: {  	[sflag:s23] =	ssyncadd.s32 $0xFFFFD800  }
0x22: {  	[hbm4b:s18+s21] =	stream.strided.scatter [tilespmem:s29], [sflag:$0x5], $0x2800, s22, s21, $0x38;
	[tilespmem:$0x18000] =	vst v63  }
0x23: {  	s7 =	sadd.s32 $0x1, s7;
	_ =	swait.ge [sflag:s23], $0x2800  }
0x24: {  	p0 =	sne.s32 s7, s20;
	[sflag:s23] =	ssyncset.done $0x0  }
.Ltmp1:
0x25: {  	[sflag:s23] =	ssyncadd.s32 $0xFFFFD800;
	(pc) =	sbr.rel @!p0 .LBB2_9-.Ltmp1, $4  }
0x26: {  	[hbm4b:s19+s21] =	stream.strided.scatter [tilespmem:s31], [sflag:$0x5], $0x2800, s22, s21, $0x38;
	[tilespmem:$0x18000] =	vst v63  }
0x27: {  	_ =	swait.ge [sflag:s23], $0x2800  }
0x28: {  	[sflag:s23] =	ssyncset.done $0x0  }
0x29: {  	[sflag:s23] =	ssyncadd.s32 $0xFFFFD800  }
.LBB2_1:
0x2a: {  	s8 =	rddreg [dreg:$0x3]  }
0x2b: {  	[tilespmem:s3], [sflag:$0x5] =	stream.strided.gather [hbm4b:s8+s21], $0x2800, s22, s21, $0x38;
	[tilespmem:$0x18000] =	vst v63  }
0x2c: {  	_ =	swait.ge [sflag:s23], $0x2800  }
0x2d: {  	[sflag:s23] =	ssyncset.done $0x0  }
0x2e: {  	[sflag:s23] =	ssyncadd.s32 $0xFFFFD800  }
0x2f: {  	[tilespmem:s24], [sflag:$0x5] =	stream.linear.gather [hbm4b:s5+s3], $0x2800, $0x38;
	[tilespmem:$0x18000] =	vst v63  }
0x30: {  	_ =	swait.ge [sflag:s23], $0x2800  }
0x31: {  	[sflag:s23] =	ssyncset.done $0x0  }
0x32: {  	s9 =	simm.s32 $0x2800;
	s11 =	rddreg [dreg:$0x4];
	[sflag:s23] =	ssyncadd.s32 $0xFFFFD800  }
0x33: {  	[tilespmem:s9], [sflag:$0x5] =	stream.strided.gather [hbm4b:s11+s21], $0x2800, s22, s21, $0x38;
	[tilespmem:$0x18000] =	vst v63  }
0x34: {  	_ =	swait.ge [sflag:s23], $0x2800  }
0x35: {  	[sflag:s23] =	ssyncset.done $0x0  }
0x36: {  	[sflag:s23] =	ssyncadd.s32 $0xFFFFD800  }
0x37: {  	[tilespmem:s26], [sflag:$0x5] =	stream.linear.gather [hbm4b:s5+s3], $0x2800, $0x38;
	[tilespmem:$0x18000] =	vst v63  }
0x38: {  	_ =	swait.ge [sflag:s23], $0x2800  }
0x39: {  	[sflag:s23] =	ssyncset.done $0x0  }
0x3a: {  	s13 =	simm.s32 $0x5000;
	s12 =	rddreg [dreg:$0x5];
	[sflag:s23] =	ssyncadd.s32 $0xFFFFD800  }
0x3b: {  	[tilespmem:s13], [sflag:$0x5] =	stream.strided.gather [hbm4b:s12+s21], $0x2800, s22, s21, $0x38;
	[tilespmem:$0x18000] =	vst v63  }
0x3c: {  	_ =	swait.ge [sflag:s23], $0x2800  }
0x3d: {  	[sflag:s23] =	ssyncset.done $0x0  }
0x3e: {  	[sflag:s23] =	ssyncadd.s32 $0xFFFFD800  }
0x3f: {  	[tilespmem:s29], [sflag:$0x5] =	stream.linear.gather [hbm4b:s5+s3], $0x2800, $0x38;
	[tilespmem:$0x18000] =	vst v63  }
0x40: {  	_ =	swait.ge [sflag:s23], $0x2800  }
0x41: {  	[sflag:s23] =	ssyncset.done $0x0  }
0x42: {  	s11 =	simm.s32 $0x7800;
	s10 =	rddreg [dreg:$0x6];
	[sflag:s23] =	ssyncadd.s32 $0xFFFFD800  }
0x43: {  	[tilespmem:s11], [sflag:$0x5] =	stream.strided.gather [hbm4b:s10+s21], $0x2800, s22, s21, $0x38;
	[tilespmem:$0x18000] =	vst v63  }
0x44: {  	_ =	swait.ge [sflag:s23], $0x2800  }
0x45: {  	[sflag:s23] =	ssyncset.done $0x0  }
0x46: {  	[sflag:s23] =	ssyncadd.s32 $0xFFFFD800  }
0x47: {  	[tilespmem:s31], [sflag:$0x5] =	stream.linear.gather [hbm4b:s5+s3], $0x2800, $0x38;
	[tilespmem:$0x18000] =	vst v63  }
0x48: {  	_ =	swait.ge [sflag:s23], $0x2800  }
0x49: {  	[sflag:s23] =	ssyncset.done $0x0  }
0x4a: {  	s13 =	simm.s32 $0x14000;
	s12 =	rddreg [dreg:$0x7];
	[sflag:s23] =	ssyncadd.s32 $0xFFFFD800  }
0x4b: {  	[tilespmem:s13], [sflag:$0x1] =	stream.linear.gather [hbm4b:s12+s3], $0x1000, $0x38;
	[tilespmem:$0x18000] =	vst v63  }
0x4c: {  	s11 =	simm.s32 $0x16000;
	s10 =	rddreg [dreg:$0x8]  }
0x4d: {  	[tilespmem:s11], [sflag:$0x2] =	stream.linear.gather [hbm4b:s10+s3], $0x1000, $0x38;
	[tilespmem:$0x18000] =	vst v63  }
0x4e: {  	s12 =	rddreg [dreg:$0x9]  }
0x4f: {  	[tilespmem:s25], [sflag:$0x3] =	stream.linear.gather [hbm4b:s12+s3], $0x1000, $0x38;
	[tilespmem:$0x18000] =	vst v63  }
0x50: {  	s8 =	simm.s32 $0x0;
	s13 =	rddreg [dreg:$0xa]  }
0x51: {  	[tilespmem:s28], [sflag:$0x4] =	stream.linear.gather [hbm4b:s13+s3], $0x1000, $0x38;
	[tilespmem:$0x18000] =	vst v63  }
.LBB2_2:
0x52: {  	_ =	swait.ge [sflag:s30], $0x1000  }
0x53: {  	[sflag:s30] =	ssyncset.done $0x0  }
0x54: {  	[sflag:s30] =	ssyncadd.s32 $0xFFFFF000  }
0x55: {  	_ =	swait.ge [sflag:s0], $0x1000  }
0x56: {  	[sflag:s0] =	ssyncset.done $0x0  }
0x57: {  	s10 =	simm.s32 $0x14040;
	[sflag:s0] =	ssyncadd.s32 $0xFFFFF000  }
0x58: {  	v0 =	vld [tilespmem:s10+$0x30]  }
0x59: {  	v1 =	vld [tilespmem:s10+$0xFFFFFFD0]  }
0x5a: {  	v2 =	vld [tilespmem:s10+$0xFFFFFFE0]  }
0x5b: {  	v3 =	vld [tilespmem:s10+$0xFFFFFFF0]  }
0x5c: {  	v4 =	vld [tilespmem:s10+$0x0]  }
0x5d: {  	s9 =	simm.s32 $0x16040;
	v5 =	vld [tilespmem:s10+$0x10]  }
0x5e: {  	v6 =	vld [tilespmem:s9+$0x30]  }
0x5f: {  	v7 =	vld [tilespmem:s10+$0x20]  }
0x60: {  	v9 =	vld [tilespmem:s10+$0xFFFFFFC0]  }
0x61: {  	v19 =	vld [tilespmem:s9+$0xFFFFFFC0]  }
0x62: {  	v20 =	vld [tilespmem:s9+$0xFFFFFFD0]  }
0x63: {  	v62 =	vld [tilespmem:s9+$0xFFFFFFE0]  }
0x64: {  	v21 =	vld [tilespmem:s9+$0xFFFFFFF0]  }
0x65: {  	v22 =	vld [tilespmem:s9+$0x0]  }
0x66: {  	v23 =	vld [tilespmem:s9+$0x10]  }
0x67: {  	v24 =	vld [tilespmem:s9+$0x20]  }
0x68: {  	v8 =	vld.idx.msk [tilespmem:v0+s3+$0x0], $0xffff  }
0x69: {  	v10 =	vld.idx.msk [tilespmem:v1+s3+$0x0], $0xffff  }
0x6a: {  	v12 =	vld.idx.msk [tilespmem:v2+s3+$0x0], $0xffff  }
0x6b: {  	v13 =	vld.idx.msk [tilespmem:v3+s3+$0x0], $0xffff  }
0x6c: {  	v16 =	vld.idx.msk [tilespmem:v9+s3+$0x0], $0xffff  }
0x6d: {  	v14 =	vld.idx.msk [tilespmem:v4+s3+$0x0], $0xffff  }
0x6e: {  	v61 =	vld.idx.msk [tilespmem:v5+s3+$0x0], $0xffff  }
0x6f: {  	v18 =	vld.idx.msk [tilespmem:v7+s3+$0x0], $0xffff  }
0x70: {  	[tilespmem:v6+s24+$0x0] =	vst.idx.add.f32.msk $0xffff, v8  }
0x71: {  	[tilespmem:v19+s24+$0x0] =	vst.idx.add.f32.msk $0xffff, v16  }
0x72: {  	[tilespmem:v20+s24+$0x0] =	vst.idx.add.f32.msk $0xffff, v10  }
0x73: {  	v11 =	vadd.s32 $0x2800, v0;
	[tilespmem:v62+s24+$0x0] =	vst.idx.add.f32.msk $0xffff, v12  }
0x74: {  	v25 =	vadd.s32 $0x2800, v1;
	[tilespmem:v21+s24+$0x0] =	vst.idx.add.f32.msk $0xffff, v13  }
0x75: {  	v26 =	vadd.s32 $0x2800, v2;
	[tilespmem:v22+s24+$0x0] =	vst.idx.add.f32.msk $0xffff, v14  }
0x76: {  	v29 =	vadd.s32 $0x2800, v5;
	[tilespmem:v23+s24+$0x0] =	vst.idx.add.f32.msk $0xffff, v61  }
0x77: {  	v30 =	vadd.s32 $0x2800, v7;
	[tilespmem:v24+s24+$0x0] =	vst.idx.add.f32.msk $0xffff, v18  }
0x78: {  	v15 =	vadd.s32 $0x2800, v6;
	v8 =	vld.idx.msk [tilespmem:v11+s3+$0x0], $0xffff  }
0x79: {  	v17 =	vadd.s32 $0x5000, v0;
	v10 =	vld.idx.msk [tilespmem:v25+s3+$0x0], $0xffff  }
0x7a: {  	v32 =	vadd.s32 $0x2800, v20;
	v12 =	vld.idx.msk [tilespmem:v26+s3+$0x0], $0xffff  }
0x7b: {  	v33 =	vadd.s32 $0x2800, v62;
	v11 =	vld.idx.msk [tilespmem:v29+s3+$0x0], $0xffff  }
0x7c: {  	v13 =	vld.idx.msk [tilespmem:v30+s3+$0x0], $0xffff;
	v26 =	vadd.s32 $0x2800, v23  }
0x7d: {  	v37 =	vadd.s32 $0x5000, v1;
	[tilespmem:v15+s24+$0x0] =	vst.idx.add.f32.msk $0xffff, v8  }
0x7e: {  	v63 =	vadd.s32 $0x5000, v6;
	v8 =	vld.idx.msk [tilespmem:v17+s3+$0x0], $0xffff  }
0x7f: {  	[tilespmem:v32+s24+$0x0] =	vst.idx.add.f32.msk $0xffff, v10;
	v17 =	vadd.s32 $0x2800, v9  }
0x80: {  	v35 =	vadd.s32 $0x2800, v24;
	[tilespmem:v33+s24+$0x0] =	vst.idx.add.f32.msk $0xffff, v12  }
0x81: {  	v0 =	vadd.s32 $0x7800, v0;
	[tilespmem:v26+s24+$0x0] =	vst.idx.add.f32.msk $0xffff, v11  }
0x82: {  	v42 =	vadd.s32 $0x5000, v7;
	v12 =	vld.idx.msk [tilespmem:v37+s3+$0x0], $0xffff  }
0x83: {  	v44 =	vadd.s32 $0x5000, v20;
	[tilespmem:v63+s24+$0x0] =	vst.idx.add.f32.msk $0xffff, v8  }
0x84: {  	v31 =	vadd.s32 $0x2800, v19;
	v8 =	vld.idx.msk [tilespmem:v17+s3+$0x0], $0xffff  }
0x85: {  	v41 =	vadd.s32 $0x5000, v5;
	[tilespmem:v35+s24+$0x0] =	vst.idx.add.f32.msk $0xffff, v13  }
0x86: {  	v6 =	vadd.s32 $0x7800, v6;
	v0 =	vld.idx.msk [tilespmem:v0+s3+$0x0], $0xffff  }
0x87: {  	v27 =	vadd.s32 $0x2800, v3;
	v13 =	vld.idx.msk [tilespmem:v42+s3+$0x0], $0xffff  }
0x88: {  	v28 =	vadd.s32 $0x2800, v4;
	[tilespmem:v44+s24+$0x0] =	vst.idx.add.f32.msk $0xffff, v12  }
0x89: {  	v49 =	vadd.s32 $0x5000, v24;
	[tilespmem:v31+s24+$0x0] =	vst.idx.add.f32.msk $0xffff, v8  }
0x8a: {  	v36 =	vadd.s32 $0x5000, v9;
	v8 =	vld.idx.msk [tilespmem:v41+s3+$0x0], $0xffff  }
0x8b: {  	v48 =	vadd.s32 $0x5000, v23;
	[tilespmem:v6+s24+$0x0] =	vst.idx.add.f32.msk $0xffff, v0  }
0x8c: {  	v34 =	vadd.s32 $0x2800, v21;
	v0 =	vld.idx.msk [tilespmem:v27+s3+$0x0], $0xffff  }
0x8d: {  	v25 =	vadd.s32 $0x2800, v22;
	v6 =	vld.idx.msk [tilespmem:v28+s3+$0x0], $0xffff  }
0x8e: {  	v38 =	vadd.s32 $0x5000, v2;
	[tilespmem:v49+s24+$0x0] =	vst.idx.add.f32.msk $0xffff, v13  }
0x8f: {  	v43 =	vadd.s32 $0x5000, v19;
	v10 =	vld.idx.msk [tilespmem:v36+s3+$0x0], $0xffff  }
0x90: {  	v54 =	vadd.s32 $0x7800, v5;
	[tilespmem:v48+s24+$0x0] =	vst.idx.add.f32.msk $0xffff, v8  }
0x91: {  	v39 =	vadd.s32 $0x5000, v3;
	[tilespmem:v34+s24+$0x0] =	vst.idx.add.f32.msk $0xffff, v0  }
0x92: {  	v40 =	vadd.s32 $0x5000, v4;
	[tilespmem:v25+s24+$0x0] =	vst.idx.add.f32.msk $0xffff, v6  }
0x93: {  	v9 =	vadd.s32 $0x7800, v9;
	v0 =	vld.idx.msk [tilespmem:v38+s3+$0x0], $0xffff  }
0x94: {  	v45 =	vadd.s32 $0x5000, v62;
	[tilespmem:v43+s24+$0x0] =	vst.idx.add.f32.msk $0xffff, v10  }
0x95: {  	v50 =	vadd.s32 $0x7800, v1;
	v53 =	vadd.s32 $0x7800, v4;
	v4 =	vld.idx.msk [tilespmem:v54+s3+$0x0], $0xffff  }
0x96: {  	v59 =	vadd.s32 $0x7800, v62;
	v62 =	vadd.s32 $0x7800, v23;
	v6 =	vld.idx.msk [tilespmem:v39+s3+$0x0], $0xffff  }
0x97: {  	v46 =	vadd.s32 $0x5000, v21;
	v11 =	vld.idx.msk [tilespmem:v40+s3+$0x0], $0xffff  }
0x98: {  	v47 =	vadd.s32 $0x5000, v22;
	v55 =	vld.idx.msk [tilespmem:v9+s3+$0x0], $0xffff  }
0x99: {  	v51 =	vadd.s32 $0x7800, v2;
	[tilespmem:v45+s24+$0x0] =	vst.idx.add.f32.msk $0xffff, v0  }
0x9a: {  	v56 =	vadd.s32 $0x7800, v7;
	v0 =	vld.idx.msk [tilespmem:v50+s3+$0x0], $0xffff  }
0x9b: {  	v57 =	vadd.s32 $0x7800, v19;
	[tilespmem:v62+s24+$0x0] =	vst.idx.add.f32.msk $0xffff, v4  }
0x9c: {  	v52 =	vadd.s32 $0x7800, v3;
	[tilespmem:v46+s24+$0x0] =	vst.idx.add.f32.msk $0xffff, v6  }
0x9d: {  	[tilespmem:v47+s24+$0x0] =	vst.idx.add.f32.msk $0xffff, v11  }
0x9e: {  	v58 =	vadd.s32 $0x7800, v20;
	v1 =	vld.idx.msk [tilespmem:v51+s3+$0x0], $0xffff  }
0x9f: {  	v6 =	vld.idx.msk [tilespmem:v56+s3+$0x0], $0xffff  }
0xa0: {  	v63 =	vadd.s32 $0x7800, v24;
	[tilespmem:v57+s24+$0x0] =	vst.idx.add.f32.msk $0xffff, v55  }
0xa1: {  	v60 =	vadd.s32 $0x7800, v21;
	v2 =	vld.idx.msk [tilespmem:v52+s3+$0x0], $0xffff  }
0xa2: {  	v61 =	vadd.s32 $0x7800, v22;
	v3 =	vld.idx.msk [tilespmem:v53+s3+$0x0], $0xffff  }
0xa3: {  	[tilespmem:v58+s24+$0x0] =	vst.idx.add.f32.msk $0xffff, v0  }
0xa4: {  	[tilespmem:v59+s24+$0x0] =	vst.idx.add.f32.msk $0xffff, v1  }
0xa5: {  	[tilespmem:v63+s24+$0x0] =	vst.idx.add.f32.msk $0xffff, v6  }
0xa6: {  	[tilespmem:v60+s24+$0x0] =	vst.idx.add.f32.msk $0xffff, v2  }
0xa7: {  	s11 =	simm.s32 $0x140C0;
	s10 =	simm.s32 $0x0;
	[tilespmem:v61+s24+$0x0] =	vst.idx.add.f32.msk $0xffff, v3  }
.LBB2_3:
0xa8: {  	v11 =	vld [tilespmem:s11+$0x30];
	s10 =	sadd.s32 $0x8, s10  }
0xa9: {  	v4 =	vld [tilespmem:s11+$0xFFFFFFD0];
	p0 =	slt.u32 s10, $0xF8  }
0xaa: {  	v5 =	vld [tilespmem:s11+$0xFFFFFFE0]  }
0xab: {  	v9 =	vld [tilespmem:s11+$0xFFFFFFF0]  }
0xac: {  	v12 =	vld [tilespmem:s11+$0x0]  }
0xad: {  	s9 =	sadd.s32 $0x80, s9;
	v13 =	vld [tilespmem:s11+$0x10]  }
0xae: {  	v14 =	vadd.s32 $0x2800, v4;
	v6 =	vadd.s32 $0x5000, v4;
	v0 =	vadd.s32 $0x7800, v4;
	v15 =	vld [tilespmem:s9+$0x30]  }
0xaf: {  	v16 =	vadd.s32 $0x2800, v5;
	v7 =	vadd.s32 $0x5000, v5;
	v1 =	vadd.s32 $0x7800, v5;
	v17 =	vld [tilespmem:s11+$0x20]  }
0xb0: {  	v18 =	vadd.s32 $0x2800, v9;
	v8 =	vadd.s32 $0x5000, v9;
	v2 =	vadd.s32 $0x7800, v9;
	v19 =	vld.idx.msk [tilespmem:v11+s3+$0x0], $0xffff  }
0xb1: {  	v20 =	vld [tilespmem:s11+$0xFFFFFFC0];
	v21 =	vadd.s32 $0x2800, v12;
	v10 =	vadd.s32 $0x5000, v12;
	v3 =	vadd.s32 $0x7800, v12  }
0xb2: {  	v25 =	vadd.s32 $0x2800, v11;
	v22 =	vld.idx.msk [tilespmem:v4+s3+$0x0], $0xffff;
	v23 =	vadd.s32 $0x2800, v13;
	v24 =	vadd.s32 $0x5000, v13  }
0xb3: {  	v4 =	vadd.s32 $0x7800, v13;
	v26 =	vld.idx.msk [tilespmem:v5+s3+$0x0], $0xffff  }
0xb4: {  	v27 =	vld.idx.msk [tilespmem:v9+s3+$0x0], $0xffff;
	v28 =	vadd.s32 $0x2800, v17;
	v29 =	vadd.s32 $0x5000, v17;
	v5 =	vadd.s32 $0x7800, v17  }
0xb5: {  	v12 =	vld.idx.msk [tilespmem:v12+s3+$0x0], $0xffff  }
0xb6: {  	v30 =	vadd.s32 $0x2800, v20;
	v31 =	vadd.s32 $0x5000, v20;
	v9 =	vadd.s32 $0x7800, v20;
	[tilespmem:v15+s24+$0x0] =	vst.idx.add.f32.msk $0xffff, v19  }
0xb7: {  	v19 =	vld.idx.msk [tilespmem:v25+s3+$0x0], $0xffff  }
0xb8: {  	v25 =	vadd.s32 $0x2800, v15;
	v13 =	vld.idx.msk [tilespmem:v13+s3+$0x0], $0xffff  }
0xb9: {  	v32 =	vadd.s32 $0x5000, v11;
	v20 =	vld.idx.msk [tilespmem:v20+s3+$0x0], $0xffff  }
0xba: {  	v17 =	vld.idx.msk [tilespmem:v17+s3+$0x0], $0xffff  }
0xbb: {  	v33 =	vld [tilespmem:s9+$0xFFFFFFC0]  }
0xbc: {  	v34 =	vld [tilespmem:s9+$0xFFFFFFD0]  }
0xbd: {  	[tilespmem:v25+s24+$0x0] =	vst.idx.add.f32.msk $0xffff, v19  }
0xbe: {  	v19 =	vld.idx.msk [tilespmem:v32+s3+$0x0], $0xffff  }
0xbf: {  	v32 =	vadd.s32 $0x5000, v15;
	v25 =	vld [tilespmem:s9+$0xFFFFFFE0]  }
0xc0: {  	v11 =	vadd.s32 $0x7800, v11;
	v35 =	vadd.s32 $0x2800, v33;
	v36 =	vadd.s32 $0x5000, v33;
	v37 =	vld [tilespmem:s9+$0xFFFFFFF0]  }
0xc1: {  	v38 =	vadd.s32 $0x7800, v33;
	v39 =	vadd.s32 $0x2800, v34;
	v40 =	vadd.s32 $0x5000, v34;
	v41 =	vld [tilespmem:s9+$0x0]  }
0xc2: {  	v42 =	vadd.s32 $0x7800, v34;
	v43 =	vld [tilespmem:s9+$0x10]  }
0xc3: {  	v44 =	vld [tilespmem:s9+$0x20]  }
0xc4: {  	v45 =	vadd.s32 $0x2800, v25;
	v46 =	vadd.s32 $0x5000, v25;
	v47 =	vadd.s32 $0x7800, v25;
	[tilespmem:v32+s24+$0x0] =	vst.idx.add.f32.msk $0xffff, v19  }
0xc5: {  	v19 =	vadd.s32 $0x2800, v37;
	v32 =	vadd.s32 $0x5000, v37;
	v48 =	vadd.s32 $0x7800, v37;
	v11 =	vld.idx.msk [tilespmem:v11+s3+$0x0], $0xffff  }
0xc6: {  	v15 =	vadd.s32 $0x7800, v15;
	[tilespmem:v33+s24+$0x0] =	vst.idx.add.f32.msk $0xffff, v20;
	v20 =	vadd.s32 $0x2800, v41;
	v33 =	vadd.s32 $0x5000, v41  }
0xc7: {  	[tilespmem:v34+s24+$0x0] =	vst.idx.add.f32.msk $0xffff, v22;
	v22 =	vadd.s32 $0x7800, v41;
	v34 =	vadd.s32 $0x2800, v43;
	v49 =	vadd.s32 $0x5000, v43  }
0xc8: {  	[tilespmem:v25+s24+$0x0] =	vst.idx.add.f32.msk $0xffff, v26;
	v25 =	vadd.s32 $0x7800, v43;
	v26 =	vadd.s32 $0x2800, v44;
	v50 =	vadd.s32 $0x5000, v44  }
0xc9: {  	[tilespmem:v37+s24+$0x0] =	vst.idx.add.f32.msk $0xffff, v27;
	v27 =	vadd.s32 $0x7800, v44  }
0xca: {  	[tilespmem:v41+s24+$0x0] =	vst.idx.add.f32.msk $0xffff, v12  }
0xcb: {  	[tilespmem:v15+s24+$0x0] =	vst.idx.add.f32.msk $0xffff, v11  }
0xcc: {  	[tilespmem:v43+s24+$0x0] =	vst.idx.add.f32.msk $0xffff, v13  }
0xcd: {  	[tilespmem:v44+s24+$0x0] =	vst.idx.add.f32.msk $0xffff, v17  }
0xce: {  	v11 =	vld.idx.msk [tilespmem:v30+s3+$0x0], $0xffff  }
0xcf: {  	v12 =	vld.idx.msk [tilespmem:v14+s3+$0x0], $0xffff  }
0xd0: {  	v13 =	vld.idx.msk [tilespmem:v16+s3+$0x0], $0xffff  }
0xd1: {  	v14 =	vld.idx.msk [tilespmem:v18+s3+$0x0], $0xffff  }
0xd2: {  	v15 =	vld.idx.msk [tilespmem:v21+s3+$0x0], $0xffff  }
0xd3: {  	v16 =	vld.idx.msk [tilespmem:v23+s3+$0x0], $0xffff  }
0xd4: {  	v17 =	vld.idx.msk [tilespmem:v28+s3+$0x0], $0xffff  }
0xd5: {  	[tilespmem:v35+s24+$0x0] =	vst.idx.add.f32.msk $0xffff, v11  }
0xd6: {  	[tilespmem:v39+s24+$0x0] =	vst.idx.add.f32.msk $0xffff, v12  }
0xd7: {  	[tilespmem:v45+s24+$0x0] =	vst.idx.add.f32.msk $0xffff, v13  }
0xd8: {  	[tilespmem:v19+s24+$0x0] =	vst.idx.add.f32.msk $0xffff, v14  }
0xd9: {  	[tilespmem:v20+s24+$0x0] =	vst.idx.add.f32.msk $0xffff, v15  }
0xda: {  	[tilespmem:v34+s24+$0x0] =	vst.idx.add.f32.msk $0xffff, v16  }
0xdb: {  	[tilespmem:v26+s24+$0x0] =	vst.idx.add.f32.msk $0xffff, v17  }
0xdc: {  	v11 =	vld.idx.msk [tilespmem:v31+s3+$0x0], $0xffff  }
0xdd: {  	v6 =	vld.idx.msk [tilespmem:v6+s3+$0x0], $0xffff  }
0xde: {  	v7 =	vld.idx.msk [tilespmem:v7+s3+$0x0], $0xffff  }
0xdf: {  	v8 =	vld.idx.msk [tilespmem:v8+s3+$0x0], $0xffff  }
0xe0: {  	v10 =	vld.idx.msk [tilespmem:v10+s3+$0x0], $0xffff  }
0xe1: {  	v12 =	vld.idx.msk [tilespmem:v24+s3+$0x0], $0xffff  }
0xe2: {  	v13 =	vld.idx.msk [tilespmem:v29+s3+$0x0], $0xffff  }
0xe3: {  	[tilespmem:v36+s24+$0x0] =	vst.idx.add.f32.msk $0xffff, v11  }
0xe4: {  	[tilespmem:v40+s24+$0x0] =	vst.idx.add.f32.msk $0xffff, v6  }
0xe5: {  	[tilespmem:v46+s24+$0x0] =	vst.idx.add.f32.msk $0xffff, v7  }
0xe6: {  	[tilespmem:v32+s24+$0x0] =	vst.idx.add.f32.msk $0xffff, v8  }
0xe7: {  	[tilespmem:v33+s24+$0x0] =	vst.idx.add.f32.msk $0xffff, v10  }
0xe8: {  	[tilespmem:v49+s24+$0x0] =	vst.idx.add.f32.msk $0xffff, v12  }
0xe9: {  	[tilespmem:v50+s24+$0x0] =	vst.idx.add.f32.msk $0xffff, v13  }
0xea: {  	v6 =	vld.idx.msk [tilespmem:v9+s3+$0x0], $0xffff  }
0xeb: {  	v0 =	vld.idx.msk [tilespmem:v0+s3+$0x0], $0xffff  }
0xec: {  	v1 =	vld.idx.msk [tilespmem:v1+s3+$0x0], $0xffff  }
0xed: {  	v2 =	vld.idx.msk [tilespmem:v2+s3+$0x0], $0xffff  }
0xee: {  	v3 =	vld.idx.msk [tilespmem:v3+s3+$0x0], $0xffff  }
0xef: {  	v4 =	vld.idx.msk [tilespmem:v4+s3+$0x0], $0xffff  }
0xf0: {  	v5 =	vld.idx.msk [tilespmem:v5+s3+$0x0], $0xffff  }
0xf1: {  	[tilespmem:v38+s24+$0x0] =	vst.idx.add.f32.msk $0xffff, v6  }
0xf2: {  	[tilespmem:v42+s24+$0x0] =	vst.idx.add.f32.msk $0xffff, v0  }
.Ltmp2:
0xf3: {  	[tilespmem:v47+s24+$0x0] =	vst.idx.add.f32.msk $0xffff, v1;
	(pc) =	sbr.rel @p0 .LBB2_3-.Ltmp2, $4  }
0xf4: {  	[tilespmem:v48+s24+$0x0] =	vst.idx.add.f32.msk $0xffff, v2  }
0xf5: {  	[tilespmem:v22+s24+$0x0] =	vst.idx.add.f32.msk $0xffff, v3  }
0xf6: {  	[tilespmem:v25+s24+$0x0] =	vst.idx.add.f32.msk $0xffff, v4  }
0xf7: {  	s11 =	sadd.s32 $0x80, s11;
	[tilespmem:v27+s24+$0x0] =	vst.idx.add.f32.msk $0xffff, v5  }
0xf8: {  	s9 =	sshll.u32 s8, $0x1;
	p0 =	seq.s32 s8, $0x27  }
0xf9: {  	s10 =	sadd.s32 @!p0 s9, s14  }
0xfa: {  	s11 =	smulhi.u32 @!p0 $0xCCCCCCCD, s10;
	_ =	sdelay $0x1  }
0xfb: {  	s11 =	sshrl.u32 @!p0 s11, $0x6  }
0xfc: {  	s11 =	smul.u32 @!p0 $0x50, s11;
	_ =	sdelay $0x1  }
0xfd: {  	s10 =	ssub.s32 @!p0 s10, s11  }
0xfe: {  	s10 =	sshll.u32 @!p0 s10, $0x9  }
0xff: {  	s12 =	simm.s32 @!p0 $0x0;
	s13 =	simm.s32 @!p0 $0x14000;
	s11 =	sadd.s32 @!p0 s2, s10  }
0x100: {  	[tilespmem:s13], [sflag:$0x1] =	stream.linear.gather @!p0 [hbm4b:s11+s12], $0x1000, $0x38;
	[tilespmem:$0x18000] =	vst v63  }
0x101: {  	s10 =	sadd.s32 @!p0 s4, s10;
	s11 =	simm.s32 @!p0 $0x16000  }
0x102: {  	[tilespmem:s11], [sflag:$0x2] =	stream.linear.gather @!p0 [hbm4b:s10+s12], $0x1000, $0x38;
	[tilespmem:$0x18000] =	vst v63  }
0x103: {  	_ =	swait.ge [sflag:s1], $0x1000  }
0x104: {  	[sflag:s1] =	ssyncset.done $0x0  }
0x105: {  	[sflag:s1] =	ssyncadd.s32 $0xFFFFF000  }
0x106: {  	_ =	swait.ge [sflag:s6], $0x1000  }
0x107: {  	[sflag:s6] =	ssyncset.done $0x0  }
0x108: {  	s13 =	simm.s32 $0x15040;
	[sflag:s6] =	ssyncadd.s32 $0xFFFFF000  }
0x109: {  	v0 =	vld [tilespmem:s13+$0x30]  }
0x10a: {  	v1 =	vld [tilespmem:s13+$0xFFFFFFD0]  }
0x10b: {  	v2 =	vld [tilespmem:s13+$0xFFFFFFE0]  }
0x10c: {  	v3 =	vld [tilespmem:s13+$0xFFFFFFF0]  }
0x10d: {  	v4 =	vld [tilespmem:s13+$0x0]  }
0x10e: {  	s10 =	simm.s32 $0x17040;
	v5 =	vld [tilespmem:s13+$0x10]  }
0x10f: {  	v6 =	vld [tilespmem:s10+$0x30]  }
0x110: {  	v7 =	vld [tilespmem:s13+$0x20]  }
0x111: {  	v9 =	vld [tilespmem:s13+$0xFFFFFFC0]  }
0x112: {  	v19 =	vld [tilespmem:s10+$0xFFFFFFC0]  }
0x113: {  	v20 =	vld [tilespmem:s10+$0xFFFFFFD0]  }
0x114: {  	v62 =	vld [tilespmem:s10+$0xFFFFFFE0]  }
0x115: {  	v21 =	vld [tilespmem:s10+$0xFFFFFFF0]  }
0x116: {  	v22 =	vld [tilespmem:s10+$0x0]  }
0x117: {  	v23 =	vld [tilespmem:s10+$0x10]  }
0x118: {  	v24 =	vld [tilespmem:s10+$0x20]  }
0x119: {  	v8 =	vld.idx.msk [tilespmem:v0+s3+$0x0], $0xffff  }
0x11a: {  	v10 =	vld.idx.msk [tilespmem:v1+s3+$0x0], $0xffff  }
0x11b: {  	v12 =	vld.idx.msk [tilespmem:v2+s3+$0x0], $0xffff  }
0x11c: {  	v13 =	vld.idx.msk [tilespmem:v3+s3+$0x0], $0xffff  }
0x11d: {  	v16 =	vld.idx.msk [tilespmem:v9+s3+$0x0], $0xffff  }
0x11e: {  	v14 =	vld.idx.msk [tilespmem:v4+s3+$0x0], $0xffff  }
0x11f: {  	v61 =	vld.idx.msk [tilespmem:v5+s3+$0x0], $0xffff  }
0x120: {  	v18 =	vld.idx.msk [tilespmem:v7+s3+$0x0], $0xffff  }
0x121: {  	[tilespmem:v6+s24+$0x0] =	vst.idx.add.f32.msk $0xffff, v8  }
0x122: {  	[tilespmem:v19+s24+$0x0] =	vst.idx.add.f32.msk $0xffff, v16  }
0x123: {  	[tilespmem:v20+s24+$0x0] =	vst.idx.add.f32.msk $0xffff, v10  }
0x124: {  	v11 =	vadd.s32 $0x2800, v0;
	[tilespmem:v62+s24+$0x0] =	vst.idx.add.f32.msk $0xffff, v12  }
0x125: {  	v25 =	vadd.s32 $0x2800, v1;
	[tilespmem:v21+s24+$0x0] =	vst.idx.add.f32.msk $0xffff, v13  }
0x126: {  	v26 =	vadd.s32 $0x2800, v2;
	[tilespmem:v22+s24+$0x0] =	vst.idx.add.f32.msk $0xffff, v14  }
0x127: {  	v29 =	vadd.s32 $0x2800, v5;
	[tilespmem:v23+s24+$0x0] =	vst.idx.add.f32.msk $0xffff, v61  }
0x128: {  	v30 =	vadd.s32 $0x2800, v7;
	[tilespmem:v24+s24+$0x0] =	vst.idx.add.f32.msk $0xffff, v18  }
0x129: {  	v15 =	vadd.s32 $0x2800, v6;
	v8 =	vld.idx.msk [tilespmem:v11+s3+$0x0], $0xffff  }
0x12a: {  	v17 =	vadd.s32 $0x5000, v0;
	v10 =	vld.idx.msk [tilespmem:v25+s3+$0x0], $0xffff  }
0x12b: {  	v32 =	vadd.s32 $0x2800, v20;
	v12 =	vld.idx.msk [tilespmem:v26+s3+$0x0], $0xffff  }
0x12c: {  	v33 =	vadd.s32 $0x2800, v62;
	v11 =	vld.idx.msk [tilespmem:v29+s3+$0x0], $0xffff  }
0x12d: {  	v13 =	vld.idx.msk [tilespmem:v30+s3+$0x0], $0xffff;
	v26 =	vadd.s32 $0x2800, v23  }
0x12e: {  	v37 =	vadd.s32 $0x5000, v1;
	[tilespmem:v15+s24+$0x0] =	vst.idx.add.f32.msk $0xffff, v8  }
0x12f: {  	v63 =	vadd.s32 $0x5000, v6;
	v8 =	vld.idx.msk [tilespmem:v17+s3+$0x0], $0xffff  }
0x130: {  	[tilespmem:v32+s24+$0x0] =	vst.idx.add.f32.msk $0xffff, v10;
	v17 =	vadd.s32 $0x2800, v9  }
0x131: {  	v35 =	vadd.s32 $0x2800, v24;
	[tilespmem:v33+s24+$0x0] =	vst.idx.add.f32.msk $0xffff, v12  }
0x132: {  	v0 =	vadd.s32 $0x7800, v0;
	[tilespmem:v26+s24+$0x0] =	vst.idx.add.f32.msk $0xffff, v11  }
0x133: {  	v42 =	vadd.s32 $0x5000, v7;
	v12 =	vld.idx.msk [tilespmem:v37+s3+$0x0], $0xffff  }
0x134: {  	v44 =	vadd.s32 $0x5000, v20;
	[tilespmem:v63+s24+$0x0] =	vst.idx.add.f32.msk $0xffff, v8  }
0x135: {  	v31 =	vadd.s32 $0x2800, v19;
	v8 =	vld.idx.msk [tilespmem:v17+s3+$0x0], $0xffff  }
0x136: {  	v41 =	vadd.s32 $0x5000, v5;
	[tilespmem:v35+s24+$0x0] =	vst.idx.add.f32.msk $0xffff, v13  }
0x137: {  	v6 =	vadd.s32 $0x7800, v6;
	v0 =	vld.idx.msk [tilespmem:v0+s3+$0x0], $0xffff  }
0x138: {  	v27 =	vadd.s32 $0x2800, v3;
	v13 =	vld.idx.msk [tilespmem:v42+s3+$0x0], $0xffff  }
0x139: {  	v28 =	vadd.s32 $0x2800, v4;
	[tilespmem:v44+s24+$0x0] =	vst.idx.add.f32.msk $0xffff, v12  }
0x13a: {  	v49 =	vadd.s32 $0x5000, v24;
	[tilespmem:v31+s24+$0x0] =	vst.idx.add.f32.msk $0xffff, v8  }
0x13b: {  	v36 =	vadd.s32 $0x5000, v9;
	v8 =	vld.idx.msk [tilespmem:v41+s3+$0x0], $0xffff  }
0x13c: {  	v48 =	vadd.s32 $0x5000, v23;
	[tilespmem:v6+s24+$0x0] =	vst.idx.add.f32.msk $0xffff, v0  }
0x13d: {  	v34 =	vadd.s32 $0x2800, v21;
	v0 =	vld.idx.msk [tilespmem:v27+s3+$0x0], $0xffff  }
0x13e: {  	v25 =	vadd.s32 $0x2800, v22;
	v6 =	vld.idx.msk [tilespmem:v28+s3+$0x0], $0xffff  }
0x13f: {  	v38 =	vadd.s32 $0x5000, v2;
	[tilespmem:v49+s24+$0x0] =	vst.idx.add.f32.msk $0xffff, v13  }
0x140: {  	v43 =	vadd.s32 $0x5000, v19;
	v10 =	vld.idx.msk [tilespmem:v36+s3+$0x0], $0xffff  }
0x141: {  	v54 =	vadd.s32 $0x7800, v5;
	[tilespmem:v48+s24+$0x0] =	vst.idx.add.f32.msk $0xffff, v8  }
0x142: {  	v39 =	vadd.s32 $0x5000, v3;
	[tilespmem:v34+s24+$0x0] =	vst.idx.add.f32.msk $0xffff, v0  }
0x143: {  	v40 =	vadd.s32 $0x5000, v4;
	[tilespmem:v25+s24+$0x0] =	vst.idx.add.f32.msk $0xffff, v6  }
0x144: {  	v9 =	vadd.s32 $0x7800, v9;
	v0 =	vld.idx.msk [tilespmem:v38+s3+$0x0], $0xffff  }
0x145: {  	v45 =	vadd.s32 $0x5000, v62;
	[tilespmem:v43+s24+$0x0] =	vst.idx.add.f32.msk $0xffff, v10  }
0x146: {  	v50 =	vadd.s32 $0x7800, v1;
	v53 =	vadd.s32 $0x7800, v4;
	v4 =	vld.idx.msk [tilespmem:v54+s3+$0x0], $0xffff  }
0x147: {  	v59 =	vadd.s32 $0x7800, v62;
	v62 =	vadd.s32 $0x7800, v23;
	v6 =	vld.idx.msk [tilespmem:v39+s3+$0x0], $0xffff  }
0x148: {  	v46 =	vadd.s32 $0x5000, v21;
	v11 =	vld.idx.msk [tilespmem:v40+s3+$0x0], $0xffff  }
0x149: {  	v47 =	vadd.s32 $0x5000, v22;
	v55 =	vld.idx.msk [tilespmem:v9+s3+$0x0], $0xffff  }
0x14a: {  	v51 =	vadd.s32 $0x7800, v2;
	[tilespmem:v45+s24+$0x0] =	vst.idx.add.f32.msk $0xffff, v0  }
0x14b: {  	v56 =	vadd.s32 $0x7800, v7;
	v0 =	vld.idx.msk [tilespmem:v50+s3+$0x0], $0xffff  }
0x14c: {  	v57 =	vadd.s32 $0x7800, v19;
	[tilespmem:v62+s24+$0x0] =	vst.idx.add.f32.msk $0xffff, v4  }
0x14d: {  	v52 =	vadd.s32 $0x7800, v3;
	[tilespmem:v46+s24+$0x0] =	vst.idx.add.f32.msk $0xffff, v6  }
0x14e: {  	[tilespmem:v47+s24+$0x0] =	vst.idx.add.f32.msk $0xffff, v11  }
0x14f: {  	v58 =	vadd.s32 $0x7800, v20;
	v1 =	vld.idx.msk [tilespmem:v51+s3+$0x0], $0xffff  }
0x150: {  	v6 =	vld.idx.msk [tilespmem:v56+s3+$0x0], $0xffff  }
0x151: {  	v63 =	vadd.s32 $0x7800, v24;
	[tilespmem:v57+s24+$0x0] =	vst.idx.add.f32.msk $0xffff, v55  }
0x152: {  	v60 =	vadd.s32 $0x7800, v21;
	v2 =	vld.idx.msk [tilespmem:v52+s3+$0x0], $0xffff  }
0x153: {  	v61 =	vadd.s32 $0x7800, v22;
	v3 =	vld.idx.msk [tilespmem:v53+s3+$0x0], $0xffff  }
0x154: {  	[tilespmem:v58+s24+$0x0] =	vst.idx.add.f32.msk $0xffff, v0  }
0x155: {  	[tilespmem:v59+s24+$0x0] =	vst.idx.add.f32.msk $0xffff, v1  }
0x156: {  	[tilespmem:v63+s24+$0x0] =	vst.idx.add.f32.msk $0xffff, v6  }
0x157: {  	[tilespmem:v60+s24+$0x0] =	vst.idx.add.f32.msk $0xffff, v2  }
0x158: {  	s11 =	simm.s32 $0x0;
	s12 =	simm.s32 $0x150C0;
	[tilespmem:v61+s24+$0x0] =	vst.idx.add.f32.msk $0xffff, v3  }
.LBB2_5:
0x159: {  	v11 =	vld [tilespmem:s12+$0x30];
	s11 =	sadd.s32 $0x8, s11  }
0x15a: {  	v4 =	vld [tilespmem:s12+$0xFFFFFFD0];
	p1 =	slt.u32 s11, $0xF8  }
0x15b: {  	v5 =	vld [tilespmem:s12+$0xFFFFFFE0]  }
0x15c: {  	v9 =	vld [tilespmem:s12+$0xFFFFFFF0]  }
0x15d: {  	v12 =	vld [tilespmem:s12+$0x0]  }
0x15e: {  	s10 =	sadd.s32 $0x80, s10;
	v13 =	vld [tilespmem:s12+$0x10]  }
0x15f: {  	v14 =	vadd.s32 $0x2800, v4;
	v6 =	vadd.s32 $0x5000, v4;
	v0 =	vadd.s32 $0x7800, v4;
	v15 =	vld [tilespmem:s10+$0x30]  }
0x160: {  	v16 =	vadd.s32 $0x2800, v5;
	v7 =	vadd.s32 $0x5000, v5;
	v1 =	vadd.s32 $0x7800, v5;
	v17 =	vld [tilespmem:s12+$0x20]  }
0x161: {  	v18 =	vadd.s32 $0x2800, v9;
	v8 =	vadd.s32 $0x5000, v9;
	v2 =	vadd.s32 $0x7800, v9;
	v19 =	vld.idx.msk [tilespmem:v11+s3+$0x0], $0xffff  }
0x162: {  	v20 =	vld [tilespmem:s12+$0xFFFFFFC0];
	v21 =	vadd.s32 $0x2800, v12;
	v10 =	vadd.s32 $0x5000, v12;
	v3 =	vadd.s32 $0x7800, v12  }
0x163: {  	v25 =	vadd.s32 $0x2800, v11;
	v22 =	vld.idx.msk [tilespmem:v4+s3+$0x0], $0xffff;
	v23 =	vadd.s32 $0x2800, v13;
	v24 =	vadd.s32 $0x5000, v13  }
0x164: {  	v4 =	vadd.s32 $0x7800, v13;
	v26 =	vld.idx.msk [tilespmem:v5+s3+$0x0], $0xffff  }
0x165: {  	v27 =	vld.idx.msk [tilespmem:v9+s3+$0x0], $0xffff;
	v28 =	vadd.s32 $0x2800, v17;
	v29 =	vadd.s32 $0x5000, v17;
	v5 =	vadd.s32 $0x7800, v17  }
0x166: {  	v12 =	vld.idx.msk [tilespmem:v12+s3+$0x0], $0xffff  }
0x167: {  	v30 =	vadd.s32 $0x2800, v20;
	v31 =	vadd.s32 $0x5000, v20;
	v9 =	vadd.s32 $0x7800, v20;
	[tilespmem:v15+s24+$0x0] =	vst.idx.add.f32.msk $0xffff, v19  }
0x168: {  	v19 =	vld.idx.msk [tilespmem:v25+s3+$0x0], $0xffff  }
0x169: {  	v25 =	vadd.s32 $0x2800, v15;
	v13 =	vld.idx.msk [tilespmem:v13+s3+$0x0], $0xffff  }
0x16a: {  	v32 =	vadd.s32 $0x5000, v11;
	v20 =	vld.idx.msk [tilespmem:v20+s3+$0x0], $0xffff  }
0x16b: {  	v17 =	vld.idx.msk [tilespmem:v17+s3+$0x0], $0xffff  }
0x16c: {  	v33 =	vld [tilespmem:s10+$0xFFFFFFC0]  }
0x16d: {  	v34 =	vld [tilespmem:s10+$0xFFFFFFD0]  }
0x16e: {  	[tilespmem:v25+s24+$0x0] =	vst.idx.add.f32.msk $0xffff, v19  }
0x16f: {  	v19 =	vld.idx.msk [tilespmem:v32+s3+$0x0], $0xffff  }
0x170: {  	v32 =	vadd.s32 $0x5000, v15;
	v25 =	vld [tilespmem:s10+$0xFFFFFFE0]  }
0x171: {  	v11 =	vadd.s32 $0x7800, v11;
	v35 =	vadd.s32 $0x2800, v33;
	v36 =	vadd.s32 $0x5000, v33;
	v37 =	vld [tilespmem:s10+$0xFFFFFFF0]  }
0x172: {  	v38 =	vadd.s32 $0x7800, v33;
	v39 =	vadd.s32 $0x2800, v34;
	v40 =	vadd.s32 $0x5000, v34;
	v41 =	vld [tilespmem:s10+$0x0]  }
0x173: {  	v42 =	vadd.s32 $0x7800, v34;
	v43 =	vld [tilespmem:s10+$0x10]  }
0x174: {  	v44 =	vld [tilespmem:s10+$0x20]  }
0x175: {  	v45 =	vadd.s32 $0x2800, v25;
	v46 =	vadd.s32 $0x5000, v25;
	v47 =	vadd.s32 $0x7800, v25;
	[tilespmem:v32+s24+$0x0] =	vst.idx.add.f32.msk $0xffff, v19  }
0x176: {  	v19 =	vadd.s32 $0x2800, v37;
	v32 =	vadd.s32 $0x5000, v37;
	v48 =	vadd.s32 $0x7800, v37;
	v11 =	vld.idx.msk [tilespmem:v11+s3+$0x0], $0xffff  }
0x177: {  	v15 =	vadd.s32 $0x7800, v15;
	[tilespmem:v33+s24+$0x0] =	vst.idx.add.f32.msk $0xffff, v20;
	v20 =	vadd.s32 $0x2800, v41;
	v33 =	vadd.s32 $0x5000, v41  }
0x178: {  	[tilespmem:v34+s24+$0x0] =	vst.idx.add.f32.msk $0xffff, v22;
	v22 =	vadd.s32 $0x7800, v41;
	v34 =	vadd.s32 $0x2800, v43;
	v49 =	vadd.s32 $0x5000, v43  }
0x179: {  	[tilespmem:v25+s24+$0x0] =	vst.idx.add.f32.msk $0xffff, v26;
	v25 =	vadd.s32 $0x7800, v43;
	v26 =	vadd.s32 $0x2800, v44;
	v50 =	vadd.s32 $0x5000, v44  }
0x17a: {  	[tilespmem:v37+s24+$0x0] =	vst.idx.add.f32.msk $0xffff, v27;
	v27 =	vadd.s32 $0x7800, v44  }
0x17b: {  	[tilespmem:v41+s24+$0x0] =	vst.idx.add.f32.msk $0xffff, v12  }
0x17c: {  	[tilespmem:v15+s24+$0x0] =	vst.idx.add.f32.msk $0xffff, v11  }
0x17d: {  	[tilespmem:v43+s24+$0x0] =	vst.idx.add.f32.msk $0xffff, v13  }
0x17e: {  	[tilespmem:v44+s24+$0x0] =	vst.idx.add.f32.msk $0xffff, v17  }
0x17f: {  	v11 =	vld.idx.msk [tilespmem:v30+s3+$0x0], $0xffff  }
0x180: {  	v12 =	vld.idx.msk [tilespmem:v14+s3+$0x0], $0xffff  }
0x181: {  	v13 =	vld.idx.msk [tilespmem:v16+s3+$0x0], $0xffff  }
0x182: {  	v14 =	vld.idx.msk [tilespmem:v18+s3+$0x0], $0xffff  }
0x183: {  	v15 =	vld.idx.msk [tilespmem:v21+s3+$0x0], $0xffff  }
0x184: {  	v16 =	vld.idx.msk [tilespmem:v23+s3+$0x0], $0xffff  }
0x185: {  	v17 =	vld.idx.msk [tilespmem:v28+s3+$0x0], $0xffff  }
0x186: {  	[tilespmem:v35+s24+$0x0] =	vst.idx.add.f32.msk $0xffff, v11  }
0x187: {  	[tilespmem:v39+s24+$0x0] =	vst.idx.add.f32.msk $0xffff, v12  }
0x188: {  	[tilespmem:v45+s24+$0x0] =	vst.idx.add.f32.msk $0xffff, v13  }
0x189: {  	[tilespmem:v19+s24+$0x0] =	vst.idx.add.f32.msk $0xffff, v14  }
0x18a: {  	[tilespmem:v20+s24+$0x0] =	vst.idx.add.f32.msk $0xffff, v15  }
0x18b: {  	[tilespmem:v34+s24+$0x0] =	vst.idx.add.f32.msk $0xffff, v16  }
0x18c: {  	[tilespmem:v26+s24+$0x0] =	vst.idx.add.f32.msk $0xffff, v17  }
0x18d: {  	v11 =	vld.idx.msk [tilespmem:v31+s3+$0x0], $0xffff  }
0x18e: {  	v6 =	vld.idx.msk [tilespmem:v6+s3+$0x0], $0xffff  }
0x18f: {  	v7 =	vld.idx.msk [tilespmem:v7+s3+$0x0], $0xffff  }
0x190: {  	v8 =	vld.idx.msk [tilespmem:v8+s3+$0x0], $0xffff  }
0x191: {  	v10 =	vld.idx.msk [tilespmem:v10+s3+$0x0], $0xffff  }
0x192: {  	v12 =	vld.idx.msk [tilespmem:v24+s3+$0x0], $0xffff  }
0x193: {  	v13 =	vld.idx.msk [tilespmem:v29+s3+$0x0], $0xffff  }
0x194: {  	[tilespmem:v36+s24+$0x0] =	vst.idx.add.f32.msk $0xffff, v11  }
0x195: {  	[tilespmem:v40+s24+$0x0] =	vst.idx.add.f32.msk $0xffff, v6  }
0x196: {  	[tilespmem:v46+s24+$0x0] =	vst.idx.add.f32.msk $0xffff, v7  }
0x197: {  	[tilespmem:v32+s24+$0x0] =	vst.idx.add.f32.msk $0xffff, v8  }
0x198: {  	[tilespmem:v33+s24+$0x0] =	vst.idx.add.f32.msk $0xffff, v10  }
0x199: {  	[tilespmem:v49+s24+$0x0] =	vst.idx.add.f32.msk $0xffff, v12  }
0x19a: {  	[tilespmem:v50+s24+$0x0] =	vst.idx.add.f32.msk $0xffff, v13  }
0x19b: {  	v6 =	vld.idx.msk [tilespmem:v9+s3+$0x0], $0xffff  }
0x19c: {  	v0 =	vld.idx.msk [tilespmem:v0+s3+$0x0], $0xffff  }
0x19d: {  	v1 =	vld.idx.msk [tilespmem:v1+s3+$0x0], $0xffff  }
0x19e: {  	v2 =	vld.idx.msk [tilespmem:v2+s3+$0x0], $0xffff  }
0x19f: {  	v3 =	vld.idx.msk [tilespmem:v3+s3+$0x0], $0xffff  }
0x1a0: {  	v4 =	vld.idx.msk [tilespmem:v4+s3+$0x0], $0xffff  }
0x1a1: {  	v5 =	vld.idx.msk [tilespmem:v5+s3+$0x0], $0xffff  }
0x1a2: {  	[tilespmem:v38+s24+$0x0] =	vst.idx.add.f32.msk $0xffff, v6  }
0x1a3: {  	[tilespmem:v42+s24+$0x0] =	vst.idx.add.f32.msk $0xffff, v0  }
.Ltmp3:
0x1a4: {  	[tilespmem:v47+s24+$0x0] =	vst.idx.add.f32.msk $0xffff, v1;
	(pc) =	sbr.rel @p1 .LBB2_5-.Ltmp3, $4  }
0x1a5: {  	[tilespmem:v48+s24+$0x0] =	vst.idx.add.f32.msk $0xffff, v2  }
0x1a6: {  	[tilespmem:v22+s24+$0x0] =	vst.idx.add.f32.msk $0xffff, v3  }
0x1a7: {  	[tilespmem:v25+s24+$0x0] =	vst.idx.add.f32.msk $0xffff, v4  }
0x1a8: {  	s12 =	sadd.s32 $0x80, s12;
	[tilespmem:v27+s24+$0x0] =	vst.idx.add.f32.msk $0xffff, v5  }
.Ltmp4:
0x1a9: {  	(pc) =	sbr.rel @p0 .LBB2_8-.Ltmp4, $1  }
0x1aa: {  	_ =	sdelay $0x3  }
0x1ab: {  	s9 =	sadd.s32 s9, s15  }
0x1ac: {  	s10 =	smulhi.u32 $0xCCCCCCCD, s9;
	_ =	sdelay $0x1  }
0x1ad: {  	s10 =	sshrl.u32 s10, $0x6  }
0x1ae: {  	s10 =	smul.u32 $0x50, s10;
	_ =	sdelay $0x1  }
0x1af: {  	s9 =	ssub.s32 s9, s10  }
.Ltmp5:
0x1b0: {  	s9 =	sshll.u32 s9, $0x9;
	(pc) =	sbr.rel .LBB2_2-.Ltmp5, $4  }
0x1b1: {  	s13 =	sadd.s32 s2, s9  }
0x1b2: {  	[tilespmem:s25], [sflag:$0x3] =	stream.linear.gather [hbm4b:s13+s3], $0x1000, $0x38;
	[tilespmem:$0x18000] =	vst v63  }
0x1b3: {  	s8 =	sadd.s32 $0x1, s8;
	s9 =	sadd.s32 s4, s9  }
0x1b4: {  	[tilespmem:s28], [sflag:$0x4] =	stream.linear.gather [hbm4b:s9+s3], $0x1000, $0x38;
	[tilespmem:$0x18000] =	vst v63  }
.LBB2_9:
0x1b5: {  	_ =	sfence.sel $0x180000  }
0x1b6: {  	[bflag:$0x0] =	sbarrier.arrive $0xFFFF  }
0x1b7: {  	_ =	strace $0x9000004D  }
0x1b8: {  	s0 =	stileid.u32;
	[bflag:$0x2] =	sbarrier.arrive $0xFFFF  }
0x1b9: {  	p0 =	sne.s32 s0, $0x0;
	s0 =	rddreg [dreg:$0x2]  }
0x1ba: {  	s0 =	sadd.s32 @!p0 $0x100000, s0  }
0x1bb: {  	[sflag:s0] =	ssyncadd.tile.s32 @!p0 $0x1;
	_ =	shalt  }
.Lfunc_end2:
_tile_overlayer_lowered:
.L_overlay_start_2:
0x1bc: {  	(tag) =	ssettag $0x2  }
0x1bd: {  	s0 =	rddreg [dreg:$0x0];
	s2 =	stileid.u32  }
0x1be: {  	s1 =	rddreg [dreg:$0x1];
	p0 =	sne.s32 s2, $0x0  }
0x1bf: {  	s3 =	rddreg [dreg:$0x2];
	[bflag:$0x3] =	sbarrier.arrive $0xFFFF;
	s2 =	simm.s32 @!p0 $0x1C05  }
0x1c0: {  	[timem:s3], [sflag:s2] =	dma.local @!p0 [hbm:s0], s1  }
0x1c1: {  	s0 =	simm.s32 @!p0 $0x5  }
0x1c2: {  	_ =	swait.ge @!p0 [sflag:s0], s1  }
0x1c3: {  	s1 =	ssub.s32 @!p0 $0x0, s1;
	[sflag:s0] =	ssyncset.done @!p0 $0x0  }
0x1c4: {  	[sflag:s0] =	ssyncadd.s32 @!p0 s1  }
0x1c5: {  	[bflag:$0x3] =	sbarrier.arrive $0xFFFF  }
0x1c6: {  	_ =	shalt  }

</sc_bundles>
